<compile_context>
chip_gen: v7x
topology: tpu7x:2x2x1
jax: 0.10.2.dev20260603
libtpu: 0.0.44.dev20260713+nightly
codegen_flags: <defaults>
</compile_context>

<pallas_src>
import jax
import jax.numpy as jnp
from jax import lax
from jax.experimental import pallas as pl
from jax.experimental.pallas import tpu as pltpu
from jax.experimental.pallas import tpu_sc as plsc

NATOMS = 100000
NSEG = 1024
L = 16
WIN = 1536
GPW = WIN // L
SPW = WIN // 128
NWIN = -(-NATOMS // WIN)
TAIL = NATOMS - (NWIN - 1) * WIN
TGRP = 256 // L
TSCAT = 2
NPAD = NWIN * WIN
BROW = 16
NW = 32
ACCW = 32
SEGW = 16

f32 = jnp.float32
i32 = jnp.int32


def _cvec(c):
    return jnp.full((L,), c, i32)


def _k1_body(target_h, vel_h, pos_h, mass_h, batch_h, part_h,
             tbuf, vbuf, pbuf, mbuf, bbuf, valbuf, zbuf, ebuf, acc_sh):
    c = lax.axis_index("c")
    s = lax.axis_index("s")
    wid = s * 2 + c
    iot = lax.iota(i32, L)
    zv = jnp.zeros((L,), f32)

    for rr in range(64):
        for cc in range(ACCW // L):
            zbuf[rr, pl.ds(cc * L, L)] = zv
    pltpu.sync_copy(zbuf, acc_sh.at[pl.ds(s * 64, 64)])
    plsc.subcore_barrier()

    def compute_groups(ngroups):
        def gbody(g, carry):
            row = g * L + iot
            r6 = row * 6
            r3 = row * 3
            t0 = plsc.load_gather(tbuf, [r6])
            t1 = plsc.load_gather(tbuf, [r6 + 1])
            t2 = plsc.load_gather(tbuf, [r6 + 2])
            u0 = plsc.load_gather(tbuf, [r6 + 3])
            u1 = plsc.load_gather(tbuf, [r6 + 4])
            u2 = plsc.load_gather(tbuf, [r6 + 5])
            v0 = plsc.load_gather(vbuf, [r3])
            v1 = plsc.load_gather(vbuf, [r3 + 1])
            v2 = plsc.load_gather(vbuf, [r3 + 2])
            p0 = plsc.load_gather(pbuf, [r3])
            p1 = plsc.load_gather(pbuf, [r3 + 1])
            p2 = plsc.load_gather(pbuf, [r3 + 2])
            m = plsc.load_gather(mbuf, [row])
            q0, q1, q2 = p0 + t0, p1 + t1, p2 + t2
            mv0, mv1, mv2 = m * v0, m * v1, m * v2
            mu0, mu1, mu2 = m * u0, m * u1, m * u2
            vals = (
                mv0, mv1, mv2,
                mu0, mu1, mu2,
                m * p0, m * p1, m * p2,
                p1 * mv2 - p2 * mv1, p2 * mv0 - p0 * mv2, p0 * mv1 - p1 * mv0,
                m * q0, m * q1, m * q2,
                q1 * mu2 - q2 * mu1, q2 * mu0 - q0 * mu2, q0 * mu1 - q1 * mu0,
                (m * q0) * q0, (m * q1) * q1, (m * q2) * q2,
                (m * q0) * q1, (m * q0) * q2, (m * q1) * q2,
            )
            for ci, x in enumerate(vals):
                plsc.store_scatter(valbuf, [row, _cvec(ci)], x)
            return carry
        lax.fori_loop(0, ngroups, gbody, 0)

    def do_scatter(nscat):
        def sbody(j, carry):
            pltpu.sync_copy(valbuf.at[pl.ds(j * 128, 128)],
                            acc_sh.at[bbuf.at[j]], add=True)
            return carry
        lax.fori_loop(0, nscat, sbody, 0)

    def kbody(k, carry):
        widx = wid + k * NW

        @pl.when(widx < NWIN)
        def _():
            base = widx * WIN
            pltpu.sync_copy(batch_h.at[pl.ds(widx * BROW, BROW)], bbuf)

            @pl.when(widx < NWIN - 1)
            def _():
                pltpu.sync_copy(target_h.at[pl.ds(base * 6, WIN * 6)], tbuf)
                pltpu.sync_copy(vel_h.at[pl.ds(base * 3, WIN * 3)], vbuf)
                pltpu.sync_copy(pos_h.at[pl.ds(base * 3, WIN * 3)], pbuf)
                pltpu.sync_copy(mass_h.at[pl.ds(base, WIN)], mbuf)
                compute_groups(GPW)
                do_scatter(SPW)

            @pl.when(widx == NWIN - 1)
            def _():
                for i in range((TGRP * L - TAIL) * 6 // L):
                    tbuf[pl.ds(TAIL * 6 + i * L, L)] = zv
                for i in range((TGRP * L - TAIL) * 3 // L):
                    vbuf[pl.ds(TAIL * 3 + i * L, L)] = zv
                    pbuf[pl.ds(TAIL * 3 + i * L, L)] = zv
                for i in range((TGRP * L - TAIL) // L):
                    mbuf[pl.ds(TAIL + i * L, L)] = zv
                pltpu.sync_copy(target_h.at[pl.ds(base * 6, TAIL * 6)],
                                tbuf.at[pl.ds(0, TAIL * 6)])
                pltpu.sync_copy(vel_h.at[pl.ds(base * 3, TAIL * 3)],
                                vbuf.at[pl.ds(0, TAIL * 3)])
                pltpu.sync_copy(pos_h.at[pl.ds(base * 3, TAIL * 3)],
                                pbuf.at[pl.ds(0, TAIL * 3)])
                pltpu.sync_copy(mass_h.at[pl.ds(base, TAIL)],
                                mbuf.at[pl.ds(0, TAIL)])
                compute_groups(TGRP)
                do_scatter(TSCAT)
        return carry

    lax.fori_loop(0, -(-NWIN // NW), kbody, 0)
    plsc.subcore_barrier()

    pltpu.sync_copy(acc_sh.at[pl.ds(s * 64, 64)], ebuf)
    pltpu.sync_copy(ebuf, part_h.at[pl.ds(c * NSEG + s * 64, 64)])


def _k2_body(part_h, target_h, pos_h, batch_h, tmass_h, out_h,
             p0buf, p1buf, tmbuf, outseg, outtab, tbuf, pbuf, bbuf, obuf,
             out_sh):
    c = lax.axis_index("c")
    s = lax.axis_index("s")
    wid = s * 2 + c
    iot = lax.iota(i32, L)

    pltpu.sync_copy(part_h.at[pl.ds(s * 64, 64)], p0buf)
    pltpu.sync_copy(part_h.at[pl.ds(NSEG + s * 64, 64)], p1buf)
    pltpu.sync_copy(tmass_h.at[pl.ds(s * 64, 64)], tmbuf)

    for g in range(64 // L):
        rows = g * L + iot

        def col(ci):
            cv = _cvec(ci)
            return (plsc.load_gather(p0buf, [rows, cv]) +
                    plsc.load_gather(p1buf, [rows, cv]))

        li0, li1, li2 = col(0), col(1), col(2)
        lo0, lo1, lo2 = col(3), col(4), col(5)
        sp0, sp1, sp2 = col(6), col(7), col(8)
        ci0, ci1, ci2 = col(9), col(10), col(11)
        sq0, sq1, sq2 = col(12), col(13), col(14)
        co0, co1, co2 = col(15), col(16), col(17)
        m0, m1, m2, m3, m4, m5 = col(18), col(19), col(20), col(21), col(22), col(23)
        M = tmbuf[pl.ds(g * L, L)]
        invM = 1.0 / M
        a0 = (lo0 - li0) * invM
        a1 = (lo1 - li1) * invM
        a2 = (lo2 - li2) * invM
        cm0, cm1, cm2 = sp0 * invM, sp1 * invM, sp2 * invM
        cq0, cq1, cq2 = sq0 * invM, sq1 * invM, sq2 * invM
        ai0 = ci0 - (cm1 * li2 - cm2 * li1)
        ai1 = ci1 - (cm2 * li0 - cm0 * li2)
        ai2 = ci2 - (cm0 * li1 - cm1 * li0)
        ao0 = co0 - (sq1 * a2 - sq2 * a1) - (cq1 * li2 - cq2 * li1)
        ao1 = co1 - (sq2 * a0 - sq0 * a2) - (cq2 * li0 - cq0 * li2)
        ao2 = co2 - (sq0 * a1 - sq1 * a0) - (cq0 * li1 - cq1 * li0)
        r0, r1, r2 = ai0 - ao0, ai1 - ao1, ai2 - ao2
        ixx = (m1 + m2) - M * (cq1 * cq1 + cq2 * cq2)
        iyy = (m0 + m2) - M * (cq0 * cq0 + cq2 * cq2)
        izz = (m0 + m1) - M * (cq0 * cq0 + cq1 * cq1)
        ixy = M * cq0 * cq1 - m3
        ixz = M * cq0 * cq2 - m4
        iyz = M * cq1 * cq2 - m5
        b00 = iyy * izz - iyz * iyz
        b01 = ixz * iyz - ixy * izz
        b02 = ixy * iyz - ixz * iyy
        det = ixx * b00 + ixy * b01 + ixz * b02
        b11 = ixx * izz - ixz * ixz
        b12 = ixy * ixz - ixx * iyz
        b22 = ixx * iyy - ixy * ixy
        idet = 1.0 / det
        w0 = (b00 * r0 + b01 * r1 + b02 * r2) * idet
        w1 = (b01 * r0 + b11 * r1 + b12 * r2) * idet
        w2 = (b02 * r0 + b12 * r1 + b22 * r2) * idet
        outs = (a0, a1, a2, w0, w1, w2, cq0, cq1, cq2)
        for ci_, x in enumerate(outs):
            plsc.store_scatter(outseg, [rows, _cvec(ci_)], x)

    pltpu.sync_copy(outseg, out_sh.at[pl.ds(s * 64, 64)])
    plsc.subcore_barrier()
    pltpu.sync_copy(out_sh, outtab)

    def compute_groups(ngroups):
        def gbody(g, carry):
            row = g * L + iot
            r6 = row * 6
            r3 = row * 3
            brow = jnp.zeros((L,), i32) + lax.shift_right_logical(g, 3)
            bcol = (g & 7) * L + iot
            bvec = plsc.load_gather(bbuf, [brow, bcol])
            t0 = plsc.load_gather(tbuf, [r6])
            t1 = plsc.load_gather(tbuf, [r6 + 1])
            t2 = plsc.load_gather(tbuf, [r6 + 2])
            u0 = plsc.load_gather(tbuf, [r6 + 3])
            u1 = plsc.load_gather(tbuf, [r6 + 4])
            u2 = plsc.load_gather(tbuf, [r6 + 5])
            p0 = plsc.load_gather(pbuf, [r3])
            p1 = plsc.load_gather(pbuf, [r3 + 1])
            p2 = plsc.load_gather(pbuf, [r3 + 2])
            a0 = plsc.load_gather(outtab, [bvec, _cvec(0)])
            a1 = plsc.load_gather(outtab, [bvec, _cvec(1)])
            a2 = plsc.load_gather(outtab, [bvec, _cvec(2)])
            w0 = plsc.load_gather(outtab, [bvec, _cvec(3)])
            w1 = plsc.load_gather(outtab, [bvec, _cvec(4)])
            w2 = plsc.load_gather(outtab, [bvec, _cvec(5)])
            c0 = plsc.load_gather(outtab, [bvec, _cvec(6)])
            c1 = plsc.load_gather(outtab, [bvec, _cvec(7)])
            c2 = plsc.load_gather(outtab, [bvec, _cvec(8)])
            d0 = p0 + t0 - c0
            d1 = p1 + t1 - c1
            d2 = p2 + t2 - c2
            vel0 = u0 - a0 + (w1 * d2 - w2 * d1)
            vel1 = u1 - a1 + (w2 * d0 - w0 * d2)
            vel2 = u2 - a2 + (w0 * d1 - w1 * d0)
            plsc.store_scatter(obuf, [r6], t0)
            plsc.store_scatter(obuf, [r6 + 1], t1)
            plsc.store_scatter(obuf, [r6 + 2], t2)
            plsc.store_scatter(obuf, [r6 + 3], vel0)
            plsc.store_scatter(obuf, [r6 + 4], vel1)
            plsc.store_scatter(obuf, [r6 + 5], vel2)
            return carry
        lax.fori_loop(0, ngroups, gbody, 0)

    def kbody(k, carry):
        widx = wid + k * NW

        @pl.when(widx < NWIN)
        def _():
            base = widx * WIN
            pltpu.sync_copy(batch_h.at[pl.ds(widx * BROW, BROW)], bbuf)

            @pl.when(widx < NWIN - 1)
            def _():
                pltpu.sync_copy(target_h.at[pl.ds(base * 6, WIN * 6)], tbuf)
                pltpu.sync_copy(pos_h.at[pl.ds(base * 3, WIN * 3)], pbuf)
                compute_groups(GPW)
                pltpu.sync_copy(obuf, out_h.at[pl.ds(base * 6, WIN * 6)])

            @pl.when(widx == NWIN - 1)
            def _():
                pltpu.sync_copy(target_h.at[pl.ds(base * 6, TAIL * 6)],
                                tbuf.at[pl.ds(0, TAIL * 6)])
                pltpu.sync_copy(pos_h.at[pl.ds(base * 3, TAIL * 3)],
                                pbuf.at[pl.ds(0, TAIL * 3)])
                compute_groups(TAIL // L)
                pltpu.sync_copy(obuf.at[pl.ds(0, TAIL * 6)],
                                out_h.at[pl.ds(base * 6, TAIL * 6)])
        return carry

    lax.fori_loop(0, -(-NWIN // NW), kbody, 0)


_mesh = plsc.VectorSubcoreMesh(core_axis_name="c", subcore_axis_name="s")

_k1 = pl.kernel(
    _k1_body,
    out_type=jax.ShapeDtypeStruct((2 * NSEG, ACCW), f32),
    mesh=_mesh,
    scratch_types=[
        pltpu.VMEM((WIN * 6,), f32),
        pltpu.VMEM((WIN * 3,), f32),
        pltpu.VMEM((WIN * 3,), f32),
        pltpu.VMEM((WIN,), f32),
        pltpu.VMEM((BROW, 128), i32),
        pltpu.VMEM((WIN, ACCW), f32),
        pltpu.VMEM((64, ACCW), f32),
        pltpu.VMEM((64, ACCW), f32),
        pltpu.VMEM_SHARED((NSEG, ACCW), f32),
    ],
    name="conservation_k1_moments",
    compiler_params=pltpu.CompilerParams(needs_layout_passes=False, use_tc_tiling_on_sc=False),
)

_k2 = pl.kernel(
    _k2_body,
    out_type=jax.ShapeDtypeStruct((NATOMS * 6,), f32),
    mesh=_mesh,
    scratch_types=[
        pltpu.VMEM((64, ACCW), f32),
        pltpu.VMEM((64, ACCW), f32),
        pltpu.VMEM((64,), f32),
        pltpu.VMEM((64, SEGW), f32),
        pltpu.VMEM((NSEG, SEGW), f32),
        pltpu.VMEM((WIN * 6,), f32),
        pltpu.VMEM((WIN * 3,), f32),
        pltpu.VMEM((BROW, 128), i32),
        pltpu.VMEM((WIN * 6,), f32),
        pltpu.VMEM_SHARED((NSEG, SEGW), f32),
    ],
    name="conservation_k2_apply",
    compiler_params=pltpu.CompilerParams(needs_layout_passes=False, use_tc_tiling_on_sc=False),
)


def kernel(target, velocities, pos, masses, batch, total_mass):
    t1 = target.reshape(-1)
    v1 = velocities.reshape(-1)
    p1 = pos.reshape(-1)
    m1 = masses.reshape(-1)
    b3 = jnp.pad(batch, (0, NPAD - NATOMS)).reshape(NWIN, SPW, 128)
    b2 = jnp.pad(b3, ((0, 0), (0, BROW - SPW), (0, 0))).reshape(NWIN * BROW, 128)
    part = _k1(t1, v1, p1, m1, b2)
    out1 = _k2(part, t1, p1, b2, total_mass)
    return out1.reshape(NATOMS, 6)

# --- scband reference (transcript-rebuilt; emitter-appended) ---
"""Pipeline reference for scband-conservation-layer-34299608825864 (READ-ONLY COPY).

The authoritative reference and input builder live on the scoring server;
editing this copy changes nothing except your own understanding.
"""

import jax, jax.numpy as jnp
import numpy as np

N = 100000
B = 1024
PREF_VEL = 1.0
PREF_DISP = 1.0


def setup_inputs(seed: int = 0):
    key = jax.random.key(seed)
    k1, k2, k3, k4, k5 = jax.random.split(key, 5)
    target = jax.random.normal(k1, (N, 6), dtype=jnp.float32)
    velocities = jax.random.normal(k2, (N, 3), dtype=jnp.float32)
    pos = jax.random.normal(k3, (N, 3), dtype=jnp.float32) * 5.0
    masses = jax.random.uniform(k4, (N, 1), dtype=jnp.float32, minval=1.0, maxval=16.0)
    batch = jnp.sort(jax.random.randint(k5, (N,), 0, B, dtype=jnp.int32))
    # physically consistent total mass per molecule (matches ATOMIC_MASSES / TOTAL_MASS keys)
    total_mass = jax.ops.segment_sum(masses[:, 0], batch, num_segments=B)
    return {"target": target, "velocities": velocities, "pos": pos, "masses": masses, "batch": batch, "total_mass": total_mass}


def _com_and_angmom(positions, momenta, masses, batch, total_mass):
    com = jax.ops.segment_sum(masses * positions, batch, num_segments=B) / total_mass[:, None]
    dist_com = positions - com[batch]
    ang_mom = jax.ops.segment_sum(jnp.cross(dist_com, momenta), batch, num_segments=B)
    return ang_mom, dist_com


def reference(target, velocities, pos, masses, batch, total_mass):
    # ---- _preserve_linear_momentum (Batch branch, net_lin_mom empty) ----
    vel_out = target[:, 3:6] * PREF_VEL
    momenta_out = masses * vel_out
    lin_in = jax.ops.segment_sum(masses * velocities, batch, num_segments=B)
    lin_out = jax.ops.segment_sum(momenta_out, batch, num_segments=B)
    vel_adjust_lin = (lin_out - lin_in) / total_mass[:, None]
    target = target.at[:, 3:6].set(vel_out - vel_adjust_lin[batch])
    # ---- _preserve_angular_momentum (Batch branch, net_ang_mom empty) ----
    momenta_out = masses * target[:, 3:6]
    new_pos = pos + target[:, 0:3] * PREF_DISP
    momenta_in = masses * velocities
    ang_in, _ = _com_and_angmom(pos, momenta_in, masses, batch, total_mass)
    ang_out, dist_out = _com_and_angmom(new_pos, momenta_out, masses, batch, total_mass)
    mr = masses * dist_out
    mr2 = mr * dist_out
    i00 = jax.ops.segment_sum(mr2[:, 1] + mr2[:, 2], batch, num_segments=B)
    i11 = jax.ops.segment_sum(mr2[:, 0] + mr2[:, 2], batch, num_segments=B)
    i22 = jax.ops.segment_sum(mr2[:, 0] + mr2[:, 1], batch, num_segments=B)
    i01 = jax.ops.segment_sum(-mr[:, 0] * dist_out[:, 1], batch, num_segments=B)
    i02 = jax.ops.segment_sum(-mr[:, 0] * dist_out[:, 2], batch, num_segments=B)
    i12 = jax.ops.segment_sum(-mr[:, 1] * dist_out[:, 2], batch, num_segments=B)
    inert = jnp.stack([
        jnp.stack([i00, i01, i02], axis=-1),
        jnp.stack([i01, i11, i12], axis=-1),
        jnp.stack([i02, i12, i22], axis=-1),
    ], axis=-2)
    ang_vel_diff = jnp.einsum('ijk,ik->ij', jnp.linalg.inv(inert), ang_in - ang_out)
    vel_adjust_ang = jnp.cross(ang_vel_diff[batch], dist_out)
    target = target.at[:, 3:6].add(vel_adjust_ang)
    # final renormalisation in forward()
    target = target.at[:, 3:6].set(target[:, 3:6] / PREF_VEL)
    return target


if False:  # reference __main__ guard neutralized (emitter)
    out = reference(**setup_inputs())
    print(out.shape, out.dtype)

if __name__ == "__main__":
    import jax
    _d = setup_inputs()
    print(jax.jit(kernel)(*tuple(_d.values())))

</pallas_src>

<mosaic_0001>
#map = affine_map<(d0, d1) -> (0)>
#map1 = affine_map<(d0, d1) -> (0, 0)>
module attributes {stable_mosaic.version = 14 : i64} {
  func.func @conservation_k1_moments(%arg0: i32, %arg1: i32, %arg2: memref<600000xf32, #tpu.memory_space<hbm>>, %arg3: memref<300000xf32, #tpu.memory_space<hbm>>, %arg4: memref<300000xf32, #tpu.memory_space<hbm>>, %arg5: memref<100000xf32, #tpu.memory_space<hbm>>, %arg6: memref<1056x128xi32, #tpu.memory_space<hbm>>, %arg7: memref<2048x32xf32, #tpu.memory_space<hbm>>, %arg8: memref<9216xf32, #tpu.memory_space<vmem>>, %arg9: memref<4608xf32, #tpu.memory_space<vmem>>, %arg10: memref<4608xf32, #tpu.memory_space<vmem>>, %arg11: memref<1536xf32, #tpu.memory_space<vmem>>, %arg12: memref<16x128xi32, #tpu.memory_space<vmem>>, %arg13: memref<1536x32xf32, #tpu.memory_space<vmem>>, %arg14: memref<64x32xf32, #tpu.memory_space<vmem>>, %arg15: memref<64x32xf32, #tpu.memory_space<vmem>>, %arg16: memref<1024x32xf32, #tpu.memory_space<vmem_shared>>) attributes {dimension_semantics = [#tpu.dimension_semantics<core_parallel>, #tpu.dimension_semantics<subcore_parallel>], iteration_bounds = array<i64: 2, 16>, scalar_prefetch = 0 : i64, scratch_operands = 9 : i64, tpu.core_type = #tpu.core_type<sc_vector_subcore>, window_params = [{transform_indices = #map}, {transform_indices = #map}, {transform_indices = #map}, {transform_indices = #map}, {transform_indices = #map1}, {transform_indices = #map1}]} {
    %mul3A = arith.constant 2 : i32
    %mul3A_0 = arith.muli %arg1, %mul3A : i32
    %add3A = arith.addi %mul3A_0, %arg0 : i32
    %iota3A = tpu.iota {dimensions = array<i32: 0>} : vector<16xi32>
    %broadcast_in_dim3A = arith.constant 0.000000e+00 : f32
    %broadcast_in_dim3A_1 = vector.broadcast %broadcast_in_dim3A : f32 to vector<16xf32>
    %swap3A = arith.constant 0 : i32
    %swap3A_2 = arith.index_cast %swap3A : i32 to index
    %swap3A_3 = arith.constant 0 : index
    %swap3A_4 = tpu.vector_load %arg14[%swap3A_2, %swap3A_3] {strides = array<i32>} : memref<64x32xf32, #tpu.memory_space<vmem>>, vector<16xf32>,
    tpu.vector_store %arg14[%swap3A_2, %swap3A_3], %broadcast_in_dim3A_1 {strides = array<i32>} : memref<64x32xf32, #tpu.memory_space<vmem>>, vector<16xf32>,
    %swap3A_5 = arith.constant 0 : i32
    %swap3A_6 = arith.index_cast %swap3A_5 : i32 to index
    %swap3A_7 = arith.constant 16 : index
    %swap3A_8 = tpu.vector_load %arg14[%swap3A_6, %swap3A_7] {strides = array<i32>} : memref<64x32xf32, #tpu.memory_space<vmem>>, vector<16xf32>,
    tpu.vector_store %arg14[%swap3A_6, %swap3A_7], %broadcast_in_dim3A_1 {strides = array<i32>} : memref<64x32xf32, #tpu.memory_space<vmem>>, vector<16xf32>,
    %swap3A_9 = arith.constant 1 : i32
    %swap3A_10 = arith.index_cast %swap3A_9 : i32 to index
    %swap3A_11 = arith.constant 0 : index
    %swap3A_12 = tpu.vector_load %arg14[%swap3A_10, %swap3A_11] {strides = array<i32>} : memref<64x32xf32, #tpu.memory_space<vmem>>, vector<16xf32>,
    tpu.vector_store %arg14[%swap3A_10, %swap3A_11], %broadcast_in_dim3A_1 {strides = array<i32>} : memref<64x32xf32, #tpu.memory_space<vmem>>, vector<16xf32>,
    %swap3A_13 = arith.constant 1 : i32
    %swap3A_14 = arith.index_cast %swap3A_13 : i32 to index
    %swap3A_15 = arith.constant 16 : index
    %swap3A_16 = tpu.vector_load %arg14[%swap3A_14, %swap3A_15] {strides = array<i32>} : memref<64x32xf32, #tpu.memory_space<vmem>>, vector<16xf32>,
    tpu.vector_store %arg14[%swap3A_14, %swap3A_15], %broadcast_in_dim3A_1 {strides = array<i32>} : memref<64x32xf32, #tpu.memory_space<vmem>>, vector<16xf32>,
    %swap3A_17 = arith.constant 2 : i32
    %swap3A_18 = arith.index_cast %swap3A_17 : i32 to index
    %swap3A_19 = arith.constant 0 : index
    %swap3A_20 = tpu.vector_load %arg14[%swap3A_18, %swap3A_19] {strides = array<i32>} : memref<64x32xf32, #tpu.memory_space<vmem>>, vector<16xf32>,
    tpu.vector_store %arg14[%swap3A_18, %swap3A_19], %broadcast_in_dim3A_1 {strides = array<i32>} : memref<64x32xf32, #tpu.memory_space<vmem>>, vector<16xf32>,
    %swap3A_21 = arith.constant 2 : i32
    %swap3A_22 = arith.index_cast %swap3A_21 : i32 to index
    %swap3A_23 = arith.constant 16 : index
    %swap3A_24 = tpu.vector_load %arg14[%swap3A_22, %swap3A_23] {strides = array<i32>} : memref<64x32xf32, #tpu.memory_space<vmem>>, vector<16xf32>,
    tpu.vector_store %arg14[%swap3A_22, %swap3A_23], %broadcast_in_dim3A_1 {strides = array<i32>} : memref<64x32xf32, #tpu.memory_space<vmem>>, vector<16xf32>,
    %swap3A_25 = arith.constant 3 : i32
    %swap3A_26 = arith.index_cast %swap3A_25 : i32 to index
    %swap3A_27 = arith.constant 0 : index
    %swap3A_28 = tpu.vector_load %arg14[%swap3A_26, %swap3A_27] {strides = array<i32>} : memref<64x32xf32, #tpu.memory_space<vmem>>, vector<16xf32>,
    tpu.vector_store %arg14[%swap3A_26, %swap3A_27], %broadcast_in_dim3A_1 {strides = array<i32>} : memref<64x32xf32, #tpu.memory_space<vmem>>, vector<16xf32>,
    %swap3A_29 = arith.constant 3 : i32
    %swap3A_30 = arith.index_cast %swap3A_29 : i32 to index
    %swap3A_31 = arith.constant 16 : index
    %swap3A_32 = tpu.vector_load %arg14[%swap3A_30, %swap3A_31] {strides = array<i32>} : memref<64x32xf32, #tpu.memory_space<vmem>>, vector<16xf32>,
    tpu.vector_store %arg14[%swap3A_30, %swap3A_31], %broadcast_in_dim3A_1 {strides = array<i32>} : memref<64x32xf32, #tpu.memory_space<vmem>>, vector<16xf32>,
    %swap3A_33 = arith.constant 4 : i32
    %swap3A_34 = arith.index_cast %swap3A_33 : i32 to index
    %swap3A_35 = arith.constant 0 : index
    %swap3A_36 = tpu.vector_load %arg14[%swap3A_34, %swap3A_35] {strides = array<i32>} : memref<64x32xf32, #tpu.memory_space<vmem>>, vector<16xf32>,
    tpu.vector_store %arg14[%swap3A_34, %swap3A_35], %broadcast_in_dim3A_1 {strides = array<i32>} : memref<64x32xf32, #tpu.memory_space<vmem>>, vector<16xf32>,
    %swap3A_37 = arith.constant 4 : i32
    %swap3A_38 = arith.index_cast %swap3A_37 : i32 to index
    %swap3A_39 = arith.constant 16 : index
    %swap3A_40 = tpu.vector_load %arg14[%swap3A_38, %swap3A_39] {strides = array<i32>} : memref<64x32xf32, #tpu.memory_space<vmem>>, vector<16xf32>,
    tpu.vector_store %arg14[%swap3A_38, %swap3A_39], %broadcast_in_dim3A_1 {strides = array<i32>} : memref<64x32xf32, #tpu.memory_space<vmem>>, vector<16xf32>,
    %swap3A_41 = arith.constant 5 : i32
    %swap3A_42 = arith.index_cast %swap3A_41 : i32 to index
    %swap3A_43 = arith.constant 0 : index
    %swap3A_44 = tpu.vector_load %arg14[%swap3A_42, %swap3A_43] {strides = array<i32>} : memref<64x32xf32, #tpu.memory_space<vmem>>, vector<16xf32>,
    tpu.vector_store %arg14[%swap3A_42, %swap3A_43], %broadcast_in_dim3A_1 {strides = array<i32>} : memref<64x32xf32, #tpu.memory_space<vmem>>, vector<16xf32>,
    %swap3A_45 = arith.constant 5 : i32
    %swap3A_46 = arith.index_cast %swap3A_45 : i32 to index
    %swap3A_47 = arith.constant 16 : index
    %swap3A_48 = tpu.vector_load %arg14[%swap3A_46, %swap3A_47] {strides = array<i32>} : memref<64x32xf32, #tpu.memory_space<vmem>>, vector<16xf32>,
    tpu.vector_store %arg14[%swap3A_46, %swap3A_47], %broadcast_in_dim3A_1 {strides = array<i32>} : memref<64x32xf32, #tpu.memory_space<vmem>>, vector<16xf32>,
    %swap3A_49 = arith.constant 6 : i32
    %swap3A_50 = arith.index_cast %swap3A_49 : i32 to index
    %swap3A_51 = arith.constant 0 : index
    %swap3A_52 = tpu.vector_load %arg14[%swap3A_50, %swap3A_51] {strides = array<i32>} : memref<64x32xf32, #tpu.memory_space<vmem>>, vector<16xf32>,
    tpu.vector_store %arg14[%swap3A_50, %swap3A_51], %broadcast_in_dim3A_1 {strides = array<i32>} : memref<64x32xf32, #tpu.memory_space<vmem>>, vector<16xf32>,
    %swap3A_53 = arith.constant 6 : i32
    %swap3A_54 = arith.index_cast %swap3A_53 : i32 to index
    %swap3A_55 = arith.constant 16 : index
    %swap3A_56 = tpu.vector_load %arg14[%swap3A_54, %swap3A_55] {strides = array<i32>} : memref<64x32xf32, #tpu.memory_space<vmem>>, vector<16xf32>,
    tpu.vector_store %arg14[%swap3A_54, %swap3A_55], %broadcast_in_dim3A_1 {strides = array<i32>} : memref<64x32xf32, #tpu.memory_space<vmem>>, vector<16xf32>,
    %swap3A_57 = arith.constant 7 : i32
    %swap3A_58 = arith.index_cast %swap3A_57 : i32 to index
    %swap3A_59 = arith.constant 0 : index
    %swap3A_60 = tpu.vector_load %arg14[%swap3A_58, %swap3A_59] {strides = array<i32>} : memref<64x32xf32, #tpu.memory_space<vmem>>, vector<16xf32>,
    tpu.vector_store %arg14[%swap3A_58, %swap3A_59], %broadcast_in_dim3A_1 {strides = array<i32>} : memref<64x32xf32, #tpu.memory_space<vmem>>, vector<16xf32>,
    %swap3A_61 = arith.constant 7 : i32
    %swap3A_62 = arith.index_cast %swap3A_61 : i32 to index
    %swap3A_63 = arith.constant 16 : index
    %swap3A_64 = tpu.vector_load %arg14[%swap3A_62, %swap3A_63] {strides = array<i32>} : memref<64x32xf32, #tpu.memory_space<vmem>>, vector<16xf32>,
    tpu.vector_store %arg14[%swap3A_62, %swap3A_63], %broadcast_in_dim3A_1 {strides = array<i32>} : memref<64x32xf32, #tpu.memory_space<vmem>>, vector<16xf32>,
    %swap3A_65 = arith.constant 8 : i32
    %swap3A_66 = arith.index_cast %swap3A_65 : i32 to index
    %swap3A_67 = arith.constant 0 : index
    %swap3A_68 = tpu.vector_load %arg14[%swap3A_66, %swap3A_67] {strides = array<i32>} : memref<64x32xf32, #tpu.memory_space<vmem>>, vector<16xf32>,
    tpu.vector_store %arg14[%swap3A_66, %swap3A_67], %broadcast_in_dim3A_1 {strides = array<i32>} : memref<64x32xf32, #tpu.memory_space<vmem>>, vector<16xf32>,
    %swap3A_69 = arith.constant 8 : i32
    %swap3A_70 = arith.index_cast %swap3A_69 : i32 to index
    %swap3A_71 = arith.constant 16 : index
    %swap3A_72 = tpu.vector_load %arg14[%swap3A_70, %swap3A_71] {strides = array<i32>} : memref<64x32xf32, #tpu.memory_space<vmem>>, vector<16xf32>,
    tpu.vector_store %arg14[%swap3A_70, %swap3A_71], %broadcast_in_dim3A_1 {strides = array<i32>} : memref<64x32xf32, #tpu.memory_space<vmem>>, vector<16xf32>,
    %swap3A_73 = arith.constant 9 : i32
    %swap3A_74 = arith.index_cast %swap3A_73 : i32 to index
    %swap3A_75 = arith.constant 0 : index
    %swap3A_76 = tpu.vector_load %arg14[%swap3A_74, %swap3A_75] {strides = array<i32>} : memref<64x32xf32, #tpu.memory_space<vmem>>, vector<16xf32>,
    tpu.vector_store %arg14[%swap3A_74, %swap3A_75], %broadcast_in_dim3A_1 {strides = array<i32>} : memref<64x32xf32, #tpu.memory_space<vmem>>, vector<16xf32>,
    %swap3A_77 = arith.constant 9 : i32
    %swap3A_78 = arith.index_cast %swap3A_77 : i32 to index
    %swap3A_79 = arith.constant 16 : index
    %swap3A_80 = tpu.vector_load %arg14[%swap3A_78, %swap3A_79] {strides = array<i32>} : memref<64x32xf32, #tpu.memory_space<vmem>>, vector<16xf32>,
    tpu.vector_store %arg14[%swap3A_78, %swap3A_79], %broadcast_in_dim3A_1 {strides = array<i32>} : memref<64x32xf32, #tpu.memory_space<vmem>>, vector<16xf32>,
    %swap3A_81 = arith.constant 10 : i32
    %swap3A_82 = arith.index_cast %swap3A_81 : i32 to index
    %swap3A_83 = arith.constant 0 : index
    %swap3A_84 = tpu.vector_load %arg14[%swap3A_82, %swap3A_83] {strides = array<i32>} : memref<64x32xf32, #tpu.memory_space<vmem>>, vector<16xf32>,
    tpu.vector_store %arg14[%swap3A_82, %swap3A_83], %broadcast_in_dim3A_1 {strides = array<i32>} : memref<64x32xf32, #tpu.memory_space<vmem>>, vector<16xf32>,
    %swap3A_85 = arith.constant 10 : i32
    %swap3A_86 = arith.index_cast %swap3A_85 : i32 to index
    %swap3A_87 = arith.constant 16 : index
    %swap3A_88 = tpu.vector_load %arg14[%swap3A_86, %swap3A_87] {strides = array<i32>} : memref<64x32xf32, #tpu.memory_space<vmem>>, vector<16xf32>,
    tpu.vector_store %arg14[%swap3A_86, %swap3A_87], %broadcast_in_dim3A_1 {strides = array<i32>} : memref<64x32xf32, #tpu.memory_space<vmem>>, vector<16xf32>,
    %swap3A_89 = arith.constant 11 : i32
    %swap3A_90 = arith.index_cast %swap3A_89 : i32 to index
    %swap3A_91 = arith.constant 0 : index
    %swap3A_92 = tpu.vector_load %arg14[%swap3A_90, %swap3A_91] {strides = array<i32>} : memref<64x32xf32, #tpu.memory_space<vmem>>, vector<16xf32>,
    tpu.vector_store %arg14[%swap3A_90, %swap3A_91], %broadcast_in_dim3A_1 {strides = array<i32>} : memref<64x32xf32, #tpu.memory_space<vmem>>, vector<16xf32>,
    %swap3A_93 = arith.constant 11 : i32
    %swap3A_94 = arith.index_cast %swap3A_93 : i32 to index
    %swap3A_95 = arith.constant 16 : index
    %swap3A_96 = tpu.vector_load %arg14[%swap3A_94, %swap3A_95] {strides = array<i32>} : memref<64x32xf32, #tpu.memory_space<vmem>>, vector<16xf32>,
    tpu.vector_store %arg14[%swap3A_94, %swap3A_95], %broadcast_in_dim3A_1 {strides = array<i32>} : memref<64x32xf32, #tpu.memory_space<vmem>>, vector<16xf32>,
    %swap3A_97 = arith.constant 12 : i32
    %swap3A_98 = arith.index_cast %swap3A_97 : i32 to index
    %swap3A_99 = arith.constant 0 : index
    %swap3A_100 = tpu.vector_load %arg14[%swap3A_98, %swap3A_99] {strides = array<i32>} : memref<64x32xf32, #tpu.memory_space<vmem>>, vector<16xf32>,
    tpu.vector_store %arg14[%swap3A_98, %swap3A_99], %broadcast_in_dim3A_1 {strides = array<i32>} : memref<64x32xf32, #tpu.memory_space<vmem>>, vector<16xf32>,
    %swap3A_101 = arith.constant 12 : i32
    %swap3A_102 = arith.index_cast %swap3A_101 : i32 to index
    %swap3A_103 = arith.constant 16 : index
    %swap3A_104 = tpu.vector_load %arg14[%swap3A_102, %swap3A_103] {strides = array<i32>} : memref<64x32xf32, #tpu.memory_space<vmem>>, vector<16xf32>,
    tpu.vector_store %arg14[%swap3A_102, %swap3A_103], %broadcast_in_dim3A_1 {strides = array<i32>} : memref<64x32xf32, #tpu.memory_space<vmem>>, vector<16xf32>,
    %swap3A_105 = arith.constant 13 : i32
    %swap3A_106 = arith.index_cast %swap3A_105 : i32 to index
    %swap3A_107 = arith.constant 0 : index
    %swap3A_108 = tpu.vector_load %arg14[%swap3A_106, %swap3A_107] {strides = array<i32>} : memref<64x32xf32, #tpu.memory_space<vmem>>, vector<16xf32>,
    tpu.vector_store %arg14[%swap3A_106, %swap3A_107], %broadcast_in_dim3A_1 {strides = array<i32>} : memref<64x32xf32, #tpu.memory_space<vmem>>, vector<16xf32>,
    %swap3A_109 = arith.constant 13 : i32
    %swap3A_110 = arith.index_cast %swap3A_109 : i32 to index
    %swap3A_111 = arith.constant 16 : index
    %swap3A_112 = tpu.vector_load %arg14[%swap3A_110, %swap3A_111] {strides = array<i32>} : memref<64x32xf32, #tpu.memory_space<vmem>>, vector<16xf32>,
    tpu.vector_store %arg14[%swap3A_110, %swap3A_111], %broadcast_in_dim3A_1 {strides = array<i32>} : memref<64x32xf32, #tpu.memory_space<vmem>>, vector<16xf32>,
    %swap3A_113 = arith.constant 14 : i32
    %swap3A_114 = arith.index_cast %swap3A_113 : i32 to index
    %swap3A_115 = arith.constant 0 : index
    %swap3A_116 = tpu.vector_load %arg14[%swap3A_114, %swap3A_115] {strides = array<i32>} : memref<64x32xf32, #tpu.memory_space<vmem>>, vector<16xf32>,
    tpu.vector_store %arg14[%swap3A_114, %swap3A_115], %broadcast_in_dim3A_1 {strides = array<i32>} : memref<64x32xf32, #tpu.memory_space<vmem>>, vector<16xf32>,
    %swap3A_117 = arith.constant 14 : i32
    %swap3A_118 = arith.index_cast %swap3A_117 : i32 to index
    %swap3A_119 = arith.constant 16 : index
    %swap3A_120 = tpu.vector_load %arg14[%swap3A_118, %swap3A_119] {strides = array<i32>} : memref<64x32xf32, #tpu.memory_space<vmem>>, vector<16xf32>,
    tpu.vector_store %arg14[%swap3A_118, %swap3A_119], %broadcast_in_dim3A_1 {strides = array<i32>} : memref<64x32xf32, #tpu.memory_space<vmem>>, vector<16xf32>,
    %swap3A_121 = arith.constant 15 : i32
    %swap3A_122 = arith.index_cast %swap3A_121 : i32 to index
    %swap3A_123 = arith.constant 0 : index
    %swap3A_124 = tpu.vector_load %arg14[%swap3A_122, %swap3A_123] {strides = array<i32>} : memref<64x32xf32, #tpu.memory_space<vmem>>, vector<16xf32>,
    tpu.vector_store %arg14[%swap3A_122, %swap3A_123], %broadcast_in_dim3A_1 {strides = array<i32>} : memref<64x32xf32, #tpu.memory_space<vmem>>, vector<16xf32>,
    %swap3A_125 = arith.constant 15 : i32
    %swap3A_126 = arith.index_cast %swap3A_125 : i32 to index
    %swap3A_127 = arith.constant 16 : index
    %swap3A_128 = tpu.vector_load %arg14[%swap3A_126, %swap3A_127] {strides = array<i32>} : memref<64x32xf32, #tpu.memory_space<vmem>>, vector<16xf32>,
    tpu.vector_store %arg14[%swap3A_126, %swap3A_127], %broadcast_in_dim3A_1 {strides = array<i32>} : memref<64x32xf32, #tpu.memory_space<vmem>>, vector<16xf32>,
    %swap3A_129 = arith.constant 16 : i32
    %swap3A_130 = arith.index_cast %swap3A_129 : i32 to index
    %swap3A_131 = arith.constant 0 : index
    %swap3A_132 = tpu.vector_load %arg14[%swap3A_130, %swap3A_131] {strides = array<i32>} : memref<64x32xf32, #tpu.memory_space<vmem>>, vector<16xf32>,
    tpu.vector_store %arg14[%swap3A_130, %swap3A_131], %broadcast_in_dim3A_1 {strides = array<i32>} : memref<64x32xf32, #tpu.memory_space<vmem>>, vector<16xf32>,
    %swap3A_133 = arith.constant 16 : i32
    %swap3A_134 = arith.index_cast %swap3A_133 : i32 to index
    %swap3A_135 = arith.constant 16 : index
    %swap3A_136 = tpu.vector_load %arg14[%swap3A_134, %swap3A_135] {strides = array<i32>} : memref<64x32xf32, #tpu.memory_space<vmem>>, vector<16xf32>,
    tpu.vector_store %arg14[%swap3A_134, %swap3A_135], %broadcast_in_dim3A_1 {strides = array<i32>} : memref<64x32xf32, #tpu.memory_space<vmem>>, vector<16xf32>,
    %swap3A_137 = arith.constant 17 : i32
    %swap3A_138 = arith.index_cast %swap3A_137 : i32 to index
    %swap3A_139 = arith.constant 0 : index
    %swap3A_140 = tpu.vector_load %arg14[%swap3A_138, %swap3A_139] {strides = array<i32>} : memref<64x32xf32, #tpu.memory_space<vmem>>, vector<16xf32>,
    tpu.vector_store %arg14[%swap3A_138, %swap3A_139], %broadcast_in_dim3A_1 {strides = array<i32>} : memref<64x32xf32, #tpu.memory_space<vmem>>, vector<16xf32>,
    %swap3A_141 = arith.constant 17 : i32
    %swap3A_142 = arith.index_cast %swap3A_141 : i32 to index
    %swap3A_143 = arith.constant 16 : index
    %swap3A_144 = tpu.vector_load %arg14[%swap3A_142, %swap3A_143] {strides = array<i32>} : memref<64x32xf32, #tpu.memory_space<vmem>>, vector<16xf32>,
    tpu.vector_store %arg14[%swap3A_142, %swap3A_143], %broadcast_in_dim3A_1 {strides = array<i32>} : memref<64x32xf32, #tpu.memory_space<vmem>>, vector<16xf32>,
    %swap3A_145 = arith.constant 18 : i32
    %swap3A_146 = arith.index_cast %swap3A_145 : i32 to index
    %swap3A_147 = arith.constant 0 : index
    %swap3A_148 = tpu.vector_load %arg14[%swap3A_146, %swap3A_147] {strides = array<i32>} : memref<64x32xf32, #tpu.memory_space<vmem>>, vector<16xf32>,
    tpu.vector_store %arg14[%swap3A_146, %swap3A_147], %broadcast_in_dim3A_1 {strides = array<i32>} : memref<64x32xf32, #tpu.memory_space<vmem>>, vector<16xf32>,
    %swap3A_149 = arith.constant 18 : i32
    %swap3A_150 = arith.index_cast %swap3A_149 : i32 to index
    %swap3A_151 = arith.constant 16 : index
    %swap3A_152 = tpu.vector_load %arg14[%swap3A_150, %swap3A_151] {strides = array<i32>} : memref<64x32xf32, #tpu.memory_space<vmem>>, vector<16xf32>,
    tpu.vector_store %arg14[%swap3A_150, %swap3A_151], %broadcast_in_dim3A_1 {strides = array<i32>} : memref<64x32xf32, #tpu.memory_space<vmem>>, vector<16xf32>,
    %swap3A_153 = arith.constant 19 : i32
    %swap3A_154 = arith.index_cast %swap3A_153 : i32 to index
    %swap3A_155 = arith.constant 0 : index
    %swap3A_156 = tpu.vector_load %arg14[%swap3A_154, %swap3A_155] {strides = array<i32>} : memref<64x32xf32, #tpu.memory_space<vmem>>, vector<16xf32>,
    tpu.vector_store %arg14[%swap3A_154, %swap3A_155], %broadcast_in_dim3A_1 {strides = array<i32>} : memref<64x32xf32, #tpu.memory_space<vmem>>, vector<16xf32>,
    %swap3A_157 = arith.constant 19 : i32
    %swap3A_158 = arith.index_cast %swap3A_157 : i32 to index
    %swap3A_159 = arith.constant 16 : index
    %swap3A_160 = tpu.vector_load %arg14[%swap3A_158, %swap3A_159] {strides = array<i32>} : memref<64x32xf32, #tpu.memory_space<vmem>>, vector<16xf32>,
    tpu.vector_store %arg14[%swap3A_158, %swap3A_159], %broadcast_in_dim3A_1 {strides = array<i32>} : memref<64x32xf32, #tpu.memory_space<vmem>>, vector<16xf32>,
    %swap3A_161 = arith.constant 20 : i32
    %swap3A_162 = arith.index_cast %swap3A_161 : i32 to index
    %swap3A_163 = arith.constant 0 : index
    %swap3A_164 = tpu.vector_load %arg14[%swap3A_162, %swap3A_163] {strides = array<i32>} : memref<64x32xf32, #tpu.memory_space<vmem>>, vector<16xf32>,
    tpu.vector_store %arg14[%swap3A_162, %swap3A_163], %broadcast_in_dim3A_1 {strides = array<i32>} : memref<64x32xf32, #tpu.memory_space<vmem>>, vector<16xf32>,
    %swap3A_165 = arith.constant 20 : i32
    %swap3A_166 = arith.index_cast %swap3A_165 : i32 to index
    %swap3A_167 = arith.constant 16 : index
    %swap3A_168 = tpu.vector_load %arg14[%swap3A_166, %swap3A_167] {strides = array<i32>} : memref<64x32xf32, #tpu.memory_space<vmem>>, vector<16xf32>,
    tpu.vector_store %arg14[%swap3A_166, %swap3A_167], %broadcast_in_dim3A_1 {strides = array<i32>} : memref<64x32xf32, #tpu.memory_space<vmem>>, vector<16xf32>,
    %swap3A_169 = arith.constant 21 : i32
    %swap3A_170 = arith.index_cast %swap3A_169 : i32 to index
    %swap3A_171 = arith.constant 0 : index
    %swap3A_172 = tpu.vector_load %arg14[%swap3A_170, %swap3A_171] {strides = array<i32>} : memref<64x32xf32, #tpu.memory_space<vmem>>, vector<16xf32>,
    tpu.vector_store %arg14[%swap3A_170, %swap3A_171], %broadcast_in_dim3A_1 {strides = array<i32>} : memref<64x32xf32, #tpu.memory_space<vmem>>, vector<16xf32>,
    %swap3A_173 = arith.constant 21 : i32
    %swap3A_174 = arith.index_cast %swap3A_173 : i32 to index
    %swap3A_175 = arith.constant 16 : index
    %swap3A_176 = tpu.vector_load %arg14[%swap3A_174, %swap3A_175] {strides = array<i32>} : memref<64x32xf32, #tpu.memory_space<vmem>>, vector<16xf32>,
    tpu.vector_store %arg14[%swap3A_174, %swap3A_175], %broadcast_in_dim3A_1 {strides = array<i32>} : memref<64x32xf32, #tpu.memory_space<vmem>>, vector<16xf32>,
    %swap3A_177 = arith.constant 22 : i32
    %swap3A_178 = arith.index_cast %swap3A_177 : i32 to index
    %swap3A_179 = arith.constant 0 : index
    %swap3A_180 = tpu.vector_load %arg14[%swap3A_178, %swap3A_179] {strides = array<i32>} : memref<64x32xf32, #tpu.memory_space<vmem>>, vector<16xf32>,
    tpu.vector_store %arg14[%swap3A_178, %swap3A_179], %broadcast_in_dim3A_1 {strides = array<i32>} : memref<64x32xf32, #tpu.memory_space<vmem>>, vector<16xf32>,
    %swap3A_181 = arith.constant 22 : i32
    %swap3A_182 = arith.index_cast %swap3A_181 : i32 to index
    %swap3A_183 = arith.constant 16 : index
    %swap3A_184 = tpu.vector_load %arg14[%swap3A_182, %swap3A_183] {strides = array<i32>} : memref<64x32xf32, #tpu.memory_space<vmem>>, vector<16xf32>,
    tpu.vector_store %arg14[%swap3A_182, %swap3A_183], %broadcast_in_dim3A_1 {strides = array<i32>} : memref<64x32xf32, #tpu.memory_space<vmem>>, vector<16xf32>,
    %swap3A_185 = arith.constant 23 : i32
    %swap3A_186 = arith.index_cast %swap3A_185 : i32 to index
    %swap3A_187 = arith.constant 0 : index
    %swap3A_188 = tpu.vector_load %arg14[%swap3A_186, %swap3A_187] {strides = array<i32>} : memref<64x32xf32, #tpu.memory_space<vmem>>, vector<16xf32>,
    tpu.vector_store %arg14[%swap3A_186, %swap3A_187], %broadcast_in_dim3A_1 {strides = array<i32>} : memref<64x32xf32, #tpu.memory_space<vmem>>, vector<16xf32>,
    %swap3A_189 = arith.constant 23 : i32
    %swap3A_190 = arith.index_cast %swap3A_189 : i32 to index
    %swap3A_191 = arith.constant 16 : index
    %swap3A_192 = tpu.vector_load %arg14[%swap3A_190, %swap3A_191] {strides = array<i32>} : memref<64x32xf32, #tpu.memory_space<vmem>>, vector<16xf32>,
    tpu.vector_store %arg14[%swap3A_190, %swap3A_191], %broadcast_in_dim3A_1 {strides = array<i32>} : memref<64x32xf32, #tpu.memory_space<vmem>>, vector<16xf32>,
    %swap3A_193 = arith.constant 24 : i32
    %swap3A_194 = arith.index_cast %swap3A_193 : i32 to index
    %swap3A_195 = arith.constant 0 : index
    %swap3A_196 = tpu.vector_load %arg14[%swap3A_194, %swap3A_195] {strides = array<i32>} : memref<64x32xf32, #tpu.memory_space<vmem>>, vector<16xf32>,
    tpu.vector_store %arg14[%swap3A_194, %swap3A_195], %broadcast_in_dim3A_1 {strides = array<i32>} : memref<64x32xf32, #tpu.memory_space<vmem>>, vector<16xf32>,
    %swap3A_197 = arith.constant 24 : i32
    %swap3A_198 = arith.index_cast %swap3A_197 : i32 to index
    %swap3A_199 = arith.constant 16 : index
    %swap3A_200 = tpu.vector_load %arg14[%swap3A_198, %swap3A_199] {strides = array<i32>} : memref<64x32xf32, #tpu.memory_space<vmem>>, vector<16xf32>,
    tpu.vector_store %arg14[%swap3A_198, %swap3A_199], %broadcast_in_dim3A_1 {strides = array<i32>} : memref<64x32xf32, #tpu.memory_space<vmem>>, vector<16xf32>,
    %swap3A_201 = arith.constant 25 : i32
    %swap3A_202 = arith.index_cast %swap3A_201 : i32 to index
    %swap3A_203 = arith.constant 0 : index
    %swap3A_204 = tpu.vector_load %arg14[%swap3A_202, %swap3A_203] {strides = array<i32>} : memref<64x32xf32, #tpu.memory_space<vmem>>, vector<16xf32>,
    tpu.vector_store %arg14[%swap3A_202, %swap3A_203], %broadcast_in_dim3A_1 {strides = array<i32>} : memref<64x32xf32, #tpu.memory_space<vmem>>, vector<16xf32>,
    %swap3A_205 = arith.constant 25 : i32
    %swap3A_206 = arith.index_cast %swap3A_205 : i32 to index
    %swap3A_207 = arith.constant 16 : index
    %swap3A_208 = tpu.vector_load %arg14[%swap3A_206, %swap3A_207] {strides = array<i32>} : memref<64x32xf32, #tpu.memory_space<vmem>>, vector<16xf32>,
    tpu.vector_store %arg14[%swap3A_206, %swap3A_207], %broadcast_in_dim3A_1 {strides = array<i32>} : memref<64x32xf32, #tpu.memory_space<vmem>>, vector<16xf32>,
    %swap3A_209 = arith.constant 26 : i32
    %swap3A_210 = arith.index_cast %swap3A_209 : i32 to index
    %swap3A_211 = arith.constant 0 : index
    %swap3A_212 = tpu.vector_load %arg14[%swap3A_210, %swap3A_211] {strides = array<i32>} : memref<64x32xf32, #tpu.memory_space<vmem>>, vector<16xf32>,
    tpu.vector_store %arg14[%swap3A_210, %swap3A_211], %broadcast_in_dim3A_1 {strides = array<i32>} : memref<64x32xf32, #tpu.memory_space<vmem>>, vector<16xf32>,
    %swap3A_213 = arith.constant 26 : i32
    %swap3A_214 = arith.index_cast %swap3A_213 : i32 to index
    %swap3A_215 = arith.constant 16 : index
    %swap3A_216 = tpu.vector_load %arg14[%swap3A_214, %swap3A_215] {strides = array<i32>} : memref<64x32xf32, #tpu.memory_space<vmem>>, vector<16xf32>,
    tpu.vector_store %arg14[%swap3A_214, %swap3A_215], %broadcast_in_dim3A_1 {strides = array<i32>} : memref<64x32xf32, #tpu.memory_space<vmem>>, vector<16xf32>,
    %swap3A_217 = arith.constant 27 : i32
    %swap3A_218 = arith.index_cast %swap3A_217 : i32 to index
    %swap3A_219 = arith.constant 0 : index
    %swap3A_220 = tpu.vector_load %arg14[%swap3A_218, %swap3A_219] {strides = array<i32>} : memref<64x32xf32, #tpu.memory_space<vmem>>, vector<16xf32>,
    tpu.vector_store %arg14[%swap3A_218, %swap3A_219], %broadcast_in_dim3A_1 {strides = array<i32>} : memref<64x32xf32, #tpu.memory_space<vmem>>, vector<16xf32>,
    %swap3A_221 = arith.constant 27 : i32
    %swap3A_222 = arith.index_cast %swap3A_221 : i32 to index
    %swap3A_223 = arith.constant 16 : index
    %swap3A_224 = tpu.vector_load %arg14[%swap3A_222, %swap3A_223] {strides = array<i32>} : memref<64x32xf32, #tpu.memory_space<vmem>>, vector<16xf32>,
    tpu.vector_store %arg14[%swap3A_222, %swap3A_223], %broadcast_in_dim3A_1 {strides = array<i32>} : memref<64x32xf32, #tpu.memory_space<vmem>>, vector<16xf32>,
    %swap3A_225 = arith.constant 28 : i32
    %swap3A_226 = arith.index_cast %swap3A_225 : i32 to index
    %swap3A_227 = arith.constant 0 : index
    %swap3A_228 = tpu.vector_load %arg14[%swap3A_226, %swap3A_227] {strides = array<i32>} : memref<64x32xf32, #tpu.memory_space<vmem>>, vector<16xf32>,
    tpu.vector_store %arg14[%swap3A_226, %swap3A_227], %broadcast_in_dim3A_1 {strides = array<i32>} : memref<64x32xf32, #tpu.memory_space<vmem>>, vector<16xf32>,
    %swap3A_229 = arith.constant 28 : i32
    %swap3A_230 = arith.index_cast %swap3A_229 : i32 to index
    %swap3A_231 = arith.constant 16 : index
    %swap3A_232 = tpu.vector_load %arg14[%swap3A_230, %swap3A_231] {strides = array<i32>} : memref<64x32xf32, #tpu.memory_space<vmem>>, vector<16xf32>,
    tpu.vector_store %arg14[%swap3A_230, %swap3A_231], %broadcast_in_dim3A_1 {strides = array<i32>} : memref<64x32xf32, #tpu.memory_space<vmem>>, vector<16xf32>,
    %swap3A_233 = arith.constant 29 : i32
    %swap3A_234 = arith.index_cast %swap3A_233 : i32 to index
    %swap3A_235 = arith.constant 0 : index
    %swap3A_236 = tpu.vector_load %arg14[%swap3A_234, %swap3A_235] {strides = array<i32>} : memref<64x32xf32, #tpu.memory_space<vmem>>, vector<16xf32>,
    tpu.vector_store %arg14[%swap3A_234, %swap3A_235], %broadcast_in_dim3A_1 {strides = array<i32>} : memref<64x32xf32, #tpu.memory_space<vmem>>, vector<16xf32>,
    %swap3A_237 = arith.constant 29 : i32
    %swap3A_238 = arith.index_cast %swap3A_237 : i32 to index
    %swap3A_239 = arith.constant 16 : index
    %swap3A_240 = tpu.vector_load %arg14[%swap3A_238, %swap3A_239] {strides = array<i32>} : memref<64x32xf32, #tpu.memory_space<vmem>>, vector<16xf32>,
    tpu.vector_store %arg14[%swap3A_238, %swap3A_239], %broadcast_in_dim3A_1 {strides = array<i32>} : memref<64x32xf32, #tpu.memory_space<vmem>>, vector<16xf32>,
    %swap3A_241 = arith.constant 30 : i32
    %swap3A_242 = arith.index_cast %swap3A_241 : i32 to index
    %swap3A_243 = arith.constant 0 : index
    %swap3A_244 = tpu.vector_load %arg14[%swap3A_242, %swap3A_243] {strides = array<i32>} : memref<64x32xf32, #tpu.memory_space<vmem>>, vector<16xf32>,
    tpu.vector_store %arg14[%swap3A_242, %swap3A_243], %broadcast_in_dim3A_1 {strides = array<i32>} : memref<64x32xf32, #tpu.memory_space<vmem>>, vector<16xf32>,
    %swap3A_245 = arith.constant 30 : i32
    %swap3A_246 = arith.index_cast %swap3A_245 : i32 to index
    %swap3A_247 = arith.constant 16 : index
    %swap3A_248 = tpu.vector_load %arg14[%swap3A_246, %swap3A_247] {strides = array<i32>} : memref<64x32xf32, #tpu.memory_space<vmem>>, vector<16xf32>,
    tpu.vector_store %arg14[%swap3A_246, %swap3A_247], %broadcast_in_dim3A_1 {strides = array<i32>} : memref<64x32xf32, #tpu.memory_space<vmem>>, vector<16xf32>,
    %swap3A_249 = arith.constant 31 : i32
    %swap3A_250 = arith.index_cast %swap3A_249 : i32 to index
    %swap3A_251 = arith.constant 0 : index
    %swap3A_252 = tpu.vector_load %arg14[%swap3A_250, %swap3A_251] {strides = array<i32>} : memref<64x32xf32, #tpu.memory_space<vmem>>, vector<16xf32>,
    tpu.vector_store %arg14[%swap3A_250, %swap3A_251], %broadcast_in_dim3A_1 {strides = array<i32>} : memref<64x32xf32, #tpu.memory_space<vmem>>, vector<16xf32>,
    %swap3A_253 = arith.constant 31 : i32
    %swap3A_254 = arith.index_cast %swap3A_253 : i32 to index
    %swap3A_255 = arith.constant 16 : index
    %swap3A_256 = tpu.vector_load %arg14[%swap3A_254, %swap3A_255] {strides = array<i32>} : memref<64x32xf32, #tpu.memory_space<vmem>>, vector<16xf32>,
    tpu.vector_store %arg14[%swap3A_254, %swap3A_255], %broadcast_in_dim3A_1 {strides = array<i32>} : memref<64x32xf32, #tpu.memory_space<vmem>>, vector<16xf32>,
    %swap3A_257 = arith.constant 32 : i32
    %swap3A_258 = arith.index_cast %swap3A_257 : i32 to index
    %swap3A_259 = arith.constant 0 : index
    %swap3A_260 = tpu.vector_load %arg14[%swap3A_258, %swap3A_259] {strides = array<i32>} : memref<64x32xf32, #tpu.memory_space<vmem>>, vector<16xf32>,
    tpu.vector_store %arg14[%swap3A_258, %swap3A_259], %broadcast_in_dim3A_1 {strides = array<i32>} : memref<64x32xf32, #tpu.memory_space<vmem>>, vector<16xf32>,
    %swap3A_261 = arith.constant 32 : i32
    %swap3A_262 = arith.index_cast %swap3A_261 : i32 to index
    %swap3A_263 = arith.constant 16 : index
    %swap3A_264 = tpu.vector_load %arg14[%swap3A_262, %swap3A_263] {strides = array<i32>} : memref<64x32xf32, #tpu.memory_space<vmem>>, vector<16xf32>,
    tpu.vector_store %arg14[%swap3A_262, %swap3A_263], %broadcast_in_dim3A_1 {strides = array<i32>} : memref<64x32xf32, #tpu.memory_space<vmem>>, vector<16xf32>,
    %swap3A_265 = arith.constant 33 : i32
    %swap3A_266 = arith.index_cast %swap3A_265 : i32 to index
    %swap3A_267 = arith.constant 0 : index
    %swap3A_268 = tpu.vector_load %arg14[%swap3A_266, %swap3A_267] {strides = array<i32>} : memref<64x32xf32, #tpu.memory_space<vmem>>, vector<16xf32>,
    tpu.vector_store %arg14[%swap3A_266, %swap3A_267], %broadcast_in_dim3A_1 {strides = array<i32>} : memref<64x32xf32, #tpu.memory_space<vmem>>, vector<16xf32>,
    %swap3A_269 = arith.constant 33 : i32
    %swap3A_270 = arith.index_cast %swap3A_269 : i32 to index
    %swap3A_271 = arith.constant 16 : index
    %swap3A_272 = tpu.vector_load %arg14[%swap3A_270, %swap3A_271] {strides = array<i32>} : memref<64x32xf32, #tpu.memory_space<vmem>>, vector<16xf32>,
    tpu.vector_store %arg14[%swap3A_270, %swap3A_271], %broadcast_in_dim3A_1 {strides = array<i32>} : memref<64x32xf32, #tpu.memory_space<vmem>>, vector<16xf32>,
    %swap3A_273 = arith.constant 34 : i32
    %swap3A_274 = arith.index_cast %swap3A_273 : i32 to index
    %swap3A_275 = arith.constant 0 : index
    %swap3A_276 = tpu.vector_load %arg14[%swap3A_274, %swap3A_275] {strides = array<i32>} : memref<64x32xf32, #tpu.memory_space<vmem>>, vector<16xf32>,
    tpu.vector_store %arg14[%swap3A_274, %swap3A_275], %broadcast_in_dim3A_1 {strides = array<i32>} : memref<64x32xf32, #tpu.memory_space<vmem>>, vector<16xf32>,
    %swap3A_277 = arith.constant 34 : i32
    %swap3A_278 = arith.index_cast %swap3A_277 : i32 to index
    %swap3A_279 = arith.constant 16 : index
    %swap3A_280 = tpu.vector_load %arg14[%swap3A_278, %swap3A_279] {strides = array<i32>} : memref<64x32xf32, #tpu.memory_space<vmem>>, vector<16xf32>,
    tpu.vector_store %arg14[%swap3A_278, %swap3A_279], %broadcast_in_dim3A_1 {strides = array<i32>} : memref<64x32xf32, #tpu.memory_space<vmem>>, vector<16xf32>,
    %swap3A_281 = arith.constant 35 : i32
    %swap3A_282 = arith.index_cast %swap3A_281 : i32 to index
    %swap3A_283 = arith.constant 0 : index
    %swap3A_284 = tpu.vector_load %arg14[%swap3A_282, %swap3A_283] {strides = array<i32>} : memref<64x32xf32, #tpu.memory_space<vmem>>, vector<16xf32>,
    tpu.vector_store %arg14[%swap3A_282, %swap3A_283], %broadcast_in_dim3A_1 {strides = array<i32>} : memref<64x32xf32, #tpu.memory_space<vmem>>, vector<16xf32>,
    %swap3A_285 = arith.constant 35 : i32
    %swap3A_286 = arith.index_cast %swap3A_285 : i32 to index
    %swap3A_287 = arith.constant 16 : index
    %swap3A_288 = tpu.vector_load %arg14[%swap3A_286, %swap3A_287] {strides = array<i32>} : memref<64x32xf32, #tpu.memory_space<vmem>>, vector<16xf32>,
    tpu.vector_store %arg14[%swap3A_286, %swap3A_287], %broadcast_in_dim3A_1 {strides = array<i32>} : memref<64x32xf32, #tpu.memory_space<vmem>>, vector<16xf32>,
    %swap3A_289 = arith.constant 36 : i32
    %swap3A_290 = arith.index_cast %swap3A_289 : i32 to index
    %swap3A_291 = arith.constant 0 : index
    %swap3A_292 = tpu.vector_load %arg14[%swap3A_290, %swap3A_291] {strides = array<i32>} : memref<64x32xf32, #tpu.memory_space<vmem>>, vector<16xf32>,
    tpu.vector_store %arg14[%swap3A_290, %swap3A_291], %broadcast_in_dim3A_1 {strides = array<i32>} : memref<64x32xf32, #tpu.memory_space<vmem>>, vector<16xf32>,
    %swap3A_293 = arith.constant 36 : i32
    %swap3A_294 = arith.index_cast %swap3A_293 : i32 to index
    %swap3A_295 = arith.constant 16 : index
    %swap3A_296 = tpu.vector_load %arg14[%swap3A_294, %swap3A_295] {strides = array<i32>} : memref<64x32xf32, #tpu.memory_space<vmem>>, vector<16xf32>,
    tpu.vector_store %arg14[%swap3A_294, %swap3A_295], %broadcast_in_dim3A_1 {strides = array<i32>} : memref<64x32xf32, #tpu.memory_space<vmem>>, vector<16xf32>,
    %swap3A_297 = arith.constant 37 : i32
    %swap3A_298 = arith.index_cast %swap3A_297 : i32 to index
    %swap3A_299 = arith.constant 0 : index
    %swap3A_300 = tpu.vector_load %arg14[%swap3A_298, %swap3A_299] {strides = array<i32>} : memref<64x32xf32, #tpu.memory_space<vmem>>, vector<16xf32>,
    tpu.vector_store %arg14[%swap3A_298, %swap3A_299], %broadcast_in_dim3A_1 {strides = array<i32>} : memref<64x32xf32, #tpu.memory_space<vmem>>, vector<16xf32>,
    %swap3A_301 = arith.constant 37 : i32
    %swap3A_302 = arith.index_cast %swap3A_301 : i32 to index
    %swap3A_303 = arith.constant 16 : index
    %swap3A_304 = tpu.vector_load %arg14[%swap3A_302, %swap3A_303] {strides = array<i32>} : memref<64x32xf32, #tpu.memory_space<vmem>>, vector<16xf32>,
    tpu.vector_store %arg14[%swap3A_302, %swap3A_303], %broadcast_in_dim3A_1 {strides = array<i32>} : memref<64x32xf32, #tpu.memory_space<vmem>>, vector<16xf32>,
    %swap3A_305 = arith.constant 38 : i32
    %swap3A_306 = arith.index_cast %swap3A_305 : i32 to index
    %swap3A_307 = arith.constant 0 : index
    %swap3A_308 = tpu.vector_load %arg14[%swap3A_306, %swap3A_307] {strides = array<i32>} : memref<64x32xf32, #tpu.memory_space<vmem>>, vector<16xf32>,
    tpu.vector_store %arg14[%swap3A_306, %swap3A_307], %broadcast_in_dim3A_1 {strides = array<i32>} : memref<64x32xf32, #tpu.memory_space<vmem>>, vector<16xf32>,
    %swap3A_309 = arith.constant 38 : i32
    %swap3A_310 = arith.index_cast %swap3A_309 : i32 to index
    %swap3A_311 = arith.constant 16 : index
    %swap3A_312 = tpu.vector_load %arg14[%swap3A_310, %swap3A_311] {strides = array<i32>} : memref<64x32xf32, #tpu.memory_space<vmem>>, vector<16xf32>,
    tpu.vector_store %arg14[%swap3A_310, %swap3A_311], %broadcast_in_dim3A_1 {strides = array<i32>} : memref<64x32xf32, #tpu.memory_space<vmem>>, vector<16xf32>,
    %swap3A_313 = arith.constant 39 : i32
    %swap3A_314 = arith.index_cast %swap3A_313 : i32 to index
    %swap3A_315 = arith.constant 0 : index
    %swap3A_316 = tpu.vector_load %arg14[%swap3A_314, %swap3A_315] {strides = array<i32>} : memref<64x32xf32, #tpu.memory_space<vmem>>, vector<16xf32>,
    tpu.vector_store %arg14[%swap3A_314, %swap3A_315], %broadcast_in_dim3A_1 {strides = array<i32>} : memref<64x32xf32, #tpu.memory_space<vmem>>, vector<16xf32>,
    %swap3A_317 = arith.constant 39 : i32
    %swap3A_318 = arith.index_cast %swap3A_317 : i32 to index
    %swap3A_319 = arith.constant 16 : index
    %swap3A_320 = tpu.vector_load %arg14[%swap3A_318, %swap3A_319] {strides = array<i32>} : memref<64x32xf32, #tpu.memory_space<vmem>>, vector<16xf32>,
    tpu.vector_store %arg14[%swap3A_318, %swap3A_319], %broadcast_in_dim3A_1 {strides = array<i32>} : memref<64x32xf32, #tpu.memory_space<vmem>>, vector<16xf32>,
    %swap3A_321 = arith.constant 40 : i32
    %swap3A_322 = arith.index_cast %swap3A_321 : i32 to index
    %swap3A_323 = arith.constant 0 : index
    %swap3A_324 = tpu.vector_load %arg14[%swap3A_322, %swap3A_323] {strides = array<i32>} : memref<64x32xf32, #tpu.memory_space<vmem>>, vector<16xf32>,
    tpu.vector_store %arg14[%swap3A_322, %swap3A_323], %broadcast_in_dim3A_1 {strides = array<i32>} : memref<64x32xf32, #tpu.memory_space<vmem>>, vector<16xf32>,
    %swap3A_325 = arith.constant 40 : i32
    %swap3A_326 = arith.index_cast %swap3A_325 : i32 to index
    %swap3A_327 = arith.constant 16 : index
    %swap3A_328 = tpu.vector_load %arg14[%swap3A_326, %swap3A_327] {strides = array<i32>} : memref<64x32xf32, #tpu.memory_space<vmem>>, vector<16xf32>,
    tpu.vector_store %arg14[%swap3A_326, %swap3A_327], %broadcast_in_dim3A_1 {strides = array<i32>} : memref<64x32xf32, #tpu.memory_space<vmem>>, vector<16xf32>,
    %swap3A_329 = arith.constant 41 : i32
    %swap3A_330 = arith.index_cast %swap3A_329 : i32 to index
    %swap3A_331 = arith.constant 0 : index
    %swap3A_332 = tpu.vector_load %arg14[%swap3A_330, %swap3A_331] {strides = array<i32>} : memref<64x32xf32, #tpu.memory_space<vmem>>, vector<16xf32>,
    tpu.vector_store %arg14[%swap3A_330, %swap3A_331], %broadcast_in_dim3A_1 {strides = array<i32>} : memref<64x32xf32, #tpu.memory_space<vmem>>, vector<16xf32>,
    %swap3A_333 = arith.constant 41 : i32
    %swap3A_334 = arith.index_cast %swap3A_333 : i32 to index
    %swap3A_335 = arith.constant 16 : index
    %swap3A_336 = tpu.vector_load %arg14[%swap3A_334, %swap3A_335] {strides = array<i32>} : memref<64x32xf32, #tpu.memory_space<vmem>>, vector<16xf32>,
    tpu.vector_store %arg14[%swap3A_334, %swap3A_335], %broadcast_in_dim3A_1 {strides = array<i32>} : memref<64x32xf32, #tpu.memory_space<vmem>>, vector<16xf32>,
    %swap3A_337 = arith.constant 42 : i32
    %swap3A_338 = arith.index_cast %swap3A_337 : i32 to index
    %swap3A_339 = arith.constant 0 : index
    %swap3A_340 = tpu.vector_load %arg14[%swap3A_338, %swap3A_339] {strides = array<i32>} : memref<64x32xf32, #tpu.memory_space<vmem>>, vector<16xf32>,
    tpu.vector_store %arg14[%swap3A_338, %swap3A_339], %broadcast_in_dim3A_1 {strides = array<i32>} : memref<64x32xf32, #tpu.memory_space<vmem>>, vector<16xf32>,
    %swap3A_341 = arith.constant 42 : i32
    %swap3A_342 = arith.index_cast %swap3A_341 : i32 to index
    %swap3A_343 = arith.constant 16 : index
    %swap3A_344 = tpu.vector_load %arg14[%swap3A_342, %swap3A_343] {strides = array<i32>} : memref<64x32xf32, #tpu.memory_space<vmem>>, vector<16xf32>,
    tpu.vector_store %arg14[%swap3A_342, %swap3A_343], %broadcast_in_dim3A_1 {strides = array<i32>} : memref<64x32xf32, #tpu.memory_space<vmem>>, vector<16xf32>,
    %swap3A_345 = arith.constant 43 : i32
    %swap3A_346 = arith.index_cast %swap3A_345 : i32 to index
    %swap3A_347 = arith.constant 0 : index
    %swap3A_348 = tpu.vector_load %arg14[%swap3A_346, %swap3A_347] {strides = array<i32>} : memref<64x32xf32, #tpu.memory_space<vmem>>, vector<16xf32>,
    tpu.vector_store %arg14[%swap3A_346, %swap3A_347], %broadcast_in_dim3A_1 {strides = array<i32>} : memref<64x32xf32, #tpu.memory_space<vmem>>, vector<16xf32>,
    %swap3A_349 = arith.constant 43 : i32
    %swap3A_350 = arith.index_cast %swap3A_349 : i32 to index
    %swap3A_351 = arith.constant 16 : index
    %swap3A_352 = tpu.vector_load %arg14[%swap3A_350, %swap3A_351] {strides = array<i32>} : memref<64x32xf32, #tpu.memory_space<vmem>>, vector<16xf32>,
    tpu.vector_store %arg14[%swap3A_350, %swap3A_351], %broadcast_in_dim3A_1 {strides = array<i32>} : memref<64x32xf32, #tpu.memory_space<vmem>>, vector<16xf32>,
    %swap3A_353 = arith.constant 44 : i32
    %swap3A_354 = arith.index_cast %swap3A_353 : i32 to index
    %swap3A_355 = arith.constant 0 : index
    %swap3A_356 = tpu.vector_load %arg14[%swap3A_354, %swap3A_355] {strides = array<i32>} : memref<64x32xf32, #tpu.memory_space<vmem>>, vector<16xf32>,
    tpu.vector_store %arg14[%swap3A_354, %swap3A_355], %broadcast_in_dim3A_1 {strides = array<i32>} : memref<64x32xf32, #tpu.memory_space<vmem>>, vector<16xf32>,
    %swap3A_357 = arith.constant 44 : i32
    %swap3A_358 = arith.index_cast %swap3A_357 : i32 to index
    %swap3A_359 = arith.constant 16 : index
    %swap3A_360 = tpu.vector_load %arg14[%swap3A_358, %swap3A_359] {strides = array<i32>} : memref<64x32xf32, #tpu.memory_space<vmem>>, vector<16xf32>,
    tpu.vector_store %arg14[%swap3A_358, %swap3A_359], %broadcast_in_dim3A_1 {strides = array<i32>} : memref<64x32xf32, #tpu.memory_space<vmem>>, vector<16xf32>,
    %swap3A_361 = arith.constant 45 : i32
    %swap3A_362 = arith.index_cast %swap3A_361 : i32 to index
    %swap3A_363 = arith.constant 0 : index
    %swap3A_364 = tpu.vector_load %arg14[%swap3A_362, %swap3A_363] {strides = array<i32>} : memref<64x32xf32, #tpu.memory_space<vmem>>, vector<16xf32>,
    tpu.vector_store %arg14[%swap3A_362, %swap3A_363], %broadcast_in_dim3A_1 {strides = array<i32>} : memref<64x32xf32, #tpu.memory_space<vmem>>, vector<16xf32>,
    %swap3A_365 = arith.constant 45 : i32
    %swap3A_366 = arith.index_cast %swap3A_365 : i32 to index
    %swap3A_367 = arith.constant 16 : index
    %swap3A_368 = tpu.vector_load %arg14[%swap3A_366, %swap3A_367] {strides = array<i32>} : memref<64x32xf32, #tpu.memory_space<vmem>>, vector<16xf32>,
    tpu.vector_store %arg14[%swap3A_366, %swap3A_367], %broadcast_in_dim3A_1 {strides = array<i32>} : memref<64x32xf32, #tpu.memory_space<vmem>>, vector<16xf32>,
    %swap3A_369 = arith.constant 46 : i32
    %swap3A_370 = arith.index_cast %swap3A_369 : i32 to index
    %swap3A_371 = arith.constant 0 : index
    %swap3A_372 = tpu.vector_load %arg14[%swap3A_370, %swap3A_371] {strides = array<i32>} : memref<64x32xf32, #tpu.memory_space<vmem>>, vector<16xf32>,
    tpu.vector_store %arg14[%swap3A_370, %swap3A_371], %broadcast_in_dim3A_1 {strides = array<i32>} : memref<64x32xf32, #tpu.memory_space<vmem>>, vector<16xf32>,
    %swap3A_373 = arith.constant 46 : i32
    %swap3A_374 = arith.index_cast %swap3A_373 : i32 to index
    %swap3A_375 = arith.constant 16 : index
    %swap3A_376 = tpu.vector_load %arg14[%swap3A_374, %swap3A_375] {strides = array<i32>} : memref<64x32xf32, #tpu.memory_space<vmem>>, vector<16xf32>,
    tpu.vector_store %arg14[%swap3A_374, %swap3A_375], %broadcast_in_dim3A_1 {strides = array<i32>} : memref<64x32xf32, #tpu.memory_space<vmem>>, vector<16xf32>,
    %swap3A_377 = arith.constant 47 : i32
    %swap3A_378 = arith.index_cast %swap3A_377 : i32 to index
    %swap3A_379 = arith.constant 0 : index
    %swap3A_380 = tpu.vector_load %arg14[%swap3A_378, %swap3A_379] {strides = array<i32>} : memref<64x32xf32, #tpu.memory_space<vmem>>, vector<16xf32>,
    tpu.vector_store %arg14[%swap3A_378, %swap3A_379], %broadcast_in_dim3A_1 {strides = array<i32>} : memref<64x32xf32, #tpu.memory_space<vmem>>, vector<16xf32>,
    %swap3A_381 = arith.constant 47 : i32
    %swap3A_382 = arith.index_cast %swap3A_381 : i32 to index
    %swap3A_383 = arith.constant 16 : index
    %swap3A_384 = tpu.vector_load %arg14[%swap3A_382, %swap3A_383] {strides = array<i32>} : memref<64x32xf32, #tpu.memory_space<vmem>>, vector<16xf32>,
    tpu.vector_store %arg14[%swap3A_382, %swap3A_383], %broadcast_in_dim3A_1 {strides = array<i32>} : memref<64x32xf32, #tpu.memory_space<vmem>>, vector<16xf32>,
    %swap3A_385 = arith.constant 48 : i32
    %swap3A_386 = arith.index_cast %swap3A_385 : i32 to index
    %swap3A_387 = arith.constant 0 : index
    %swap3A_388 = tpu.vector_load %arg14[%swap3A_386, %swap3A_387] {strides = array<i32>} : memref<64x32xf32, #tpu.memory_space<vmem>>, vector<16xf32>,
    tpu.vector_store %arg14[%swap3A_386, %swap3A_387], %broadcast_in_dim3A_1 {strides = array<i32>} : memref<64x32xf32, #tpu.memory_space<vmem>>, vector<16xf32>,
    %swap3A_389 = arith.constant 48 : i32
    %swap3A_390 = arith.index_cast %swap3A_389 : i32 to index
    %swap3A_391 = arith.constant 16 : index
    %swap3A_392 = tpu.vector_load %arg14[%swap3A_390, %swap3A_391] {strides = array<i32>} : memref<64x32xf32, #tpu.memory_space<vmem>>, vector<16xf32>,
    tpu.vector_store %arg14[%swap3A_390, %swap3A_391], %broadcast_in_dim3A_1 {strides = array<i32>} : memref<64x32xf32, #tpu.memory_space<vmem>>, vector<16xf32>,
    %swap3A_393 = arith.constant 49 : i32
    %swap3A_394 = arith.index_cast %swap3A_393 : i32 to index
    %swap3A_395 = arith.constant 0 : index
    %swap3A_396 = tpu.vector_load %arg14[%swap3A_394, %swap3A_395] {strides = array<i32>} : memref<64x32xf32, #tpu.memory_space<vmem>>, vector<16xf32>,
    tpu.vector_store %arg14[%swap3A_394, %swap3A_395], %broadcast_in_dim3A_1 {strides = array<i32>} : memref<64x32xf32, #tpu.memory_space<vmem>>, vector<16xf32>,
    %swap3A_397 = arith.constant 49 : i32
    %swap3A_398 = arith.index_cast %swap3A_397 : i32 to index
    %swap3A_399 = arith.constant 16 : index
    %swap3A_400 = tpu.vector_load %arg14[%swap3A_398, %swap3A_399] {strides = array<i32>} : memref<64x32xf32, #tpu.memory_space<vmem>>, vector<16xf32>,
    tpu.vector_store %arg14[%swap3A_398, %swap3A_399], %broadcast_in_dim3A_1 {strides = array<i32>} : memref<64x32xf32, #tpu.memory_space<vmem>>, vector<16xf32>,
    %swap3A_401 = arith.constant 50 : i32
    %swap3A_402 = arith.index_cast %swap3A_401 : i32 to index
    %swap3A_403 = arith.constant 0 : index
    %swap3A_404 = tpu.vector_load %arg14[%swap3A_402, %swap3A_403] {strides = array<i32>} : memref<64x32xf32, #tpu.memory_space<vmem>>, vector<16xf32>,
    tpu.vector_store %arg14[%swap3A_402, %swap3A_403], %broadcast_in_dim3A_1 {strides = array<i32>} : memref<64x32xf32, #tpu.memory_space<vmem>>, vector<16xf32>,
    %swap3A_405 = arith.constant 50 : i32
    %swap3A_406 = arith.index_cast %swap3A_405 : i32 to index
    %swap3A_407 = arith.constant 16 : index
    %swap3A_408 = tpu.vector_load %arg14[%swap3A_406, %swap3A_407] {strides = array<i32>} : memref<64x32xf32, #tpu.memory_space<vmem>>, vector<16xf32>,
    tpu.vector_store %arg14[%swap3A_406, %swap3A_407], %broadcast_in_dim3A_1 {strides = array<i32>} : memref<64x32xf32, #tpu.memory_space<vmem>>, vector<16xf32>,
    %swap3A_409 = arith.constant 51 : i32
    %swap3A_410 = arith.index_cast %swap3A_409 : i32 to index
    %swap3A_411 = arith.constant 0 : index
    %swap3A_412 = tpu.vector_load %arg14[%swap3A_410, %swap3A_411] {strides = array<i32>} : memref<64x32xf32, #tpu.memory_space<vmem>>, vector<16xf32>,
    tpu.vector_store %arg14[%swap3A_410, %swap3A_411], %broadcast_in_dim3A_1 {strides = array<i32>} : memref<64x32xf32, #tpu.memory_space<vmem>>, vector<16xf32>,
    %swap3A_413 = arith.constant 51 : i32
    %swap3A_414 = arith.index_cast %swap3A_413 : i32 to index
    %swap3A_415 = arith.constant 16 : index
    %swap3A_416 = tpu.vector_load %arg14[%swap3A_414, %swap3A_415] {strides = array<i32>} : memref<64x32xf32, #tpu.memory_space<vmem>>, vector<16xf32>,
    tpu.vector_store %arg14[%swap3A_414, %swap3A_415], %broadcast_in_dim3A_1 {strides = array<i32>} : memref<64x32xf32, #tpu.memory_space<vmem>>, vector<16xf32>,
    %swap3A_417 = arith.constant 52 : i32
    %swap3A_418 = arith.index_cast %swap3A_417 : i32 to index
    %swap3A_419 = arith.constant 0 : index
    %swap3A_420 = tpu.vector_load %arg14[%swap3A_418, %swap3A_419] {strides = array<i32>} : memref<64x32xf32, #tpu.memory_space<vmem>>, vector<16xf32>,
    tpu.vector_store %arg14[%swap3A_418, %swap3A_419], %broadcast_in_dim3A_1 {strides = array<i32>} : memref<64x32xf32, #tpu.memory_space<vmem>>, vector<16xf32>,
    %swap3A_421 = arith.constant 52 : i32
    %swap3A_422 = arith.index_cast %swap3A_421 : i32 to index
    %swap3A_423 = arith.constant 16 : index
    %swap3A_424 = tpu.vector_load %arg14[%swap3A_422, %swap3A_423] {strides = array<i32>} : memref<64x32xf32, #tpu.memory_space<vmem>>, vector<16xf32>,
    tpu.vector_store %arg14[%swap3A_422, %swap3A_423], %broadcast_in_dim3A_1 {strides = array<i32>} : memref<64x32xf32, #tpu.memory_space<vmem>>, vector<16xf32>,
    %swap3A_425 = arith.constant 53 : i32
    %swap3A_426 = arith.index_cast %swap3A_425 : i32 to index
    %swap3A_427 = arith.constant 0 : index
    %swap3A_428 = tpu.vector_load %arg14[%swap3A_426, %swap3A_427] {strides = array<i32>} : memref<64x32xf32, #tpu.memory_space<vmem>>, vector<16xf32>,
    tpu.vector_store %arg14[%swap3A_426, %swap3A_427], %broadcast_in_dim3A_1 {strides = array<i32>} : memref<64x32xf32, #tpu.memory_space<vmem>>, vector<16xf32>,
    %swap3A_429 = arith.constant 53 : i32
    %swap3A_430 = arith.index_cast %swap3A_429 : i32 to index
    %swap3A_431 = arith.constant 16 : index
    %swap3A_432 = tpu.vector_load %arg14[%swap3A_430, %swap3A_431] {strides = array<i32>} : memref<64x32xf32, #tpu.memory_space<vmem>>, vector<16xf32>,
    tpu.vector_store %arg14[%swap3A_430, %swap3A_431], %broadcast_in_dim3A_1 {strides = array<i32>} : memref<64x32xf32, #tpu.memory_space<vmem>>, vector<16xf32>,
    %swap3A_433 = arith.constant 54 : i32
    %swap3A_434 = arith.index_cast %swap3A_433 : i32 to index
    %swap3A_435 = arith.constant 0 : index
    %swap3A_436 = tpu.vector_load %arg14[%swap3A_434, %swap3A_435] {strides = array<i32>} : memref<64x32xf32, #tpu.memory_space<vmem>>, vector<16xf32>,
    tpu.vector_store %arg14[%swap3A_434, %swap3A_435], %broadcast_in_dim3A_1 {strides = array<i32>} : memref<64x32xf32, #tpu.memory_space<vmem>>, vector<16xf32>,
    %swap3A_437 = arith.constant 54 : i32
    %swap3A_438 = arith.index_cast %swap3A_437 : i32 to index
    %swap3A_439 = arith.constant 16 : index
    %swap3A_440 = tpu.vector_load %arg14[%swap3A_438, %swap3A_439] {strides = array<i32>} : memref<64x32xf32, #tpu.memory_space<vmem>>, vector<16xf32>,
    tpu.vector_store %arg14[%swap3A_438, %swap3A_439], %broadcast_in_dim3A_1 {strides = array<i32>} : memref<64x32xf32, #tpu.memory_space<vmem>>, vector<16xf32>,
    %swap3A_441 = arith.constant 55 : i32
    %swap3A_442 = arith.index_cast %swap3A_441 : i32 to index
    %swap3A_443 = arith.constant 0 : index
    %swap3A_444 = tpu.vector_load %arg14[%swap3A_442, %swap3A_443] {strides = array<i32>} : memref<64x32xf32, #tpu.memory_space<vmem>>, vector<16xf32>,
    tpu.vector_store %arg14[%swap3A_442, %swap3A_443], %broadcast_in_dim3A_1 {strides = array<i32>} : memref<64x32xf32, #tpu.memory_space<vmem>>, vector<16xf32>,
    %swap3A_445 = arith.constant 55 : i32
    %swap3A_446 = arith.index_cast %swap3A_445 : i32 to index
    %swap3A_447 = arith.constant 16 : index
    %swap3A_448 = tpu.vector_load %arg14[%swap3A_446, %swap3A_447] {strides = array<i32>} : memref<64x32xf32, #tpu.memory_space<vmem>>, vector<16xf32>,
    tpu.vector_store %arg14[%swap3A_446, %swap3A_447], %broadcast_in_dim3A_1 {strides = array<i32>} : memref<64x32xf32, #tpu.memory_space<vmem>>, vector<16xf32>,
    %swap3A_449 = arith.constant 56 : i32
    %swap3A_450 = arith.index_cast %swap3A_449 : i32 to index
    %swap3A_451 = arith.constant 0 : index
    %swap3A_452 = tpu.vector_load %arg14[%swap3A_450, %swap3A_451] {strides = array<i32>} : memref<64x32xf32, #tpu.memory_space<vmem>>, vector<16xf32>,
    tpu.vector_store %arg14[%swap3A_450, %swap3A_451], %broadcast_in_dim3A_1 {strides = array<i32>} : memref<64x32xf32, #tpu.memory_space<vmem>>, vector<16xf32>,
    %swap3A_453 = arith.constant 56 : i32
    %swap3A_454 = arith.index_cast %swap3A_453 : i32 to index
    %swap3A_455 = arith.constant 16 : index
    %swap3A_456 = tpu.vector_load %arg14[%swap3A_454, %swap3A_455] {strides = array<i32>} : memref<64x32xf32, #tpu.memory_space<vmem>>, vector<16xf32>,
    tpu.vector_store %arg14[%swap3A_454, %swap3A_455], %broadcast_in_dim3A_1 {strides = array<i32>} : memref<64x32xf32, #tpu.memory_space<vmem>>, vector<16xf32>,
    %swap3A_457 = arith.constant 57 : i32
    %swap3A_458 = arith.index_cast %swap3A_457 : i32 to index
    %swap3A_459 = arith.constant 0 : index
    %swap3A_460 = tpu.vector_load %arg14[%swap3A_458, %swap3A_459] {strides = array<i32>} : memref<64x32xf32, #tpu.memory_space<vmem>>, vector<16xf32>,
    tpu.vector_store %arg14[%swap3A_458, %swap3A_459], %broadcast_in_dim3A_1 {strides = array<i32>} : memref<64x32xf32, #tpu.memory_space<vmem>>, vector<16xf32>,
    %swap3A_461 = arith.constant 57 : i32
    %swap3A_462 = arith.index_cast %swap3A_461 : i32 to index
    %swap3A_463 = arith.constant 16 : index
    %swap3A_464 = tpu.vector_load %arg14[%swap3A_462, %swap3A_463] {strides = array<i32>} : memref<64x32xf32, #tpu.memory_space<vmem>>, vector<16xf32>,
    tpu.vector_store %arg14[%swap3A_462, %swap3A_463], %broadcast_in_dim3A_1 {strides = array<i32>} : memref<64x32xf32, #tpu.memory_space<vmem>>, vector<16xf32>,
    %swap3A_465 = arith.constant 58 : i32
    %swap3A_466 = arith.index_cast %swap3A_465 : i32 to index
    %swap3A_467 = arith.constant 0 : index
    %swap3A_468 = tpu.vector_load %arg14[%swap3A_466, %swap3A_467] {strides = array<i32>} : memref<64x32xf32, #tpu.memory_space<vmem>>, vector<16xf32>,
    tpu.vector_store %arg14[%swap3A_466, %swap3A_467], %broadcast_in_dim3A_1 {strides = array<i32>} : memref<64x32xf32, #tpu.memory_space<vmem>>, vector<16xf32>,
    %swap3A_469 = arith.constant 58 : i32
    %swap3A_470 = arith.index_cast %swap3A_469 : i32 to index
    %swap3A_471 = arith.constant 16 : index
    %swap3A_472 = tpu.vector_load %arg14[%swap3A_470, %swap3A_471] {strides = array<i32>} : memref<64x32xf32, #tpu.memory_space<vmem>>, vector<16xf32>,
    tpu.vector_store %arg14[%swap3A_470, %swap3A_471], %broadcast_in_dim3A_1 {strides = array<i32>} : memref<64x32xf32, #tpu.memory_space<vmem>>, vector<16xf32>,
    %swap3A_473 = arith.constant 59 : i32
    %swap3A_474 = arith.index_cast %swap3A_473 : i32 to index
    %swap3A_475 = arith.constant 0 : index
    %swap3A_476 = tpu.vector_load %arg14[%swap3A_474, %swap3A_475] {strides = array<i32>} : memref<64x32xf32, #tpu.memory_space<vmem>>, vector<16xf32>,
    tpu.vector_store %arg14[%swap3A_474, %swap3A_475], %broadcast_in_dim3A_1 {strides = array<i32>} : memref<64x32xf32, #tpu.memory_space<vmem>>, vector<16xf32>,
    %swap3A_477 = arith.constant 59 : i32
    %swap3A_478 = arith.index_cast %swap3A_477 : i32 to index
    %swap3A_479 = arith.constant 16 : index
    %swap3A_480 = tpu.vector_load %arg14[%swap3A_478, %swap3A_479] {strides = array<i32>} : memref<64x32xf32, #tpu.memory_space<vmem>>, vector<16xf32>,
    tpu.vector_store %arg14[%swap3A_478, %swap3A_479], %broadcast_in_dim3A_1 {strides = array<i32>} : memref<64x32xf32, #tpu.memory_space<vmem>>, vector<16xf32>,
    %swap3A_481 = arith.constant 60 : i32
    %swap3A_482 = arith.index_cast %swap3A_481 : i32 to index
    %swap3A_483 = arith.constant 0 : index
    %swap3A_484 = tpu.vector_load %arg14[%swap3A_482, %swap3A_483] {strides = array<i32>} : memref<64x32xf32, #tpu.memory_space<vmem>>, vector<16xf32>,
    tpu.vector_store %arg14[%swap3A_482, %swap3A_483], %broadcast_in_dim3A_1 {strides = array<i32>} : memref<64x32xf32, #tpu.memory_space<vmem>>, vector<16xf32>,
    %swap3A_485 = arith.constant 60 : i32
    %swap3A_486 = arith.index_cast %swap3A_485 : i32 to index
    %swap3A_487 = arith.constant 16 : index
    %swap3A_488 = tpu.vector_load %arg14[%swap3A_486, %swap3A_487] {strides = array<i32>} : memref<64x32xf32, #tpu.memory_space<vmem>>, vector<16xf32>,
    tpu.vector_store %arg14[%swap3A_486, %swap3A_487], %broadcast_in_dim3A_1 {strides = array<i32>} : memref<64x32xf32, #tpu.memory_space<vmem>>, vector<16xf32>,
    %swap3A_489 = arith.constant 61 : i32
    %swap3A_490 = arith.index_cast %swap3A_489 : i32 to index
    %swap3A_491 = arith.constant 0 : index
    %swap3A_492 = tpu.vector_load %arg14[%swap3A_490, %swap3A_491] {strides = array<i32>} : memref<64x32xf32, #tpu.memory_space<vmem>>, vector<16xf32>,
    tpu.vector_store %arg14[%swap3A_490, %swap3A_491], %broadcast_in_dim3A_1 {strides = array<i32>} : memref<64x32xf32, #tpu.memory_space<vmem>>, vector<16xf32>,
    %swap3A_493 = arith.constant 61 : i32
    %swap3A_494 = arith.index_cast %swap3A_493 : i32 to index
    %swap3A_495 = arith.constant 16 : index
    %swap3A_496 = tpu.vector_load %arg14[%swap3A_494, %swap3A_495] {strides = array<i32>} : memref<64x32xf32, #tpu.memory_space<vmem>>, vector<16xf32>,
    tpu.vector_store %arg14[%swap3A_494, %swap3A_495], %broadcast_in_dim3A_1 {strides = array<i32>} : memref<64x32xf32, #tpu.memory_space<vmem>>, vector<16xf32>,
    %swap3A_497 = arith.constant 62 : i32
    %swap3A_498 = arith.index_cast %swap3A_497 : i32 to index
    %swap3A_499 = arith.constant 0 : index
    %swap3A_500 = tpu.vector_load %arg14[%swap3A_498, %swap3A_499] {strides = array<i32>} : memref<64x32xf32, #tpu.memory_space<vmem>>, vector<16xf32>,
    tpu.vector_store %arg14[%swap3A_498, %swap3A_499], %broadcast_in_dim3A_1 {strides = array<i32>} : memref<64x32xf32, #tpu.memory_space<vmem>>, vector<16xf32>,
    %swap3A_501 = arith.constant 62 : i32
    %swap3A_502 = arith.index_cast %swap3A_501 : i32 to index
    %swap3A_503 = arith.constant 16 : index
    %swap3A_504 = tpu.vector_load %arg14[%swap3A_502, %swap3A_503] {strides = array<i32>} : memref<64x32xf32, #tpu.memory_space<vmem>>, vector<16xf32>,
    tpu.vector_store %arg14[%swap3A_502, %swap3A_503], %broadcast_in_dim3A_1 {strides = array<i32>} : memref<64x32xf32, #tpu.memory_space<vmem>>, vector<16xf32>,
    %swap3A_505 = arith.constant 63 : i32
    %swap3A_506 = arith.index_cast %swap3A_505 : i32 to index
    %swap3A_507 = arith.constant 0 : index
    %swap3A_508 = tpu.vector_load %arg14[%swap3A_506, %swap3A_507] {strides = array<i32>} : memref<64x32xf32, #tpu.memory_space<vmem>>, vector<16xf32>,
    tpu.vector_store %arg14[%swap3A_506, %swap3A_507], %broadcast_in_dim3A_1 {strides = array<i32>} : memref<64x32xf32, #tpu.memory_space<vmem>>, vector<16xf32>,
    %swap3A_509 = arith.constant 63 : i32
    %swap3A_510 = arith.index_cast %swap3A_509 : i32 to index
    %swap3A_511 = arith.constant 16 : index
    %swap3A_512 = tpu.vector_load %arg14[%swap3A_510, %swap3A_511] {strides = array<i32>} : memref<64x32xf32, #tpu.memory_space<vmem>>, vector<16xf32>,
    tpu.vector_store %arg14[%swap3A_510, %swap3A_511], %broadcast_in_dim3A_1 {strides = array<i32>} : memref<64x32xf32, #tpu.memory_space<vmem>>, vector<16xf32>,
    %mul3A_513 = arith.constant 64 : i32
    %mul3A_514 = arith.muli %arg1, %mul3A_513 : i32
    "tpu.region"() ({
      %run_scoped3A = tpu.sem_alloc : memref<!tpu.dma_semaphore, #tpu.memory_space<semaphore_mem>>
      %dma_start3A = arith.constant 0 : i32
      %dma_start3A_528 = tpu.memref_slice %arg16[%mul3A_514, %dma_start3A] : memref<1024x32xf32, #tpu.memory_space<vmem_shared>> -> memref<64x32xf32, #tpu.memory_space<vmem_shared>>
      %dma_start3A_529 = arith.constant 0 : i32
      %dma_start3A_530 = tpu.memref_slice %arg16[%mul3A_514, %dma_start3A_529] : memref<1024x32xf32, #tpu.memory_space<vmem_shared>> -> memref<64x32xf32, #tpu.memory_space<vmem_shared>>
      tpu.enqueue_dma source(%arg14 : memref<64x32xf32, #tpu.memory_space<vmem>>) target(%dma_start3A_530 : memref<64x32xf32, #tpu.memory_space<vmem_shared>>) target_semaphore(%run_scoped3A : memref<!tpu.dma_semaphore, #tpu.memory_space<semaphore_mem>>)
      %dma_wait3A = arith.constant 0 : i32
      %dma_wait3A_531 = tpu.memref_slice %arg16[%mul3A_514, %dma_wait3A] : memref<1024x32xf32, #tpu.memory_space<vmem_shared>> -> memref<64x32xf32, #tpu.memory_space<vmem_shared>>
      %dma_wait3A_532 = arith.constant 0 : i32
      %dma_wait3A_533 = tpu.memref_slice %arg16[%mul3A_514, %dma_wait3A_532] : memref<1024x32xf32, #tpu.memory_space<vmem_shared>> -> memref<64x32xf32, #tpu.memory_space<vmem_shared>>
      tpu.wait_dma2 semaphore(%run_scoped3A : memref<!tpu.dma_semaphore, #tpu.memory_space<semaphore_mem>>) src(%arg14 : memref<64x32xf32, #tpu.memory_space<vmem>>) dst(%dma_wait3A_533 : memref<64x32xf32, #tpu.memory_space<vmem_shared>>)
      tpu.yield
    }) : () -> ()
    %barrier3A = arith.constant 0 : index
    tpu.barrier barrier_id(%barrier3A)
    %scan3A = arith.constant 0 : i32
    %scan3A_515 = arith.constant 0 : i32
    %scan3A_516 = arith.constant 3 : i32
    %scan3A_517 = arith.addi %scan3A_515, %scan3A_516 : i32
    %scan3A_518 = arith.constant 1 : i32
    scf.for %scan3A_528 = %scan3A_515 to %scan3A_517 step %scan3A_518  : i32 {
      %mul3A_529 = arith.constant 32 : i32
      %mul3A_530 = arith.muli %scan3A_528, %mul3A_529 : i32
      %add3A_531 = arith.addi %add3A, %mul3A_530 : i32
      %lt3A = arith.constant 66 : i32
      %lt3A_532 = arith.cmpi slt, %add3A_531, %lt3A : i32
      %convert_element_type3A = arith.extui %lt3A_532 : i1 to i32
      %cond3A = arith.constant 0 : i32
      %cond3A_533 = arith.cmpi ne, %convert_element_type3A, %cond3A : i32
      scf.if %cond3A_533 {
        %mul3A_534 = arith.constant 1536 : i32
        %mul3A_535 = arith.muli %add3A_531, %mul3A_534 : i32
        %mul3A_536 = arith.constant 16 : i32
        %mul3A_537 = arith.muli %add3A_531, %mul3A_536 : i32
        "tpu.region"() ({
          %run_scoped3A = tpu.sem_alloc : memref<!tpu.dma_semaphore, #tpu.memory_space<semaphore_mem>>
          %dma_start3A = arith.constant 0 : i32
          %dma_start3A_547 = tpu.memref_slice %arg6[%mul3A_537, %dma_start3A] : memref<1056x128xi32, #tpu.memory_space<hbm>> -> memref<16x128xi32, #tpu.memory_space<hbm>>
          %dma_start3A_548 = arith.constant 0 : i32
          %dma_start3A_549 = tpu.memref_slice %arg6[%mul3A_537, %dma_start3A_548] : memref<1056x128xi32, #tpu.memory_space<hbm>> -> memref<16x128xi32, #tpu.memory_space<hbm>>
          tpu.enqueue_dma source(%dma_start3A_549 : memref<16x128xi32, #tpu.memory_space<hbm>>) target(%arg12 : memref<16x128xi32, #tpu.memory_space<vmem>>) target_semaphore(%run_scoped3A : memref<!tpu.dma_semaphore, #tpu.memory_space<semaphore_mem>>)
          %dma_wait3A = arith.constant 0 : i32
          %dma_wait3A_550 = tpu.memref_slice %arg6[%mul3A_537, %dma_wait3A] : memref<1056x128xi32, #tpu.memory_space<hbm>> -> memref<16x128xi32, #tpu.memory_space<hbm>>
          %dma_wait3A_551 = arith.constant 0 : i32
          %dma_wait3A_552 = tpu.memref_slice %arg6[%mul3A_537, %dma_wait3A_551] : memref<1056x128xi32, #tpu.memory_space<hbm>> -> memref<16x128xi32, #tpu.memory_space<hbm>>
          tpu.wait_dma2 semaphore(%run_scoped3A : memref<!tpu.dma_semaphore, #tpu.memory_space<semaphore_mem>>) src(%dma_wait3A_552 : memref<16x128xi32, #tpu.memory_space<hbm>>) dst(%arg12 : memref<16x128xi32, #tpu.memory_space<vmem>>)
          tpu.yield
        }) : () -> ()
        %lt3A_538 = arith.constant 65 : i32
        %lt3A_539 = arith.cmpi slt, %add3A_531, %lt3A_538 : i32
        %convert_element_type3A_540 = arith.extui %lt3A_539 : i1 to i32
        %cond3A_541 = arith.constant 0 : i32
        %cond3A_542 = arith.cmpi ne, %convert_element_type3A_540, %cond3A_541 : i32
        scf.if %cond3A_542 {
          %mul3A_547 = arith.constant 6 : i32
          %mul3A_548 = arith.muli %mul3A_535, %mul3A_547 : i32
          "tpu.region"() ({
            %run_scoped3A = tpu.sem_alloc : memref<!tpu.dma_semaphore, #tpu.memory_space<semaphore_mem>>
            %dma_start3A = tpu.memref_slice %arg2[%mul3A_548] : memref<600000xf32, #tpu.memory_space<hbm>> -> memref<9216xf32, #tpu.memory_space<hbm>>
            %dma_start3A_565 = tpu.memref_slice %arg2[%mul3A_548] : memref<600000xf32, #tpu.memory_space<hbm>> -> memref<9216xf32, #tpu.memory_space<hbm>>
            tpu.enqueue_dma source(%dma_start3A_565 : memref<9216xf32, #tpu.memory_space<hbm>>) target(%arg8 : memref<9216xf32, #tpu.memory_space<vmem>>) target_semaphore(%run_scoped3A : memref<!tpu.dma_semaphore, #tpu.memory_space<semaphore_mem>>)
            %dma_wait3A = tpu.memref_slice %arg2[%mul3A_548] : memref<600000xf32, #tpu.memory_space<hbm>> -> memref<9216xf32, #tpu.memory_space<hbm>>
            %dma_wait3A_566 = tpu.memref_slice %arg2[%mul3A_548] : memref<600000xf32, #tpu.memory_space<hbm>> -> memref<9216xf32, #tpu.memory_space<hbm>>
            tpu.wait_dma2 semaphore(%run_scoped3A : memref<!tpu.dma_semaphore, #tpu.memory_space<semaphore_mem>>) src(%dma_wait3A_566 : memref<9216xf32, #tpu.memory_space<hbm>>) dst(%arg8 : memref<9216xf32, #tpu.memory_space<vmem>>)
            tpu.yield
          }) : () -> ()
          %mul3A_549 = arith.constant 3 : i32
          %mul3A_550 = arith.muli %mul3A_535, %mul3A_549 : i32
          "tpu.region"() ({
            %run_scoped3A = tpu.sem_alloc : memref<!tpu.dma_semaphore, #tpu.memory_space<semaphore_mem>>
            %dma_start3A = tpu.memref_slice %arg3[%mul3A_550] : memref<300000xf32, #tpu.memory_space<hbm>> -> memref<4608xf32, #tpu.memory_space<hbm>>
            %dma_start3A_565 = tpu.memref_slice %arg3[%mul3A_550] : memref<300000xf32, #tpu.memory_space<hbm>> -> memref<4608xf32, #tpu.memory_space<hbm>>
            tpu.enqueue_dma source(%dma_start3A_565 : memref<4608xf32, #tpu.memory_space<hbm>>) target(%arg9 : memref<4608xf32, #tpu.memory_space<vmem>>) target_semaphore(%run_scoped3A : memref<!tpu.dma_semaphore, #tpu.memory_space<semaphore_mem>>)
            %dma_wait3A = tpu.memref_slice %arg3[%mul3A_550] : memref<300000xf32, #tpu.memory_space<hbm>> -> memref<4608xf32, #tpu.memory_space<hbm>>
            %dma_wait3A_566 = tpu.memref_slice %arg3[%mul3A_550] : memref<300000xf32, #tpu.memory_space<hbm>> -> memref<4608xf32, #tpu.memory_space<hbm>>
            tpu.wait_dma2 semaphore(%run_scoped3A : memref<!tpu.dma_semaphore, #tpu.memory_space<semaphore_mem>>) src(%dma_wait3A_566 : memref<4608xf32, #tpu.memory_space<hbm>>) dst(%arg9 : memref<4608xf32, #tpu.memory_space<vmem>>)
            tpu.yield
          }) : () -> ()
          %mul3A_551 = arith.constant 3 : i32
          %mul3A_552 = arith.muli %mul3A_535, %mul3A_551 : i32
          "tpu.region"() ({
            %run_scoped3A = tpu.sem_alloc : memref<!tpu.dma_semaphore, #tpu.memory_space<semaphore_mem>>
            %dma_start3A = tpu.memref_slice %arg4[%mul3A_552] : memref<300000xf32, #tpu.memory_space<hbm>> -> memref<4608xf32, #tpu.memory_space<hbm>>
            %dma_start3A_565 = tpu.memref_slice %arg4[%mul3A_552] : memref<300000xf32, #tpu.memory_space<hbm>> -> memref<4608xf32, #tpu.memory_space<hbm>>
            tpu.enqueue_dma source(%dma_start3A_565 : memref<4608xf32, #tpu.memory_space<hbm>>) target(%arg10 : memref<4608xf32, #tpu.memory_space<vmem>>) target_semaphore(%run_scoped3A : memref<!tpu.dma_semaphore, #tpu.memory_space<semaphore_mem>>)
            %dma_wait3A = tpu.memref_slice %arg4[%mul3A_552] : memref<300000xf32, #tpu.memory_space<hbm>> -> memref<4608xf32, #tpu.memory_space<hbm>>
            %dma_wait3A_566 = tpu.memref_slice %arg4[%mul3A_552] : memref<300000xf32, #tpu.memory_space<hbm>> -> memref<4608xf32, #tpu.memory_space<hbm>>
            tpu.wait_dma2 semaphore(%run_scoped3A : memref<!tpu.dma_semaphore, #tpu.memory_space<semaphore_mem>>) src(%dma_wait3A_566 : memref<4608xf32, #tpu.memory_space<hbm>>) dst(%arg10 : memref<4608xf32, #tpu.memory_space<vmem>>)
            tpu.yield
          }) : () -> ()
          "tpu.region"() ({
            %run_scoped3A = tpu.sem_alloc : memref<!tpu.dma_semaphore, #tpu.memory_space<semaphore_mem>>
            %dma_start3A = tpu.memref_slice %arg5[%mul3A_535] : memref<100000xf32, #tpu.memory_space<hbm>> -> memref<1536xf32, #tpu.memory_space<hbm>>
            %dma_start3A_565 = tpu.memref_slice %arg5[%mul3A_535] : memref<100000xf32, #tpu.memory_space<hbm>> -> memref<1536xf32, #tpu.memory_space<hbm>>
            tpu.enqueue_dma source(%dma_start3A_565 : memref<1536xf32, #tpu.memory_space<hbm>>) target(%arg11 : memref<1536xf32, #tpu.memory_space<vmem>>) target_semaphore(%run_scoped3A : memref<!tpu.dma_semaphore, #tpu.memory_space<semaphore_mem>>)
            %dma_wait3A = tpu.memref_slice %arg5[%mul3A_535] : memref<100000xf32, #tpu.memory_space<hbm>> -> memref<1536xf32, #tpu.memory_space<hbm>>
            %dma_wait3A_566 = tpu.memref_slice %arg5[%mul3A_535] : memref<100000xf32, #tpu.memory_space<hbm>> -> memref<1536xf32, #tpu.memory_space<hbm>>
            tpu.wait_dma2 semaphore(%run_scoped3A : memref<!tpu.dma_semaphore, #tpu.memory_space<semaphore_mem>>) src(%dma_wait3A_566 : memref<1536xf32, #tpu.memory_space<hbm>>) dst(%arg11 : memref<1536xf32, #tpu.memory_space<vmem>>)
            tpu.yield
          }) : () -> ()
          %scan3A_553 = arith.constant 0 : i32
          %scan3A_554 = arith.constant 0 : i32
          %scan3A_555 = arith.constant 96 : i32
          %scan3A_556 = arith.addi %scan3A_554, %scan3A_555 : i32
          %scan3A_557 = arith.constant 1 : i32
          scf.for %scan3A_565 = %scan3A_554 to %scan3A_556 step %scan3A_557  : i32 {
            %mul3A_566 = arith.constant 16 : i32
            %mul3A_567 = arith.muli %scan3A_565, %mul3A_566 : i32
            %add3A_568 = vector.broadcast %mul3A_567 : i32 to vector<16xi32>
            %add3A_569 = arith.addi %add3A_568, %iota3A : vector<16xi32>
            %mul3A_570 = arith.constant 6 : i32
            %mul3A_571 = vector.broadcast %mul3A_570 : i32 to vector<16xi32>
            %mul3A_572 = arith.muli %add3A_569, %mul3A_571 : vector<16xi32>
            %mul3A_573 = arith.constant 3 : i32
            %mul3A_574 = vector.broadcast %mul3A_573 : i32 to vector<16xi32>
            %mul3A_575 = arith.muli %add3A_569, %mul3A_574 : vector<16xi32>
            %gather3A = tpu.vector_load_idx %arg8[%mul3A_572] : memref<9216xf32, #tpu.memory_space<vmem>>[vector<16xi32>], vector<16xf32>,
            %add3A_576 = arith.constant 1 : i32
            %add3A_577 = vector.broadcast %add3A_576 : i32 to vector<16xi32>
            %add3A_578 = arith.addi %mul3A_572, %add3A_577 : vector<16xi32>
            %gather3A_579 = tpu.vector_load_idx %arg8[%add3A_578] : memref<9216xf32, #tpu.memory_space<vmem>>[vector<16xi32>], vector<16xf32>,
            %add3A_580 = arith.constant 2 : i32
            %add3A_581 = vector.broadcast %add3A_580 : i32 to vector<16xi32>
            %add3A_582 = arith.addi %mul3A_572, %add3A_581 : vector<16xi32>
            %gather3A_583 = tpu.vector_load_idx %arg8[%add3A_582] : memref<9216xf32, #tpu.memory_space<vmem>>[vector<16xi32>], vector<16xf32>,
            %add3A_584 = arith.constant 3 : i32
            %add3A_585 = vector.broadcast %add3A_584 : i32 to vector<16xi32>
            %add3A_586 = arith.addi %mul3A_572, %add3A_585 : vector<16xi32>
            %gather3A_587 = tpu.vector_load_idx %arg8[%add3A_586] : memref<9216xf32, #tpu.memory_space<vmem>>[vector<16xi32>], vector<16xf32>,
            %add3A_588 = arith.constant 4 : i32
            %add3A_589 = vector.broadcast %add3A_588 : i32 to vector<16xi32>
            %add3A_590 = arith.addi %mul3A_572, %add3A_589 : vector<16xi32>
            %gather3A_591 = tpu.vector_load_idx %arg8[%add3A_590] : memref<9216xf32, #tpu.memory_space<vmem>>[vector<16xi32>], vector<16xf32>,
            %add3A_592 = arith.constant 5 : i32
            %add3A_593 = vector.broadcast %add3A_592 : i32 to vector<16xi32>
            %add3A_594 = arith.addi %mul3A_572, %add3A_593 : vector<16xi32>
            %gather3A_595 = tpu.vector_load_idx %arg8[%add3A_594] : memref<9216xf32, #tpu.memory_space<vmem>>[vector<16xi32>], vector<16xf32>,
            %gather3A_596 = tpu.vector_load_idx %arg9[%mul3A_575] : memref<4608xf32, #tpu.memory_space<vmem>>[vector<16xi32>], vector<16xf32>,
            %add3A_597 = arith.constant 1 : i32
            %add3A_598 = vector.broadcast %add3A_597 : i32 to vector<16xi32>
            %add3A_599 = arith.addi %mul3A_575, %add3A_598 : vector<16xi32>
            %gather3A_600 = tpu.vector_load_idx %arg9[%add3A_599] : memref<4608xf32, #tpu.memory_space<vmem>>[vector<16xi32>], vector<16xf32>,
            %add3A_601 = arith.constant 2 : i32
            %add3A_602 = vector.broadcast %add3A_601 : i32 to vector<16xi32>
            %add3A_603 = arith.addi %mul3A_575, %add3A_602 : vector<16xi32>
            %gather3A_604 = tpu.vector_load_idx %arg9[%add3A_603] : memref<4608xf32, #tpu.memory_space<vmem>>[vector<16xi32>], vector<16xf32>,
            %gather3A_605 = tpu.vector_load_idx %arg10[%mul3A_575] : memref<4608xf32, #tpu.memory_space<vmem>>[vector<16xi32>], vector<16xf32>,
            %add3A_606 = arith.constant 1 : i32
            %add3A_607 = vector.broadcast %add3A_606 : i32 to vector<16xi32>
            %add3A_608 = arith.addi %mul3A_575, %add3A_607 : vector<16xi32>
            %gather3A_609 = tpu.vector_load_idx %arg10[%add3A_608] : memref<4608xf32, #tpu.memory_space<vmem>>[vector<16xi32>], vector<16xf32>,
            %add3A_610 = arith.constant 2 : i32
            %add3A_611 = vector.broadcast %add3A_610 : i32 to vector<16xi32>
            %add3A_612 = arith.addi %mul3A_575, %add3A_611 : vector<16xi32>
            %gather3A_613 = tpu.vector_load_idx %arg10[%add3A_612] : memref<4608xf32, #tpu.memory_space<vmem>>[vector<16xi32>], vector<16xf32>,
            %gather3A_614 = tpu.vector_load_idx %arg11[%add3A_569] : memref<1536xf32, #tpu.memory_space<vmem>>[vector<16xi32>], vector<16xf32>,
            %add3A_615 = arith.addf %gather3A_605, %gather3A : vector<16xf32>
            %add3A_616 = arith.addf %gather3A_609, %gather3A_579 : vector<16xf32>
            %add3A_617 = arith.addf %gather3A_613, %gather3A_583 : vector<16xf32>
            %mul3A_618 = arith.mulf %gather3A_614, %gather3A_596 : vector<16xf32>
            %mul3A_619 = arith.mulf %gather3A_614, %gather3A_600 : vector<16xf32>
            %mul3A_620 = arith.mulf %gather3A_614, %gather3A_604 : vector<16xf32>
            %mul3A_621 = arith.mulf %gather3A_614, %gather3A_587 : vector<16xf32>
            %mul3A_622 = arith.mulf %gather3A_614, %gather3A_591 : vector<16xf32>
            %mul3A_623 = arith.mulf %gather3A_614, %gather3A_595 : vector<16xf32>
            %mul3A_624 = arith.mulf %gather3A_614, %gather3A_605 : vector<16xf32>
            %mul3A_625 = arith.mulf %gather3A_614, %gather3A_609 : vector<16xf32>
            %mul3A_626 = arith.mulf %gather3A_614, %gather3A_613 : vector<16xf32>
            %mul3A_627 = arith.mulf %gather3A_609, %mul3A_620 : vector<16xf32>
            %mul3A_628 = arith.mulf %gather3A_613, %mul3A_619 : vector<16xf32>
            %sub3A = arith.subf %mul3A_627, %mul3A_628 : vector<16xf32>
            %mul3A_629 = arith.mulf %gather3A_613, %mul3A_618 : vector<16xf32>
            %mul3A_630 = arith.mulf %gather3A_605, %mul3A_620 : vector<16xf32>
            %sub3A_631 = arith.subf %mul3A_629, %mul3A_630 : vector<16xf32>
            %mul3A_632 = arith.mulf %gather3A_605, %mul3A_619 : vector<16xf32>
            %mul3A_633 = arith.mulf %gather3A_609, %mul3A_618 : vector<16xf32>
            %sub3A_634 = arith.subf %mul3A_632, %mul3A_633 : vector<16xf32>
            %mul3A_635 = arith.mulf %gather3A_614, %add3A_615 : vector<16xf32>
            %mul3A_636 = arith.mulf %gather3A_614, %add3A_616 : vector<16xf32>
            %mul3A_637 = arith.mulf %gather3A_614, %add3A_617 : vector<16xf32>
            %mul3A_638 = arith.mulf %add3A_616, %mul3A_623 : vector<16xf32>
            %mul3A_639 = arith.mulf %add3A_617, %mul3A_622 : vector<16xf32>
            %sub3A_640 = arith.subf %mul3A_638, %mul3A_639 : vector<16xf32>
            %mul3A_641 = arith.mulf %add3A_617, %mul3A_621 : vector<16xf32>
            %mul3A_642 = arith.mulf %add3A_615, %mul3A_623 : vector<16xf32>
            %sub3A_643 = arith.subf %mul3A_641, %mul3A_642 : vector<16xf32>
            %mul3A_644 = arith.mulf %add3A_615, %mul3A_622 : vector<16xf32>
            %mul3A_645 = arith.mulf %add3A_616, %mul3A_621 : vector<16xf32>
            %sub3A_646 = arith.subf %mul3A_644, %mul3A_645 : vector<16xf32>
            %mul3A_647 = arith.mulf %gather3A_614, %add3A_615 : vector<16xf32>
            %mul3A_648 = arith.mulf %mul3A_647, %add3A_615 : vector<16xf32>
            %mul3A_649 = arith.mulf %gather3A_614, %add3A_616 : vector<16xf32>
            %mul3A_650 = arith.mulf %mul3A_649, %add3A_616 : vector<16xf32>
            %mul3A_651 = arith.mulf %gather3A_614, %add3A_617 : vector<16xf32>
            %mul3A_652 = arith.mulf %mul3A_651, %add3A_617 : vector<16xf32>
            %mul3A_653 = arith.mulf %gather3A_614, %add3A_615 : vector<16xf32>
            %mul3A_654 = arith.mulf %mul3A_653, %add3A_616 : vector<16xf32>
            %mul3A_655 = arith.mulf %gather3A_614, %add3A_615 : vector<16xf32>
            %mul3A_656 = arith.mulf %mul3A_655, %add3A_617 : vector<16xf32>
            %mul3A_657 = arith.mulf %gather3A_614, %add3A_616 : vector<16xf32>
            %mul3A_658 = arith.mulf %mul3A_657, %add3A_617 : vector<16xf32>
            %broadcast_in_dim3A_659 = arith.constant 0 : i32
            %broadcast_in_dim3A_660 = vector.broadcast %broadcast_in_dim3A_659 : i32 to vector<16xi32>
            tpu.vector_store_idx %arg13[%add3A_569, %broadcast_in_dim3A_660], %mul3A_618 : memref<1536x32xf32, #tpu.memory_space<vmem>>[vector<16xi32>, vector<16xi32>], vector<16xf32>,
            %broadcast_in_dim3A_661 = arith.constant 1 : i32
            %broadcast_in_dim3A_662 = vector.broadcast %broadcast_in_dim3A_661 : i32 to vector<16xi32>
            tpu.vector_store_idx %arg13[%add3A_569, %broadcast_in_dim3A_662], %mul3A_619 : memref<1536x32xf32, #tpu.memory_space<vmem>>[vector<16xi32>, vector<16xi32>], vector<16xf32>,
            %broadcast_in_dim3A_663 = arith.constant 2 : i32
            %broadcast_in_dim3A_664 = vector.broadcast %broadcast_in_dim3A_663 : i32 to vector<16xi32>
            tpu.vector_store_idx %arg13[%add3A_569, %broadcast_in_dim3A_664], %mul3A_620 : memref<1536x32xf32, #tpu.memory_space<vmem>>[vector<16xi32>, vector<16xi32>], vector<16xf32>,
            %broadcast_in_dim3A_665 = arith.constant 3 : i32
            %broadcast_in_dim3A_666 = vector.broadcast %broadcast_in_dim3A_665 : i32 to vector<16xi32>
            tpu.vector_store_idx %arg13[%add3A_569, %broadcast_in_dim3A_666], %mul3A_621 : memref<1536x32xf32, #tpu.memory_space<vmem>>[vector<16xi32>, vector<16xi32>], vector<16xf32>,
            %broadcast_in_dim3A_667 = arith.constant 4 : i32
            %broadcast_in_dim3A_668 = vector.broadcast %broadcast_in_dim3A_667 : i32 to vector<16xi32>
            tpu.vector_store_idx %arg13[%add3A_569, %broadcast_in_dim3A_668], %mul3A_622 : memref<1536x32xf32, #tpu.memory_space<vmem>>[vector<16xi32>, vector<16xi32>], vector<16xf32>,
            %broadcast_in_dim3A_669 = arith.constant 5 : i32
            %broadcast_in_dim3A_670 = vector.broadcast %broadcast_in_dim3A_669 : i32 to vector<16xi32>
            tpu.vector_store_idx %arg13[%add3A_569, %broadcast_in_dim3A_670], %mul3A_623 : memref<1536x32xf32, #tpu.memory_space<vmem>>[vector<16xi32>, vector<16xi32>], vector<16xf32>,
            %broadcast_in_dim3A_671 = arith.constant 6 : i32
            %broadcast_in_dim3A_672 = vector.broadcast %broadcast_in_dim3A_671 : i32 to vector<16xi32>
            tpu.vector_store_idx %arg13[%add3A_569, %broadcast_in_dim3A_672], %mul3A_624 : memref<1536x32xf32, #tpu.memory_space<vmem>>[vector<16xi32>, vector<16xi32>], vector<16xf32>,
            %broadcast_in_dim3A_673 = arith.constant 7 : i32
            %broadcast_in_dim3A_674 = vector.broadcast %broadcast_in_dim3A_673 : i32 to vector<16xi32>
            tpu.vector_store_idx %arg13[%add3A_569, %broadcast_in_dim3A_674], %mul3A_625 : memref<1536x32xf32, #tpu.memory_space<vmem>>[vector<16xi32>, vector<16xi32>], vector<16xf32>,
            %broadcast_in_dim3A_675 = arith.constant 8 : i32
            %broadcast_in_dim3A_676 = vector.broadcast %broadcast_in_dim3A_675 : i32 to vector<16xi32>
            tpu.vector_store_idx %arg13[%add3A_569, %broadcast_in_dim3A_676], %mul3A_626 : memref<1536x32xf32, #tpu.memory_space<vmem>>[vector<16xi32>, vector<16xi32>], vector<16xf32>,
            %broadcast_in_dim3A_677 = arith.constant 9 : i32
            %broadcast_in_dim3A_678 = vector.broadcast %broadcast_in_dim3A_677 : i32 to vector<16xi32>
            tpu.vector_store_idx %arg13[%add3A_569, %broadcast_in_dim3A_678], %sub3A : memref<1536x32xf32, #tpu.memory_space<vmem>>[vector<16xi32>, vector<16xi32>], vector<16xf32>,
            %broadcast_in_dim3A_679 = arith.constant 10 : i32
            %broadcast_in_dim3A_680 = vector.broadcast %broadcast_in_dim3A_679 : i32 to vector<16xi32>
            tpu.vector_store_idx %arg13[%add3A_569, %broadcast_in_dim3A_680], %sub3A_631 : memref<1536x32xf32, #tpu.memory_space<vmem>>[vector<16xi32>, vector<16xi32>], vector<16xf32>,
            %broadcast_in_dim3A_681 = arith.constant 11 : i32
            %broadcast_in_dim3A_682 = vector.broadcast %broadcast_in_dim3A_681 : i32 to vector<16xi32>
            tpu.vector_store_idx %arg13[%add3A_569, %broadcast_in_dim3A_682], %sub3A_634 : memref<1536x32xf32, #tpu.memory_space<vmem>>[vector<16xi32>, vector<16xi32>], vector<16xf32>,
            %broadcast_in_dim3A_683 = arith.constant 12 : i32
            %broadcast_in_dim3A_684 = vector.broadcast %broadcast_in_dim3A_683 : i32 to vector<16xi32>
            tpu.vector_store_idx %arg13[%add3A_569, %broadcast_in_dim3A_684], %mul3A_635 : memref<1536x32xf32, #tpu.memory_space<vmem>>[vector<16xi32>, vector<16xi32>], vector<16xf32>,
            %broadcast_in_dim3A_685 = arith.constant 13 : i32
            %broadcast_in_dim3A_686 = vector.broadcast %broadcast_in_dim3A_685 : i32 to vector<16xi32>
            tpu.vector_store_idx %arg13[%add3A_569, %broadcast_in_dim3A_686], %mul3A_636 : memref<1536x32xf32, #tpu.memory_space<vmem>>[vector<16xi32>, vector<16xi32>], vector<16xf32>,
            %broadcast_in_dim3A_687 = arith.constant 14 : i32
            %broadcast_in_dim3A_688 = vector.broadcast %broadcast_in_dim3A_687 : i32 to vector<16xi32>
            tpu.vector_store_idx %arg13[%add3A_569, %broadcast_in_dim3A_688], %mul3A_637 : memref<1536x32xf32, #tpu.memory_space<vmem>>[vector<16xi32>, vector<16xi32>], vector<16xf32>,
            %broadcast_in_dim3A_689 = arith.constant 15 : i32
            %broadcast_in_dim3A_690 = vector.broadcast %broadcast_in_dim3A_689 : i32 to vector<16xi32>
            tpu.vector_store_idx %arg13[%add3A_569, %broadcast_in_dim3A_690], %sub3A_640 : memref<1536x32xf32, #tpu.memory_space<vmem>>[vector<16xi32>, vector<16xi32>], vector<16xf32>,
            %broadcast_in_dim3A_691 = arith.constant 16 : i32
            %broadcast_in_dim3A_692 = vector.broadcast %broadcast_in_dim3A_691 : i32 to vector<16xi32>
            tpu.vector_store_idx %arg13[%add3A_569, %broadcast_in_dim3A_692], %sub3A_643 : memref<1536x32xf32, #tpu.memory_space<vmem>>[vector<16xi32>, vector<16xi32>], vector<16xf32>,
            %broadcast_in_dim3A_693 = arith.constant 17 : i32
            %broadcast_in_dim3A_694 = vector.broadcast %broadcast_in_dim3A_693 : i32 to vector<16xi32>
            tpu.vector_store_idx %arg13[%add3A_569, %broadcast_in_dim3A_694], %sub3A_646 : memref<1536x32xf32, #tpu.memory_space<vmem>>[vector<16xi32>, vector<16xi32>], vector<16xf32>,
            %broadcast_in_dim3A_695 = arith.constant 18 : i32
            %broadcast_in_dim3A_696 = vector.broadcast %broadcast_in_dim3A_695 : i32 to vector<16xi32>
            tpu.vector_store_idx %arg13[%add3A_569, %broadcast_in_dim3A_696], %mul3A_648 : memref<1536x32xf32, #tpu.memory_space<vmem>>[vector<16xi32>, vector<16xi32>], vector<16xf32>,
            %broadcast_in_dim3A_697 = arith.constant 19 : i32
            %broadcast_in_dim3A_698 = vector.broadcast %broadcast_in_dim3A_697 : i32 to vector<16xi32>
            tpu.vector_store_idx %arg13[%add3A_569, %broadcast_in_dim3A_698], %mul3A_650 : memref<1536x32xf32, #tpu.memory_space<vmem>>[vector<16xi32>, vector<16xi32>], vector<16xf32>,
            %broadcast_in_dim3A_699 = arith.constant 20 : i32
            %broadcast_in_dim3A_700 = vector.broadcast %broadcast_in_dim3A_699 : i32 to vector<16xi32>
            tpu.vector_store_idx %arg13[%add3A_569, %broadcast_in_dim3A_700], %mul3A_652 : memref<1536x32xf32, #tpu.memory_space<vmem>>[vector<16xi32>, vector<16xi32>], vector<16xf32>,
            %broadcast_in_dim3A_701 = arith.constant 21 : i32
            %broadcast_in_dim3A_702 = vector.broadcast %broadcast_in_dim3A_701 : i32 to vector<16xi32>
            tpu.vector_store_idx %arg13[%add3A_569, %broadcast_in_dim3A_702], %mul3A_654 : memref<1536x32xf32, #tpu.memory_space<vmem>>[vector<16xi32>, vector<16xi32>], vector<16xf32>,
            %broadcast_in_dim3A_703 = arith.constant 22 : i32
            %broadcast_in_dim3A_704 = vector.broadcast %broadcast_in_dim3A_703 : i32 to vector<16xi32>
            tpu.vector_store_idx %arg13[%add3A_569, %broadcast_in_dim3A_704], %mul3A_656 : memref<1536x32xf32, #tpu.memory_space<vmem>>[vector<16xi32>, vector<16xi32>], vector<16xf32>,
            %broadcast_in_dim3A_705 = arith.constant 23 : i32
            %broadcast_in_dim3A_706 = vector.broadcast %broadcast_in_dim3A_705 : i32 to vector<16xi32>
            tpu.vector_store_idx %arg13[%add3A_569, %broadcast_in_dim3A_706], %mul3A_658 : memref<1536x32xf32, #tpu.memory_space<vmem>>[vector<16xi32>, vector<16xi32>], vector<16xf32>,
          }
          %scan3A_558 = arith.constant 96 : i32
          %scan3A_559 = arith.constant 0 : i32
          %scan3A_560 = arith.constant 0 : i32
          %scan3A_561 = arith.constant 12 : i32
          %scan3A_562 = arith.addi %scan3A_560, %scan3A_561 : i32
          %scan3A_563 = arith.constant 1 : i32
          scf.for %scan3A_565 = %scan3A_560 to %scan3A_562 step %scan3A_563  : i32 {
            %mul3A_566 = arith.constant 128 : i32
            %mul3A_567 = arith.muli %scan3A_565, %mul3A_566 : i32
            "tpu.region"() ({
              %run_scoped3A = tpu.sem_alloc : memref<!tpu.dma_semaphore, #tpu.memory_space<semaphore_mem>>
              %dma_start3A = arith.constant 0 : i32
              %dma_start3A_568 = tpu.memref_slice %arg13[%mul3A_567, %dma_start3A] : memref<1536x32xf32, #tpu.memory_space<vmem>> -> memref<128x32xf32, #tpu.memory_space<vmem>>
              %dma_start3A_569 = arith.constant 0 : i32
              %dma_start3A_570 = tpu.memref_slice %arg12[%scan3A_565, %dma_start3A_569] : memref<16x128xi32, #tpu.memory_space<vmem>> -> memref<1x128xi32, #tpu.memory_space<vmem>>
              %dma_start3A_571 = tpu.memref_squeeze %dma_start3A_570 : memref<1x128xi32, #tpu.memory_space<vmem>> -> memref<128xi32, #tpu.memory_space<vmem>>
              %dma_start3A_572 = arith.constant 0 : i32
              %dma_start3A_573 = arith.constant 0 : i32
              %dma_start3A_574 = tpu.memref_slice %arg16[%dma_start3A_572, %dma_start3A_573] : memref<1024x32xf32, #tpu.memory_space<vmem_shared>> -> memref<1024x32xf32, #tpu.memory_space<vmem_shared>>
              tpu.enqueue_indirect_dma source(%dma_start3A_568 : memref<128x32xf32, #tpu.memory_space<vmem>>) target(%dma_start3A_574 : memref<1024x32xf32, #tpu.memory_space<vmem_shared>>) offsets(%dma_start3A_571 : memref<128xi32, #tpu.memory_space<vmem>>) semaphore(%run_scoped3A : memref<!tpu.dma_semaphore, #tpu.memory_space<semaphore_mem>>) {add = true}
              %dma_wait3A = arith.constant 0 : i32
              %dma_wait3A_575 = tpu.memref_slice %arg13[%mul3A_567, %dma_wait3A] : memref<1536x32xf32, #tpu.memory_space<vmem>> -> memref<128x32xf32, #tpu.memory_space<vmem>>
              %dma_wait3A_576 = arith.constant 0 : i32
              %dma_wait3A_577 = tpu.memref_slice %arg12[%scan3A_565, %dma_wait3A_576] : memref<16x128xi32, #tpu.memory_space<vmem>> -> memref<1x128xi32, #tpu.memory_space<vmem>>
              %dma_wait3A_578 = tpu.memref_squeeze %dma_wait3A_577 : memref<1x128xi32, #tpu.memory_space<vmem>> -> memref<128xi32, #tpu.memory_space<vmem>>
              %dma_wait3A_579 = arith.constant 0 : i32
              %dma_wait3A_580 = arith.constant 0 : i32
              %dma_wait3A_581 = tpu.memref_slice %arg16[%dma_wait3A_579, %dma_wait3A_580] : memref<1024x32xf32, #tpu.memory_space<vmem_shared>> -> memref<1024x32xf32, #tpu.memory_space<vmem_shared>>
              tpu.wait_indirect_dma semaphore(%run_scoped3A : memref<!tpu.dma_semaphore, #tpu.memory_space<semaphore_mem>>) src(%dma_wait3A_575 : memref<128x32xf32, #tpu.memory_space<vmem>>) dst(%dma_wait3A_581 : memref<1024x32xf32, #tpu.memory_space<vmem_shared>>)
              tpu.yield
            }) : () -> ()
          }
          %scan3A_564 = arith.constant 12 : i32
        } else {
        }
        %eq3A = arith.constant 65 : i32
        %eq3A_543 = arith.cmpi eq, %add3A_531, %eq3A : i32
        %convert_element_type3A_544 = arith.extui %eq3A_543 : i1 to i32
        %cond3A_545 = arith.constant 0 : i32
        %cond3A_546 = arith.cmpi ne, %convert_element_type3A_544, %cond3A_545 : i32
        scf.if %cond3A_546 {
          %swap3A_547 = arith.constant 960 : index
          %swap3A_548 = tpu.vector_load %arg8[%swap3A_547] {strides = array<i32>} : memref<9216xf32, #tpu.memory_space<vmem>>, vector<16xf32>,
          tpu.vector_store %arg8[%swap3A_547], %broadcast_in_dim3A_1 {strides = array<i32>} : memref<9216xf32, #tpu.memory_space<vmem>>, vector<16xf32>,
          %swap3A_549 = arith.constant 976 : index
          %swap3A_550 = tpu.vector_load %arg8[%swap3A_549] {strides = array<i32>} : memref<9216xf32, #tpu.memory_space<vmem>>, vector<16xf32>,
          tpu.vector_store %arg8[%swap3A_549], %broadcast_in_dim3A_1 {strides = array<i32>} : memref<9216xf32, #tpu.memory_space<vmem>>, vector<16xf32>,
          %swap3A_551 = arith.constant 992 : index
          %swap3A_552 = tpu.vector_load %arg8[%swap3A_551] {strides = array<i32>} : memref<9216xf32, #tpu.memory_space<vmem>>, vector<16xf32>,
          tpu.vector_store %arg8[%swap3A_551], %broadcast_in_dim3A_1 {strides = array<i32>} : memref<9216xf32, #tpu.memory_space<vmem>>, vector<16xf32>,
          %swap3A_553 = arith.constant 1008 : index
          %swap3A_554 = tpu.vector_load %arg8[%swap3A_553] {strides = array<i32>} : memref<9216xf32, #tpu.memory_space<vmem>>, vector<16xf32>,
          tpu.vector_store %arg8[%swap3A_553], %broadcast_in_dim3A_1 {strides = array<i32>} : memref<9216xf32, #tpu.memory_space<vmem>>, vector<16xf32>,
          %swap3A_555 = arith.constant 1024 : index
          %swap3A_556 = tpu.vector_load %arg8[%swap3A_555] {strides = array<i32>} : memref<9216xf32, #tpu.memory_space<vmem>>, vector<16xf32>,
          tpu.vector_store %arg8[%swap3A_555], %broadcast_in_dim3A_1 {strides = array<i32>} : memref<9216xf32, #tpu.memory_space<vmem>>, vector<16xf32>,
          %swap3A_557 = arith.constant 1040 : index
          %swap3A_558 = tpu.vector_load %arg8[%swap3A_557] {strides = array<i32>} : memref<9216xf32, #tpu.memory_space<vmem>>, vector<16xf32>,
          tpu.vector_store %arg8[%swap3A_557], %broadcast_in_dim3A_1 {strides = array<i32>} : memref<9216xf32, #tpu.memory_space<vmem>>, vector<16xf32>,
          %swap3A_559 = arith.constant 1056 : index
          %swap3A_560 = tpu.vector_load %arg8[%swap3A_559] {strides = array<i32>} : memref<9216xf32, #tpu.memory_space<vmem>>, vector<16xf32>,
          tpu.vector_store %arg8[%swap3A_559], %broadcast_in_dim3A_1 {strides = array<i32>} : memref<9216xf32, #tpu.memory_space<vmem>>, vector<16xf32>,
          %swap3A_561 = arith.constant 1072 : index
          %swap3A_562 = tpu.vector_load %arg8[%swap3A_561] {strides = array<i32>} : memref<9216xf32, #tpu.memory_space<vmem>>, vector<16xf32>,
          tpu.vector_store %arg8[%swap3A_561], %broadcast_in_dim3A_1 {strides = array<i32>} : memref<9216xf32, #tpu.memory_space<vmem>>, vector<16xf32>,
          %swap3A_563 = arith.constant 1088 : index
          %swap3A_564 = tpu.vector_load %arg8[%swap3A_563] {strides = array<i32>} : memref<9216xf32, #tpu.memory_space<vmem>>, vector<16xf32>,
          tpu.vector_store %arg8[%swap3A_563], %broadcast_in_dim3A_1 {strides = array<i32>} : memref<9216xf32, #tpu.memory_space<vmem>>, vector<16xf32>,
          %swap3A_565 = arith.constant 1104 : index
          %swap3A_566 = tpu.vector_load %arg8[%swap3A_565] {strides = array<i32>} : memref<9216xf32, #tpu.memory_space<vmem>>, vector<16xf32>,
          tpu.vector_store %arg8[%swap3A_565], %broadcast_in_dim3A_1 {strides = array<i32>} : memref<9216xf32, #tpu.memory_space<vmem>>, vector<16xf32>,
          %swap3A_567 = arith.constant 1120 : index
          %swap3A_568 = tpu.vector_load %arg8[%swap3A_567] {strides = array<i32>} : memref<9216xf32, #tpu.memory_space<vmem>>, vector<16xf32>,
          tpu.vector_store %arg8[%swap3A_567], %broadcast_in_dim3A_1 {strides = array<i32>} : memref<9216xf32, #tpu.memory_space<vmem>>, vector<16xf32>,
          %swap3A_569 = arith.constant 1136 : index
          %swap3A_570 = tpu.vector_load %arg8[%swap3A_569] {strides = array<i32>} : memref<9216xf32, #tpu.memory_space<vmem>>, vector<16xf32>,
          tpu.vector_store %arg8[%swap3A_569], %broadcast_in_dim3A_1 {strides = array<i32>} : memref<9216xf32, #tpu.memory_space<vmem>>, vector<16xf32>,
          %swap3A_571 = arith.constant 1152 : index
          %swap3A_572 = tpu.vector_load %arg8[%swap3A_571] {strides = array<i32>} : memref<9216xf32, #tpu.memory_space<vmem>>, vector<16xf32>,
          tpu.vector_store %arg8[%swap3A_571], %broadcast_in_dim3A_1 {strides = array<i32>} : memref<9216xf32, #tpu.memory_space<vmem>>, vector<16xf32>,
          %swap3A_573 = arith.constant 1168 : index
          %swap3A_574 = tpu.vector_load %arg8[%swap3A_573] {strides = array<i32>} : memref<9216xf32, #tpu.memory_space<vmem>>, vector<16xf32>,
          tpu.vector_store %arg8[%swap3A_573], %broadcast_in_dim3A_1 {strides = array<i32>} : memref<9216xf32, #tpu.memory_space<vmem>>, vector<16xf32>,
          %swap3A_575 = arith.constant 1184 : index
          %swap3A_576 = tpu.vector_load %arg8[%swap3A_575] {strides = array<i32>} : memref<9216xf32, #tpu.memory_space<vmem>>, vector<16xf32>,
          tpu.vector_store %arg8[%swap3A_575], %broadcast_in_dim3A_1 {strides = array<i32>} : memref<9216xf32, #tpu.memory_space<vmem>>, vector<16xf32>,
          %swap3A_577 = arith.constant 1200 : index
          %swap3A_578 = tpu.vector_load %arg8[%swap3A_577] {strides = array<i32>} : memref<9216xf32, #tpu.memory_space<vmem>>, vector<16xf32>,
          tpu.vector_store %arg8[%swap3A_577], %broadcast_in_dim3A_1 {strides = array<i32>} : memref<9216xf32, #tpu.memory_space<vmem>>, vector<16xf32>,
          %swap3A_579 = arith.constant 1216 : index
          %swap3A_580 = tpu.vector_load %arg8[%swap3A_579] {strides = array<i32>} : memref<9216xf32, #tpu.memory_space<vmem>>, vector<16xf32>,
          tpu.vector_store %arg8[%swap3A_579], %broadcast_in_dim3A_1 {strides = array<i32>} : memref<9216xf32, #tpu.memory_space<vmem>>, vector<16xf32>,
          %swap3A_581 = arith.constant 1232 : index
          %swap3A_582 = tpu.vector_load %arg8[%swap3A_581] {strides = array<i32>} : memref<9216xf32, #tpu.memory_space<vmem>>, vector<16xf32>,
          tpu.vector_store %arg8[%swap3A_581], %broadcast_in_dim3A_1 {strides = array<i32>} : memref<9216xf32, #tpu.memory_space<vmem>>, vector<16xf32>,
          %swap3A_583 = arith.constant 1248 : index
          %swap3A_584 = tpu.vector_load %arg8[%swap3A_583] {strides = array<i32>} : memref<9216xf32, #tpu.memory_space<vmem>>, vector<16xf32>,
          tpu.vector_store %arg8[%swap3A_583], %broadcast_in_dim3A_1 {strides = array<i32>} : memref<9216xf32, #tpu.memory_space<vmem>>, vector<16xf32>,
          %swap3A_585 = arith.constant 1264 : index
          %swap3A_586 = tpu.vector_load %arg8[%swap3A_585] {strides = array<i32>} : memref<9216xf32, #tpu.memory_space<vmem>>, vector<16xf32>,
          tpu.vector_store %arg8[%swap3A_585], %broadcast_in_dim3A_1 {strides = array<i32>} : memref<9216xf32, #tpu.memory_space<vmem>>, vector<16xf32>,
          %swap3A_587 = arith.constant 1280 : index
          %swap3A_588 = tpu.vector_load %arg8[%swap3A_587] {strides = array<i32>} : memref<9216xf32, #tpu.memory_space<vmem>>, vector<16xf32>,
          tpu.vector_store %arg8[%swap3A_587], %broadcast_in_dim3A_1 {strides = array<i32>} : memref<9216xf32, #tpu.memory_space<vmem>>, vector<16xf32>,
          %swap3A_589 = arith.constant 1296 : index
          %swap3A_590 = tpu.vector_load %arg8[%swap3A_589] {strides = array<i32>} : memref<9216xf32, #tpu.memory_space<vmem>>, vector<16xf32>,
          tpu.vector_store %arg8[%swap3A_589], %broadcast_in_dim3A_1 {strides = array<i32>} : memref<9216xf32, #tpu.memory_space<vmem>>, vector<16xf32>,
          %swap3A_591 = arith.constant 1312 : index
          %swap3A_592 = tpu.vector_load %arg8[%swap3A_591] {strides = array<i32>} : memref<9216xf32, #tpu.memory_space<vmem>>, vector<16xf32>,
          tpu.vector_store %arg8[%swap3A_591], %broadcast_in_dim3A_1 {strides = array<i32>} : memref<9216xf32, #tpu.memory_space<vmem>>, vector<16xf32>,
          %swap3A_593 = arith.constant 1328 : index
          %swap3A_594 = tpu.vector_load %arg8[%swap3A_593] {strides = array<i32>} : memref<9216xf32, #tpu.memory_space<vmem>>, vector<16xf32>,
          tpu.vector_store %arg8[%swap3A_593], %broadcast_in_dim3A_1 {strides = array<i32>} : memref<9216xf32, #tpu.memory_space<vmem>>, vector<16xf32>,
          %swap3A_595 = arith.constant 1344 : index
          %swap3A_596 = tpu.vector_load %arg8[%swap3A_595] {strides = array<i32>} : memref<9216xf32, #tpu.memory_space<vmem>>, vector<16xf32>,
          tpu.vector_store %arg8[%swap3A_595], %broadcast_in_dim3A_1 {strides = array<i32>} : memref<9216xf32, #tpu.memory_space<vmem>>, vector<16xf32>,
          %swap3A_597 = arith.constant 1360 : index
          %swap3A_598 = tpu.vector_load %arg8[%swap3A_597] {strides = array<i32>} : memref<9216xf32, #tpu.memory_space<vmem>>, vector<16xf32>,
          tpu.vector_store %arg8[%swap3A_597], %broadcast_in_dim3A_1 {strides = array<i32>} : memref<9216xf32, #tpu.memory_space<vmem>>, vector<16xf32>,
          %swap3A_599 = arith.constant 1376 : index
          %swap3A_600 = tpu.vector_load %arg8[%swap3A_599] {strides = array<i32>} : memref<9216xf32, #tpu.memory_space<vmem>>, vector<16xf32>,
          tpu.vector_store %arg8[%swap3A_599], %broadcast_in_dim3A_1 {strides = array<i32>} : memref<9216xf32, #tpu.memory_space<vmem>>, vector<16xf32>,
          %swap3A_601 = arith.constant 1392 : index
          %swap3A_602 = tpu.vector_load %arg8[%swap3A_601] {strides = array<i32>} : memref<9216xf32, #tpu.memory_space<vmem>>, vector<16xf32>,
          tpu.vector_store %arg8[%swap3A_601], %broadcast_in_dim3A_1 {strides = array<i32>} : memref<9216xf32, #tpu.memory_space<vmem>>, vector<16xf32>,
          %swap3A_603 = arith.constant 1408 : index
          %swap3A_604 = tpu.vector_load %arg8[%swap3A_603] {strides = array<i32>} : memref<9216xf32, #tpu.memory_space<vmem>>, vector<16xf32>,
          tpu.vector_store %arg8[%swap3A_603], %broadcast_in_dim3A_1 {strides = array<i32>} : memref<9216xf32, #tpu.memory_space<vmem>>, vector<16xf32>,
          %swap3A_605 = arith.constant 1424 : index
          %swap3A_606 = tpu.vector_load %arg8[%swap3A_605] {strides = array<i32>} : memref<9216xf32, #tpu.memory_space<vmem>>, vector<16xf32>,
          tpu.vector_store %arg8[%swap3A_605], %broadcast_in_dim3A_1 {strides = array<i32>} : memref<9216xf32, #tpu.memory_space<vmem>>, vector<16xf32>,
          %swap3A_607 = arith.constant 1440 : index
          %swap3A_608 = tpu.vector_load %arg8[%swap3A_607] {strides = array<i32>} : memref<9216xf32, #tpu.memory_space<vmem>>, vector<16xf32>,
          tpu.vector_store %arg8[%swap3A_607], %broadcast_in_dim3A_1 {strides = array<i32>} : memref<9216xf32, #tpu.memory_space<vmem>>, vector<16xf32>,
          %swap3A_609 = arith.constant 1456 : index
          %swap3A_610 = tpu.vector_load %arg8[%swap3A_609] {strides = array<i32>} : memref<9216xf32, #tpu.memory_space<vmem>>, vector<16xf32>,
          tpu.vector_store %arg8[%swap3A_609], %broadcast_in_dim3A_1 {strides = array<i32>} : memref<9216xf32, #tpu.memory_space<vmem>>, vector<16xf32>,
          %swap3A_611 = arith.constant 1472 : index
          %swap3A_612 = tpu.vector_load %arg8[%swap3A_611] {strides = array<i32>} : memref<9216xf32, #tpu.memory_space<vmem>>, vector<16xf32>,
          tpu.vector_store %arg8[%swap3A_611], %broadcast_in_dim3A_1 {strides = array<i32>} : memref<9216xf32, #tpu.memory_space<vmem>>, vector<16xf32>,
          %swap3A_613 = arith.constant 1488 : index
          %swap3A_614 = tpu.vector_load %arg8[%swap3A_613] {strides = array<i32>} : memref<9216xf32, #tpu.memory_space<vmem>>, vector<16xf32>,
          tpu.vector_store %arg8[%swap3A_613], %broadcast_in_dim3A_1 {strides = array<i32>} : memref<9216xf32, #tpu.memory_space<vmem>>, vector<16xf32>,
          %swap3A_615 = arith.constant 1504 : index
          %swap3A_616 = tpu.vector_load %arg8[%swap3A_615] {strides = array<i32>} : memref<9216xf32, #tpu.memory_space<vmem>>, vector<16xf32>,
          tpu.vector_store %arg8[%swap3A_615], %broadcast_in_dim3A_1 {strides = array<i32>} : memref<9216xf32, #tpu.memory_space<vmem>>, vector<16xf32>,
          %swap3A_617 = arith.constant 1520 : index
          %swap3A_618 = tpu.vector_load %arg8[%swap3A_617] {strides = array<i32>} : memref<9216xf32, #tpu.memory_space<vmem>>, vector<16xf32>,
          tpu.vector_store %arg8[%swap3A_617], %broadcast_in_dim3A_1 {strides = array<i32>} : memref<9216xf32, #tpu.memory_space<vmem>>, vector<16xf32>,
          %swap3A_619 = arith.constant 480 : index
          %swap3A_620 = tpu.vector_load %arg9[%swap3A_619] {strides = array<i32>} : memref<4608xf32, #tpu.memory_space<vmem>>, vector<16xf32>,
          tpu.vector_store %arg9[%swap3A_619], %broadcast_in_dim3A_1 {strides = array<i32>} : memref<4608xf32, #tpu.memory_space<vmem>>, vector<16xf32>,
          %swap3A_621 = arith.constant 480 : index
          %swap3A_622 = tpu.vector_load %arg10[%swap3A_621] {strides = array<i32>} : memref<4608xf32, #tpu.memory_space<vmem>>, vector<16xf32>,
          tpu.vector_store %arg10[%swap3A_621], %broadcast_in_dim3A_1 {strides = array<i32>} : memref<4608xf32, #tpu.memory_space<vmem>>, vector<16xf32>,
          %swap3A_623 = arith.constant 496 : index
          %swap3A_624 = tpu.vector_load %arg9[%swap3A_623] {strides = array<i32>} : memref<4608xf32, #tpu.memory_space<vmem>>, vector<16xf32>,
          tpu.vector_store %arg9[%swap3A_623], %broadcast_in_dim3A_1 {strides = array<i32>} : memref<4608xf32, #tpu.memory_space<vmem>>, vector<16xf32>,
          %swap3A_625 = arith.constant 496 : index
          %swap3A_626 = tpu.vector_load %arg10[%swap3A_625] {strides = array<i32>} : memref<4608xf32, #tpu.memory_space<vmem>>, vector<16xf32>,
          tpu.vector_store %arg10[%swap3A_625], %broadcast_in_dim3A_1 {strides = array<i32>} : memref<4608xf32, #tpu.memory_space<vmem>>, vector<16xf32>,
          %swap3A_627 = arith.constant 512 : index
          %swap3A_628 = tpu.vector_load %arg9[%swap3A_627] {strides = array<i32>} : memref<4608xf32, #tpu.memory_space<vmem>>, vector<16xf32>,
          tpu.vector_store %arg9[%swap3A_627], %broadcast_in_dim3A_1 {strides = array<i32>} : memref<4608xf32, #tpu.memory_space<vmem>>, vector<16xf32>,
          %swap3A_629 = arith.constant 512 : index
          %swap3A_630 = tpu.vector_load %arg10[%swap3A_629] {strides = array<i32>} : memref<4608xf32, #tpu.memory_space<vmem>>, vector<16xf32>,
          tpu.vector_store %arg10[%swap3A_629], %broadcast_in_dim3A_1 {strides = array<i32>} : memref<4608xf32, #tpu.memory_space<vmem>>, vector<16xf32>,
          %swap3A_631 = arith.constant 528 : index
          %swap3A_632 = tpu.vector_load %arg9[%swap3A_631] {strides = array<i32>} : memref<4608xf32, #tpu.memory_space<vmem>>, vector<16xf32>,
          tpu.vector_store %arg9[%swap3A_631], %broadcast_in_dim3A_1 {strides = array<i32>} : memref<4608xf32, #tpu.memory_space<vmem>>, vector<16xf32>,
          %swap3A_633 = arith.constant 528 : index
          %swap3A_634 = tpu.vector_load %arg10[%swap3A_633] {strides = array<i32>} : memref<4608xf32, #tpu.memory_space<vmem>>, vector<16xf32>,
          tpu.vector_store %arg10[%swap3A_633], %broadcast_in_dim3A_1 {strides = array<i32>} : memref<4608xf32, #tpu.memory_space<vmem>>, vector<16xf32>,
          %swap3A_635 = arith.constant 544 : index
          %swap3A_636 = tpu.vector_load %arg9[%swap3A_635] {strides = array<i32>} : memref<4608xf32, #tpu.memory_space<vmem>>, vector<16xf32>,
          tpu.vector_store %arg9[%swap3A_635], %broadcast_in_dim3A_1 {strides = array<i32>} : memref<4608xf32, #tpu.memory_space<vmem>>, vector<16xf32>,
          %swap3A_637 = arith.constant 544 : index
          %swap3A_638 = tpu.vector_load %arg10[%swap3A_637] {strides = array<i32>} : memref<4608xf32, #tpu.memory_space<vmem>>, vector<16xf32>,
          tpu.vector_store %arg10[%swap3A_637], %broadcast_in_dim3A_1 {strides = array<i32>} : memref<4608xf32, #tpu.memory_space<vmem>>, vector<16xf32>,
          %swap3A_639 = arith.constant 560 : index
          %swap3A_640 = tpu.vector_load %arg9[%swap3A_639] {strides = array<i32>} : memref<4608xf32, #tpu.memory_space<vmem>>, vector<16xf32>,
          tpu.vector_store %arg9[%swap3A_639], %broadcast_in_dim3A_1 {strides = array<i32>} : memref<4608xf32, #tpu.memory_space<vmem>>, vector<16xf32>,
          %swap3A_641 = arith.constant 560 : index
          %swap3A_642 = tpu.vector_load %arg10[%swap3A_641] {strides = array<i32>} : memref<4608xf32, #tpu.memory_space<vmem>>, vector<16xf32>,
          tpu.vector_store %arg10[%swap3A_641], %broadcast_in_dim3A_1 {strides = array<i32>} : memref<4608xf32, #tpu.memory_space<vmem>>, vector<16xf32>,
          %swap3A_643 = arith.constant 576 : index
          %swap3A_644 = tpu.vector_load %arg9[%swap3A_643] {strides = array<i32>} : memref<4608xf32, #tpu.memory_space<vmem>>, vector<16xf32>,
          tpu.vector_store %arg9[%swap3A_643], %broadcast_in_dim3A_1 {strides = array<i32>} : memref<4608xf32, #tpu.memory_space<vmem>>, vector<16xf32>,
          %swap3A_645 = arith.constant 576 : index
          %swap3A_646 = tpu.vector_load %arg10[%swap3A_645] {strides = array<i32>} : memref<4608xf32, #tpu.memory_space<vmem>>, vector<16xf32>,
          tpu.vector_store %arg10[%swap3A_645], %broadcast_in_dim3A_1 {strides = array<i32>} : memref<4608xf32, #tpu.memory_space<vmem>>, vector<16xf32>,
          %swap3A_647 = arith.constant 592 : index
          %swap3A_648 = tpu.vector_load %arg9[%swap3A_647] {strides = array<i32>} : memref<4608xf32, #tpu.memory_space<vmem>>, vector<16xf32>,
          tpu.vector_store %arg9[%swap3A_647], %broadcast_in_dim3A_1 {strides = array<i32>} : memref<4608xf32, #tpu.memory_space<vmem>>, vector<16xf32>,
          %swap3A_649 = arith.constant 592 : index
          %swap3A_650 = tpu.vector_load %arg10[%swap3A_649] {strides = array<i32>} : memref<4608xf32, #tpu.memory_space<vmem>>, vector<16xf32>,
          tpu.vector_store %arg10[%swap3A_649], %broadcast_in_dim3A_1 {strides = array<i32>} : memref<4608xf32, #tpu.memory_space<vmem>>, vector<16xf32>,
          %swap3A_651 = arith.constant 608 : index
          %swap3A_652 = tpu.vector_load %arg9[%swap3A_651] {strides = array<i32>} : memref<4608xf32, #tpu.memory_space<vmem>>, vector<16xf32>,
          tpu.vector_store %arg9[%swap3A_651], %broadcast_in_dim3A_1 {strides = array<i32>} : memref<4608xf32, #tpu.memory_space<vmem>>, vector<16xf32>,
          %swap3A_653 = arith.constant 608 : index
          %swap3A_654 = tpu.vector_load %arg10[%swap3A_653] {strides = array<i32>} : memref<4608xf32, #tpu.memory_space<vmem>>, vector<16xf32>,
          tpu.vector_store %arg10[%swap3A_653], %broadcast_in_dim3A_1 {strides = array<i32>} : memref<4608xf32, #tpu.memory_space<vmem>>, vector<16xf32>,
          %swap3A_655 = arith.constant 624 : index
          %swap3A_656 = tpu.vector_load %arg9[%swap3A_655] {strides = array<i32>} : memref<4608xf32, #tpu.memory_space<vmem>>, vector<16xf32>,
          tpu.vector_store %arg9[%swap3A_655], %broadcast_in_dim3A_1 {strides = array<i32>} : memref<4608xf32, #tpu.memory_space<vmem>>, vector<16xf32>,
          %swap3A_657 = arith.constant 624 : index
          %swap3A_658 = tpu.vector_load %arg10[%swap3A_657] {strides = array<i32>} : memref<4608xf32, #tpu.memory_space<vmem>>, vector<16xf32>,
          tpu.vector_store %arg10[%swap3A_657], %broadcast_in_dim3A_1 {strides = array<i32>} : memref<4608xf32, #tpu.memory_space<vmem>>, vector<16xf32>,
          %swap3A_659 = arith.constant 640 : index
          %swap3A_660 = tpu.vector_load %arg9[%swap3A_659] {strides = array<i32>} : memref<4608xf32, #tpu.memory_space<vmem>>, vector<16xf32>,
          tpu.vector_store %arg9[%swap3A_659], %broadcast_in_dim3A_1 {strides = array<i32>} : memref<4608xf32, #tpu.memory_space<vmem>>, vector<16xf32>,
          %swap3A_661 = arith.constant 640 : index
          %swap3A_662 = tpu.vector_load %arg10[%swap3A_661] {strides = array<i32>} : memref<4608xf32, #tpu.memory_space<vmem>>, vector<16xf32>,
          tpu.vector_store %arg10[%swap3A_661], %broadcast_in_dim3A_1 {strides = array<i32>} : memref<4608xf32, #tpu.memory_space<vmem>>, vector<16xf32>,
          %swap3A_663 = arith.constant 656 : index
          %swap3A_664 = tpu.vector_load %arg9[%swap3A_663] {strides = array<i32>} : memref<4608xf32, #tpu.memory_space<vmem>>, vector<16xf32>,
          tpu.vector_store %arg9[%swap3A_663], %broadcast_in_dim3A_1 {strides = array<i32>} : memref<4608xf32, #tpu.memory_space<vmem>>, vector<16xf32>,
          %swap3A_665 = arith.constant 656 : index
          %swap3A_666 = tpu.vector_load %arg10[%swap3A_665] {strides = array<i32>} : memref<4608xf32, #tpu.memory_space<vmem>>, vector<16xf32>,
          tpu.vector_store %arg10[%swap3A_665], %broadcast_in_dim3A_1 {strides = array<i32>} : memref<4608xf32, #tpu.memory_space<vmem>>, vector<16xf32>,
          %swap3A_667 = arith.constant 672 : index
          %swap3A_668 = tpu.vector_load %arg9[%swap3A_667] {strides = array<i32>} : memref<4608xf32, #tpu.memory_space<vmem>>, vector<16xf32>,
          tpu.vector_store %arg9[%swap3A_667], %broadcast_in_dim3A_1 {strides = array<i32>} : memref<4608xf32, #tpu.memory_space<vmem>>, vector<16xf32>,
          %swap3A_669 = arith.constant 672 : index
          %swap3A_670 = tpu.vector_load %arg10[%swap3A_669] {strides = array<i32>} : memref<4608xf32, #tpu.memory_space<vmem>>, vector<16xf32>,
          tpu.vector_store %arg10[%swap3A_669], %broadcast_in_dim3A_1 {strides = array<i32>} : memref<4608xf32, #tpu.memory_space<vmem>>, vector<16xf32>,
          %swap3A_671 = arith.constant 688 : index
          %swap3A_672 = tpu.vector_load %arg9[%swap3A_671] {strides = array<i32>} : memref<4608xf32, #tpu.memory_space<vmem>>, vector<16xf32>,
          tpu.vector_store %arg9[%swap3A_671], %broadcast_in_dim3A_1 {strides = array<i32>} : memref<4608xf32, #tpu.memory_space<vmem>>, vector<16xf32>,
          %swap3A_673 = arith.constant 688 : index
          %swap3A_674 = tpu.vector_load %arg10[%swap3A_673] {strides = array<i32>} : memref<4608xf32, #tpu.memory_space<vmem>>, vector<16xf32>,
          tpu.vector_store %arg10[%swap3A_673], %broadcast_in_dim3A_1 {strides = array<i32>} : memref<4608xf32, #tpu.memory_space<vmem>>, vector<16xf32>,
          %swap3A_675 = arith.constant 704 : index
          %swap3A_676 = tpu.vector_load %arg9[%swap3A_675] {strides = array<i32>} : memref<4608xf32, #tpu.memory_space<vmem>>, vector<16xf32>,
          tpu.vector_store %arg9[%swap3A_675], %broadcast_in_dim3A_1 {strides = array<i32>} : memref<4608xf32, #tpu.memory_space<vmem>>, vector<16xf32>,
          %swap3A_677 = arith.constant 704 : index
          %swap3A_678 = tpu.vector_load %arg10[%swap3A_677] {strides = array<i32>} : memref<4608xf32, #tpu.memory_space<vmem>>, vector<16xf32>,
          tpu.vector_store %arg10[%swap3A_677], %broadcast_in_dim3A_1 {strides = array<i32>} : memref<4608xf32, #tpu.memory_space<vmem>>, vector<16xf32>,
          %swap3A_679 = arith.constant 720 : index
          %swap3A_680 = tpu.vector_load %arg9[%swap3A_679] {strides = array<i32>} : memref<4608xf32, #tpu.memory_space<vmem>>, vector<16xf32>,
          tpu.vector_store %arg9[%swap3A_679], %broadcast_in_dim3A_1 {strides = array<i32>} : memref<4608xf32, #tpu.memory_space<vmem>>, vector<16xf32>,
          %swap3A_681 = arith.constant 720 : index
          %swap3A_682 = tpu.vector_load %arg10[%swap3A_681] {strides = array<i32>} : memref<4608xf32, #tpu.memory_space<vmem>>, vector<16xf32>,
          tpu.vector_store %arg10[%swap3A_681], %broadcast_in_dim3A_1 {strides = array<i32>} : memref<4608xf32, #tpu.memory_space<vmem>>, vector<16xf32>,
          %swap3A_683 = arith.constant 736 : index
          %swap3A_684 = tpu.vector_load %arg9[%swap3A_683] {strides = array<i32>} : memref<4608xf32, #tpu.memory_space<vmem>>, vector<16xf32>,
          tpu.vector_store %arg9[%swap3A_683], %broadcast_in_dim3A_1 {strides = array<i32>} : memref<4608xf32, #tpu.memory_space<vmem>>, vector<16xf32>,
          %swap3A_685 = arith.constant 736 : index
          %swap3A_686 = tpu.vector_load %arg10[%swap3A_685] {strides = array<i32>} : memref<4608xf32, #tpu.memory_space<vmem>>, vector<16xf32>,
          tpu.vector_store %arg10[%swap3A_685], %broadcast_in_dim3A_1 {strides = array<i32>} : memref<4608xf32, #tpu.memory_space<vmem>>, vector<16xf32>,
          %swap3A_687 = arith.constant 752 : index
          %swap3A_688 = tpu.vector_load %arg9[%swap3A_687] {strides = array<i32>} : memref<4608xf32, #tpu.memory_space<vmem>>, vector<16xf32>,
          tpu.vector_store %arg9[%swap3A_687], %broadcast_in_dim3A_1 {strides = array<i32>} : memref<4608xf32, #tpu.memory_space<vmem>>, vector<16xf32>,
          %swap3A_689 = arith.constant 752 : index
          %swap3A_690 = tpu.vector_load %arg10[%swap3A_689] {strides = array<i32>} : memref<4608xf32, #tpu.memory_space<vmem>>, vector<16xf32>,
          tpu.vector_store %arg10[%swap3A_689], %broadcast_in_dim3A_1 {strides = array<i32>} : memref<4608xf32, #tpu.memory_space<vmem>>, vector<16xf32>,
          %swap3A_691 = arith.constant 160 : index
          %swap3A_692 = tpu.vector_load %arg11[%swap3A_691] {strides = array<i32>} : memref<1536xf32, #tpu.memory_space<vmem>>, vector<16xf32>,
          tpu.vector_store %arg11[%swap3A_691], %broadcast_in_dim3A_1 {strides = array<i32>} : memref<1536xf32, #tpu.memory_space<vmem>>, vector<16xf32>,
          %swap3A_693 = arith.constant 176 : index
          %swap3A_694 = tpu.vector_load %arg11[%swap3A_693] {strides = array<i32>} : memref<1536xf32, #tpu.memory_space<vmem>>, vector<16xf32>,
          tpu.vector_store %arg11[%swap3A_693], %broadcast_in_dim3A_1 {strides = array<i32>} : memref<1536xf32, #tpu.memory_space<vmem>>, vector<16xf32>,
          %swap3A_695 = arith.constant 192 : index
          %swap3A_696 = tpu.vector_load %arg11[%swap3A_695] {strides = array<i32>} : memref<1536xf32, #tpu.memory_space<vmem>>, vector<16xf32>,
          tpu.vector_store %arg11[%swap3A_695], %broadcast_in_dim3A_1 {strides = array<i32>} : memref<1536xf32, #tpu.memory_space<vmem>>, vector<16xf32>,
          %swap3A_697 = arith.constant 208 : index
          %swap3A_698 = tpu.vector_load %arg11[%swap3A_697] {strides = array<i32>} : memref<1536xf32, #tpu.memory_space<vmem>>, vector<16xf32>,
          tpu.vector_store %arg11[%swap3A_697], %broadcast_in_dim3A_1 {strides = array<i32>} : memref<1536xf32, #tpu.memory_space<vmem>>, vector<16xf32>,
          %swap3A_699 = arith.constant 224 : index
          %swap3A_700 = tpu.vector_load %arg11[%swap3A_699] {strides = array<i32>} : memref<1536xf32, #tpu.memory_space<vmem>>, vector<16xf32>,
          tpu.vector_store %arg11[%swap3A_699], %broadcast_in_dim3A_1 {strides = array<i32>} : memref<1536xf32, #tpu.memory_space<vmem>>, vector<16xf32>,
          %swap3A_701 = arith.constant 240 : index
          %swap3A_702 = tpu.vector_load %arg11[%swap3A_701] {strides = array<i32>} : memref<1536xf32, #tpu.memory_space<vmem>>, vector<16xf32>,
          tpu.vector_store %arg11[%swap3A_701], %broadcast_in_dim3A_1 {strides = array<i32>} : memref<1536xf32, #tpu.memory_space<vmem>>, vector<16xf32>,
          %mul3A_703 = arith.constant 6 : i32
          %mul3A_704 = arith.muli %mul3A_535, %mul3A_703 : i32
          "tpu.region"() ({
            %run_scoped3A = tpu.sem_alloc : memref<!tpu.dma_semaphore, #tpu.memory_space<semaphore_mem>>
            %dma_start3A = arith.constant 0 : i32
            %dma_start3A_721 = tpu.memref_slice %arg8[%dma_start3A] : memref<9216xf32, #tpu.memory_space<vmem>> -> memref<960xf32, #tpu.memory_space<vmem>>
            %dma_start3A_722 = tpu.memref_slice %arg2[%mul3A_704] : memref<600000xf32, #tpu.memory_space<hbm>> -> memref<960xf32, #tpu.memory_space<hbm>>
            %dma_start3A_723 = arith.constant 0 : i32
            %dma_start3A_724 = tpu.memref_slice %arg8[%dma_start3A_723] : memref<9216xf32, #tpu.memory_space<vmem>> -> memref<960xf32, #tpu.memory_space<vmem>>
            %dma_start3A_725 = tpu.memref_slice %arg2[%mul3A_704] : memref<600000xf32, #tpu.memory_space<hbm>> -> memref<960xf32, #tpu.memory_space<hbm>>
            tpu.enqueue_dma source(%dma_start3A_725 : memref<960xf32, #tpu.memory_space<hbm>>) target(%dma_start3A_724 : memref<960xf32, #tpu.memory_space<vmem>>) target_semaphore(%run_scoped3A : memref<!tpu.dma_semaphore, #tpu.memory_space<semaphore_mem>>)
            %dma_wait3A = arith.constant 0 : i32
            %dma_wait3A_726 = tpu.memref_slice %arg8[%dma_wait3A] : memref<9216xf32, #tpu.memory_space<vmem>> -> memref<960xf32, #tpu.memory_space<vmem>>
            %dma_wait3A_727 = tpu.memref_slice %arg2[%mul3A_704] : memref<600000xf32, #tpu.memory_space<hbm>> -> memref<960xf32, #tpu.memory_space<hbm>>
            %dma_wait3A_728 = arith.constant 0 : i32
            %dma_wait3A_729 = tpu.memref_slice %arg8[%dma_wait3A_728] : memref<9216xf32, #tpu.memory_space<vmem>> -> memref<960xf32, #tpu.memory_space<vmem>>
            %dma_wait3A_730 = tpu.memref_slice %arg2[%mul3A_704] : memref<600000xf32, #tpu.memory_space<hbm>> -> memref<960xf32, #tpu.memory_space<hbm>>
            tpu.wait_dma2 semaphore(%run_scoped3A : memref<!tpu.dma_semaphore, #tpu.memory_space<semaphore_mem>>) src(%dma_wait3A_730 : memref<960xf32, #tpu.memory_space<hbm>>) dst(%dma_wait3A_729 : memref<960xf32, #tpu.memory_space<vmem>>)
            tpu.yield
          }) : () -> ()
          %mul3A_705 = arith.constant 3 : i32
          %mul3A_706 = arith.muli %mul3A_535, %mul3A_705 : i32
          "tpu.region"() ({
            %run_scoped3A = tpu.sem_alloc : memref<!tpu.dma_semaphore, #tpu.memory_space<semaphore_mem>>
            %dma_start3A = arith.constant 0 : i32
            %dma_start3A_721 = tpu.memref_slice %arg9[%dma_start3A] : memref<4608xf32, #tpu.memory_space<vmem>> -> memref<480xf32, #tpu.memory_space<vmem>>
            %dma_start3A_722 = tpu.memref_slice %arg3[%mul3A_706] : memref<300000xf32, #tpu.memory_space<hbm>> -> memref<480xf32, #tpu.memory_space<hbm>>
            %dma_start3A_723 = arith.constant 0 : i32
            %dma_start3A_724 = tpu.memref_slice %arg9[%dma_start3A_723] : memref<4608xf32, #tpu.memory_space<vmem>> -> memref<480xf32, #tpu.memory_space<vmem>>
            %dma_start3A_725 = tpu.memref_slice %arg3[%mul3A_706] : memref<300000xf32, #tpu.memory_space<hbm>> -> memref<480xf32, #tpu.memory_space<hbm>>
            tpu.enqueue_dma source(%dma_start3A_725 : memref<480xf32, #tpu.memory_space<hbm>>) target(%dma_start3A_724 : memref<480xf32, #tpu.memory_space<vmem>>) target_semaphore(%run_scoped3A : memref<!tpu.dma_semaphore, #tpu.memory_space<semaphore_mem>>)
            %dma_wait3A = arith.constant 0 : i32
            %dma_wait3A_726 = tpu.memref_slice %arg9[%dma_wait3A] : memref<4608xf32, #tpu.memory_space<vmem>> -> memref<480xf32, #tpu.memory_space<vmem>>
            %dma_wait3A_727 = tpu.memref_slice %arg3[%mul3A_706] : memref<300000xf32, #tpu.memory_space<hbm>> -> memref<480xf32, #tpu.memory_space<hbm>>
            %dma_wait3A_728 = arith.constant 0 : i32
            %dma_wait3A_729 = tpu.memref_slice %arg9[%dma_wait3A_728] : memref<4608xf32, #tpu.memory_space<vmem>> -> memref<480xf32, #tpu.memory_space<vmem>>
            %dma_wait3A_730 = tpu.memref_slice %arg3[%mul3A_706] : memref<300000xf32, #tpu.memory_space<hbm>> -> memref<480xf32, #tpu.memory_space<hbm>>
            tpu.wait_dma2 semaphore(%run_scoped3A : memref<!tpu.dma_semaphore, #tpu.memory_space<semaphore_mem>>) src(%dma_wait3A_730 : memref<480xf32, #tpu.memory_space<hbm>>) dst(%dma_wait3A_729 : memref<480xf32, #tpu.memory_space<vmem>>)
            tpu.yield
          }) : () -> ()
          %mul3A_707 = arith.constant 3 : i32
          %mul3A_708 = arith.muli %mul3A_535, %mul3A_707 : i32
          "tpu.region"() ({
            %run_scoped3A = tpu.sem_alloc : memref<!tpu.dma_semaphore, #tpu.memory_space<semaphore_mem>>
            %dma_start3A = arith.constant 0 : i32
            %dma_start3A_721 = tpu.memref_slice %arg10[%dma_start3A] : memref<4608xf32, #tpu.memory_space<vmem>> -> memref<480xf32, #tpu.memory_space<vmem>>
            %dma_start3A_722 = tpu.memref_slice %arg4[%mul3A_708] : memref<300000xf32, #tpu.memory_space<hbm>> -> memref<480xf32, #tpu.memory_space<hbm>>
            %dma_start3A_723 = arith.constant 0 : i32
            %dma_start3A_724 = tpu.memref_slice %arg10[%dma_start3A_723] : memref<4608xf32, #tpu.memory_space<vmem>> -> memref<480xf32, #tpu.memory_space<vmem>>
            %dma_start3A_725 = tpu.memref_slice %arg4[%mul3A_708] : memref<300000xf32, #tpu.memory_space<hbm>> -> memref<480xf32, #tpu.memory_space<hbm>>
            tpu.enqueue_dma source(%dma_start3A_725 : memref<480xf32, #tpu.memory_space<hbm>>) target(%dma_start3A_724 : memref<480xf32, #tpu.memory_space<vmem>>) target_semaphore(%run_scoped3A : memref<!tpu.dma_semaphore, #tpu.memory_space<semaphore_mem>>)
            %dma_wait3A = arith.constant 0 : i32
            %dma_wait3A_726 = tpu.memref_slice %arg10[%dma_wait3A] : memref<4608xf32, #tpu.memory_space<vmem>> -> memref<480xf32, #tpu.memory_space<vmem>>
            %dma_wait3A_727 = tpu.memref_slice %arg4[%mul3A_708] : memref<300000xf32, #tpu.memory_space<hbm>> -> memref<480xf32, #tpu.memory_space<hbm>>
            %dma_wait3A_728 = arith.constant 0 : i32
            %dma_wait3A_729 = tpu.memref_slice %arg10[%dma_wait3A_728] : memref<4608xf32, #tpu.memory_space<vmem>> -> memref<480xf32, #tpu.memory_space<vmem>>
            %dma_wait3A_730 = tpu.memref_slice %arg4[%mul3A_708] : memref<300000xf32, #tpu.memory_space<hbm>> -> memref<480xf32, #tpu.memory_space<hbm>>
            tpu.wait_dma2 semaphore(%run_scoped3A : memref<!tpu.dma_semaphore, #tpu.memory_space<semaphore_mem>>) src(%dma_wait3A_730 : memref<480xf32, #tpu.memory_space<hbm>>) dst(%dma_wait3A_729 : memref<480xf32, #tpu.memory_space<vmem>>)
            tpu.yield
          }) : () -> ()
          "tpu.region"() ({
            %run_scoped3A = tpu.sem_alloc : memref<!tpu.dma_semaphore, #tpu.memory_space<semaphore_mem>>
            %dma_start3A = arith.constant 0 : i32
            %dma_start3A_721 = tpu.memref_slice %arg11[%dma_start3A] : memref<1536xf32, #tpu.memory_space<vmem>> -> memref<160xf32, #tpu.memory_space<vmem>>
            %dma_start3A_722 = tpu.memref_slice %arg5[%mul3A_535] : memref<100000xf32, #tpu.memory_space<hbm>> -> memref<160xf32, #tpu.memory_space<hbm>>
            %dma_start3A_723 = arith.constant 0 : i32
            %dma_start3A_724 = tpu.memref_slice %arg11[%dma_start3A_723] : memref<1536xf32, #tpu.memory_space<vmem>> -> memref<160xf32, #tpu.memory_space<vmem>>
            %dma_start3A_725 = tpu.memref_slice %arg5[%mul3A_535] : memref<100000xf32, #tpu.memory_space<hbm>> -> memref<160xf32, #tpu.memory_space<hbm>>
            tpu.enqueue_dma source(%dma_start3A_725 : memref<160xf32, #tpu.memory_space<hbm>>) target(%dma_start3A_724 : memref<160xf32, #tpu.memory_space<vmem>>) target_semaphore(%run_scoped3A : memref<!tpu.dma_semaphore, #tpu.memory_space<semaphore_mem>>)
            %dma_wait3A = arith.constant 0 : i32
            %dma_wait3A_726 = tpu.memref_slice %arg11[%dma_wait3A] : memref<1536xf32, #tpu.memory_space<vmem>> -> memref<160xf32, #tpu.memory_space<vmem>>
            %dma_wait3A_727 = tpu.memref_slice %arg5[%mul3A_535] : memref<100000xf32, #tpu.memory_space<hbm>> -> memref<160xf32, #tpu.memory_space<hbm>>
            %dma_wait3A_728 = arith.constant 0 : i32
            %dma_wait3A_729 = tpu.memref_slice %arg11[%dma_wait3A_728] : memref<1536xf32, #tpu.memory_space<vmem>> -> memref<160xf32, #tpu.memory_space<vmem>>
            %dma_wait3A_730 = tpu.memref_slice %arg5[%mul3A_535] : memref<100000xf32, #tpu.memory_space<hbm>> -> memref<160xf32, #tpu.memory_space<hbm>>
            tpu.wait_dma2 semaphore(%run_scoped3A : memref<!tpu.dma_semaphore, #tpu.memory_space<semaphore_mem>>) src(%dma_wait3A_730 : memref<160xf32, #tpu.memory_space<hbm>>) dst(%dma_wait3A_729 : memref<160xf32, #tpu.memory_space<vmem>>)
            tpu.yield
          }) : () -> ()
          %scan3A_709 = arith.constant 0 : i32
          %scan3A_710 = arith.constant 0 : i32
          %scan3A_711 = arith.constant 16 : i32
          %scan3A_712 = arith.addi %scan3A_710, %scan3A_711 : i32
          %scan3A_713 = arith.constant 1 : i32
          scf.for %scan3A_721 = %scan3A_710 to %scan3A_712 step %scan3A_713  : i32 {
            %mul3A_722 = arith.constant 16 : i32
            %mul3A_723 = arith.muli %scan3A_721, %mul3A_722 : i32
            %add3A_724 = vector.broadcast %mul3A_723 : i32 to vector<16xi32>
            %add3A_725 = arith.addi %add3A_724, %iota3A : vector<16xi32>
            %mul3A_726 = arith.constant 6 : i32
            %mul3A_727 = vector.broadcast %mul3A_726 : i32 to vector<16xi32>
            %mul3A_728 = arith.muli %add3A_725, %mul3A_727 : vector<16xi32>
            %mul3A_729 = arith.constant 3 : i32
            %mul3A_730 = vector.broadcast %mul3A_729 : i32 to vector<16xi32>
            %mul3A_731 = arith.muli %add3A_725, %mul3A_730 : vector<16xi32>
            %gather3A = tpu.vector_load_idx %arg8[%mul3A_728] : memref<9216xf32, #tpu.memory_space<vmem>>[vector<16xi32>], vector<16xf32>,
            %add3A_732 = arith.constant 1 : i32
            %add3A_733 = vector.broadcast %add3A_732 : i32 to vector<16xi32>
            %add3A_734 = arith.addi %mul3A_728, %add3A_733 : vector<16xi32>
            %gather3A_735 = tpu.vector_load_idx %arg8[%add3A_734] : memref<9216xf32, #tpu.memory_space<vmem>>[vector<16xi32>], vector<16xf32>,
            %add3A_736 = arith.constant 2 : i32
            %add3A_737 = vector.broadcast %add3A_736 : i32 to vector<16xi32>
            %add3A_738 = arith.addi %mul3A_728, %add3A_737 : vector<16xi32>
            %gather3A_739 = tpu.vector_load_idx %arg8[%add3A_738] : memref<9216xf32, #tpu.memory_space<vmem>>[vector<16xi32>], vector<16xf32>,
            %add3A_740 = arith.constant 3 : i32
            %add3A_741 = vector.broadcast %add3A_740 : i32 to vector<16xi32>
            %add3A_742 = arith.addi %mul3A_728, %add3A_741 : vector<16xi32>
            %gather3A_743 = tpu.vector_load_idx %arg8[%add3A_742] : memref<9216xf32, #tpu.memory_space<vmem>>[vector<16xi32>], vector<16xf32>,
            %add3A_744 = arith.constant 4 : i32
            %add3A_745 = vector.broadcast %add3A_744 : i32 to vector<16xi32>
            %add3A_746 = arith.addi %mul3A_728, %add3A_745 : vector<16xi32>
            %gather3A_747 = tpu.vector_load_idx %arg8[%add3A_746] : memref<9216xf32, #tpu.memory_space<vmem>>[vector<16xi32>], vector<16xf32>,
            %add3A_748 = arith.constant 5 : i32
            %add3A_749 = vector.broadcast %add3A_748 : i32 to vector<16xi32>
            %add3A_750 = arith.addi %mul3A_728, %add3A_749 : vector<16xi32>
            %gather3A_751 = tpu.vector_load_idx %arg8[%add3A_750] : memref<9216xf32, #tpu.memory_space<vmem>>[vector<16xi32>], vector<16xf32>,
            %gather3A_752 = tpu.vector_load_idx %arg9[%mul3A_731] : memref<4608xf32, #tpu.memory_space<vmem>>[vector<16xi32>], vector<16xf32>,
            %add3A_753 = arith.constant 1 : i32
            %add3A_754 = vector.broadcast %add3A_753 : i32 to vector<16xi32>
            %add3A_755 = arith.addi %mul3A_731, %add3A_754 : vector<16xi32>
            %gather3A_756 = tpu.vector_load_idx %arg9[%add3A_755] : memref<4608xf32, #tpu.memory_space<vmem>>[vector<16xi32>], vector<16xf32>,
            %add3A_757 = arith.constant 2 : i32
            %add3A_758 = vector.broadcast %add3A_757 : i32 to vector<16xi32>
            %add3A_759 = arith.addi %mul3A_731, %add3A_758 : vector<16xi32>
            %gather3A_760 = tpu.vector_load_idx %arg9[%add3A_759] : memref<4608xf32, #tpu.memory_space<vmem>>[vector<16xi32>], vector<16xf32>,
            %gather3A_761 = tpu.vector_load_idx %arg10[%mul3A_731] : memref<4608xf32, #tpu.memory_space<vmem>>[vector<16xi32>], vector<16xf32>,
            %add3A_762 = arith.constant 1 : i32
            %add3A_763 = vector.broadcast %add3A_762 : i32 to vector<16xi32>
            %add3A_764 = arith.addi %mul3A_731, %add3A_763 : vector<16xi32>
            %gather3A_765 = tpu.vector_load_idx %arg10[%add3A_764] : memref<4608xf32, #tpu.memory_space<vmem>>[vector<16xi32>], vector<16xf32>,
            %add3A_766 = arith.constant 2 : i32
            %add3A_767 = vector.broadcast %add3A_766 : i32 to vector<16xi32>
            %add3A_768 = arith.addi %mul3A_731, %add3A_767 : vector<16xi32>
            %gather3A_769 = tpu.vector_load_idx %arg10[%add3A_768] : memref<4608xf32, #tpu.memory_space<vmem>>[vector<16xi32>], vector<16xf32>,
            %gather3A_770 = tpu.vector_load_idx %arg11[%add3A_725] : memref<1536xf32, #tpu.memory_space<vmem>>[vector<16xi32>], vector<16xf32>,
            %add3A_771 = arith.addf %gather3A_761, %gather3A : vector<16xf32>
            %add3A_772 = arith.addf %gather3A_765, %gather3A_735 : vector<16xf32>
            %add3A_773 = arith.addf %gather3A_769, %gather3A_739 : vector<16xf32>
            %mul3A_774 = arith.mulf %gather3A_770, %gather3A_752 : vector<16xf32>
            %mul3A_775 = arith.mulf %gather3A_770, %gather3A_756 : vector<16xf32>
            %mul3A_776 = arith.mulf %gather3A_770, %gather3A_760 : vector<16xf32>
            %mul3A_777 = arith.mulf %gather3A_770, %gather3A_743 : vector<16xf32>
            %mul3A_778 = arith.mulf %gather3A_770, %gather3A_747 : vector<16xf32>
            %mul3A_779 = arith.mulf %gather3A_770, %gather3A_751 : vector<16xf32>
            %mul3A_780 = arith.mulf %gather3A_770, %gather3A_761 : vector<16xf32>
            %mul3A_781 = arith.mulf %gather3A_770, %gather3A_765 : vector<16xf32>
            %mul3A_782 = arith.mulf %gather3A_770, %gather3A_769 : vector<16xf32>
            %mul3A_783 = arith.mulf %gather3A_765, %mul3A_776 : vector<16xf32>
            %mul3A_784 = arith.mulf %gather3A_769, %mul3A_775 : vector<16xf32>
            %sub3A = arith.subf %mul3A_783, %mul3A_784 : vector<16xf32>
            %mul3A_785 = arith.mulf %gather3A_769, %mul3A_774 : vector<16xf32>
            %mul3A_786 = arith.mulf %gather3A_761, %mul3A_776 : vector<16xf32>
            %sub3A_787 = arith.subf %mul3A_785, %mul3A_786 : vector<16xf32>
            %mul3A_788 = arith.mulf %gather3A_761, %mul3A_775 : vector<16xf32>
            %mul3A_789 = arith.mulf %gather3A_765, %mul3A_774 : vector<16xf32>
            %sub3A_790 = arith.subf %mul3A_788, %mul3A_789 : vector<16xf32>
            %mul3A_791 = arith.mulf %gather3A_770, %add3A_771 : vector<16xf32>
            %mul3A_792 = arith.mulf %gather3A_770, %add3A_772 : vector<16xf32>
            %mul3A_793 = arith.mulf %gather3A_770, %add3A_773 : vector<16xf32>
            %mul3A_794 = arith.mulf %add3A_772, %mul3A_779 : vector<16xf32>
            %mul3A_795 = arith.mulf %add3A_773, %mul3A_778 : vector<16xf32>
            %sub3A_796 = arith.subf %mul3A_794, %mul3A_795 : vector<16xf32>
            %mul3A_797 = arith.mulf %add3A_773, %mul3A_777 : vector<16xf32>
            %mul3A_798 = arith.mulf %add3A_771, %mul3A_779 : vector<16xf32>
            %sub3A_799 = arith.subf %mul3A_797, %mul3A_798 : vector<16xf32>
            %mul3A_800 = arith.mulf %add3A_771, %mul3A_778 : vector<16xf32>
            %mul3A_801 = arith.mulf %add3A_772, %mul3A_777 : vector<16xf32>
            %sub3A_802 = arith.subf %mul3A_800, %mul3A_801 : vector<16xf32>
            %mul3A_803 = arith.mulf %gather3A_770, %add3A_771 : vector<16xf32>
            %mul3A_804 = arith.mulf %mul3A_803, %add3A_771 : vector<16xf32>
            %mul3A_805 = arith.mulf %gather3A_770, %add3A_772 : vector<16xf32>
            %mul3A_806 = arith.mulf %mul3A_805, %add3A_772 : vector<16xf32>
            %mul3A_807 = arith.mulf %gather3A_770, %add3A_773 : vector<16xf32>
            %mul3A_808 = arith.mulf %mul3A_807, %add3A_773 : vector<16xf32>
            %mul3A_809 = arith.mulf %gather3A_770, %add3A_771 : vector<16xf32>
            %mul3A_810 = arith.mulf %mul3A_809, %add3A_772 : vector<16xf32>
            %mul3A_811 = arith.mulf %gather3A_770, %add3A_771 : vector<16xf32>
            %mul3A_812 = arith.mulf %mul3A_811, %add3A_773 : vector<16xf32>
            %mul3A_813 = arith.mulf %gather3A_770, %add3A_772 : vector<16xf32>
            %mul3A_814 = arith.mulf %mul3A_813, %add3A_773 : vector<16xf32>
            %broadcast_in_dim3A_815 = arith.constant 0 : i32
            %broadcast_in_dim3A_816 = vector.broadcast %broadcast_in_dim3A_815 : i32 to vector<16xi32>
            tpu.vector_store_idx %arg13[%add3A_725, %broadcast_in_dim3A_816], %mul3A_774 : memref<1536x32xf32, #tpu.memory_space<vmem>>[vector<16xi32>, vector<16xi32>], vector<16xf32>,
            %broadcast_in_dim3A_817 = arith.constant 1 : i32
            %broadcast_in_dim3A_818 = vector.broadcast %broadcast_in_dim3A_817 : i32 to vector<16xi32>
            tpu.vector_store_idx %arg13[%add3A_725, %broadcast_in_dim3A_818], %mul3A_775 : memref<1536x32xf32, #tpu.memory_space<vmem>>[vector<16xi32>, vector<16xi32>], vector<16xf32>,
            %broadcast_in_dim3A_819 = arith.constant 2 : i32
            %broadcast_in_dim3A_820 = vector.broadcast %broadcast_in_dim3A_819 : i32 to vector<16xi32>
            tpu.vector_store_idx %arg13[%add3A_725, %broadcast_in_dim3A_820], %mul3A_776 : memref<1536x32xf32, #tpu.memory_space<vmem>>[vector<16xi32>, vector<16xi32>], vector<16xf32>,
            %broadcast_in_dim3A_821 = arith.constant 3 : i32
            %broadcast_in_dim3A_822 = vector.broadcast %broadcast_in_dim3A_821 : i32 to vector<16xi32>
            tpu.vector_store_idx %arg13[%add3A_725, %broadcast_in_dim3A_822], %mul3A_777 : memref<1536x32xf32, #tpu.memory_space<vmem>>[vector<16xi32>, vector<16xi32>], vector<16xf32>,
            %broadcast_in_dim3A_823 = arith.constant 4 : i32
            %broadcast_in_dim3A_824 = vector.broadcast %broadcast_in_dim3A_823 : i32 to vector<16xi32>
            tpu.vector_store_idx %arg13[%add3A_725, %broadcast_in_dim3A_824], %mul3A_778 : memref<1536x32xf32, #tpu.memory_space<vmem>>[vector<16xi32>, vector<16xi32>], vector<16xf32>,
            %broadcast_in_dim3A_825 = arith.constant 5 : i32
            %broadcast_in_dim3A_826 = vector.broadcast %broadcast_in_dim3A_825 : i32 to vector<16xi32>
            tpu.vector_store_idx %arg13[%add3A_725, %broadcast_in_dim3A_826], %mul3A_779 : memref<1536x32xf32, #tpu.memory_space<vmem>>[vector<16xi32>, vector<16xi32>], vector<16xf32>,
            %broadcast_in_dim3A_827 = arith.constant 6 : i32
            %broadcast_in_dim3A_828 = vector.broadcast %broadcast_in_dim3A_827 : i32 to vector<16xi32>
            tpu.vector_store_idx %arg13[%add3A_725, %broadcast_in_dim3A_828], %mul3A_780 : memref<1536x32xf32, #tpu.memory_space<vmem>>[vector<16xi32>, vector<16xi32>], vector<16xf32>,
            %broadcast_in_dim3A_829 = arith.constant 7 : i32
            %broadcast_in_dim3A_830 = vector.broadcast %broadcast_in_dim3A_829 : i32 to vector<16xi32>
            tpu.vector_store_idx %arg13[%add3A_725, %broadcast_in_dim3A_830], %mul3A_781 : memref<1536x32xf32, #tpu.memory_space<vmem>>[vector<16xi32>, vector<16xi32>], vector<16xf32>,
            %broadcast_in_dim3A_831 = arith.constant 8 : i32
            %broadcast_in_dim3A_832 = vector.broadcast %broadcast_in_dim3A_831 : i32 to vector<16xi32>
            tpu.vector_store_idx %arg13[%add3A_725, %broadcast_in_dim3A_832], %mul3A_782 : memref<1536x32xf32, #tpu.memory_space<vmem>>[vector<16xi32>, vector<16xi32>], vector<16xf32>,
            %broadcast_in_dim3A_833 = arith.constant 9 : i32
            %broadcast_in_dim3A_834 = vector.broadcast %broadcast_in_dim3A_833 : i32 to vector<16xi32>
            tpu.vector_store_idx %arg13[%add3A_725, %broadcast_in_dim3A_834], %sub3A : memref<1536x32xf32, #tpu.memory_space<vmem>>[vector<16xi32>, vector<16xi32>], vector<16xf32>,
            %broadcast_in_dim3A_835 = arith.constant 10 : i32
            %broadcast_in_dim3A_836 = vector.broadcast %broadcast_in_dim3A_835 : i32 to vector<16xi32>
            tpu.vector_store_idx %arg13[%add3A_725, %broadcast_in_dim3A_836], %sub3A_787 : memref<1536x32xf32, #tpu.memory_space<vmem>>[vector<16xi32>, vector<16xi32>], vector<16xf32>,
            %broadcast_in_dim3A_837 = arith.constant 11 : i32
            %broadcast_in_dim3A_838 = vector.broadcast %broadcast_in_dim3A_837 : i32 to vector<16xi32>
            tpu.vector_store_idx %arg13[%add3A_725, %broadcast_in_dim3A_838], %sub3A_790 : memref<1536x32xf32, #tpu.memory_space<vmem>>[vector<16xi32>, vector<16xi32>], vector<16xf32>,
            %broadcast_in_dim3A_839 = arith.constant 12 : i32
            %broadcast_in_dim3A_840 = vector.broadcast %broadcast_in_dim3A_839 : i32 to vector<16xi32>
            tpu.vector_store_idx %arg13[%add3A_725, %broadcast_in_dim3A_840], %mul3A_791 : memref<1536x32xf32, #tpu.memory_space<vmem>>[vector<16xi32>, vector<16xi32>], vector<16xf32>,
            %broadcast_in_dim3A_841 = arith.constant 13 : i32
            %broadcast_in_dim3A_842 = vector.broadcast %broadcast_in_dim3A_841 : i32 to vector<16xi32>
            tpu.vector_store_idx %arg13[%add3A_725, %broadcast_in_dim3A_842], %mul3A_792 : memref<1536x32xf32, #tpu.memory_space<vmem>>[vector<16xi32>, vector<16xi32>], vector<16xf32>,
            %broadcast_in_dim3A_843 = arith.constant 14 : i32
            %broadcast_in_dim3A_844 = vector.broadcast %broadcast_in_dim3A_843 : i32 to vector<16xi32>
            tpu.vector_store_idx %arg13[%add3A_725, %broadcast_in_dim3A_844], %mul3A_793 : memref<1536x32xf32, #tpu.memory_space<vmem>>[vector<16xi32>, vector<16xi32>], vector<16xf32>,
            %broadcast_in_dim3A_845 = arith.constant 15 : i32
            %broadcast_in_dim3A_846 = vector.broadcast %broadcast_in_dim3A_845 : i32 to vector<16xi32>
            tpu.vector_store_idx %arg13[%add3A_725, %broadcast_in_dim3A_846], %sub3A_796 : memref<1536x32xf32, #tpu.memory_space<vmem>>[vector<16xi32>, vector<16xi32>], vector<16xf32>,
            %broadcast_in_dim3A_847 = arith.constant 16 : i32
            %broadcast_in_dim3A_848 = vector.broadcast %broadcast_in_dim3A_847 : i32 to vector<16xi32>
            tpu.vector_store_idx %arg13[%add3A_725, %broadcast_in_dim3A_848], %sub3A_799 : memref<1536x32xf32, #tpu.memory_space<vmem>>[vector<16xi32>, vector<16xi32>], vector<16xf32>,
            %broadcast_in_dim3A_849 = arith.constant 17 : i32
            %broadcast_in_dim3A_850 = vector.broadcast %broadcast_in_dim3A_849 : i32 to vector<16xi32>
            tpu.vector_store_idx %arg13[%add3A_725, %broadcast_in_dim3A_850], %sub3A_802 : memref<1536x32xf32, #tpu.memory_space<vmem>>[vector<16xi32>, vector<16xi32>], vector<16xf32>,
            %broadcast_in_dim3A_851 = arith.constant 18 : i32
            %broadcast_in_dim3A_852 = vector.broadcast %broadcast_in_dim3A_851 : i32 to vector<16xi32>
            tpu.vector_store_idx %arg13[%add3A_725, %broadcast_in_dim3A_852], %mul3A_804 : memref<1536x32xf32, #tpu.memory_space<vmem>>[vector<16xi32>, vector<16xi32>], vector<16xf32>,
            %broadcast_in_dim3A_853 = arith.constant 19 : i32
            %broadcast_in_dim3A_854 = vector.broadcast %broadcast_in_dim3A_853 : i32 to vector<16xi32>
            tpu.vector_store_idx %arg13[%add3A_725, %broadcast_in_dim3A_854], %mul3A_806 : memref<1536x32xf32, #tpu.memory_space<vmem>>[vector<16xi32>, vector<16xi32>], vector<16xf32>,
            %broadcast_in_dim3A_855 = arith.constant 20 : i32
            %broadcast_in_dim3A_856 = vector.broadcast %broadcast_in_dim3A_855 : i32 to vector<16xi32>
            tpu.vector_store_idx %arg13[%add3A_725, %broadcast_in_dim3A_856], %mul3A_808 : memref<1536x32xf32, #tpu.memory_space<vmem>>[vector<16xi32>, vector<16xi32>], vector<16xf32>,
            %broadcast_in_dim3A_857 = arith.constant 21 : i32
            %broadcast_in_dim3A_858 = vector.broadcast %broadcast_in_dim3A_857 : i32 to vector<16xi32>
            tpu.vector_store_idx %arg13[%add3A_725, %broadcast_in_dim3A_858], %mul3A_810 : memref<1536x32xf32, #tpu.memory_space<vmem>>[vector<16xi32>, vector<16xi32>], vector<16xf32>,
            %broadcast_in_dim3A_859 = arith.constant 22 : i32
            %broadcast_in_dim3A_860 = vector.broadcast %broadcast_in_dim3A_859 : i32 to vector<16xi32>
            tpu.vector_store_idx %arg13[%add3A_725, %broadcast_in_dim3A_860], %mul3A_812 : memref<1536x32xf32, #tpu.memory_space<vmem>>[vector<16xi32>, vector<16xi32>], vector<16xf32>,
            %broadcast_in_dim3A_861 = arith.constant 23 : i32
            %broadcast_in_dim3A_862 = vector.broadcast %broadcast_in_dim3A_861 : i32 to vector<16xi32>
            tpu.vector_store_idx %arg13[%add3A_725, %broadcast_in_dim3A_862], %mul3A_814 : memref<1536x32xf32, #tpu.memory_space<vmem>>[vector<16xi32>, vector<16xi32>], vector<16xf32>,
          }
          %scan3A_714 = arith.constant 16 : i32
          %scan3A_715 = arith.constant 0 : i32
          %scan3A_716 = arith.constant 0 : i32
          %scan3A_717 = arith.constant 2 : i32
          %scan3A_718 = arith.addi %scan3A_716, %scan3A_717 : i32
          %scan3A_719 = arith.constant 1 : i32
          scf.for %scan3A_721 = %scan3A_716 to %scan3A_718 step %scan3A_719  : i32 {
            %mul3A_722 = arith.constant 128 : i32
            %mul3A_723 = arith.muli %scan3A_721, %mul3A_722 : i32
            "tpu.region"() ({
              %run_scoped3A = tpu.sem_alloc : memref<!tpu.dma_semaphore, #tpu.memory_space<semaphore_mem>>
              %dma_start3A = arith.constant 0 : i32
              %dma_start3A_724 = tpu.memref_slice %arg13[%mul3A_723, %dma_start3A] : memref<1536x32xf32, #tpu.memory_space<vmem>> -> memref<128x32xf32, #tpu.memory_space<vmem>>
              %dma_start3A_725 = arith.constant 0 : i32
              %dma_start3A_726 = tpu.memref_slice %arg12[%scan3A_721, %dma_start3A_725] : memref<16x128xi32, #tpu.memory_space<vmem>> -> memref<1x128xi32, #tpu.memory_space<vmem>>
              %dma_start3A_727 = tpu.memref_squeeze %dma_start3A_726 : memref<1x128xi32, #tpu.memory_space<vmem>> -> memref<128xi32, #tpu.memory_space<vmem>>
              %dma_start3A_728 = arith.constant 0 : i32
              %dma_start3A_729 = arith.constant 0 : i32
              %dma_start3A_730 = tpu.memref_slice %arg16[%dma_start3A_728, %dma_start3A_729] : memref<1024x32xf32, #tpu.memory_space<vmem_shared>> -> memref<1024x32xf32, #tpu.memory_space<vmem_shared>>
              tpu.enqueue_indirect_dma source(%dma_start3A_724 : memref<128x32xf32, #tpu.memory_space<vmem>>) target(%dma_start3A_730 : memref<1024x32xf32, #tpu.memory_space<vmem_shared>>) offsets(%dma_start3A_727 : memref<128xi32, #tpu.memory_space<vmem>>) semaphore(%run_scoped3A : memref<!tpu.dma_semaphore, #tpu.memory_space<semaphore_mem>>) {add = true}
              %dma_wait3A = arith.constant 0 : i32
              %dma_wait3A_731 = tpu.memref_slice %arg13[%mul3A_723, %dma_wait3A] : memref<1536x32xf32, #tpu.memory_space<vmem>> -> memref<128x32xf32, #tpu.memory_space<vmem>>
              %dma_wait3A_732 = arith.constant 0 : i32
              %dma_wait3A_733 = tpu.memref_slice %arg12[%scan3A_721, %dma_wait3A_732] : memref<16x128xi32, #tpu.memory_space<vmem>> -> memref<1x128xi32, #tpu.memory_space<vmem>>
              %dma_wait3A_734 = tpu.memref_squeeze %dma_wait3A_733 : memref<1x128xi32, #tpu.memory_space<vmem>> -> memref<128xi32, #tpu.memory_space<vmem>>
              %dma_wait3A_735 = arith.constant 0 : i32
              %dma_wait3A_736 = arith.constant 0 : i32
              %dma_wait3A_737 = tpu.memref_slice %arg16[%dma_wait3A_735, %dma_wait3A_736] : memref<1024x32xf32, #tpu.memory_space<vmem_shared>> -> memref<1024x32xf32, #tpu.memory_space<vmem_shared>>
              tpu.wait_indirect_dma semaphore(%run_scoped3A : memref<!tpu.dma_semaphore, #tpu.memory_space<semaphore_mem>>) src(%dma_wait3A_731 : memref<128x32xf32, #tpu.memory_space<vmem>>) dst(%dma_wait3A_737 : memref<1024x32xf32, #tpu.memory_space<vmem_shared>>)
              tpu.yield
            }) : () -> ()
          }
          %scan3A_720 = arith.constant 2 : i32
        } else {
        }
      } else {
      }
    }
    %scan3A_519 = arith.constant 3 : i32
    %barrier3A_520 = arith.constant 0 : index
    tpu.barrier barrier_id(%barrier3A_520)
    %mul3A_521 = arith.constant 64 : i32
    %mul3A_522 = arith.muli %arg1, %mul3A_521 : i32
    "tpu.region"() ({
      %run_scoped3A = tpu.sem_alloc : memref<!tpu.dma_semaphore, #tpu.memory_space<semaphore_mem>>
      %dma_start3A = arith.constant 0 : i32
      %dma_start3A_528 = tpu.memref_slice %arg16[%mul3A_522, %dma_start3A] : memref<1024x32xf32, #tpu.memory_space<vmem_shared>> -> memref<64x32xf32, #tpu.memory_space<vmem_shared>>
      %dma_start3A_529 = arith.constant 0 : i32
      %dma_start3A_530 = tpu.memref_slice %arg16[%mul3A_522, %dma_start3A_529] : memref<1024x32xf32, #tpu.memory_space<vmem_shared>> -> memref<64x32xf32, #tpu.memory_space<vmem_shared>>
      tpu.enqueue_dma source(%dma_start3A_530 : memref<64x32xf32, #tpu.memory_space<vmem_shared>>) target(%arg15 : memref<64x32xf32, #tpu.memory_space<vmem>>) target_semaphore(%run_scoped3A : memref<!tpu.dma_semaphore, #tpu.memory_space<semaphore_mem>>)
      %dma_wait3A = arith.constant 0 : i32
      %dma_wait3A_531 = tpu.memref_slice %arg16[%mul3A_522, %dma_wait3A] : memref<1024x32xf32, #tpu.memory_space<vmem_shared>> -> memref<64x32xf32, #tpu.memory_space<vmem_shared>>
      %dma_wait3A_532 = arith.constant 0 : i32
      %dma_wait3A_533 = tpu.memref_slice %arg16[%mul3A_522, %dma_wait3A_532] : memref<1024x32xf32, #tpu.memory_space<vmem_shared>> -> memref<64x32xf32, #tpu.memory_space<vmem_shared>>
      tpu.wait_dma2 semaphore(%run_scoped3A : memref<!tpu.dma_semaphore, #tpu.memory_space<semaphore_mem>>) src(%dma_wait3A_533 : memref<64x32xf32, #tpu.memory_space<vmem_shared>>) dst(%arg15 : memref<64x32xf32, #tpu.memory_space<vmem>>)
      tpu.yield
    }) : () -> ()
    %mul3A_523 = arith.constant 1024 : i32
    %mul3A_524 = arith.muli %arg0, %mul3A_523 : i32
    %mul3A_525 = arith.constant 64 : i32
    %mul3A_526 = arith.muli %arg1, %mul3A_525 : i32
    %add3A_527 = arith.addi %mul3A_524, %mul3A_526 : i32
    "tpu.region"() ({
      %run_scoped3A = tpu.sem_alloc : memref<!tpu.dma_semaphore, #tpu.memory_space<semaphore_mem>>
      %dma_start3A = arith.constant 0 : i32
      %dma_start3A_528 = tpu.memref_slice %arg7[%add3A_527, %dma_start3A] : memref<2048x32xf32, #tpu.memory_space<hbm>> -> memref<64x32xf32, #tpu.memory_space<hbm>>
      %dma_start3A_529 = arith.constant 0 : i32
      %dma_start3A_530 = tpu.memref_slice %arg7[%add3A_527, %dma_start3A_529] : memref<2048x32xf32, #tpu.memory_space<hbm>> -> memref<64x32xf32, #tpu.memory_space<hbm>>
      tpu.enqueue_dma source(%arg15 : memref<64x32xf32, #tpu.memory_space<vmem>>) target(%dma_start3A_530 : memref<64x32xf32, #tpu.memory_space<hbm>>) target_semaphore(%run_scoped3A : memref<!tpu.dma_semaphore, #tpu.memory_space<semaphore_mem>>)
      %dma_wait3A = arith.constant 0 : i32
      %dma_wait3A_531 = tpu.memref_slice %arg7[%add3A_527, %dma_wait3A] : memref<2048x32xf32, #tpu.memory_space<hbm>> -> memref<64x32xf32, #tpu.memory_space<hbm>>
      %dma_wait3A_532 = arith.constant 0 : i32
      %dma_wait3A_533 = tpu.memref_slice %arg7[%add3A_527, %dma_wait3A_532] : memref<2048x32xf32, #tpu.memory_space<hbm>> -> memref<64x32xf32, #tpu.memory_space<hbm>>
      tpu.wait_dma2 semaphore(%run_scoped3A : memref<!tpu.dma_semaphore, #tpu.memory_space<semaphore_mem>>) src(%arg15 : memref<64x32xf32, #tpu.memory_space<vmem>>) dst(%dma_wait3A_533 : memref<64x32xf32, #tpu.memory_space<hbm>>)
      tpu.yield
    }) : () -> ()
    return
  }
}

#map = affine_map<(d0, d1) -> (0, 0)>
#map1 = affine_map<(d0, d1) -> (0)>
module attributes {stable_mosaic.version = 14 : i64} {
  func.func @conservation_k2_apply(%arg0: i32, %arg1: i32, %arg2: memref<2048x32xf32, #tpu.memory_space<hbm>>, %arg3: memref<600000xf32, #tpu.memory_space<hbm>>, %arg4: memref<300000xf32, #tpu.memory_space<hbm>>, %arg5: memref<1056x128xi32, #tpu.memory_space<hbm>>, %arg6: memref<1024xf32, #tpu.memory_space<hbm>>, %arg7: memref<600000xf32, #tpu.memory_space<hbm>>, %arg8: memref<64x32xf32, #tpu.memory_space<vmem>>, %arg9: memref<64x32xf32, #tpu.memory_space<vmem>>, %arg10: memref<64xf32, #tpu.memory_space<vmem>>, %arg11: memref<64x16xf32, #tpu.memory_space<vmem>>, %arg12: memref<1024x16xf32, #tpu.memory_space<vmem>>, %arg13: memref<9216xf32, #tpu.memory_space<vmem>>, %arg14: memref<4608xf32, #tpu.memory_space<vmem>>, %arg15: memref<16x128xi32, #tpu.memory_space<vmem>>, %arg16: memref<9216xf32, #tpu.memory_space<vmem>>, %arg17: memref<1024x16xf32, #tpu.memory_space<vmem_shared>>) attributes {dimension_semantics = [#tpu.dimension_semantics<core_parallel>, #tpu.dimension_semantics<subcore_parallel>], iteration_bounds = array<i64: 2, 16>, scalar_prefetch = 0 : i64, scratch_operands = 10 : i64, tpu.core_type = #tpu.core_type<sc_vector_subcore>, window_params = [{transform_indices = #map}, {transform_indices = #map1}, {transform_indices = #map1}, {transform_indices = #map}, {transform_indices = #map1}, {transform_indices = #map1}]} {
    %mul3A = arith.constant 2 : i32
    %mul3A_0 = arith.muli %arg1, %mul3A : i32
    %add3A = arith.addi %mul3A_0, %arg0 : i32
    %iota3A = tpu.iota {dimensions = array<i32: 0>} : vector<16xi32>
    %mul3A_1 = arith.constant 64 : i32
    %mul3A_2 = arith.muli %arg1, %mul3A_1 : i32
    "tpu.region"() ({
      %run_scoped3A = tpu.sem_alloc : memref<!tpu.dma_semaphore, #tpu.memory_space<semaphore_mem>>
      %dma_start3A = arith.constant 0 : i32
      %dma_start3A_1083 = tpu.memref_slice %arg2[%mul3A_2, %dma_start3A] : memref<2048x32xf32, #tpu.memory_space<hbm>> -> memref<64x32xf32, #tpu.memory_space<hbm>>
      %dma_start3A_1084 = arith.constant 0 : i32
      %dma_start3A_1085 = tpu.memref_slice %arg2[%mul3A_2, %dma_start3A_1084] : memref<2048x32xf32, #tpu.memory_space<hbm>> -> memref<64x32xf32, #tpu.memory_space<hbm>>
      tpu.enqueue_dma source(%dma_start3A_1085 : memref<64x32xf32, #tpu.memory_space<hbm>>) target(%arg8 : memref<64x32xf32, #tpu.memory_space<vmem>>) target_semaphore(%run_scoped3A : memref<!tpu.dma_semaphore, #tpu.memory_space<semaphore_mem>>)
      %dma_wait3A = arith.constant 0 : i32
      %dma_wait3A_1086 = tpu.memref_slice %arg2[%mul3A_2, %dma_wait3A] : memref<2048x32xf32, #tpu.memory_space<hbm>> -> memref<64x32xf32, #tpu.memory_space<hbm>>
      %dma_wait3A_1087 = arith.constant 0 : i32
      %dma_wait3A_1088 = tpu.memref_slice %arg2[%mul3A_2, %dma_wait3A_1087] : memref<2048x32xf32, #tpu.memory_space<hbm>> -> memref<64x32xf32, #tpu.memory_space<hbm>>
      tpu.wait_dma2 semaphore(%run_scoped3A : memref<!tpu.dma_semaphore, #tpu.memory_space<semaphore_mem>>) src(%dma_wait3A_1088 : memref<64x32xf32, #tpu.memory_space<hbm>>) dst(%arg8 : memref<64x32xf32, #tpu.memory_space<vmem>>)
      tpu.yield
    }) : () -> ()
    %mul3A_3 = arith.constant 64 : i32
    %mul3A_4 = arith.muli %arg1, %mul3A_3 : i32
    %add3A_5 = arith.constant 1024 : i32
    %add3A_6 = arith.addi %add3A_5, %mul3A_4 : i32
    "tpu.region"() ({
      %run_scoped3A = tpu.sem_alloc : memref<!tpu.dma_semaphore, #tpu.memory_space<semaphore_mem>>
      %dma_start3A = arith.constant 0 : i32
      %dma_start3A_1083 = tpu.memref_slice %arg2[%add3A_6, %dma_start3A] : memref<2048x32xf32, #tpu.memory_space<hbm>> -> memref<64x32xf32, #tpu.memory_space<hbm>>
      %dma_start3A_1084 = arith.constant 0 : i32
      %dma_start3A_1085 = tpu.memref_slice %arg2[%add3A_6, %dma_start3A_1084] : memref<2048x32xf32, #tpu.memory_space<hbm>> -> memref<64x32xf32, #tpu.memory_space<hbm>>
      tpu.enqueue_dma source(%dma_start3A_1085 : memref<64x32xf32, #tpu.memory_space<hbm>>) target(%arg9 : memref<64x32xf32, #tpu.memory_space<vmem>>) target_semaphore(%run_scoped3A : memref<!tpu.dma_semaphore, #tpu.memory_space<semaphore_mem>>)
      %dma_wait3A = arith.constant 0 : i32
      %dma_wait3A_1086 = tpu.memref_slice %arg2[%add3A_6, %dma_wait3A] : memref<2048x32xf32, #tpu.memory_space<hbm>> -> memref<64x32xf32, #tpu.memory_space<hbm>>
      %dma_wait3A_1087 = arith.constant 0 : i32
      %dma_wait3A_1088 = tpu.memref_slice %arg2[%add3A_6, %dma_wait3A_1087] : memref<2048x32xf32, #tpu.memory_space<hbm>> -> memref<64x32xf32, #tpu.memory_space<hbm>>
      tpu.wait_dma2 semaphore(%run_scoped3A : memref<!tpu.dma_semaphore, #tpu.memory_space<semaphore_mem>>) src(%dma_wait3A_1088 : memref<64x32xf32, #tpu.memory_space<hbm>>) dst(%arg9 : memref<64x32xf32, #tpu.memory_space<vmem>>)
      tpu.yield
    }) : () -> ()
    %mul3A_7 = arith.constant 64 : i32
    %mul3A_8 = arith.muli %arg1, %mul3A_7 : i32
    "tpu.region"() ({
      %run_scoped3A = tpu.sem_alloc : memref<!tpu.dma_semaphore, #tpu.memory_space<semaphore_mem>>
      %dma_start3A = tpu.memref_slice %arg6[%mul3A_8] : memref<1024xf32, #tpu.memory_space<hbm>> -> memref<64xf32, #tpu.memory_space<hbm>>
      %dma_start3A_1083 = tpu.memref_slice %arg6[%mul3A_8] : memref<1024xf32, #tpu.memory_space<hbm>> -> memref<64xf32, #tpu.memory_space<hbm>>
      tpu.enqueue_dma source(%dma_start3A_1083 : memref<64xf32, #tpu.memory_space<hbm>>) target(%arg10 : memref<64xf32, #tpu.memory_space<vmem>>) target_semaphore(%run_scoped3A : memref<!tpu.dma_semaphore, #tpu.memory_space<semaphore_mem>>)
      %dma_wait3A = tpu.memref_slice %arg6[%mul3A_8] : memref<1024xf32, #tpu.memory_space<hbm>> -> memref<64xf32, #tpu.memory_space<hbm>>
      %dma_wait3A_1084 = tpu.memref_slice %arg6[%mul3A_8] : memref<1024xf32, #tpu.memory_space<hbm>> -> memref<64xf32, #tpu.memory_space<hbm>>
      tpu.wait_dma2 semaphore(%run_scoped3A : memref<!tpu.dma_semaphore, #tpu.memory_space<semaphore_mem>>) src(%dma_wait3A_1084 : memref<64xf32, #tpu.memory_space<hbm>>) dst(%arg10 : memref<64xf32, #tpu.memory_space<vmem>>)
      tpu.yield
    }) : () -> ()
    %add3A_9 = arith.constant 0 : i32
    %add3A_10 = vector.broadcast %add3A_9 : i32 to vector<16xi32>
    %add3A_11 = arith.addi %add3A_10, %iota3A : vector<16xi32>
    %broadcast_in_dim3A = arith.constant 0 : i32
    %broadcast_in_dim3A_12 = vector.broadcast %broadcast_in_dim3A : i32 to vector<16xi32>
    %gather3A = tpu.vector_load_idx %arg8[%add3A_11, %broadcast_in_dim3A_12] : memref<64x32xf32, #tpu.memory_space<vmem>>[vector<16xi32>, vector<16xi32>], vector<16xf32>,
    %gather3A_13 = tpu.vector_load_idx %arg9[%add3A_11, %broadcast_in_dim3A_12] : memref<64x32xf32, #tpu.memory_space<vmem>>[vector<16xi32>, vector<16xi32>], vector<16xf32>,
    %add3A_14 = arith.addf %gather3A, %gather3A_13 : vector<16xf32>
    %broadcast_in_dim3A_15 = arith.constant 1 : i32
    %broadcast_in_dim3A_16 = vector.broadcast %broadcast_in_dim3A_15 : i32 to vector<16xi32>
    %gather3A_17 = tpu.vector_load_idx %arg8[%add3A_11, %broadcast_in_dim3A_16] : memref<64x32xf32, #tpu.memory_space<vmem>>[vector<16xi32>, vector<16xi32>], vector<16xf32>,
    %gather3A_18 = tpu.vector_load_idx %arg9[%add3A_11, %broadcast_in_dim3A_16] : memref<64x32xf32, #tpu.memory_space<vmem>>[vector<16xi32>, vector<16xi32>], vector<16xf32>,
    %add3A_19 = arith.addf %gather3A_17, %gather3A_18 : vector<16xf32>
    %broadcast_in_dim3A_20 = arith.constant 2 : i32
    %broadcast_in_dim3A_21 = vector.broadcast %broadcast_in_dim3A_20 : i32 to vector<16xi32>
    %gather3A_22 = tpu.vector_load_idx %arg8[%add3A_11, %broadcast_in_dim3A_21] : memref<64x32xf32, #tpu.memory_space<vmem>>[vector<16xi32>, vector<16xi32>], vector<16xf32>,
    %gather3A_23 = tpu.vector_load_idx %arg9[%add3A_11, %broadcast_in_dim3A_21] : memref<64x32xf32, #tpu.memory_space<vmem>>[vector<16xi32>, vector<16xi32>], vector<16xf32>,
    %add3A_24 = arith.addf %gather3A_22, %gather3A_23 : vector<16xf32>
    %broadcast_in_dim3A_25 = arith.constant 3 : i32
    %broadcast_in_dim3A_26 = vector.broadcast %broadcast_in_dim3A_25 : i32 to vector<16xi32>
    %gather3A_27 = tpu.vector_load_idx %arg8[%add3A_11, %broadcast_in_dim3A_26] : memref<64x32xf32, #tpu.memory_space<vmem>>[vector<16xi32>, vector<16xi32>], vector<16xf32>,
    %gather3A_28 = tpu.vector_load_idx %arg9[%add3A_11, %broadcast_in_dim3A_26] : memref<64x32xf32, #tpu.memory_space<vmem>>[vector<16xi32>, vector<16xi32>], vector<16xf32>,
    %add3A_29 = arith.addf %gather3A_27, %gather3A_28 : vector<16xf32>
    %broadcast_in_dim3A_30 = arith.constant 4 : i32
    %broadcast_in_dim3A_31 = vector.broadcast %broadcast_in_dim3A_30 : i32 to vector<16xi32>
    %gather3A_32 = tpu.vector_load_idx %arg8[%add3A_11, %broadcast_in_dim3A_31] : memref<64x32xf32, #tpu.memory_space<vmem>>[vector<16xi32>, vector<16xi32>], vector<16xf32>,
    %gather3A_33 = tpu.vector_load_idx %arg9[%add3A_11, %broadcast_in_dim3A_31] : memref<64x32xf32, #tpu.memory_space<vmem>>[vector<16xi32>, vector<16xi32>], vector<16xf32>,
    %add3A_34 = arith.addf %gather3A_32, %gather3A_33 : vector<16xf32>
    %broadcast_in_dim3A_35 = arith.constant 5 : i32
    %broadcast_in_dim3A_36 = vector.broadcast %broadcast_in_dim3A_35 : i32 to vector<16xi32>
    %gather3A_37 = tpu.vector_load_idx %arg8[%add3A_11, %broadcast_in_dim3A_36] : memref<64x32xf32, #tpu.memory_space<vmem>>[vector<16xi32>, vector<16xi32>], vector<16xf32>,
    %gather3A_38 = tpu.vector_load_idx %arg9[%add3A_11, %broadcast_in_dim3A_36] : memref<64x32xf32, #tpu.memory_space<vmem>>[vector<16xi32>, vector<16xi32>], vector<16xf32>,
    %add3A_39 = arith.addf %gather3A_37, %gather3A_38 : vector<16xf32>
    %broadcast_in_dim3A_40 = arith.constant 6 : i32
    %broadcast_in_dim3A_41 = vector.broadcast %broadcast_in_dim3A_40 : i32 to vector<16xi32>
    %gather3A_42 = tpu.vector_load_idx %arg8[%add3A_11, %broadcast_in_dim3A_41] : memref<64x32xf32, #tpu.memory_space<vmem>>[vector<16xi32>, vector<16xi32>], vector<16xf32>,
    %gather3A_43 = tpu.vector_load_idx %arg9[%add3A_11, %broadcast_in_dim3A_41] : memref<64x32xf32, #tpu.memory_space<vmem>>[vector<16xi32>, vector<16xi32>], vector<16xf32>,
    %add3A_44 = arith.addf %gather3A_42, %gather3A_43 : vector<16xf32>
    %broadcast_in_dim3A_45 = arith.constant 7 : i32
    %broadcast_in_dim3A_46 = vector.broadcast %broadcast_in_dim3A_45 : i32 to vector<16xi32>
    %gather3A_47 = tpu.vector_load_idx %arg8[%add3A_11, %broadcast_in_dim3A_46] : memref<64x32xf32, #tpu.memory_space<vmem>>[vector<16xi32>, vector<16xi32>], vector<16xf32>,
    %gather3A_48 = tpu.vector_load_idx %arg9[%add3A_11, %broadcast_in_dim3A_46] : memref<64x32xf32, #tpu.memory_space<vmem>>[vector<16xi32>, vector<16xi32>], vector<16xf32>,
    %add3A_49 = arith.addf %gather3A_47, %gather3A_48 : vector<16xf32>
    %broadcast_in_dim3A_50 = arith.constant 8 : i32
    %broadcast_in_dim3A_51 = vector.broadcast %broadcast_in_dim3A_50 : i32 to vector<16xi32>
    %gather3A_52 = tpu.vector_load_idx %arg8[%add3A_11, %broadcast_in_dim3A_51] : memref<64x32xf32, #tpu.memory_space<vmem>>[vector<16xi32>, vector<16xi32>], vector<16xf32>,
    %gather3A_53 = tpu.vector_load_idx %arg9[%add3A_11, %broadcast_in_dim3A_51] : memref<64x32xf32, #tpu.memory_space<vmem>>[vector<16xi32>, vector<16xi32>], vector<16xf32>,
    %add3A_54 = arith.addf %gather3A_52, %gather3A_53 : vector<16xf32>
    %broadcast_in_dim3A_55 = arith.constant 9 : i32
    %broadcast_in_dim3A_56 = vector.broadcast %broadcast_in_dim3A_55 : i32 to vector<16xi32>
    %gather3A_57 = tpu.vector_load_idx %arg8[%add3A_11, %broadcast_in_dim3A_56] : memref<64x32xf32, #tpu.memory_space<vmem>>[vector<16xi32>, vector<16xi32>], vector<16xf32>,
    %gather3A_58 = tpu.vector_load_idx %arg9[%add3A_11, %broadcast_in_dim3A_56] : memref<64x32xf32, #tpu.memory_space<vmem>>[vector<16xi32>, vector<16xi32>], vector<16xf32>,
    %add3A_59 = arith.addf %gather3A_57, %gather3A_58 : vector<16xf32>
    %broadcast_in_dim3A_60 = arith.constant 10 : i32
    %broadcast_in_dim3A_61 = vector.broadcast %broadcast_in_dim3A_60 : i32 to vector<16xi32>
    %gather3A_62 = tpu.vector_load_idx %arg8[%add3A_11, %broadcast_in_dim3A_61] : memref<64x32xf32, #tpu.memory_space<vmem>>[vector<16xi32>, vector<16xi32>], vector<16xf32>,
    %gather3A_63 = tpu.vector_load_idx %arg9[%add3A_11, %broadcast_in_dim3A_61] : memref<64x32xf32, #tpu.memory_space<vmem>>[vector<16xi32>, vector<16xi32>], vector<16xf32>,
    %add3A_64 = arith.addf %gather3A_62, %gather3A_63 : vector<16xf32>
    %broadcast_in_dim3A_65 = arith.constant 11 : i32
    %broadcast_in_dim3A_66 = vector.broadcast %broadcast_in_dim3A_65 : i32 to vector<16xi32>
    %gather3A_67 = tpu.vector_load_idx %arg8[%add3A_11, %broadcast_in_dim3A_66] : memref<64x32xf32, #tpu.memory_space<vmem>>[vector<16xi32>, vector<16xi32>], vector<16xf32>,
    %gather3A_68 = tpu.vector_load_idx %arg9[%add3A_11, %broadcast_in_dim3A_66] : memref<64x32xf32, #tpu.memory_space<vmem>>[vector<16xi32>, vector<16xi32>], vector<16xf32>,
    %add3A_69 = arith.addf %gather3A_67, %gather3A_68 : vector<16xf32>
    %broadcast_in_dim3A_70 = arith.constant 12 : i32
    %broadcast_in_dim3A_71 = vector.broadcast %broadcast_in_dim3A_70 : i32 to vector<16xi32>
    %gather3A_72 = tpu.vector_load_idx %arg8[%add3A_11, %broadcast_in_dim3A_71] : memref<64x32xf32, #tpu.memory_space<vmem>>[vector<16xi32>, vector<16xi32>], vector<16xf32>,
    %gather3A_73 = tpu.vector_load_idx %arg9[%add3A_11, %broadcast_in_dim3A_71] : memref<64x32xf32, #tpu.memory_space<vmem>>[vector<16xi32>, vector<16xi32>], vector<16xf32>,
    %add3A_74 = arith.addf %gather3A_72, %gather3A_73 : vector<16xf32>
    %broadcast_in_dim3A_75 = arith.constant 13 : i32
    %broadcast_in_dim3A_76 = vector.broadcast %broadcast_in_dim3A_75 : i32 to vector<16xi32>
    %gather3A_77 = tpu.vector_load_idx %arg8[%add3A_11, %broadcast_in_dim3A_76] : memref<64x32xf32, #tpu.memory_space<vmem>>[vector<16xi32>, vector<16xi32>], vector<16xf32>,
    %gather3A_78 = tpu.vector_load_idx %arg9[%add3A_11, %broadcast_in_dim3A_76] : memref<64x32xf32, #tpu.memory_space<vmem>>[vector<16xi32>, vector<16xi32>], vector<16xf32>,
    %add3A_79 = arith.addf %gather3A_77, %gather3A_78 : vector<16xf32>
    %broadcast_in_dim3A_80 = arith.constant 14 : i32
    %broadcast_in_dim3A_81 = vector.broadcast %broadcast_in_dim3A_80 : i32 to vector<16xi32>
    %gather3A_82 = tpu.vector_load_idx %arg8[%add3A_11, %broadcast_in_dim3A_81] : memref<64x32xf32, #tpu.memory_space<vmem>>[vector<16xi32>, vector<16xi32>], vector<16xf32>,
    %gather3A_83 = tpu.vector_load_idx %arg9[%add3A_11, %broadcast_in_dim3A_81] : memref<64x32xf32, #tpu.memory_space<vmem>>[vector<16xi32>, vector<16xi32>], vector<16xf32>,
    %add3A_84 = arith.addf %gather3A_82, %gather3A_83 : vector<16xf32>
    %broadcast_in_dim3A_85 = arith.constant 15 : i32
    %broadcast_in_dim3A_86 = vector.broadcast %broadcast_in_dim3A_85 : i32 to vector<16xi32>
    %gather3A_87 = tpu.vector_load_idx %arg8[%add3A_11, %broadcast_in_dim3A_86] : memref<64x32xf32, #tpu.memory_space<vmem>>[vector<16xi32>, vector<16xi32>], vector<16xf32>,
    %gather3A_88 = tpu.vector_load_idx %arg9[%add3A_11, %broadcast_in_dim3A_86] : memref<64x32xf32, #tpu.memory_space<vmem>>[vector<16xi32>, vector<16xi32>], vector<16xf32>,
    %add3A_89 = arith.addf %gather3A_87, %gather3A_88 : vector<16xf32>
    %broadcast_in_dim3A_90 = arith.constant 16 : i32
    %broadcast_in_dim3A_91 = vector.broadcast %broadcast_in_dim3A_90 : i32 to vector<16xi32>
    %gather3A_92 = tpu.vector_load_idx %arg8[%add3A_11, %broadcast_in_dim3A_91] : memref<64x32xf32, #tpu.memory_space<vmem>>[vector<16xi32>, vector<16xi32>], vector<16xf32>,
    %gather3A_93 = tpu.vector_load_idx %arg9[%add3A_11, %broadcast_in_dim3A_91] : memref<64x32xf32, #tpu.memory_space<vmem>>[vector<16xi32>, vector<16xi32>], vector<16xf32>,
    %add3A_94 = arith.addf %gather3A_92, %gather3A_93 : vector<16xf32>
    %broadcast_in_dim3A_95 = arith.constant 17 : i32
    %broadcast_in_dim3A_96 = vector.broadcast %broadcast_in_dim3A_95 : i32 to vector<16xi32>
    %gather3A_97 = tpu.vector_load_idx %arg8[%add3A_11, %broadcast_in_dim3A_96] : memref<64x32xf32, #tpu.memory_space<vmem>>[vector<16xi32>, vector<16xi32>], vector<16xf32>,
    %gather3A_98 = tpu.vector_load_idx %arg9[%add3A_11, %broadcast_in_dim3A_96] : memref<64x32xf32, #tpu.memory_space<vmem>>[vector<16xi32>, vector<16xi32>], vector<16xf32>,
    %add3A_99 = arith.addf %gather3A_97, %gather3A_98 : vector<16xf32>
    %broadcast_in_dim3A_100 = arith.constant 18 : i32
    %broadcast_in_dim3A_101 = vector.broadcast %broadcast_in_dim3A_100 : i32 to vector<16xi32>
    %gather3A_102 = tpu.vector_load_idx %arg8[%add3A_11, %broadcast_in_dim3A_101] : memref<64x32xf32, #tpu.memory_space<vmem>>[vector<16xi32>, vector<16xi32>], vector<16xf32>,
    %gather3A_103 = tpu.vector_load_idx %arg9[%add3A_11, %broadcast_in_dim3A_101] : memref<64x32xf32, #tpu.memory_space<vmem>>[vector<16xi32>, vector<16xi32>], vector<16xf32>,
    %add3A_104 = arith.addf %gather3A_102, %gather3A_103 : vector<16xf32>
    %broadcast_in_dim3A_105 = arith.constant 19 : i32
    %broadcast_in_dim3A_106 = vector.broadcast %broadcast_in_dim3A_105 : i32 to vector<16xi32>
    %gather3A_107 = tpu.vector_load_idx %arg8[%add3A_11, %broadcast_in_dim3A_106] : memref<64x32xf32, #tpu.memory_space<vmem>>[vector<16xi32>, vector<16xi32>], vector<16xf32>,
    %gather3A_108 = tpu.vector_load_idx %arg9[%add3A_11, %broadcast_in_dim3A_106] : memref<64x32xf32, #tpu.memory_space<vmem>>[vector<16xi32>, vector<16xi32>], vector<16xf32>,
    %add3A_109 = arith.addf %gather3A_107, %gather3A_108 : vector<16xf32>
    %broadcast_in_dim3A_110 = arith.constant 20 : i32
    %broadcast_in_dim3A_111 = vector.broadcast %broadcast_in_dim3A_110 : i32 to vector<16xi32>
    %gather3A_112 = tpu.vector_load_idx %arg8[%add3A_11, %broadcast_in_dim3A_111] : memref<64x32xf32, #tpu.memory_space<vmem>>[vector<16xi32>, vector<16xi32>], vector<16xf32>,
    %gather3A_113 = tpu.vector_load_idx %arg9[%add3A_11, %broadcast_in_dim3A_111] : memref<64x32xf32, #tpu.memory_space<vmem>>[vector<16xi32>, vector<16xi32>], vector<16xf32>,
    %add3A_114 = arith.addf %gather3A_112, %gather3A_113 : vector<16xf32>
    %broadcast_in_dim3A_115 = arith.constant 21 : i32
    %broadcast_in_dim3A_116 = vector.broadcast %broadcast_in_dim3A_115 : i32 to vector<16xi32>
    %gather3A_117 = tpu.vector_load_idx %arg8[%add3A_11, %broadcast_in_dim3A_116] : memref<64x32xf32, #tpu.memory_space<vmem>>[vector<16xi32>, vector<16xi32>], vector<16xf32>,
    %gather3A_118 = tpu.vector_load_idx %arg9[%add3A_11, %broadcast_in_dim3A_116] : memref<64x32xf32, #tpu.memory_space<vmem>>[vector<16xi32>, vector<16xi32>], vector<16xf32>,
    %add3A_119 = arith.addf %gather3A_117, %gather3A_118 : vector<16xf32>
    %broadcast_in_dim3A_120 = arith.constant 22 : i32
    %broadcast_in_dim3A_121 = vector.broadcast %broadcast_in_dim3A_120 : i32 to vector<16xi32>
    %gather3A_122 = tpu.vector_load_idx %arg8[%add3A_11, %broadcast_in_dim3A_121] : memref<64x32xf32, #tpu.memory_space<vmem>>[vector<16xi32>, vector<16xi32>], vector<16xf32>,
    %gather3A_123 = tpu.vector_load_idx %arg9[%add3A_11, %broadcast_in_dim3A_121] : memref<64x32xf32, #tpu.memory_space<vmem>>[vector<16xi32>, vector<16xi32>], vector<16xf32>,
    %add3A_124 = arith.addf %gather3A_122, %gather3A_123 : vector<16xf32>
    %broadcast_in_dim3A_125 = arith.constant 23 : i32
    %broadcast_in_dim3A_126 = vector.broadcast %broadcast_in_dim3A_125 : i32 to vector<16xi32>
    %gather3A_127 = tpu.vector_load_idx %arg8[%add3A_11, %broadcast_in_dim3A_126] : memref<64x32xf32, #tpu.memory_space<vmem>>[vector<16xi32>, vector<16xi32>], vector<16xf32>,
    %gather3A_128 = tpu.vector_load_idx %arg9[%add3A_11, %broadcast_in_dim3A_126] : memref<64x32xf32, #tpu.memory_space<vmem>>[vector<16xi32>, vector<16xi32>], vector<16xf32>,
    %add3A_129 = arith.addf %gather3A_127, %gather3A_128 : vector<16xf32>
    %get3A = arith.constant 0 : index
    %get3A_130 = tpu.vector_load %arg10[%get3A] {strides = array<i32>} : memref<64xf32, #tpu.memory_space<vmem>>, vector<16xf32>,
    %div3A = arith.constant 1.000000e+00 : f32
    %div3A_131 = vector.broadcast %div3A : f32 to vector<16xf32>
    %div3A_132 = arith.divf %div3A_131, %get3A_130 : vector<16xf32>
    %sub3A = arith.subf %add3A_29, %add3A_14 : vector<16xf32>
    %mul3A_133 = arith.mulf %sub3A, %div3A_132 : vector<16xf32>
    %sub3A_134 = arith.subf %add3A_34, %add3A_19 : vector<16xf32>
    %mul3A_135 = arith.mulf %sub3A_134, %div3A_132 : vector<16xf32>
    %sub3A_136 = arith.subf %add3A_39, %add3A_24 : vector<16xf32>
    %mul3A_137 = arith.mulf %sub3A_136, %div3A_132 : vector<16xf32>
    %mul3A_138 = arith.mulf %add3A_44, %div3A_132 : vector<16xf32>
    %mul3A_139 = arith.mulf %add3A_49, %div3A_132 : vector<16xf32>
    %mul3A_140 = arith.mulf %add3A_54, %div3A_132 : vector<16xf32>
    %mul3A_141 = arith.mulf %add3A_74, %div3A_132 : vector<16xf32>
    %mul3A_142 = arith.mulf %add3A_79, %div3A_132 : vector<16xf32>
    %mul3A_143 = arith.mulf %add3A_84, %div3A_132 : vector<16xf32>
    %mul3A_144 = arith.mulf %mul3A_139, %add3A_24 : vector<16xf32>
    %mul3A_145 = arith.mulf %mul3A_140, %add3A_19 : vector<16xf32>
    %sub3A_146 = arith.subf %mul3A_144, %mul3A_145 : vector<16xf32>
    %sub3A_147 = arith.subf %add3A_59, %sub3A_146 : vector<16xf32>
    %mul3A_148 = arith.mulf %mul3A_140, %add3A_14 : vector<16xf32>
    %mul3A_149 = arith.mulf %mul3A_138, %add3A_24 : vector<16xf32>
    %sub3A_150 = arith.subf %mul3A_148, %mul3A_149 : vector<16xf32>
    %sub3A_151 = arith.subf %add3A_64, %sub3A_150 : vector<16xf32>
    %mul3A_152 = arith.mulf %mul3A_138, %add3A_19 : vector<16xf32>
    %mul3A_153 = arith.mulf %mul3A_139, %add3A_14 : vector<16xf32>
    %sub3A_154 = arith.subf %mul3A_152, %mul3A_153 : vector<16xf32>
    %sub3A_155 = arith.subf %add3A_69, %sub3A_154 : vector<16xf32>
    %mul3A_156 = arith.mulf %add3A_79, %mul3A_137 : vector<16xf32>
    %mul3A_157 = arith.mulf %add3A_84, %mul3A_135 : vector<16xf32>
    %sub3A_158 = arith.subf %mul3A_156, %mul3A_157 : vector<16xf32>
    %sub3A_159 = arith.subf %add3A_89, %sub3A_158 : vector<16xf32>
    %mul3A_160 = arith.mulf %mul3A_142, %add3A_24 : vector<16xf32>
    %mul3A_161 = arith.mulf %mul3A_143, %add3A_19 : vector<16xf32>
    %sub3A_162 = arith.subf %mul3A_160, %mul3A_161 : vector<16xf32>
    %sub3A_163 = arith.subf %sub3A_159, %sub3A_162 : vector<16xf32>
    %mul3A_164 = arith.mulf %add3A_84, %mul3A_133 : vector<16xf32>
    %mul3A_165 = arith.mulf %add3A_74, %mul3A_137 : vector<16xf32>
    %sub3A_166 = arith.subf %mul3A_164, %mul3A_165 : vector<16xf32>
    %sub3A_167 = arith.subf %add3A_94, %sub3A_166 : vector<16xf32>
    %mul3A_168 = arith.mulf %mul3A_143, %add3A_14 : vector<16xf32>
    %mul3A_169 = arith.mulf %mul3A_141, %add3A_24 : vector<16xf32>
    %sub3A_170 = arith.subf %mul3A_168, %mul3A_169 : vector<16xf32>
    %sub3A_171 = arith.subf %sub3A_167, %sub3A_170 : vector<16xf32>
    %mul3A_172 = arith.mulf %add3A_74, %mul3A_135 : vector<16xf32>
    %mul3A_173 = arith.mulf %add3A_79, %mul3A_133 : vector<16xf32>
    %sub3A_174 = arith.subf %mul3A_172, %mul3A_173 : vector<16xf32>
    %sub3A_175 = arith.subf %add3A_99, %sub3A_174 : vector<16xf32>
    %mul3A_176 = arith.mulf %mul3A_141, %add3A_19 : vector<16xf32>
    %mul3A_177 = arith.mulf %mul3A_142, %add3A_14 : vector<16xf32>
    %sub3A_178 = arith.subf %mul3A_176, %mul3A_177 : vector<16xf32>
    %sub3A_179 = arith.subf %sub3A_175, %sub3A_178 : vector<16xf32>
    %sub3A_180 = arith.subf %sub3A_147, %sub3A_163 : vector<16xf32>
    %sub3A_181 = arith.subf %sub3A_151, %sub3A_171 : vector<16xf32>
    %sub3A_182 = arith.subf %sub3A_155, %sub3A_179 : vector<16xf32>
    %add3A_183 = arith.addf %add3A_109, %add3A_114 : vector<16xf32>
    %mul3A_184 = arith.mulf %mul3A_142, %mul3A_142 : vector<16xf32>
    %mul3A_185 = arith.mulf %mul3A_143, %mul3A_143 : vector<16xf32>
    %add3A_186 = arith.addf %mul3A_184, %mul3A_185 : vector<16xf32>
    %mul3A_187 = arith.mulf %get3A_130, %add3A_186 : vector<16xf32>
    %sub3A_188 = arith.subf %add3A_183, %mul3A_187 : vector<16xf32>
    %add3A_189 = arith.addf %add3A_104, %add3A_114 : vector<16xf32>
    %mul3A_190 = arith.mulf %mul3A_141, %mul3A_141 : vector<16xf32>
    %mul3A_191 = arith.mulf %mul3A_143, %mul3A_143 : vector<16xf32>
    %add3A_192 = arith.addf %mul3A_190, %mul3A_191 : vector<16xf32>
    %mul3A_193 = arith.mulf %get3A_130, %add3A_192 : vector<16xf32>
    %sub3A_194 = arith.subf %add3A_189, %mul3A_193 : vector<16xf32>
    %add3A_195 = arith.addf %add3A_104, %add3A_109 : vector<16xf32>
    %mul3A_196 = arith.mulf %mul3A_141, %mul3A_141 : vector<16xf32>
    %mul3A_197 = arith.mulf %mul3A_142, %mul3A_142 : vector<16xf32>
    %add3A_198 = arith.addf %mul3A_196, %mul3A_197 : vector<16xf32>
    %mul3A_199 = arith.mulf %get3A_130, %add3A_198 : vector<16xf32>
    %sub3A_200 = arith.subf %add3A_195, %mul3A_199 : vector<16xf32>
    %mul3A_201 = arith.mulf %get3A_130, %mul3A_141 : vector<16xf32>
    %mul3A_202 = arith.mulf %mul3A_201, %mul3A_142 : vector<16xf32>
    %sub3A_203 = arith.subf %mul3A_202, %add3A_119 : vector<16xf32>
    %mul3A_204 = arith.mulf %get3A_130, %mul3A_141 : vector<16xf32>
    %mul3A_205 = arith.mulf %mul3A_204, %mul3A_143 : vector<16xf32>
    %sub3A_206 = arith.subf %mul3A_205, %add3A_124 : vector<16xf32>
    %mul3A_207 = arith.mulf %get3A_130, %mul3A_142 : vector<16xf32>
    %mul3A_208 = arith.mulf %mul3A_207, %mul3A_143 : vector<16xf32>
    %sub3A_209 = arith.subf %mul3A_208, %add3A_129 : vector<16xf32>
    %mul3A_210 = arith.mulf %sub3A_194, %sub3A_200 : vector<16xf32>
    %mul3A_211 = arith.mulf %sub3A_209, %sub3A_209 : vector<16xf32>
    %sub3A_212 = arith.subf %mul3A_210, %mul3A_211 : vector<16xf32>
    %mul3A_213 = arith.mulf %sub3A_206, %sub3A_209 : vector<16xf32>
    %mul3A_214 = arith.mulf %sub3A_203, %sub3A_200 : vector<16xf32>
    %sub3A_215 = arith.subf %mul3A_213, %mul3A_214 : vector<16xf32>
    %mul3A_216 = arith.mulf %sub3A_203, %sub3A_209 : vector<16xf32>
    %mul3A_217 = arith.mulf %sub3A_206, %sub3A_194 : vector<16xf32>
    %sub3A_218 = arith.subf %mul3A_216, %mul3A_217 : vector<16xf32>
    %mul3A_219 = arith.mulf %sub3A_188, %sub3A_212 : vector<16xf32>
    %mul3A_220 = arith.mulf %sub3A_203, %sub3A_215 : vector<16xf32>
    %add3A_221 = arith.addf %mul3A_219, %mul3A_220 : vector<16xf32>
    %mul3A_222 = arith.mulf %sub3A_206, %sub3A_218 : vector<16xf32>
    %add3A_223 = arith.addf %add3A_221, %mul3A_222 : vector<16xf32>
    %mul3A_224 = arith.mulf %sub3A_188, %sub3A_200 : vector<16xf32>
    %mul3A_225 = arith.mulf %sub3A_206, %sub3A_206 : vector<16xf32>
    %sub3A_226 = arith.subf %mul3A_224, %mul3A_225 : vector<16xf32>
    %mul3A_227 = arith.mulf %sub3A_203, %sub3A_206 : vector<16xf32>
    %mul3A_228 = arith.mulf %sub3A_188, %sub3A_209 : vector<16xf32>
    %sub3A_229 = arith.subf %mul3A_227, %mul3A_228 : vector<16xf32>
    %mul3A_230 = arith.mulf %sub3A_188, %sub3A_194 : vector<16xf32>
    %mul3A_231 = arith.mulf %sub3A_203, %sub3A_203 : vector<16xf32>
    %sub3A_232 = arith.subf %mul3A_230, %mul3A_231 : vector<16xf32>
    %div3A_233 = arith.constant 1.000000e+00 : f32
    %div3A_234 = vector.broadcast %div3A_233 : f32 to vector<16xf32>
    %div3A_235 = arith.divf %div3A_234, %add3A_223 : vector<16xf32>
    %mul3A_236 = arith.mulf %sub3A_212, %sub3A_180 : vector<16xf32>
    %mul3A_237 = arith.mulf %sub3A_215, %sub3A_181 : vector<16xf32>
    %add3A_238 = arith.addf %mul3A_236, %mul3A_237 : vector<16xf32>
    %mul3A_239 = arith.mulf %sub3A_218, %sub3A_182 : vector<16xf32>
    %add3A_240 = arith.addf %add3A_238, %mul3A_239 : vector<16xf32>
    %mul3A_241 = arith.mulf %add3A_240, %div3A_235 : vector<16xf32>
    %mul3A_242 = arith.mulf %sub3A_215, %sub3A_180 : vector<16xf32>
    %mul3A_243 = arith.mulf %sub3A_226, %sub3A_181 : vector<16xf32>
    %add3A_244 = arith.addf %mul3A_242, %mul3A_243 : vector<16xf32>
    %mul3A_245 = arith.mulf %sub3A_229, %sub3A_182 : vector<16xf32>
    %add3A_246 = arith.addf %add3A_244, %mul3A_245 : vector<16xf32>
    %mul3A_247 = arith.mulf %add3A_246, %div3A_235 : vector<16xf32>
    %mul3A_248 = arith.mulf %sub3A_218, %sub3A_180 : vector<16xf32>
    %mul3A_249 = arith.mulf %sub3A_229, %sub3A_181 : vector<16xf32>
    %add3A_250 = arith.addf %mul3A_248, %mul3A_249 : vector<16xf32>
    %mul3A_251 = arith.mulf %sub3A_232, %sub3A_182 : vector<16xf32>
    %add3A_252 = arith.addf %add3A_250, %mul3A_251 : vector<16xf32>
    %mul3A_253 = arith.mulf %add3A_252, %div3A_235 : vector<16xf32>
    %broadcast_in_dim3A_254 = arith.constant 0 : i32
    %broadcast_in_dim3A_255 = vector.broadcast %broadcast_in_dim3A_254 : i32 to vector<16xi32>
    tpu.vector_store_idx %arg11[%add3A_11, %broadcast_in_dim3A_255], %mul3A_133 : memref<64x16xf32, #tpu.memory_space<vmem>>[vector<16xi32>, vector<16xi32>], vector<16xf32>,
    %broadcast_in_dim3A_256 = arith.constant 1 : i32
    %broadcast_in_dim3A_257 = vector.broadcast %broadcast_in_dim3A_256 : i32 to vector<16xi32>
    tpu.vector_store_idx %arg11[%add3A_11, %broadcast_in_dim3A_257], %mul3A_135 : memref<64x16xf32, #tpu.memory_space<vmem>>[vector<16xi32>, vector<16xi32>], vector<16xf32>,
    %broadcast_in_dim3A_258 = arith.constant 2 : i32
    %broadcast_in_dim3A_259 = vector.broadcast %broadcast_in_dim3A_258 : i32 to vector<16xi32>
    tpu.vector_store_idx %arg11[%add3A_11, %broadcast_in_dim3A_259], %mul3A_137 : memref<64x16xf32, #tpu.memory_space<vmem>>[vector<16xi32>, vector<16xi32>], vector<16xf32>,
    %broadcast_in_dim3A_260 = arith.constant 3 : i32
    %broadcast_in_dim3A_261 = vector.broadcast %broadcast_in_dim3A_260 : i32 to vector<16xi32>
    tpu.vector_store_idx %arg11[%add3A_11, %broadcast_in_dim3A_261], %mul3A_241 : memref<64x16xf32, #tpu.memory_space<vmem>>[vector<16xi32>, vector<16xi32>], vector<16xf32>,
    %broadcast_in_dim3A_262 = arith.constant 4 : i32
    %broadcast_in_dim3A_263 = vector.broadcast %broadcast_in_dim3A_262 : i32 to vector<16xi32>
    tpu.vector_store_idx %arg11[%add3A_11, %broadcast_in_dim3A_263], %mul3A_247 : memref<64x16xf32, #tpu.memory_space<vmem>>[vector<16xi32>, vector<16xi32>], vector<16xf32>,
    %broadcast_in_dim3A_264 = arith.constant 5 : i32
    %broadcast_in_dim3A_265 = vector.broadcast %broadcast_in_dim3A_264 : i32 to vector<16xi32>
    tpu.vector_store_idx %arg11[%add3A_11, %broadcast_in_dim3A_265], %mul3A_253 : memref<64x16xf32, #tpu.memory_space<vmem>>[vector<16xi32>, vector<16xi32>], vector<16xf32>,
    %broadcast_in_dim3A_266 = arith.constant 6 : i32
    %broadcast_in_dim3A_267 = vector.broadcast %broadcast_in_dim3A_266 : i32 to vector<16xi32>
    tpu.vector_store_idx %arg11[%add3A_11, %broadcast_in_dim3A_267], %mul3A_141 : memref<64x16xf32, #tpu.memory_space<vmem>>[vector<16xi32>, vector<16xi32>], vector<16xf32>,
    %broadcast_in_dim3A_268 = arith.constant 7 : i32
    %broadcast_in_dim3A_269 = vector.broadcast %broadcast_in_dim3A_268 : i32 to vector<16xi32>
    tpu.vector_store_idx %arg11[%add3A_11, %broadcast_in_dim3A_269], %mul3A_142 : memref<64x16xf32, #tpu.memory_space<vmem>>[vector<16xi32>, vector<16xi32>], vector<16xf32>,
    %broadcast_in_dim3A_270 = arith.constant 8 : i32
    %broadcast_in_dim3A_271 = vector.broadcast %broadcast_in_dim3A_270 : i32 to vector<16xi32>
    tpu.vector_store_idx %arg11[%add3A_11, %broadcast_in_dim3A_271], %mul3A_143 : memref<64x16xf32, #tpu.memory_space<vmem>>[vector<16xi32>, vector<16xi32>], vector<16xf32>,
    %add3A_272 = arith.constant 16 : i32
    %add3A_273 = vector.broadcast %add3A_272 : i32 to vector<16xi32>
    %add3A_274 = arith.addi %add3A_273, %iota3A : vector<16xi32>
    %broadcast_in_dim3A_275 = arith.constant 0 : i32
    %broadcast_in_dim3A_276 = vector.broadcast %broadcast_in_dim3A_275 : i32 to vector<16xi32>
    %gather3A_277 = tpu.vector_load_idx %arg8[%add3A_274, %broadcast_in_dim3A_276] : memref<64x32xf32, #tpu.memory_space<vmem>>[vector<16xi32>, vector<16xi32>], vector<16xf32>,
    %gather3A_278 = tpu.vector_load_idx %arg9[%add3A_274, %broadcast_in_dim3A_276] : memref<64x32xf32, #tpu.memory_space<vmem>>[vector<16xi32>, vector<16xi32>], vector<16xf32>,
    %add3A_279 = arith.addf %gather3A_277, %gather3A_278 : vector<16xf32>
    %broadcast_in_dim3A_280 = arith.constant 1 : i32
    %broadcast_in_dim3A_281 = vector.broadcast %broadcast_in_dim3A_280 : i32 to vector<16xi32>
    %gather3A_282 = tpu.vector_load_idx %arg8[%add3A_274, %broadcast_in_dim3A_281] : memref<64x32xf32, #tpu.memory_space<vmem>>[vector<16xi32>, vector<16xi32>], vector<16xf32>,
    %gather3A_283 = tpu.vector_load_idx %arg9[%add3A_274, %broadcast_in_dim3A_281] : memref<64x32xf32, #tpu.memory_space<vmem>>[vector<16xi32>, vector<16xi32>], vector<16xf32>,
    %add3A_284 = arith.addf %gather3A_282, %gather3A_283 : vector<16xf32>
    %broadcast_in_dim3A_285 = arith.constant 2 : i32
    %broadcast_in_dim3A_286 = vector.broadcast %broadcast_in_dim3A_285 : i32 to vector<16xi32>
    %gather3A_287 = tpu.vector_load_idx %arg8[%add3A_274, %broadcast_in_dim3A_286] : memref<64x32xf32, #tpu.memory_space<vmem>>[vector<16xi32>, vector<16xi32>], vector<16xf32>,
    %gather3A_288 = tpu.vector_load_idx %arg9[%add3A_274, %broadcast_in_dim3A_286] : memref<64x32xf32, #tpu.memory_space<vmem>>[vector<16xi32>, vector<16xi32>], vector<16xf32>,
    %add3A_289 = arith.addf %gather3A_287, %gather3A_288 : vector<16xf32>
    %broadcast_in_dim3A_290 = arith.constant 3 : i32
    %broadcast_in_dim3A_291 = vector.broadcast %broadcast_in_dim3A_290 : i32 to vector<16xi32>
    %gather3A_292 = tpu.vector_load_idx %arg8[%add3A_274, %broadcast_in_dim3A_291] : memref<64x32xf32, #tpu.memory_space<vmem>>[vector<16xi32>, vector<16xi32>], vector<16xf32>,
    %gather3A_293 = tpu.vector_load_idx %arg9[%add3A_274, %broadcast_in_dim3A_291] : memref<64x32xf32, #tpu.memory_space<vmem>>[vector<16xi32>, vector<16xi32>], vector<16xf32>,
    %add3A_294 = arith.addf %gather3A_292, %gather3A_293 : vector<16xf32>
    %broadcast_in_dim3A_295 = arith.constant 4 : i32
    %broadcast_in_dim3A_296 = vector.broadcast %broadcast_in_dim3A_295 : i32 to vector<16xi32>
    %gather3A_297 = tpu.vector_load_idx %arg8[%add3A_274, %broadcast_in_dim3A_296] : memref<64x32xf32, #tpu.memory_space<vmem>>[vector<16xi32>, vector<16xi32>], vector<16xf32>,
    %gather3A_298 = tpu.vector_load_idx %arg9[%add3A_274, %broadcast_in_dim3A_296] : memref<64x32xf32, #tpu.memory_space<vmem>>[vector<16xi32>, vector<16xi32>], vector<16xf32>,
    %add3A_299 = arith.addf %gather3A_297, %gather3A_298 : vector<16xf32>
    %broadcast_in_dim3A_300 = arith.constant 5 : i32
    %broadcast_in_dim3A_301 = vector.broadcast %broadcast_in_dim3A_300 : i32 to vector<16xi32>
    %gather3A_302 = tpu.vector_load_idx %arg8[%add3A_274, %broadcast_in_dim3A_301] : memref<64x32xf32, #tpu.memory_space<vmem>>[vector<16xi32>, vector<16xi32>], vector<16xf32>,
    %gather3A_303 = tpu.vector_load_idx %arg9[%add3A_274, %broadcast_in_dim3A_301] : memref<64x32xf32, #tpu.memory_space<vmem>>[vector<16xi32>, vector<16xi32>], vector<16xf32>,
    %add3A_304 = arith.addf %gather3A_302, %gather3A_303 : vector<16xf32>
    %broadcast_in_dim3A_305 = arith.constant 6 : i32
    %broadcast_in_dim3A_306 = vector.broadcast %broadcast_in_dim3A_305 : i32 to vector<16xi32>
    %gather3A_307 = tpu.vector_load_idx %arg8[%add3A_274, %broadcast_in_dim3A_306] : memref<64x32xf32, #tpu.memory_space<vmem>>[vector<16xi32>, vector<16xi32>], vector<16xf32>,
    %gather3A_308 = tpu.vector_load_idx %arg9[%add3A_274, %broadcast_in_dim3A_306] : memref<64x32xf32, #tpu.memory_space<vmem>>[vector<16xi32>, vector<16xi32>], vector<16xf32>,
    %add3A_309 = arith.addf %gather3A_307, %gather3A_308 : vector<16xf32>
    %broadcast_in_dim3A_310 = arith.constant 7 : i32
    %broadcast_in_dim3A_311 = vector.broadcast %broadcast_in_dim3A_310 : i32 to vector<16xi32>
    %gather3A_312 = tpu.vector_load_idx %arg8[%add3A_274, %broadcast_in_dim3A_311] : memref<64x32xf32, #tpu.memory_space<vmem>>[vector<16xi32>, vector<16xi32>], vector<16xf32>,
    %gather3A_313 = tpu.vector_load_idx %arg9[%add3A_274, %broadcast_in_dim3A_311] : memref<64x32xf32, #tpu.memory_space<vmem>>[vector<16xi32>, vector<16xi32>], vector<16xf32>,
    %add3A_314 = arith.addf %gather3A_312, %gather3A_313 : vector<16xf32>
    %broadcast_in_dim3A_315 = arith.constant 8 : i32
    %broadcast_in_dim3A_316 = vector.broadcast %broadcast_in_dim3A_315 : i32 to vector<16xi32>
    %gather3A_317 = tpu.vector_load_idx %arg8[%add3A_274, %broadcast_in_dim3A_316] : memref<64x32xf32, #tpu.memory_space<vmem>>[vector<16xi32>, vector<16xi32>], vector<16xf32>,
    %gather3A_318 = tpu.vector_load_idx %arg9[%add3A_274, %broadcast_in_dim3A_316] : memref<64x32xf32, #tpu.memory_space<vmem>>[vector<16xi32>, vector<16xi32>], vector<16xf32>,
    %add3A_319 = arith.addf %gather3A_317, %gather3A_318 : vector<16xf32>
    %broadcast_in_dim3A_320 = arith.constant 9 : i32
    %broadcast_in_dim3A_321 = vector.broadcast %broadcast_in_dim3A_320 : i32 to vector<16xi32>
    %gather3A_322 = tpu.vector_load_idx %arg8[%add3A_274, %broadcast_in_dim3A_321] : memref<64x32xf32, #tpu.memory_space<vmem>>[vector<16xi32>, vector<16xi32>], vector<16xf32>,
    %gather3A_323 = tpu.vector_load_idx %arg9[%add3A_274, %broadcast_in_dim3A_321] : memref<64x32xf32, #tpu.memory_space<vmem>>[vector<16xi32>, vector<16xi32>], vector<16xf32>,
    %add3A_324 = arith.addf %gather3A_322, %gather3A_323 : vector<16xf32>
    %broadcast_in_dim3A_325 = arith.constant 10 : i32
    %broadcast_in_dim3A_326 = vector.broadcast %broadcast_in_dim3A_325 : i32 to vector<16xi32>
    %gather3A_327 = tpu.vector_load_idx %arg8[%add3A_274, %broadcast_in_dim3A_326] : memref<64x32xf32, #tpu.memory_space<vmem>>[vector<16xi32>, vector<16xi32>], vector<16xf32>,
    %gather3A_328 = tpu.vector_load_idx %arg9[%add3A_274, %broadcast_in_dim3A_326] : memref<64x32xf32, #tpu.memory_space<vmem>>[vector<16xi32>, vector<16xi32>], vector<16xf32>,
    %add3A_329 = arith.addf %gather3A_327, %gather3A_328 : vector<16xf32>
    %broadcast_in_dim3A_330 = arith.constant 11 : i32
    %broadcast_in_dim3A_331 = vector.broadcast %broadcast_in_dim3A_330 : i32 to vector<16xi32>
    %gather3A_332 = tpu.vector_load_idx %arg8[%add3A_274, %broadcast_in_dim3A_331] : memref<64x32xf32, #tpu.memory_space<vmem>>[vector<16xi32>, vector<16xi32>], vector<16xf32>,
    %gather3A_333 = tpu.vector_load_idx %arg9[%add3A_274, %broadcast_in_dim3A_331] : memref<64x32xf32, #tpu.memory_space<vmem>>[vector<16xi32>, vector<16xi32>], vector<16xf32>,
    %add3A_334 = arith.addf %gather3A_332, %gather3A_333 : vector<16xf32>
    %broadcast_in_dim3A_335 = arith.constant 12 : i32
    %broadcast_in_dim3A_336 = vector.broadcast %broadcast_in_dim3A_335 : i32 to vector<16xi32>
    %gather3A_337 = tpu.vector_load_idx %arg8[%add3A_274, %broadcast_in_dim3A_336] : memref<64x32xf32, #tpu.memory_space<vmem>>[vector<16xi32>, vector<16xi32>], vector<16xf32>,
    %gather3A_338 = tpu.vector_load_idx %arg9[%add3A_274, %broadcast_in_dim3A_336] : memref<64x32xf32, #tpu.memory_space<vmem>>[vector<16xi32>, vector<16xi32>], vector<16xf32>,
    %add3A_339 = arith.addf %gather3A_337, %gather3A_338 : vector<16xf32>
    %broadcast_in_dim3A_340 = arith.constant 13 : i32
    %broadcast_in_dim3A_341 = vector.broadcast %broadcast_in_dim3A_340 : i32 to vector<16xi32>
    %gather3A_342 = tpu.vector_load_idx %arg8[%add3A_274, %broadcast_in_dim3A_341] : memref<64x32xf32, #tpu.memory_space<vmem>>[vector<16xi32>, vector<16xi32>], vector<16xf32>,
    %gather3A_343 = tpu.vector_load_idx %arg9[%add3A_274, %broadcast_in_dim3A_341] : memref<64x32xf32, #tpu.memory_space<vmem>>[vector<16xi32>, vector<16xi32>], vector<16xf32>,
    %add3A_344 = arith.addf %gather3A_342, %gather3A_343 : vector<16xf32>
    %broadcast_in_dim3A_345 = arith.constant 14 : i32
    %broadcast_in_dim3A_346 = vector.broadcast %broadcast_in_dim3A_345 : i32 to vector<16xi32>
    %gather3A_347 = tpu.vector_load_idx %arg8[%add3A_274, %broadcast_in_dim3A_346] : memref<64x32xf32, #tpu.memory_space<vmem>>[vector<16xi32>, vector<16xi32>], vector<16xf32>,
    %gather3A_348 = tpu.vector_load_idx %arg9[%add3A_274, %broadcast_in_dim3A_346] : memref<64x32xf32, #tpu.memory_space<vmem>>[vector<16xi32>, vector<16xi32>], vector<16xf32>,
    %add3A_349 = arith.addf %gather3A_347, %gather3A_348 : vector<16xf32>
    %broadcast_in_dim3A_350 = arith.constant 15 : i32
    %broadcast_in_dim3A_351 = vector.broadcast %broadcast_in_dim3A_350 : i32 to vector<16xi32>
    %gather3A_352 = tpu.vector_load_idx %arg8[%add3A_274, %broadcast_in_dim3A_351] : memref<64x32xf32, #tpu.memory_space<vmem>>[vector<16xi32>, vector<16xi32>], vector<16xf32>,
    %gather3A_353 = tpu.vector_load_idx %arg9[%add3A_274, %broadcast_in_dim3A_351] : memref<64x32xf32, #tpu.memory_space<vmem>>[vector<16xi32>, vector<16xi32>], vector<16xf32>,
    %add3A_354 = arith.addf %gather3A_352, %gather3A_353 : vector<16xf32>
    %broadcast_in_dim3A_355 = arith.constant 16 : i32
    %broadcast_in_dim3A_356 = vector.broadcast %broadcast_in_dim3A_355 : i32 to vector<16xi32>
    %gather3A_357 = tpu.vector_load_idx %arg8[%add3A_274, %broadcast_in_dim3A_356] : memref<64x32xf32, #tpu.memory_space<vmem>>[vector<16xi32>, vector<16xi32>], vector<16xf32>,
    %gather3A_358 = tpu.vector_load_idx %arg9[%add3A_274, %broadcast_in_dim3A_356] : memref<64x32xf32, #tpu.memory_space<vmem>>[vector<16xi32>, vector<16xi32>], vector<16xf32>,
    %add3A_359 = arith.addf %gather3A_357, %gather3A_358 : vector<16xf32>
    %broadcast_in_dim3A_360 = arith.constant 17 : i32
    %broadcast_in_dim3A_361 = vector.broadcast %broadcast_in_dim3A_360 : i32 to vector<16xi32>
    %gather3A_362 = tpu.vector_load_idx %arg8[%add3A_274, %broadcast_in_dim3A_361] : memref<64x32xf32, #tpu.memory_space<vmem>>[vector<16xi32>, vector<16xi32>], vector<16xf32>,
    %gather3A_363 = tpu.vector_load_idx %arg9[%add3A_274, %broadcast_in_dim3A_361] : memref<64x32xf32, #tpu.memory_space<vmem>>[vector<16xi32>, vector<16xi32>], vector<16xf32>,
    %add3A_364 = arith.addf %gather3A_362, %gather3A_363 : vector<16xf32>
    %broadcast_in_dim3A_365 = arith.constant 18 : i32
    %broadcast_in_dim3A_366 = vector.broadcast %broadcast_in_dim3A_365 : i32 to vector<16xi32>
    %gather3A_367 = tpu.vector_load_idx %arg8[%add3A_274, %broadcast_in_dim3A_366] : memref<64x32xf32, #tpu.memory_space<vmem>>[vector<16xi32>, vector<16xi32>], vector<16xf32>,
    %gather3A_368 = tpu.vector_load_idx %arg9[%add3A_274, %broadcast_in_dim3A_366] : memref<64x32xf32, #tpu.memory_space<vmem>>[vector<16xi32>, vector<16xi32>], vector<16xf32>,
    %add3A_369 = arith.addf %gather3A_367, %gather3A_368 : vector<16xf32>
    %broadcast_in_dim3A_370 = arith.constant 19 : i32
    %broadcast_in_dim3A_371 = vector.broadcast %broadcast_in_dim3A_370 : i32 to vector<16xi32>
    %gather3A_372 = tpu.vector_load_idx %arg8[%add3A_274, %broadcast_in_dim3A_371] : memref<64x32xf32, #tpu.memory_space<vmem>>[vector<16xi32>, vector<16xi32>], vector<16xf32>,
    %gather3A_373 = tpu.vector_load_idx %arg9[%add3A_274, %broadcast_in_dim3A_371] : memref<64x32xf32, #tpu.memory_space<vmem>>[vector<16xi32>, vector<16xi32>], vector<16xf32>,
    %add3A_374 = arith.addf %gather3A_372, %gather3A_373 : vector<16xf32>
    %broadcast_in_dim3A_375 = arith.constant 20 : i32
    %broadcast_in_dim3A_376 = vector.broadcast %broadcast_in_dim3A_375 : i32 to vector<16xi32>
    %gather3A_377 = tpu.vector_load_idx %arg8[%add3A_274, %broadcast_in_dim3A_376] : memref<64x32xf32, #tpu.memory_space<vmem>>[vector<16xi32>, vector<16xi32>], vector<16xf32>,
    %gather3A_378 = tpu.vector_load_idx %arg9[%add3A_274, %broadcast_in_dim3A_376] : memref<64x32xf32, #tpu.memory_space<vmem>>[vector<16xi32>, vector<16xi32>], vector<16xf32>,
    %add3A_379 = arith.addf %gather3A_377, %gather3A_378 : vector<16xf32>
    %broadcast_in_dim3A_380 = arith.constant 21 : i32
    %broadcast_in_dim3A_381 = vector.broadcast %broadcast_in_dim3A_380 : i32 to vector<16xi32>
    %gather3A_382 = tpu.vector_load_idx %arg8[%add3A_274, %broadcast_in_dim3A_381] : memref<64x32xf32, #tpu.memory_space<vmem>>[vector<16xi32>, vector<16xi32>], vector<16xf32>,
    %gather3A_383 = tpu.vector_load_idx %arg9[%add3A_274, %broadcast_in_dim3A_381] : memref<64x32xf32, #tpu.memory_space<vmem>>[vector<16xi32>, vector<16xi32>], vector<16xf32>,
    %add3A_384 = arith.addf %gather3A_382, %gather3A_383 : vector<16xf32>
    %broadcast_in_dim3A_385 = arith.constant 22 : i32
    %broadcast_in_dim3A_386 = vector.broadcast %broadcast_in_dim3A_385 : i32 to vector<16xi32>
    %gather3A_387 = tpu.vector_load_idx %arg8[%add3A_274, %broadcast_in_dim3A_386] : memref<64x32xf32, #tpu.memory_space<vmem>>[vector<16xi32>, vector<16xi32>], vector<16xf32>,
    %gather3A_388 = tpu.vector_load_idx %arg9[%add3A_274, %broadcast_in_dim3A_386] : memref<64x32xf32, #tpu.memory_space<vmem>>[vector<16xi32>, vector<16xi32>], vector<16xf32>,
    %add3A_389 = arith.addf %gather3A_387, %gather3A_388 : vector<16xf32>
    %broadcast_in_dim3A_390 = arith.constant 23 : i32
    %broadcast_in_dim3A_391 = vector.broadcast %broadcast_in_dim3A_390 : i32 to vector<16xi32>
    %gather3A_392 = tpu.vector_load_idx %arg8[%add3A_274, %broadcast_in_dim3A_391] : memref<64x32xf32, #tpu.memory_space<vmem>>[vector<16xi32>, vector<16xi32>], vector<16xf32>,
    %gather3A_393 = tpu.vector_load_idx %arg9[%add3A_274, %broadcast_in_dim3A_391] : memref<64x32xf32, #tpu.memory_space<vmem>>[vector<16xi32>, vector<16xi32>], vector<16xf32>,
    %add3A_394 = arith.addf %gather3A_392, %gather3A_393 : vector<16xf32>
    %get3A_395 = arith.constant 16 : index
    %get3A_396 = tpu.vector_load %arg10[%get3A_395] {strides = array<i32>} : memref<64xf32, #tpu.memory_space<vmem>>, vector<16xf32>,
    %div3A_397 = arith.constant 1.000000e+00 : f32
    %div3A_398 = vector.broadcast %div3A_397 : f32 to vector<16xf32>
    %div3A_399 = arith.divf %div3A_398, %get3A_396 : vector<16xf32>
    %sub3A_400 = arith.subf %add3A_294, %add3A_279 : vector<16xf32>
    %mul3A_401 = arith.mulf %sub3A_400, %div3A_399 : vector<16xf32>
    %sub3A_402 = arith.subf %add3A_299, %add3A_284 : vector<16xf32>
    %mul3A_403 = arith.mulf %sub3A_402, %div3A_399 : vector<16xf32>
    %sub3A_404 = arith.subf %add3A_304, %add3A_289 : vector<16xf32>
    %mul3A_405 = arith.mulf %sub3A_404, %div3A_399 : vector<16xf32>
    %mul3A_406 = arith.mulf %add3A_309, %div3A_399 : vector<16xf32>
    %mul3A_407 = arith.mulf %add3A_314, %div3A_399 : vector<16xf32>
    %mul3A_408 = arith.mulf %add3A_319, %div3A_399 : vector<16xf32>
    %mul3A_409 = arith.mulf %add3A_339, %div3A_399 : vector<16xf32>
    %mul3A_410 = arith.mulf %add3A_344, %div3A_399 : vector<16xf32>
    %mul3A_411 = arith.mulf %add3A_349, %div3A_399 : vector<16xf32>
    %mul3A_412 = arith.mulf %mul3A_407, %add3A_289 : vector<16xf32>
    %mul3A_413 = arith.mulf %mul3A_408, %add3A_284 : vector<16xf32>
    %sub3A_414 = arith.subf %mul3A_412, %mul3A_413 : vector<16xf32>
    %sub3A_415 = arith.subf %add3A_324, %sub3A_414 : vector<16xf32>
    %mul3A_416 = arith.mulf %mul3A_408, %add3A_279 : vector<16xf32>
    %mul3A_417 = arith.mulf %mul3A_406, %add3A_289 : vector<16xf32>
    %sub3A_418 = arith.subf %mul3A_416, %mul3A_417 : vector<16xf32>
    %sub3A_419 = arith.subf %add3A_329, %sub3A_418 : vector<16xf32>
    %mul3A_420 = arith.mulf %mul3A_406, %add3A_284 : vector<16xf32>
    %mul3A_421 = arith.mulf %mul3A_407, %add3A_279 : vector<16xf32>
    %sub3A_422 = arith.subf %mul3A_420, %mul3A_421 : vector<16xf32>
    %sub3A_423 = arith.subf %add3A_334, %sub3A_422 : vector<16xf32>
    %mul3A_424 = arith.mulf %add3A_344, %mul3A_405 : vector<16xf32>
    %mul3A_425 = arith.mulf %add3A_349, %mul3A_403 : vector<16xf32>
    %sub3A_426 = arith.subf %mul3A_424, %mul3A_425 : vector<16xf32>
    %sub3A_427 = arith.subf %add3A_354, %sub3A_426 : vector<16xf32>
    %mul3A_428 = arith.mulf %mul3A_410, %add3A_289 : vector<16xf32>
    %mul3A_429 = arith.mulf %mul3A_411, %add3A_284 : vector<16xf32>
    %sub3A_430 = arith.subf %mul3A_428, %mul3A_429 : vector<16xf32>
    %sub3A_431 = arith.subf %sub3A_427, %sub3A_430 : vector<16xf32>
    %mul3A_432 = arith.mulf %add3A_349, %mul3A_401 : vector<16xf32>
    %mul3A_433 = arith.mulf %add3A_339, %mul3A_405 : vector<16xf32>
    %sub3A_434 = arith.subf %mul3A_432, %mul3A_433 : vector<16xf32>
    %sub3A_435 = arith.subf %add3A_359, %sub3A_434 : vector<16xf32>
    %mul3A_436 = arith.mulf %mul3A_411, %add3A_279 : vector<16xf32>
    %mul3A_437 = arith.mulf %mul3A_409, %add3A_289 : vector<16xf32>
    %sub3A_438 = arith.subf %mul3A_436, %mul3A_437 : vector<16xf32>
    %sub3A_439 = arith.subf %sub3A_435, %sub3A_438 : vector<16xf32>
    %mul3A_440 = arith.mulf %add3A_339, %mul3A_403 : vector<16xf32>
    %mul3A_441 = arith.mulf %add3A_344, %mul3A_401 : vector<16xf32>
    %sub3A_442 = arith.subf %mul3A_440, %mul3A_441 : vector<16xf32>
    %sub3A_443 = arith.subf %add3A_364, %sub3A_442 : vector<16xf32>
    %mul3A_444 = arith.mulf %mul3A_409, %add3A_284 : vector<16xf32>
    %mul3A_445 = arith.mulf %mul3A_410, %add3A_279 : vector<16xf32>
    %sub3A_446 = arith.subf %mul3A_444, %mul3A_445 : vector<16xf32>
    %sub3A_447 = arith.subf %sub3A_443, %sub3A_446 : vector<16xf32>
    %sub3A_448 = arith.subf %sub3A_415, %sub3A_431 : vector<16xf32>
    %sub3A_449 = arith.subf %sub3A_419, %sub3A_439 : vector<16xf32>
    %sub3A_450 = arith.subf %sub3A_423, %sub3A_447 : vector<16xf32>
    %add3A_451 = arith.addf %add3A_374, %add3A_379 : vector<16xf32>
    %mul3A_452 = arith.mulf %mul3A_410, %mul3A_410 : vector<16xf32>
    %mul3A_453 = arith.mulf %mul3A_411, %mul3A_411 : vector<16xf32>
    %add3A_454 = arith.addf %mul3A_452, %mul3A_453 : vector<16xf32>
    %mul3A_455 = arith.mulf %get3A_396, %add3A_454 : vector<16xf32>
    %sub3A_456 = arith.subf %add3A_451, %mul3A_455 : vector<16xf32>
    %add3A_457 = arith.addf %add3A_369, %add3A_379 : vector<16xf32>
    %mul3A_458 = arith.mulf %mul3A_409, %mul3A_409 : vector<16xf32>
    %mul3A_459 = arith.mulf %mul3A_411, %mul3A_411 : vector<16xf32>
    %add3A_460 = arith.addf %mul3A_458, %mul3A_459 : vector<16xf32>
    %mul3A_461 = arith.mulf %get3A_396, %add3A_460 : vector<16xf32>
    %sub3A_462 = arith.subf %add3A_457, %mul3A_461 : vector<16xf32>
    %add3A_463 = arith.addf %add3A_369, %add3A_374 : vector<16xf32>
    %mul3A_464 = arith.mulf %mul3A_409, %mul3A_409 : vector<16xf32>
    %mul3A_465 = arith.mulf %mul3A_410, %mul3A_410 : vector<16xf32>
    %add3A_466 = arith.addf %mul3A_464, %mul3A_465 : vector<16xf32>
    %mul3A_467 = arith.mulf %get3A_396, %add3A_466 : vector<16xf32>
    %sub3A_468 = arith.subf %add3A_463, %mul3A_467 : vector<16xf32>
    %mul3A_469 = arith.mulf %get3A_396, %mul3A_409 : vector<16xf32>
    %mul3A_470 = arith.mulf %mul3A_469, %mul3A_410 : vector<16xf32>
    %sub3A_471 = arith.subf %mul3A_470, %add3A_384 : vector<16xf32>
    %mul3A_472 = arith.mulf %get3A_396, %mul3A_409 : vector<16xf32>
    %mul3A_473 = arith.mulf %mul3A_472, %mul3A_411 : vector<16xf32>
    %sub3A_474 = arith.subf %mul3A_473, %add3A_389 : vector<16xf32>
    %mul3A_475 = arith.mulf %get3A_396, %mul3A_410 : vector<16xf32>
    %mul3A_476 = arith.mulf %mul3A_475, %mul3A_411 : vector<16xf32>
    %sub3A_477 = arith.subf %mul3A_476, %add3A_394 : vector<16xf32>
    %mul3A_478 = arith.mulf %sub3A_462, %sub3A_468 : vector<16xf32>
    %mul3A_479 = arith.mulf %sub3A_477, %sub3A_477 : vector<16xf32>
    %sub3A_480 = arith.subf %mul3A_478, %mul3A_479 : vector<16xf32>
    %mul3A_481 = arith.mulf %sub3A_474, %sub3A_477 : vector<16xf32>
    %mul3A_482 = arith.mulf %sub3A_471, %sub3A_468 : vector<16xf32>
    %sub3A_483 = arith.subf %mul3A_481, %mul3A_482 : vector<16xf32>
    %mul3A_484 = arith.mulf %sub3A_471, %sub3A_477 : vector<16xf32>
    %mul3A_485 = arith.mulf %sub3A_474, %sub3A_462 : vector<16xf32>
    %sub3A_486 = arith.subf %mul3A_484, %mul3A_485 : vector<16xf32>
    %mul3A_487 = arith.mulf %sub3A_456, %sub3A_480 : vector<16xf32>
    %mul3A_488 = arith.mulf %sub3A_471, %sub3A_483 : vector<16xf32>
    %add3A_489 = arith.addf %mul3A_487, %mul3A_488 : vector<16xf32>
    %mul3A_490 = arith.mulf %sub3A_474, %sub3A_486 : vector<16xf32>
    %add3A_491 = arith.addf %add3A_489, %mul3A_490 : vector<16xf32>
    %mul3A_492 = arith.mulf %sub3A_456, %sub3A_468 : vector<16xf32>
    %mul3A_493 = arith.mulf %sub3A_474, %sub3A_474 : vector<16xf32>
    %sub3A_494 = arith.subf %mul3A_492, %mul3A_493 : vector<16xf32>
    %mul3A_495 = arith.mulf %sub3A_471, %sub3A_474 : vector<16xf32>
    %mul3A_496 = arith.mulf %sub3A_456, %sub3A_477 : vector<16xf32>
    %sub3A_497 = arith.subf %mul3A_495, %mul3A_496 : vector<16xf32>
    %mul3A_498 = arith.mulf %sub3A_456, %sub3A_462 : vector<16xf32>
    %mul3A_499 = arith.mulf %sub3A_471, %sub3A_471 : vector<16xf32>
    %sub3A_500 = arith.subf %mul3A_498, %mul3A_499 : vector<16xf32>
    %div3A_501 = arith.constant 1.000000e+00 : f32
    %div3A_502 = vector.broadcast %div3A_501 : f32 to vector<16xf32>
    %div3A_503 = arith.divf %div3A_502, %add3A_491 : vector<16xf32>
    %mul3A_504 = arith.mulf %sub3A_480, %sub3A_448 : vector<16xf32>
    %mul3A_505 = arith.mulf %sub3A_483, %sub3A_449 : vector<16xf32>
    %add3A_506 = arith.addf %mul3A_504, %mul3A_505 : vector<16xf32>
    %mul3A_507 = arith.mulf %sub3A_486, %sub3A_450 : vector<16xf32>
    %add3A_508 = arith.addf %add3A_506, %mul3A_507 : vector<16xf32>
    %mul3A_509 = arith.mulf %add3A_508, %div3A_503 : vector<16xf32>
    %mul3A_510 = arith.mulf %sub3A_483, %sub3A_448 : vector<16xf32>
    %mul3A_511 = arith.mulf %sub3A_494, %sub3A_449 : vector<16xf32>
    %add3A_512 = arith.addf %mul3A_510, %mul3A_511 : vector<16xf32>
    %mul3A_513 = arith.mulf %sub3A_497, %sub3A_450 : vector<16xf32>
    %add3A_514 = arith.addf %add3A_512, %mul3A_513 : vector<16xf32>
    %mul3A_515 = arith.mulf %add3A_514, %div3A_503 : vector<16xf32>
    %mul3A_516 = arith.mulf %sub3A_486, %sub3A_448 : vector<16xf32>
    %mul3A_517 = arith.mulf %sub3A_497, %sub3A_449 : vector<16xf32>
    %add3A_518 = arith.addf %mul3A_516, %mul3A_517 : vector<16xf32>
    %mul3A_519 = arith.mulf %sub3A_500, %sub3A_450 : vector<16xf32>
    %add3A_520 = arith.addf %add3A_518, %mul3A_519 : vector<16xf32>
    %mul3A_521 = arith.mulf %add3A_520, %div3A_503 : vector<16xf32>
    %broadcast_in_dim3A_522 = arith.constant 0 : i32
    %broadcast_in_dim3A_523 = vector.broadcast %broadcast_in_dim3A_522 : i32 to vector<16xi32>
    tpu.vector_store_idx %arg11[%add3A_274, %broadcast_in_dim3A_523], %mul3A_401 : memref<64x16xf32, #tpu.memory_space<vmem>>[vector<16xi32>, vector<16xi32>], vector<16xf32>,
    %broadcast_in_dim3A_524 = arith.constant 1 : i32
    %broadcast_in_dim3A_525 = vector.broadcast %broadcast_in_dim3A_524 : i32 to vector<16xi32>
    tpu.vector_store_idx %arg11[%add3A_274, %broadcast_in_dim3A_525], %mul3A_403 : memref<64x16xf32, #tpu.memory_space<vmem>>[vector<16xi32>, vector<16xi32>], vector<16xf32>,
    %broadcast_in_dim3A_526 = arith.constant 2 : i32
    %broadcast_in_dim3A_527 = vector.broadcast %broadcast_in_dim3A_526 : i32 to vector<16xi32>
    tpu.vector_store_idx %arg11[%add3A_274, %broadcast_in_dim3A_527], %mul3A_405 : memref<64x16xf32, #tpu.memory_space<vmem>>[vector<16xi32>, vector<16xi32>], vector<16xf32>,
    %broadcast_in_dim3A_528 = arith.constant 3 : i32
    %broadcast_in_dim3A_529 = vector.broadcast %broadcast_in_dim3A_528 : i32 to vector<16xi32>
    tpu.vector_store_idx %arg11[%add3A_274, %broadcast_in_dim3A_529], %mul3A_509 : memref<64x16xf32, #tpu.memory_space<vmem>>[vector<16xi32>, vector<16xi32>], vector<16xf32>,
    %broadcast_in_dim3A_530 = arith.constant 4 : i32
    %broadcast_in_dim3A_531 = vector.broadcast %broadcast_in_dim3A_530 : i32 to vector<16xi32>
    tpu.vector_store_idx %arg11[%add3A_274, %broadcast_in_dim3A_531], %mul3A_515 : memref<64x16xf32, #tpu.memory_space<vmem>>[vector<16xi32>, vector<16xi32>], vector<16xf32>,
    %broadcast_in_dim3A_532 = arith.constant 5 : i32
    %broadcast_in_dim3A_533 = vector.broadcast %broadcast_in_dim3A_532 : i32 to vector<16xi32>
    tpu.vector_store_idx %arg11[%add3A_274, %broadcast_in_dim3A_533], %mul3A_521 : memref<64x16xf32, #tpu.memory_space<vmem>>[vector<16xi32>, vector<16xi32>], vector<16xf32>,
    %broadcast_in_dim3A_534 = arith.constant 6 : i32
    %broadcast_in_dim3A_535 = vector.broadcast %broadcast_in_dim3A_534 : i32 to vector<16xi32>
    tpu.vector_store_idx %arg11[%add3A_274, %broadcast_in_dim3A_535], %mul3A_409 : memref<64x16xf32, #tpu.memory_space<vmem>>[vector<16xi32>, vector<16xi32>], vector<16xf32>,
    %broadcast_in_dim3A_536 = arith.constant 7 : i32
    %broadcast_in_dim3A_537 = vector.broadcast %broadcast_in_dim3A_536 : i32 to vector<16xi32>
    tpu.vector_store_idx %arg11[%add3A_274, %broadcast_in_dim3A_537], %mul3A_410 : memref<64x16xf32, #tpu.memory_space<vmem>>[vector<16xi32>, vector<16xi32>], vector<16xf32>,
    %broadcast_in_dim3A_538 = arith.constant 8 : i32
    %broadcast_in_dim3A_539 = vector.broadcast %broadcast_in_dim3A_538 : i32 to vector<16xi32>
    tpu.vector_store_idx %arg11[%add3A_274, %broadcast_in_dim3A_539], %mul3A_411 : memref<64x16xf32, #tpu.memory_space<vmem>>[vector<16xi32>, vector<16xi32>], vector<16xf32>,
    %add3A_540 = arith.constant 32 : i32
    %add3A_541 = vector.broadcast %add3A_540 : i32 to vector<16xi32>
    %add3A_542 = arith.addi %add3A_541, %iota3A : vector<16xi32>
    %broadcast_in_dim3A_543 = arith.constant 0 : i32
    %broadcast_in_dim3A_544 = vector.broadcast %broadcast_in_dim3A_543 : i32 to vector<16xi32>
    %gather3A_545 = tpu.vector_load_idx %arg8[%add3A_542, %broadcast_in_dim3A_544] : memref<64x32xf32, #tpu.memory_space<vmem>>[vector<16xi32>, vector<16xi32>], vector<16xf32>,
    %gather3A_546 = tpu.vector_load_idx %arg9[%add3A_542, %broadcast_in_dim3A_544] : memref<64x32xf32, #tpu.memory_space<vmem>>[vector<16xi32>, vector<16xi32>], vector<16xf32>,
    %add3A_547 = arith.addf %gather3A_545, %gather3A_546 : vector<16xf32>
    %broadcast_in_dim3A_548 = arith.constant 1 : i32
    %broadcast_in_dim3A_549 = vector.broadcast %broadcast_in_dim3A_548 : i32 to vector<16xi32>
    %gather3A_550 = tpu.vector_load_idx %arg8[%add3A_542, %broadcast_in_dim3A_549] : memref<64x32xf32, #tpu.memory_space<vmem>>[vector<16xi32>, vector<16xi32>], vector<16xf32>,
    %gather3A_551 = tpu.vector_load_idx %arg9[%add3A_542, %broadcast_in_dim3A_549] : memref<64x32xf32, #tpu.memory_space<vmem>>[vector<16xi32>, vector<16xi32>], vector<16xf32>,
    %add3A_552 = arith.addf %gather3A_550, %gather3A_551 : vector<16xf32>
    %broadcast_in_dim3A_553 = arith.constant 2 : i32
    %broadcast_in_dim3A_554 = vector.broadcast %broadcast_in_dim3A_553 : i32 to vector<16xi32>
    %gather3A_555 = tpu.vector_load_idx %arg8[%add3A_542, %broadcast_in_dim3A_554] : memref<64x32xf32, #tpu.memory_space<vmem>>[vector<16xi32>, vector<16xi32>], vector<16xf32>,
    %gather3A_556 = tpu.vector_load_idx %arg9[%add3A_542, %broadcast_in_dim3A_554] : memref<64x32xf32, #tpu.memory_space<vmem>>[vector<16xi32>, vector<16xi32>], vector<16xf32>,
    %add3A_557 = arith.addf %gather3A_555, %gather3A_556 : vector<16xf32>
    %broadcast_in_dim3A_558 = arith.constant 3 : i32
    %broadcast_in_dim3A_559 = vector.broadcast %broadcast_in_dim3A_558 : i32 to vector<16xi32>
    %gather3A_560 = tpu.vector_load_idx %arg8[%add3A_542, %broadcast_in_dim3A_559] : memref<64x32xf32, #tpu.memory_space<vmem>>[vector<16xi32>, vector<16xi32>], vector<16xf32>,
    %gather3A_561 = tpu.vector_load_idx %arg9[%add3A_542, %broadcast_in_dim3A_559] : memref<64x32xf32, #tpu.memory_space<vmem>>[vector<16xi32>, vector<16xi32>], vector<16xf32>,
    %add3A_562 = arith.addf %gather3A_560, %gather3A_561 : vector<16xf32>
    %broadcast_in_dim3A_563 = arith.constant 4 : i32
    %broadcast_in_dim3A_564 = vector.broadcast %broadcast_in_dim3A_563 : i32 to vector<16xi32>
    %gather3A_565 = tpu.vector_load_idx %arg8[%add3A_542, %broadcast_in_dim3A_564] : memref<64x32xf32, #tpu.memory_space<vmem>>[vector<16xi32>, vector<16xi32>], vector<16xf32>,
    %gather3A_566 = tpu.vector_load_idx %arg9[%add3A_542, %broadcast_in_dim3A_564] : memref<64x32xf32, #tpu.memory_space<vmem>>[vector<16xi32>, vector<16xi32>], vector<16xf32>,
    %add3A_567 = arith.addf %gather3A_565, %gather3A_566 : vector<16xf32>
    %broadcast_in_dim3A_568 = arith.constant 5 : i32
    %broadcast_in_dim3A_569 = vector.broadcast %broadcast_in_dim3A_568 : i32 to vector<16xi32>
    %gather3A_570 = tpu.vector_load_idx %arg8[%add3A_542, %broadcast_in_dim3A_569] : memref<64x32xf32, #tpu.memory_space<vmem>>[vector<16xi32>, vector<16xi32>], vector<16xf32>,
    %gather3A_571 = tpu.vector_load_idx %arg9[%add3A_542, %broadcast_in_dim3A_569] : memref<64x32xf32, #tpu.memory_space<vmem>>[vector<16xi32>, vector<16xi32>], vector<16xf32>,
    %add3A_572 = arith.addf %gather3A_570, %gather3A_571 : vector<16xf32>
    %broadcast_in_dim3A_573 = arith.constant 6 : i32
    %broadcast_in_dim3A_574 = vector.broadcast %broadcast_in_dim3A_573 : i32 to vector<16xi32>
    %gather3A_575 = tpu.vector_load_idx %arg8[%add3A_542, %broadcast_in_dim3A_574] : memref<64x32xf32, #tpu.memory_space<vmem>>[vector<16xi32>, vector<16xi32>], vector<16xf32>,
    %gather3A_576 = tpu.vector_load_idx %arg9[%add3A_542, %broadcast_in_dim3A_574] : memref<64x32xf32, #tpu.memory_space<vmem>>[vector<16xi32>, vector<16xi32>], vector<16xf32>,
    %add3A_577 = arith.addf %gather3A_575, %gather3A_576 : vector<16xf32>
    %broadcast_in_dim3A_578 = arith.constant 7 : i32
    %broadcast_in_dim3A_579 = vector.broadcast %broadcast_in_dim3A_578 : i32 to vector<16xi32>
    %gather3A_580 = tpu.vector_load_idx %arg8[%add3A_542, %broadcast_in_dim3A_579] : memref<64x32xf32, #tpu.memory_space<vmem>>[vector<16xi32>, vector<16xi32>], vector<16xf32>,
    %gather3A_581 = tpu.vector_load_idx %arg9[%add3A_542, %broadcast_in_dim3A_579] : memref<64x32xf32, #tpu.memory_space<vmem>>[vector<16xi32>, vector<16xi32>], vector<16xf32>,
    %add3A_582 = arith.addf %gather3A_580, %gather3A_581 : vector<16xf32>
    %broadcast_in_dim3A_583 = arith.constant 8 : i32
    %broadcast_in_dim3A_584 = vector.broadcast %broadcast_in_dim3A_583 : i32 to vector<16xi32>
    %gather3A_585 = tpu.vector_load_idx %arg8[%add3A_542, %broadcast_in_dim3A_584] : memref<64x32xf32, #tpu.memory_space<vmem>>[vector<16xi32>, vector<16xi32>], vector<16xf32>,
    %gather3A_586 = tpu.vector_load_idx %arg9[%add3A_542, %broadcast_in_dim3A_584] : memref<64x32xf32, #tpu.memory_space<vmem>>[vector<16xi32>, vector<16xi32>], vector<16xf32>,
    %add3A_587 = arith.addf %gather3A_585, %gather3A_586 : vector<16xf32>
    %broadcast_in_dim3A_588 = arith.constant 9 : i32
    %broadcast_in_dim3A_589 = vector.broadcast %broadcast_in_dim3A_588 : i32 to vector<16xi32>
    %gather3A_590 = tpu.vector_load_idx %arg8[%add3A_542, %broadcast_in_dim3A_589] : memref<64x32xf32, #tpu.memory_space<vmem>>[vector<16xi32>, vector<16xi32>], vector<16xf32>,
    %gather3A_591 = tpu.vector_load_idx %arg9[%add3A_542, %broadcast_in_dim3A_589] : memref<64x32xf32, #tpu.memory_space<vmem>>[vector<16xi32>, vector<16xi32>], vector<16xf32>,
    %add3A_592 = arith.addf %gather3A_590, %gather3A_591 : vector<16xf32>
    %broadcast_in_dim3A_593 = arith.constant 10 : i32
    %broadcast_in_dim3A_594 = vector.broadcast %broadcast_in_dim3A_593 : i32 to vector<16xi32>
    %gather3A_595 = tpu.vector_load_idx %arg8[%add3A_542, %broadcast_in_dim3A_594] : memref<64x32xf32, #tpu.memory_space<vmem>>[vector<16xi32>, vector<16xi32>], vector<16xf32>,
    %gather3A_596 = tpu.vector_load_idx %arg9[%add3A_542, %broadcast_in_dim3A_594] : memref<64x32xf32, #tpu.memory_space<vmem>>[vector<16xi32>, vector<16xi32>], vector<16xf32>,
    %add3A_597 = arith.addf %gather3A_595, %gather3A_596 : vector<16xf32>
    %broadcast_in_dim3A_598 = arith.constant 11 : i32
    %broadcast_in_dim3A_599 = vector.broadcast %broadcast_in_dim3A_598 : i32 to vector<16xi32>
    %gather3A_600 = tpu.vector_load_idx %arg8[%add3A_542, %broadcast_in_dim3A_599] : memref<64x32xf32, #tpu.memory_space<vmem>>[vector<16xi32>, vector<16xi32>], vector<16xf32>,
    %gather3A_601 = tpu.vector_load_idx %arg9[%add3A_542, %broadcast_in_dim3A_599] : memref<64x32xf32, #tpu.memory_space<vmem>>[vector<16xi32>, vector<16xi32>], vector<16xf32>,
    %add3A_602 = arith.addf %gather3A_600, %gather3A_601 : vector<16xf32>
    %broadcast_in_dim3A_603 = arith.constant 12 : i32
    %broadcast_in_dim3A_604 = vector.broadcast %broadcast_in_dim3A_603 : i32 to vector<16xi32>
    %gather3A_605 = tpu.vector_load_idx %arg8[%add3A_542, %broadcast_in_dim3A_604] : memref<64x32xf32, #tpu.memory_space<vmem>>[vector<16xi32>, vector<16xi32>], vector<16xf32>,
    %gather3A_606 = tpu.vector_load_idx %arg9[%add3A_542, %broadcast_in_dim3A_604] : memref<64x32xf32, #tpu.memory_space<vmem>>[vector<16xi32>, vector<16xi32>], vector<16xf32>,
    %add3A_607 = arith.addf %gather3A_605, %gather3A_606 : vector<16xf32>
    %broadcast_in_dim3A_608 = arith.constant 13 : i32
    %broadcast_in_dim3A_609 = vector.broadcast %broadcast_in_dim3A_608 : i32 to vector<16xi32>
    %gather3A_610 = tpu.vector_load_idx %arg8[%add3A_542, %broadcast_in_dim3A_609] : memref<64x32xf32, #tpu.memory_space<vmem>>[vector<16xi32>, vector<16xi32>], vector<16xf32>,
    %gather3A_611 = tpu.vector_load_idx %arg9[%add3A_542, %broadcast_in_dim3A_609] : memref<64x32xf32, #tpu.memory_space<vmem>>[vector<16xi32>, vector<16xi32>], vector<16xf32>,
    %add3A_612 = arith.addf %gather3A_610, %gather3A_611 : vector<16xf32>
    %broadcast_in_dim3A_613 = arith.constant 14 : i32
    %broadcast_in_dim3A_614 = vector.broadcast %broadcast_in_dim3A_613 : i32 to vector<16xi32>
    %gather3A_615 = tpu.vector_load_idx %arg8[%add3A_542, %broadcast_in_dim3A_614] : memref<64x32xf32, #tpu.memory_space<vmem>>[vector<16xi32>, vector<16xi32>], vector<16xf32>,
    %gather3A_616 = tpu.vector_load_idx %arg9[%add3A_542, %broadcast_in_dim3A_614] : memref<64x32xf32, #tpu.memory_space<vmem>>[vector<16xi32>, vector<16xi32>], vector<16xf32>,
    %add3A_617 = arith.addf %gather3A_615, %gather3A_616 : vector<16xf32>
    %broadcast_in_dim3A_618 = arith.constant 15 : i32
    %broadcast_in_dim3A_619 = vector.broadcast %broadcast_in_dim3A_618 : i32 to vector<16xi32>
    %gather3A_620 = tpu.vector_load_idx %arg8[%add3A_542, %broadcast_in_dim3A_619] : memref<64x32xf32, #tpu.memory_space<vmem>>[vector<16xi32>, vector<16xi32>], vector<16xf32>,
    %gather3A_621 = tpu.vector_load_idx %arg9[%add3A_542, %broadcast_in_dim3A_619] : memref<64x32xf32, #tpu.memory_space<vmem>>[vector<16xi32>, vector<16xi32>], vector<16xf32>,
    %add3A_622 = arith.addf %gather3A_620, %gather3A_621 : vector<16xf32>
    %broadcast_in_dim3A_623 = arith.constant 16 : i32
    %broadcast_in_dim3A_624 = vector.broadcast %broadcast_in_dim3A_623 : i32 to vector<16xi32>
    %gather3A_625 = tpu.vector_load_idx %arg8[%add3A_542, %broadcast_in_dim3A_624] : memref<64x32xf32, #tpu.memory_space<vmem>>[vector<16xi32>, vector<16xi32>], vector<16xf32>,
    %gather3A_626 = tpu.vector_load_idx %arg9[%add3A_542, %broadcast_in_dim3A_624] : memref<64x32xf32, #tpu.memory_space<vmem>>[vector<16xi32>, vector<16xi32>], vector<16xf32>,
    %add3A_627 = arith.addf %gather3A_625, %gather3A_626 : vector<16xf32>
    %broadcast_in_dim3A_628 = arith.constant 17 : i32
    %broadcast_in_dim3A_629 = vector.broadcast %broadcast_in_dim3A_628 : i32 to vector<16xi32>
    %gather3A_630 = tpu.vector_load_idx %arg8[%add3A_542, %broadcast_in_dim3A_629] : memref<64x32xf32, #tpu.memory_space<vmem>>[vector<16xi32>, vector<16xi32>], vector<16xf32>,
    %gather3A_631 = tpu.vector_load_idx %arg9[%add3A_542, %broadcast_in_dim3A_629] : memref<64x32xf32, #tpu.memory_space<vmem>>[vector<16xi32>, vector<16xi32>], vector<16xf32>,
    %add3A_632 = arith.addf %gather3A_630, %gather3A_631 : vector<16xf32>
    %broadcast_in_dim3A_633 = arith.constant 18 : i32
    %broadcast_in_dim3A_634 = vector.broadcast %broadcast_in_dim3A_633 : i32 to vector<16xi32>
    %gather3A_635 = tpu.vector_load_idx %arg8[%add3A_542, %broadcast_in_dim3A_634] : memref<64x32xf32, #tpu.memory_space<vmem>>[vector<16xi32>, vector<16xi32>], vector<16xf32>,
    %gather3A_636 = tpu.vector_load_idx %arg9[%add3A_542, %broadcast_in_dim3A_634] : memref<64x32xf32, #tpu.memory_space<vmem>>[vector<16xi32>, vector<16xi32>], vector<16xf32>,
    %add3A_637 = arith.addf %gather3A_635, %gather3A_636 : vector<16xf32>
    %broadcast_in_dim3A_638 = arith.constant 19 : i32
    %broadcast_in_dim3A_639 = vector.broadcast %broadcast_in_dim3A_638 : i32 to vector<16xi32>
    %gather3A_640 = tpu.vector_load_idx %arg8[%add3A_542, %broadcast_in_dim3A_639] : memref<64x32xf32, #tpu.memory_space<vmem>>[vector<16xi32>, vector<16xi32>], vector<16xf32>,
    %gather3A_641 = tpu.vector_load_idx %arg9[%add3A_542, %broadcast_in_dim3A_639] : memref<64x32xf32, #tpu.memory_space<vmem>>[vector<16xi32>, vector<16xi32>], vector<16xf32>,
    %add3A_642 = arith.addf %gather3A_640, %gather3A_641 : vector<16xf32>
    %broadcast_in_dim3A_643 = arith.constant 20 : i32
    %broadcast_in_dim3A_644 = vector.broadcast %broadcast_in_dim3A_643 : i32 to vector<16xi32>
    %gather3A_645 = tpu.vector_load_idx %arg8[%add3A_542, %broadcast_in_dim3A_644] : memref<64x32xf32, #tpu.memory_space<vmem>>[vector<16xi32>, vector<16xi32>], vector<16xf32>,
    %gather3A_646 = tpu.vector_load_idx %arg9[%add3A_542, %broadcast_in_dim3A_644] : memref<64x32xf32, #tpu.memory_space<vmem>>[vector<16xi32>, vector<16xi32>], vector<16xf32>,
    %add3A_647 = arith.addf %gather3A_645, %gather3A_646 : vector<16xf32>
    %broadcast_in_dim3A_648 = arith.constant 21 : i32
    %broadcast_in_dim3A_649 = vector.broadcast %broadcast_in_dim3A_648 : i32 to vector<16xi32>
    %gather3A_650 = tpu.vector_load_idx %arg8[%add3A_542, %broadcast_in_dim3A_649] : memref<64x32xf32, #tpu.memory_space<vmem>>[vector<16xi32>, vector<16xi32>], vector<16xf32>,
    %gather3A_651 = tpu.vector_load_idx %arg9[%add3A_542, %broadcast_in_dim3A_649] : memref<64x32xf32, #tpu.memory_space<vmem>>[vector<16xi32>, vector<16xi32>], vector<16xf32>,
    %add3A_652 = arith.addf %gather3A_650, %gather3A_651 : vector<16xf32>
    %broadcast_in_dim3A_653 = arith.constant 22 : i32
    %broadcast_in_dim3A_654 = vector.broadcast %broadcast_in_dim3A_653 : i32 to vector<16xi32>
    %gather3A_655 = tpu.vector_load_idx %arg8[%add3A_542, %broadcast_in_dim3A_654] : memref<64x32xf32, #tpu.memory_space<vmem>>[vector<16xi32>, vector<16xi32>], vector<16xf32>,
    %gather3A_656 = tpu.vector_load_idx %arg9[%add3A_542, %broadcast_in_dim3A_654] : memref<64x32xf32, #tpu.memory_space<vmem>>[vector<16xi32>, vector<16xi32>], vector<16xf32>,
    %add3A_657 = arith.addf %gather3A_655, %gather3A_656 : vector<16xf32>
    %broadcast_in_dim3A_658 = arith.constant 23 : i32
    %broadcast_in_dim3A_659 = vector.broadcast %broadcast_in_dim3A_658 : i32 to vector<16xi32>
    %gather3A_660 = tpu.vector_load_idx %arg8[%add3A_542, %broadcast_in_dim3A_659] : memref<64x32xf32, #tpu.memory_space<vmem>>[vector<16xi32>, vector<16xi32>], vector<16xf32>,
    %gather3A_661 = tpu.vector_load_idx %arg9[%add3A_542, %broadcast_in_dim3A_659] : memref<64x32xf32, #tpu.memory_space<vmem>>[vector<16xi32>, vector<16xi32>], vector<16xf32>,
    %add3A_662 = arith.addf %gather3A_660, %gather3A_661 : vector<16xf32>
    %get3A_663 = arith.constant 32 : index
    %get3A_664 = tpu.vector_load %arg10[%get3A_663] {strides = array<i32>} : memref<64xf32, #tpu.memory_space<vmem>>, vector<16xf32>,
    %div3A_665 = arith.constant 1.000000e+00 : f32
    %div3A_666 = vector.broadcast %div3A_665 : f32 to vector<16xf32>
    %div3A_667 = arith.divf %div3A_666, %get3A_664 : vector<16xf32>
    %sub3A_668 = arith.subf %add3A_562, %add3A_547 : vector<16xf32>
    %mul3A_669 = arith.mulf %sub3A_668, %div3A_667 : vector<16xf32>
    %sub3A_670 = arith.subf %add3A_567, %add3A_552 : vector<16xf32>
    %mul3A_671 = arith.mulf %sub3A_670, %div3A_667 : vector<16xf32>
    %sub3A_672 = arith.subf %add3A_572, %add3A_557 : vector<16xf32>
    %mul3A_673 = arith.mulf %sub3A_672, %div3A_667 : vector<16xf32>
    %mul3A_674 = arith.mulf %add3A_577, %div3A_667 : vector<16xf32>
    %mul3A_675 = arith.mulf %add3A_582, %div3A_667 : vector<16xf32>
    %mul3A_676 = arith.mulf %add3A_587, %div3A_667 : vector<16xf32>
    %mul3A_677 = arith.mulf %add3A_607, %div3A_667 : vector<16xf32>
    %mul3A_678 = arith.mulf %add3A_612, %div3A_667 : vector<16xf32>
    %mul3A_679 = arith.mulf %add3A_617, %div3A_667 : vector<16xf32>
    %mul3A_680 = arith.mulf %mul3A_675, %add3A_557 : vector<16xf32>
    %mul3A_681 = arith.mulf %mul3A_676, %add3A_552 : vector<16xf32>
    %sub3A_682 = arith.subf %mul3A_680, %mul3A_681 : vector<16xf32>
    %sub3A_683 = arith.subf %add3A_592, %sub3A_682 : vector<16xf32>
    %mul3A_684 = arith.mulf %mul3A_676, %add3A_547 : vector<16xf32>
    %mul3A_685 = arith.mulf %mul3A_674, %add3A_557 : vector<16xf32>
    %sub3A_686 = arith.subf %mul3A_684, %mul3A_685 : vector<16xf32>
    %sub3A_687 = arith.subf %add3A_597, %sub3A_686 : vector<16xf32>
    %mul3A_688 = arith.mulf %mul3A_674, %add3A_552 : vector<16xf32>
    %mul3A_689 = arith.mulf %mul3A_675, %add3A_547 : vector<16xf32>
    %sub3A_690 = arith.subf %mul3A_688, %mul3A_689 : vector<16xf32>
    %sub3A_691 = arith.subf %add3A_602, %sub3A_690 : vector<16xf32>
    %mul3A_692 = arith.mulf %add3A_612, %mul3A_673 : vector<16xf32>
    %mul3A_693 = arith.mulf %add3A_617, %mul3A_671 : vector<16xf32>
    %sub3A_694 = arith.subf %mul3A_692, %mul3A_693 : vector<16xf32>
    %sub3A_695 = arith.subf %add3A_622, %sub3A_694 : vector<16xf32>
    %mul3A_696 = arith.mulf %mul3A_678, %add3A_557 : vector<16xf32>
    %mul3A_697 = arith.mulf %mul3A_679, %add3A_552 : vector<16xf32>
    %sub3A_698 = arith.subf %mul3A_696, %mul3A_697 : vector<16xf32>
    %sub3A_699 = arith.subf %sub3A_695, %sub3A_698 : vector<16xf32>
    %mul3A_700 = arith.mulf %add3A_617, %mul3A_669 : vector<16xf32>
    %mul3A_701 = arith.mulf %add3A_607, %mul3A_673 : vector<16xf32>
    %sub3A_702 = arith.subf %mul3A_700, %mul3A_701 : vector<16xf32>
    %sub3A_703 = arith.subf %add3A_627, %sub3A_702 : vector<16xf32>
    %mul3A_704 = arith.mulf %mul3A_679, %add3A_547 : vector<16xf32>
    %mul3A_705 = arith.mulf %mul3A_677, %add3A_557 : vector<16xf32>
    %sub3A_706 = arith.subf %mul3A_704, %mul3A_705 : vector<16xf32>
    %sub3A_707 = arith.subf %sub3A_703, %sub3A_706 : vector<16xf32>
    %mul3A_708 = arith.mulf %add3A_607, %mul3A_671 : vector<16xf32>
    %mul3A_709 = arith.mulf %add3A_612, %mul3A_669 : vector<16xf32>
    %sub3A_710 = arith.subf %mul3A_708, %mul3A_709 : vector<16xf32>
    %sub3A_711 = arith.subf %add3A_632, %sub3A_710 : vector<16xf32>
    %mul3A_712 = arith.mulf %mul3A_677, %add3A_552 : vector<16xf32>
    %mul3A_713 = arith.mulf %mul3A_678, %add3A_547 : vector<16xf32>
    %sub3A_714 = arith.subf %mul3A_712, %mul3A_713 : vector<16xf32>
    %sub3A_715 = arith.subf %sub3A_711, %sub3A_714 : vector<16xf32>
    %sub3A_716 = arith.subf %sub3A_683, %sub3A_699 : vector<16xf32>
    %sub3A_717 = arith.subf %sub3A_687, %sub3A_707 : vector<16xf32>
    %sub3A_718 = arith.subf %sub3A_691, %sub3A_715 : vector<16xf32>
    %add3A_719 = arith.addf %add3A_642, %add3A_647 : vector<16xf32>
    %mul3A_720 = arith.mulf %mul3A_678, %mul3A_678 : vector<16xf32>
    %mul3A_721 = arith.mulf %mul3A_679, %mul3A_679 : vector<16xf32>
    %add3A_722 = arith.addf %mul3A_720, %mul3A_721 : vector<16xf32>
    %mul3A_723 = arith.mulf %get3A_664, %add3A_722 : vector<16xf32>
    %sub3A_724 = arith.subf %add3A_719, %mul3A_723 : vector<16xf32>
    %add3A_725 = arith.addf %add3A_637, %add3A_647 : vector<16xf32>
    %mul3A_726 = arith.mulf %mul3A_677, %mul3A_677 : vector<16xf32>
    %mul3A_727 = arith.mulf %mul3A_679, %mul3A_679 : vector<16xf32>
    %add3A_728 = arith.addf %mul3A_726, %mul3A_727 : vector<16xf32>
    %mul3A_729 = arith.mulf %get3A_664, %add3A_728 : vector<16xf32>
    %sub3A_730 = arith.subf %add3A_725, %mul3A_729 : vector<16xf32>
    %add3A_731 = arith.addf %add3A_637, %add3A_642 : vector<16xf32>
    %mul3A_732 = arith.mulf %mul3A_677, %mul3A_677 : vector<16xf32>
    %mul3A_733 = arith.mulf %mul3A_678, %mul3A_678 : vector<16xf32>
    %add3A_734 = arith.addf %mul3A_732, %mul3A_733 : vector<16xf32>
    %mul3A_735 = arith.mulf %get3A_664, %add3A_734 : vector<16xf32>
    %sub3A_736 = arith.subf %add3A_731, %mul3A_735 : vector<16xf32>
    %mul3A_737 = arith.mulf %get3A_664, %mul3A_677 : vector<16xf32>
    %mul3A_738 = arith.mulf %mul3A_737, %mul3A_678 : vector<16xf32>
    %sub3A_739 = arith.subf %mul3A_738, %add3A_652 : vector<16xf32>
    %mul3A_740 = arith.mulf %get3A_664, %mul3A_677 : vector<16xf32>
    %mul3A_741 = arith.mulf %mul3A_740, %mul3A_679 : vector<16xf32>
    %sub3A_742 = arith.subf %mul3A_741, %add3A_657 : vector<16xf32>
    %mul3A_743 = arith.mulf %get3A_664, %mul3A_678 : vector<16xf32>
    %mul3A_744 = arith.mulf %mul3A_743, %mul3A_679 : vector<16xf32>
    %sub3A_745 = arith.subf %mul3A_744, %add3A_662 : vector<16xf32>
    %mul3A_746 = arith.mulf %sub3A_730, %sub3A_736 : vector<16xf32>
    %mul3A_747 = arith.mulf %sub3A_745, %sub3A_745 : vector<16xf32>
    %sub3A_748 = arith.subf %mul3A_746, %mul3A_747 : vector<16xf32>
    %mul3A_749 = arith.mulf %sub3A_742, %sub3A_745 : vector<16xf32>
    %mul3A_750 = arith.mulf %sub3A_739, %sub3A_736 : vector<16xf32>
    %sub3A_751 = arith.subf %mul3A_749, %mul3A_750 : vector<16xf32>
    %mul3A_752 = arith.mulf %sub3A_739, %sub3A_745 : vector<16xf32>
    %mul3A_753 = arith.mulf %sub3A_742, %sub3A_730 : vector<16xf32>
    %sub3A_754 = arith.subf %mul3A_752, %mul3A_753 : vector<16xf32>
    %mul3A_755 = arith.mulf %sub3A_724, %sub3A_748 : vector<16xf32>
    %mul3A_756 = arith.mulf %sub3A_739, %sub3A_751 : vector<16xf32>
    %add3A_757 = arith.addf %mul3A_755, %mul3A_756 : vector<16xf32>
    %mul3A_758 = arith.mulf %sub3A_742, %sub3A_754 : vector<16xf32>
    %add3A_759 = arith.addf %add3A_757, %mul3A_758 : vector<16xf32>
    %mul3A_760 = arith.mulf %sub3A_724, %sub3A_736 : vector<16xf32>
    %mul3A_761 = arith.mulf %sub3A_742, %sub3A_742 : vector<16xf32>
    %sub3A_762 = arith.subf %mul3A_760, %mul3A_761 : vector<16xf32>
    %mul3A_763 = arith.mulf %sub3A_739, %sub3A_742 : vector<16xf32>
    %mul3A_764 = arith.mulf %sub3A_724, %sub3A_745 : vector<16xf32>
    %sub3A_765 = arith.subf %mul3A_763, %mul3A_764 : vector<16xf32>
    %mul3A_766 = arith.mulf %sub3A_724, %sub3A_730 : vector<16xf32>
    %mul3A_767 = arith.mulf %sub3A_739, %sub3A_739 : vector<16xf32>
    %sub3A_768 = arith.subf %mul3A_766, %mul3A_767 : vector<16xf32>
    %div3A_769 = arith.constant 1.000000e+00 : f32
    %div3A_770 = vector.broadcast %div3A_769 : f32 to vector<16xf32>
    %div3A_771 = arith.divf %div3A_770, %add3A_759 : vector<16xf32>
    %mul3A_772 = arith.mulf %sub3A_748, %sub3A_716 : vector<16xf32>
    %mul3A_773 = arith.mulf %sub3A_751, %sub3A_717 : vector<16xf32>
    %add3A_774 = arith.addf %mul3A_772, %mul3A_773 : vector<16xf32>
    %mul3A_775 = arith.mulf %sub3A_754, %sub3A_718 : vector<16xf32>
    %add3A_776 = arith.addf %add3A_774, %mul3A_775 : vector<16xf32>
    %mul3A_777 = arith.mulf %add3A_776, %div3A_771 : vector<16xf32>
    %mul3A_778 = arith.mulf %sub3A_751, %sub3A_716 : vector<16xf32>
    %mul3A_779 = arith.mulf %sub3A_762, %sub3A_717 : vector<16xf32>
    %add3A_780 = arith.addf %mul3A_778, %mul3A_779 : vector<16xf32>
    %mul3A_781 = arith.mulf %sub3A_765, %sub3A_718 : vector<16xf32>
    %add3A_782 = arith.addf %add3A_780, %mul3A_781 : vector<16xf32>
    %mul3A_783 = arith.mulf %add3A_782, %div3A_771 : vector<16xf32>
    %mul3A_784 = arith.mulf %sub3A_754, %sub3A_716 : vector<16xf32>
    %mul3A_785 = arith.mulf %sub3A_765, %sub3A_717 : vector<16xf32>
    %add3A_786 = arith.addf %mul3A_784, %mul3A_785 : vector<16xf32>
    %mul3A_787 = arith.mulf %sub3A_768, %sub3A_718 : vector<16xf32>
    %add3A_788 = arith.addf %add3A_786, %mul3A_787 : vector<16xf32>
    %mul3A_789 = arith.mulf %add3A_788, %div3A_771 : vector<16xf32>
    %broadcast_in_dim3A_790 = arith.constant 0 : i32
    %broadcast_in_dim3A_791 = vector.broadcast %broadcast_in_dim3A_790 : i32 to vector<16xi32>
    tpu.vector_store_idx %arg11[%add3A_542, %broadcast_in_dim3A_791], %mul3A_669 : memref<64x16xf32, #tpu.memory_space<vmem>>[vector<16xi32>, vector<16xi32>], vector<16xf32>,
    %broadcast_in_dim3A_792 = arith.constant 1 : i32
    %broadcast_in_dim3A_793 = vector.broadcast %broadcast_in_dim3A_792 : i32 to vector<16xi32>
    tpu.vector_store_idx %arg11[%add3A_542, %broadcast_in_dim3A_793], %mul3A_671 : memref<64x16xf32, #tpu.memory_space<vmem>>[vector<16xi32>, vector<16xi32>], vector<16xf32>,
    %broadcast_in_dim3A_794 = arith.constant 2 : i32
    %broadcast_in_dim3A_795 = vector.broadcast %broadcast_in_dim3A_794 : i32 to vector<16xi32>
    tpu.vector_store_idx %arg11[%add3A_542, %broadcast_in_dim3A_795], %mul3A_673 : memref<64x16xf32, #tpu.memory_space<vmem>>[vector<16xi32>, vector<16xi32>], vector<16xf32>,
    %broadcast_in_dim3A_796 = arith.constant 3 : i32
    %broadcast_in_dim3A_797 = vector.broadcast %broadcast_in_dim3A_796 : i32 to vector<16xi32>
    tpu.vector_store_idx %arg11[%add3A_542, %broadcast_in_dim3A_797], %mul3A_777 : memref<64x16xf32, #tpu.memory_space<vmem>>[vector<16xi32>, vector<16xi32>], vector<16xf32>,
    %broadcast_in_dim3A_798 = arith.constant 4 : i32
    %broadcast_in_dim3A_799 = vector.broadcast %broadcast_in_dim3A_798 : i32 to vector<16xi32>
    tpu.vector_store_idx %arg11[%add3A_542, %broadcast_in_dim3A_799], %mul3A_783 : memref<64x16xf32, #tpu.memory_space<vmem>>[vector<16xi32>, vector<16xi32>], vector<16xf32>,
    %broadcast_in_dim3A_800 = arith.constant 5 : i32
    %broadcast_in_dim3A_801 = vector.broadcast %broadcast_in_dim3A_800 : i32 to vector<16xi32>
    tpu.vector_store_idx %arg11[%add3A_542, %broadcast_in_dim3A_801], %mul3A_789 : memref<64x16xf32, #tpu.memory_space<vmem>>[vector<16xi32>, vector<16xi32>], vector<16xf32>,
    %broadcast_in_dim3A_802 = arith.constant 6 : i32
    %broadcast_in_dim3A_803 = vector.broadcast %broadcast_in_dim3A_802 : i32 to vector<16xi32>
    tpu.vector_store_idx %arg11[%add3A_542, %broadcast_in_dim3A_803], %mul3A_677 : memref<64x16xf32, #tpu.memory_space<vmem>>[vector<16xi32>, vector<16xi32>], vector<16xf32>,
    %broadcast_in_dim3A_804 = arith.constant 7 : i32
    %broadcast_in_dim3A_805 = vector.broadcast %broadcast_in_dim3A_804 : i32 to vector<16xi32>
    tpu.vector_store_idx %arg11[%add3A_542, %broadcast_in_dim3A_805], %mul3A_678 : memref<64x16xf32, #tpu.memory_space<vmem>>[vector<16xi32>, vector<16xi32>], vector<16xf32>,
    %broadcast_in_dim3A_806 = arith.constant 8 : i32
    %broadcast_in_dim3A_807 = vector.broadcast %broadcast_in_dim3A_806 : i32 to vector<16xi32>
    tpu.vector_store_idx %arg11[%add3A_542, %broadcast_in_dim3A_807], %mul3A_679 : memref<64x16xf32, #tpu.memory_space<vmem>>[vector<16xi32>, vector<16xi32>], vector<16xf32>,
    %add3A_808 = arith.constant 48 : i32
    %add3A_809 = vector.broadcast %add3A_808 : i32 to vector<16xi32>
    %add3A_810 = arith.addi %add3A_809, %iota3A : vector<16xi32>
    %broadcast_in_dim3A_811 = arith.constant 0 : i32
    %broadcast_in_dim3A_812 = vector.broadcast %broadcast_in_dim3A_811 : i32 to vector<16xi32>
    %gather3A_813 = tpu.vector_load_idx %arg8[%add3A_810, %broadcast_in_dim3A_812] : memref<64x32xf32, #tpu.memory_space<vmem>>[vector<16xi32>, vector<16xi32>], vector<16xf32>,
    %gather3A_814 = tpu.vector_load_idx %arg9[%add3A_810, %broadcast_in_dim3A_812] : memref<64x32xf32, #tpu.memory_space<vmem>>[vector<16xi32>, vector<16xi32>], vector<16xf32>,
    %add3A_815 = arith.addf %gather3A_813, %gather3A_814 : vector<16xf32>
    %broadcast_in_dim3A_816 = arith.constant 1 : i32
    %broadcast_in_dim3A_817 = vector.broadcast %broadcast_in_dim3A_816 : i32 to vector<16xi32>
    %gather3A_818 = tpu.vector_load_idx %arg8[%add3A_810, %broadcast_in_dim3A_817] : memref<64x32xf32, #tpu.memory_space<vmem>>[vector<16xi32>, vector<16xi32>], vector<16xf32>,
    %gather3A_819 = tpu.vector_load_idx %arg9[%add3A_810, %broadcast_in_dim3A_817] : memref<64x32xf32, #tpu.memory_space<vmem>>[vector<16xi32>, vector<16xi32>], vector<16xf32>,
    %add3A_820 = arith.addf %gather3A_818, %gather3A_819 : vector<16xf32>
    %broadcast_in_dim3A_821 = arith.constant 2 : i32
    %broadcast_in_dim3A_822 = vector.broadcast %broadcast_in_dim3A_821 : i32 to vector<16xi32>
    %gather3A_823 = tpu.vector_load_idx %arg8[%add3A_810, %broadcast_in_dim3A_822] : memref<64x32xf32, #tpu.memory_space<vmem>>[vector<16xi32>, vector<16xi32>], vector<16xf32>,
    %gather3A_824 = tpu.vector_load_idx %arg9[%add3A_810, %broadcast_in_dim3A_822] : memref<64x32xf32, #tpu.memory_space<vmem>>[vector<16xi32>, vector<16xi32>], vector<16xf32>,
    %add3A_825 = arith.addf %gather3A_823, %gather3A_824 : vector<16xf32>
    %broadcast_in_dim3A_826 = arith.constant 3 : i32
    %broadcast_in_dim3A_827 = vector.broadcast %broadcast_in_dim3A_826 : i32 to vector<16xi32>
    %gather3A_828 = tpu.vector_load_idx %arg8[%add3A_810, %broadcast_in_dim3A_827] : memref<64x32xf32, #tpu.memory_space<vmem>>[vector<16xi32>, vector<16xi32>], vector<16xf32>,
    %gather3A_829 = tpu.vector_load_idx %arg9[%add3A_810, %broadcast_in_dim3A_827] : memref<64x32xf32, #tpu.memory_space<vmem>>[vector<16xi32>, vector<16xi32>], vector<16xf32>,
    %add3A_830 = arith.addf %gather3A_828, %gather3A_829 : vector<16xf32>
    %broadcast_in_dim3A_831 = arith.constant 4 : i32
    %broadcast_in_dim3A_832 = vector.broadcast %broadcast_in_dim3A_831 : i32 to vector<16xi32>
    %gather3A_833 = tpu.vector_load_idx %arg8[%add3A_810, %broadcast_in_dim3A_832] : memref<64x32xf32, #tpu.memory_space<vmem>>[vector<16xi32>, vector<16xi32>], vector<16xf32>,
    %gather3A_834 = tpu.vector_load_idx %arg9[%add3A_810, %broadcast_in_dim3A_832] : memref<64x32xf32, #tpu.memory_space<vmem>>[vector<16xi32>, vector<16xi32>], vector<16xf32>,
    %add3A_835 = arith.addf %gather3A_833, %gather3A_834 : vector<16xf32>
    %broadcast_in_dim3A_836 = arith.constant 5 : i32
    %broadcast_in_dim3A_837 = vector.broadcast %broadcast_in_dim3A_836 : i32 to vector<16xi32>
    %gather3A_838 = tpu.vector_load_idx %arg8[%add3A_810, %broadcast_in_dim3A_837] : memref<64x32xf32, #tpu.memory_space<vmem>>[vector<16xi32>, vector<16xi32>], vector<16xf32>,
    %gather3A_839 = tpu.vector_load_idx %arg9[%add3A_810, %broadcast_in_dim3A_837] : memref<64x32xf32, #tpu.memory_space<vmem>>[vector<16xi32>, vector<16xi32>], vector<16xf32>,
    %add3A_840 = arith.addf %gather3A_838, %gather3A_839 : vector<16xf32>
    %broadcast_in_dim3A_841 = arith.constant 6 : i32
    %broadcast_in_dim3A_842 = vector.broadcast %broadcast_in_dim3A_841 : i32 to vector<16xi32>
    %gather3A_843 = tpu.vector_load_idx %arg8[%add3A_810, %broadcast_in_dim3A_842] : memref<64x32xf32, #tpu.memory_space<vmem>>[vector<16xi32>, vector<16xi32>], vector<16xf32>,
    %gather3A_844 = tpu.vector_load_idx %arg9[%add3A_810, %broadcast_in_dim3A_842] : memref<64x32xf32, #tpu.memory_space<vmem>>[vector<16xi32>, vector<16xi32>], vector<16xf32>,
    %add3A_845 = arith.addf %gather3A_843, %gather3A_844 : vector<16xf32>
    %broadcast_in_dim3A_846 = arith.constant 7 : i32
    %broadcast_in_dim3A_847 = vector.broadcast %broadcast_in_dim3A_846 : i32 to vector<16xi32>
    %gather3A_848 = tpu.vector_load_idx %arg8[%add3A_810, %broadcast_in_dim3A_847] : memref<64x32xf32, #tpu.memory_space<vmem>>[vector<16xi32>, vector<16xi32>], vector<16xf32>,
    %gather3A_849 = tpu.vector_load_idx %arg9[%add3A_810, %broadcast_in_dim3A_847] : memref<64x32xf32, #tpu.memory_space<vmem>>[vector<16xi32>, vector<16xi32>], vector<16xf32>,
    %add3A_850 = arith.addf %gather3A_848, %gather3A_849 : vector<16xf32>
    %broadcast_in_dim3A_851 = arith.constant 8 : i32
    %broadcast_in_dim3A_852 = vector.broadcast %broadcast_in_dim3A_851 : i32 to vector<16xi32>
    %gather3A_853 = tpu.vector_load_idx %arg8[%add3A_810, %broadcast_in_dim3A_852] : memref<64x32xf32, #tpu.memory_space<vmem>>[vector<16xi32>, vector<16xi32>], vector<16xf32>,
    %gather3A_854 = tpu.vector_load_idx %arg9[%add3A_810, %broadcast_in_dim3A_852] : memref<64x32xf32, #tpu.memory_space<vmem>>[vector<16xi32>, vector<16xi32>], vector<16xf32>,
    %add3A_855 = arith.addf %gather3A_853, %gather3A_854 : vector<16xf32>
    %broadcast_in_dim3A_856 = arith.constant 9 : i32
    %broadcast_in_dim3A_857 = vector.broadcast %broadcast_in_dim3A_856 : i32 to vector<16xi32>
    %gather3A_858 = tpu.vector_load_idx %arg8[%add3A_810, %broadcast_in_dim3A_857] : memref<64x32xf32, #tpu.memory_space<vmem>>[vector<16xi32>, vector<16xi32>], vector<16xf32>,
    %gather3A_859 = tpu.vector_load_idx %arg9[%add3A_810, %broadcast_in_dim3A_857] : memref<64x32xf32, #tpu.memory_space<vmem>>[vector<16xi32>, vector<16xi32>], vector<16xf32>,
    %add3A_860 = arith.addf %gather3A_858, %gather3A_859 : vector<16xf32>
    %broadcast_in_dim3A_861 = arith.constant 10 : i32
    %broadcast_in_dim3A_862 = vector.broadcast %broadcast_in_dim3A_861 : i32 to vector<16xi32>
    %gather3A_863 = tpu.vector_load_idx %arg8[%add3A_810, %broadcast_in_dim3A_862] : memref<64x32xf32, #tpu.memory_space<vmem>>[vector<16xi32>, vector<16xi32>], vector<16xf32>,
    %gather3A_864 = tpu.vector_load_idx %arg9[%add3A_810, %broadcast_in_dim3A_862] : memref<64x32xf32, #tpu.memory_space<vmem>>[vector<16xi32>, vector<16xi32>], vector<16xf32>,
    %add3A_865 = arith.addf %gather3A_863, %gather3A_864 : vector<16xf32>
    %broadcast_in_dim3A_866 = arith.constant 11 : i32
    %broadcast_in_dim3A_867 = vector.broadcast %broadcast_in_dim3A_866 : i32 to vector<16xi32>
    %gather3A_868 = tpu.vector_load_idx %arg8[%add3A_810, %broadcast_in_dim3A_867] : memref<64x32xf32, #tpu.memory_space<vmem>>[vector<16xi32>, vector<16xi32>], vector<16xf32>,
    %gather3A_869 = tpu.vector_load_idx %arg9[%add3A_810, %broadcast_in_dim3A_867] : memref<64x32xf32, #tpu.memory_space<vmem>>[vector<16xi32>, vector<16xi32>], vector<16xf32>,
    %add3A_870 = arith.addf %gather3A_868, %gather3A_869 : vector<16xf32>
    %broadcast_in_dim3A_871 = arith.constant 12 : i32
    %broadcast_in_dim3A_872 = vector.broadcast %broadcast_in_dim3A_871 : i32 to vector<16xi32>
    %gather3A_873 = tpu.vector_load_idx %arg8[%add3A_810, %broadcast_in_dim3A_872] : memref<64x32xf32, #tpu.memory_space<vmem>>[vector<16xi32>, vector<16xi32>], vector<16xf32>,
    %gather3A_874 = tpu.vector_load_idx %arg9[%add3A_810, %broadcast_in_dim3A_872] : memref<64x32xf32, #tpu.memory_space<vmem>>[vector<16xi32>, vector<16xi32>], vector<16xf32>,
    %add3A_875 = arith.addf %gather3A_873, %gather3A_874 : vector<16xf32>
    %broadcast_in_dim3A_876 = arith.constant 13 : i32
    %broadcast_in_dim3A_877 = vector.broadcast %broadcast_in_dim3A_876 : i32 to vector<16xi32>
    %gather3A_878 = tpu.vector_load_idx %arg8[%add3A_810, %broadcast_in_dim3A_877] : memref<64x32xf32, #tpu.memory_space<vmem>>[vector<16xi32>, vector<16xi32>], vector<16xf32>,
    %gather3A_879 = tpu.vector_load_idx %arg9[%add3A_810, %broadcast_in_dim3A_877] : memref<64x32xf32, #tpu.memory_space<vmem>>[vector<16xi32>, vector<16xi32>], vector<16xf32>,
    %add3A_880 = arith.addf %gather3A_878, %gather3A_879 : vector<16xf32>
    %broadcast_in_dim3A_881 = arith.constant 14 : i32
    %broadcast_in_dim3A_882 = vector.broadcast %broadcast_in_dim3A_881 : i32 to vector<16xi32>
    %gather3A_883 = tpu.vector_load_idx %arg8[%add3A_810, %broadcast_in_dim3A_882] : memref<64x32xf32, #tpu.memory_space<vmem>>[vector<16xi32>, vector<16xi32>], vector<16xf32>,
    %gather3A_884 = tpu.vector_load_idx %arg9[%add3A_810, %broadcast_in_dim3A_882] : memref<64x32xf32, #tpu.memory_space<vmem>>[vector<16xi32>, vector<16xi32>], vector<16xf32>,
    %add3A_885 = arith.addf %gather3A_883, %gather3A_884 : vector<16xf32>
    %broadcast_in_dim3A_886 = arith.constant 15 : i32
    %broadcast_in_dim3A_887 = vector.broadcast %broadcast_in_dim3A_886 : i32 to vector<16xi32>
    %gather3A_888 = tpu.vector_load_idx %arg8[%add3A_810, %broadcast_in_dim3A_887] : memref<64x32xf32, #tpu.memory_space<vmem>>[vector<16xi32>, vector<16xi32>], vector<16xf32>,
    %gather3A_889 = tpu.vector_load_idx %arg9[%add3A_810, %broadcast_in_dim3A_887] : memref<64x32xf32, #tpu.memory_space<vmem>>[vector<16xi32>, vector<16xi32>], vector<16xf32>,
    %add3A_890 = arith.addf %gather3A_888, %gather3A_889 : vector<16xf32>
    %broadcast_in_dim3A_891 = arith.constant 16 : i32
    %broadcast_in_dim3A_892 = vector.broadcast %broadcast_in_dim3A_891 : i32 to vector<16xi32>
    %gather3A_893 = tpu.vector_load_idx %arg8[%add3A_810, %broadcast_in_dim3A_892] : memref<64x32xf32, #tpu.memory_space<vmem>>[vector<16xi32>, vector<16xi32>], vector<16xf32>,
    %gather3A_894 = tpu.vector_load_idx %arg9[%add3A_810, %broadcast_in_dim3A_892] : memref<64x32xf32, #tpu.memory_space<vmem>>[vector<16xi32>, vector<16xi32>], vector<16xf32>,
    %add3A_895 = arith.addf %gather3A_893, %gather3A_894 : vector<16xf32>
    %broadcast_in_dim3A_896 = arith.constant 17 : i32
    %broadcast_in_dim3A_897 = vector.broadcast %broadcast_in_dim3A_896 : i32 to vector<16xi32>
    %gather3A_898 = tpu.vector_load_idx %arg8[%add3A_810, %broadcast_in_dim3A_897] : memref<64x32xf32, #tpu.memory_space<vmem>>[vector<16xi32>, vector<16xi32>], vector<16xf32>,
    %gather3A_899 = tpu.vector_load_idx %arg9[%add3A_810, %broadcast_in_dim3A_897] : memref<64x32xf32, #tpu.memory_space<vmem>>[vector<16xi32>, vector<16xi32>], vector<16xf32>,
    %add3A_900 = arith.addf %gather3A_898, %gather3A_899 : vector<16xf32>
    %broadcast_in_dim3A_901 = arith.constant 18 : i32
    %broadcast_in_dim3A_902 = vector.broadcast %broadcast_in_dim3A_901 : i32 to vector<16xi32>
    %gather3A_903 = tpu.vector_load_idx %arg8[%add3A_810, %broadcast_in_dim3A_902] : memref<64x32xf32, #tpu.memory_space<vmem>>[vector<16xi32>, vector<16xi32>], vector<16xf32>,
    %gather3A_904 = tpu.vector_load_idx %arg9[%add3A_810, %broadcast_in_dim3A_902] : memref<64x32xf32, #tpu.memory_space<vmem>>[vector<16xi32>, vector<16xi32>], vector<16xf32>,
    %add3A_905 = arith.addf %gather3A_903, %gather3A_904 : vector<16xf32>
    %broadcast_in_dim3A_906 = arith.constant 19 : i32
    %broadcast_in_dim3A_907 = vector.broadcast %broadcast_in_dim3A_906 : i32 to vector<16xi32>
    %gather3A_908 = tpu.vector_load_idx %arg8[%add3A_810, %broadcast_in_dim3A_907] : memref<64x32xf32, #tpu.memory_space<vmem>>[vector<16xi32>, vector<16xi32>], vector<16xf32>,
    %gather3A_909 = tpu.vector_load_idx %arg9[%add3A_810, %broadcast_in_dim3A_907] : memref<64x32xf32, #tpu.memory_space<vmem>>[vector<16xi32>, vector<16xi32>], vector<16xf32>,
    %add3A_910 = arith.addf %gather3A_908, %gather3A_909 : vector<16xf32>
    %broadcast_in_dim3A_911 = arith.constant 20 : i32
    %broadcast_in_dim3A_912 = vector.broadcast %broadcast_in_dim3A_911 : i32 to vector<16xi32>
    %gather3A_913 = tpu.vector_load_idx %arg8[%add3A_810, %broadcast_in_dim3A_912] : memref<64x32xf32, #tpu.memory_space<vmem>>[vector<16xi32>, vector<16xi32>], vector<16xf32>,
    %gather3A_914 = tpu.vector_load_idx %arg9[%add3A_810, %broadcast_in_dim3A_912] : memref<64x32xf32, #tpu.memory_space<vmem>>[vector<16xi32>, vector<16xi32>], vector<16xf32>,
    %add3A_915 = arith.addf %gather3A_913, %gather3A_914 : vector<16xf32>
    %broadcast_in_dim3A_916 = arith.constant 21 : i32
    %broadcast_in_dim3A_917 = vector.broadcast %broadcast_in_dim3A_916 : i32 to vector<16xi32>
    %gather3A_918 = tpu.vector_load_idx %arg8[%add3A_810, %broadcast_in_dim3A_917] : memref<64x32xf32, #tpu.memory_space<vmem>>[vector<16xi32>, vector<16xi32>], vector<16xf32>,
    %gather3A_919 = tpu.vector_load_idx %arg9[%add3A_810, %broadcast_in_dim3A_917] : memref<64x32xf32, #tpu.memory_space<vmem>>[vector<16xi32>, vector<16xi32>], vector<16xf32>,
    %add3A_920 = arith.addf %gather3A_918, %gather3A_919 : vector<16xf32>
    %broadcast_in_dim3A_921 = arith.constant 22 : i32
    %broadcast_in_dim3A_922 = vector.broadcast %broadcast_in_dim3A_921 : i32 to vector<16xi32>
    %gather3A_923 = tpu.vector_load_idx %arg8[%add3A_810, %broadcast_in_dim3A_922] : memref<64x32xf32, #tpu.memory_space<vmem>>[vector<16xi32>, vector<16xi32>], vector<16xf32>,
    %gather3A_924 = tpu.vector_load_idx %arg9[%add3A_810, %broadcast_in_dim3A_922] : memref<64x32xf32, #tpu.memory_space<vmem>>[vector<16xi32>, vector<16xi32>], vector<16xf32>,
    %add3A_925 = arith.addf %gather3A_923, %gather3A_924 : vector<16xf32>
    %broadcast_in_dim3A_926 = arith.constant 23 : i32
    %broadcast_in_dim3A_927 = vector.broadcast %broadcast_in_dim3A_926 : i32 to vector<16xi32>
    %gather3A_928 = tpu.vector_load_idx %arg8[%add3A_810, %broadcast_in_dim3A_927] : memref<64x32xf32, #tpu.memory_space<vmem>>[vector<16xi32>, vector<16xi32>], vector<16xf32>,
    %gather3A_929 = tpu.vector_load_idx %arg9[%add3A_810, %broadcast_in_dim3A_927] : memref<64x32xf32, #tpu.memory_space<vmem>>[vector<16xi32>, vector<16xi32>], vector<16xf32>,
    %add3A_930 = arith.addf %gather3A_928, %gather3A_929 : vector<16xf32>
    %get3A_931 = arith.constant 48 : index
    %get3A_932 = tpu.vector_load %arg10[%get3A_931] {strides = array<i32>} : memref<64xf32, #tpu.memory_space<vmem>>, vector<16xf32>,
    %div3A_933 = arith.constant 1.000000e+00 : f32
    %div3A_934 = vector.broadcast %div3A_933 : f32 to vector<16xf32>
    %div3A_935 = arith.divf %div3A_934, %get3A_932 : vector<16xf32>
    %sub3A_936 = arith.subf %add3A_830, %add3A_815 : vector<16xf32>
    %mul3A_937 = arith.mulf %sub3A_936, %div3A_935 : vector<16xf32>
    %sub3A_938 = arith.subf %add3A_835, %add3A_820 : vector<16xf32>
    %mul3A_939 = arith.mulf %sub3A_938, %div3A_935 : vector<16xf32>
    %sub3A_940 = arith.subf %add3A_840, %add3A_825 : vector<16xf32>
    %mul3A_941 = arith.mulf %sub3A_940, %div3A_935 : vector<16xf32>
    %mul3A_942 = arith.mulf %add3A_845, %div3A_935 : vector<16xf32>
    %mul3A_943 = arith.mulf %add3A_850, %div3A_935 : vector<16xf32>
    %mul3A_944 = arith.mulf %add3A_855, %div3A_935 : vector<16xf32>
    %mul3A_945 = arith.mulf %add3A_875, %div3A_935 : vector<16xf32>
    %mul3A_946 = arith.mulf %add3A_880, %div3A_935 : vector<16xf32>
    %mul3A_947 = arith.mulf %add3A_885, %div3A_935 : vector<16xf32>
    %mul3A_948 = arith.mulf %mul3A_943, %add3A_825 : vector<16xf32>
    %mul3A_949 = arith.mulf %mul3A_944, %add3A_820 : vector<16xf32>
    %sub3A_950 = arith.subf %mul3A_948, %mul3A_949 : vector<16xf32>
    %sub3A_951 = arith.subf %add3A_860, %sub3A_950 : vector<16xf32>
    %mul3A_952 = arith.mulf %mul3A_944, %add3A_815 : vector<16xf32>
    %mul3A_953 = arith.mulf %mul3A_942, %add3A_825 : vector<16xf32>
    %sub3A_954 = arith.subf %mul3A_952, %mul3A_953 : vector<16xf32>
    %sub3A_955 = arith.subf %add3A_865, %sub3A_954 : vector<16xf32>
    %mul3A_956 = arith.mulf %mul3A_942, %add3A_820 : vector<16xf32>
    %mul3A_957 = arith.mulf %mul3A_943, %add3A_815 : vector<16xf32>
    %sub3A_958 = arith.subf %mul3A_956, %mul3A_957 : vector<16xf32>
    %sub3A_959 = arith.subf %add3A_870, %sub3A_958 : vector<16xf32>
    %mul3A_960 = arith.mulf %add3A_880, %mul3A_941 : vector<16xf32>
    %mul3A_961 = arith.mulf %add3A_885, %mul3A_939 : vector<16xf32>
    %sub3A_962 = arith.subf %mul3A_960, %mul3A_961 : vector<16xf32>
    %sub3A_963 = arith.subf %add3A_890, %sub3A_962 : vector<16xf32>
    %mul3A_964 = arith.mulf %mul3A_946, %add3A_825 : vector<16xf32>
    %mul3A_965 = arith.mulf %mul3A_947, %add3A_820 : vector<16xf32>
    %sub3A_966 = arith.subf %mul3A_964, %mul3A_965 : vector<16xf32>
    %sub3A_967 = arith.subf %sub3A_963, %sub3A_966 : vector<16xf32>
    %mul3A_968 = arith.mulf %add3A_885, %mul3A_937 : vector<16xf32>
    %mul3A_969 = arith.mulf %add3A_875, %mul3A_941 : vector<16xf32>
    %sub3A_970 = arith.subf %mul3A_968, %mul3A_969 : vector<16xf32>
    %sub3A_971 = arith.subf %add3A_895, %sub3A_970 : vector<16xf32>
    %mul3A_972 = arith.mulf %mul3A_947, %add3A_815 : vector<16xf32>
    %mul3A_973 = arith.mulf %mul3A_945, %add3A_825 : vector<16xf32>
    %sub3A_974 = arith.subf %mul3A_972, %mul3A_973 : vector<16xf32>
    %sub3A_975 = arith.subf %sub3A_971, %sub3A_974 : vector<16xf32>
    %mul3A_976 = arith.mulf %add3A_875, %mul3A_939 : vector<16xf32>
    %mul3A_977 = arith.mulf %add3A_880, %mul3A_937 : vector<16xf32>
    %sub3A_978 = arith.subf %mul3A_976, %mul3A_977 : vector<16xf32>
    %sub3A_979 = arith.subf %add3A_900, %sub3A_978 : vector<16xf32>
    %mul3A_980 = arith.mulf %mul3A_945, %add3A_820 : vector<16xf32>
    %mul3A_981 = arith.mulf %mul3A_946, %add3A_815 : vector<16xf32>
    %sub3A_982 = arith.subf %mul3A_980, %mul3A_981 : vector<16xf32>
    %sub3A_983 = arith.subf %sub3A_979, %sub3A_982 : vector<16xf32>
    %sub3A_984 = arith.subf %sub3A_951, %sub3A_967 : vector<16xf32>
    %sub3A_985 = arith.subf %sub3A_955, %sub3A_975 : vector<16xf32>
    %sub3A_986 = arith.subf %sub3A_959, %sub3A_983 : vector<16xf32>
    %add3A_987 = arith.addf %add3A_910, %add3A_915 : vector<16xf32>
    %mul3A_988 = arith.mulf %mul3A_946, %mul3A_946 : vector<16xf32>
    %mul3A_989 = arith.mulf %mul3A_947, %mul3A_947 : vector<16xf32>
    %add3A_990 = arith.addf %mul3A_988, %mul3A_989 : vector<16xf32>
    %mul3A_991 = arith.mulf %get3A_932, %add3A_990 : vector<16xf32>
    %sub3A_992 = arith.subf %add3A_987, %mul3A_991 : vector<16xf32>
    %add3A_993 = arith.addf %add3A_905, %add3A_915 : vector<16xf32>
    %mul3A_994 = arith.mulf %mul3A_945, %mul3A_945 : vector<16xf32>
    %mul3A_995 = arith.mulf %mul3A_947, %mul3A_947 : vector<16xf32>
    %add3A_996 = arith.addf %mul3A_994, %mul3A_995 : vector<16xf32>
    %mul3A_997 = arith.mulf %get3A_932, %add3A_996 : vector<16xf32>
    %sub3A_998 = arith.subf %add3A_993, %mul3A_997 : vector<16xf32>
    %add3A_999 = arith.addf %add3A_905, %add3A_910 : vector<16xf32>
    %mul3A_1000 = arith.mulf %mul3A_945, %mul3A_945 : vector<16xf32>
    %mul3A_1001 = arith.mulf %mul3A_946, %mul3A_946 : vector<16xf32>
    %add3A_1002 = arith.addf %mul3A_1000, %mul3A_1001 : vector<16xf32>
    %mul3A_1003 = arith.mulf %get3A_932, %add3A_1002 : vector<16xf32>
    %sub3A_1004 = arith.subf %add3A_999, %mul3A_1003 : vector<16xf32>
    %mul3A_1005 = arith.mulf %get3A_932, %mul3A_945 : vector<16xf32>
    %mul3A_1006 = arith.mulf %mul3A_1005, %mul3A_946 : vector<16xf32>
    %sub3A_1007 = arith.subf %mul3A_1006, %add3A_920 : vector<16xf32>
    %mul3A_1008 = arith.mulf %get3A_932, %mul3A_945 : vector<16xf32>
    %mul3A_1009 = arith.mulf %mul3A_1008, %mul3A_947 : vector<16xf32>
    %sub3A_1010 = arith.subf %mul3A_1009, %add3A_925 : vector<16xf32>
    %mul3A_1011 = arith.mulf %get3A_932, %mul3A_946 : vector<16xf32>
    %mul3A_1012 = arith.mulf %mul3A_1011, %mul3A_947 : vector<16xf32>
    %sub3A_1013 = arith.subf %mul3A_1012, %add3A_930 : vector<16xf32>
    %mul3A_1014 = arith.mulf %sub3A_998, %sub3A_1004 : vector<16xf32>
    %mul3A_1015 = arith.mulf %sub3A_1013, %sub3A_1013 : vector<16xf32>
    %sub3A_1016 = arith.subf %mul3A_1014, %mul3A_1015 : vector<16xf32>
    %mul3A_1017 = arith.mulf %sub3A_1010, %sub3A_1013 : vector<16xf32>
    %mul3A_1018 = arith.mulf %sub3A_1007, %sub3A_1004 : vector<16xf32>
    %sub3A_1019 = arith.subf %mul3A_1017, %mul3A_1018 : vector<16xf32>
    %mul3A_1020 = arith.mulf %sub3A_1007, %sub3A_1013 : vector<16xf32>
    %mul3A_1021 = arith.mulf %sub3A_1010, %sub3A_998 : vector<16xf32>
    %sub3A_1022 = arith.subf %mul3A_1020, %mul3A_1021 : vector<16xf32>
    %mul3A_1023 = arith.mulf %sub3A_992, %sub3A_1016 : vector<16xf32>
    %mul3A_1024 = arith.mulf %sub3A_1007, %sub3A_1019 : vector<16xf32>
    %add3A_1025 = arith.addf %mul3A_1023, %mul3A_1024 : vector<16xf32>
    %mul3A_1026 = arith.mulf %sub3A_1010, %sub3A_1022 : vector<16xf32>
    %add3A_1027 = arith.addf %add3A_1025, %mul3A_1026 : vector<16xf32>
    %mul3A_1028 = arith.mulf %sub3A_992, %sub3A_1004 : vector<16xf32>
    %mul3A_1029 = arith.mulf %sub3A_1010, %sub3A_1010 : vector<16xf32>
    %sub3A_1030 = arith.subf %mul3A_1028, %mul3A_1029 : vector<16xf32>
    %mul3A_1031 = arith.mulf %sub3A_1007, %sub3A_1010 : vector<16xf32>
    %mul3A_1032 = arith.mulf %sub3A_992, %sub3A_1013 : vector<16xf32>
    %sub3A_1033 = arith.subf %mul3A_1031, %mul3A_1032 : vector<16xf32>
    %mul3A_1034 = arith.mulf %sub3A_992, %sub3A_998 : vector<16xf32>
    %mul3A_1035 = arith.mulf %sub3A_1007, %sub3A_1007 : vector<16xf32>
    %sub3A_1036 = arith.subf %mul3A_1034, %mul3A_1035 : vector<16xf32>
    %div3A_1037 = arith.constant 1.000000e+00 : f32
    %div3A_1038 = vector.broadcast %div3A_1037 : f32 to vector<16xf32>
    %div3A_1039 = arith.divf %div3A_1038, %add3A_1027 : vector<16xf32>
    %mul3A_1040 = arith.mulf %sub3A_1016, %sub3A_984 : vector<16xf32>
    %mul3A_1041 = arith.mulf %sub3A_1019, %sub3A_985 : vector<16xf32>
    %add3A_1042 = arith.addf %mul3A_1040, %mul3A_1041 : vector<16xf32>
    %mul3A_1043 = arith.mulf %sub3A_1022, %sub3A_986 : vector<16xf32>
    %add3A_1044 = arith.addf %add3A_1042, %mul3A_1043 : vector<16xf32>
    %mul3A_1045 = arith.mulf %add3A_1044, %div3A_1039 : vector<16xf32>
    %mul3A_1046 = arith.mulf %sub3A_1019, %sub3A_984 : vector<16xf32>
    %mul3A_1047 = arith.mulf %sub3A_1030, %sub3A_985 : vector<16xf32>
    %add3A_1048 = arith.addf %mul3A_1046, %mul3A_1047 : vector<16xf32>
    %mul3A_1049 = arith.mulf %sub3A_1033, %sub3A_986 : vector<16xf32>
    %add3A_1050 = arith.addf %add3A_1048, %mul3A_1049 : vector<16xf32>
    %mul3A_1051 = arith.mulf %add3A_1050, %div3A_1039 : vector<16xf32>
    %mul3A_1052 = arith.mulf %sub3A_1022, %sub3A_984 : vector<16xf32>
    %mul3A_1053 = arith.mulf %sub3A_1033, %sub3A_985 : vector<16xf32>
    %add3A_1054 = arith.addf %mul3A_1052, %mul3A_1053 : vector<16xf32>
    %mul3A_1055 = arith.mulf %sub3A_1036, %sub3A_986 : vector<16xf32>
    %add3A_1056 = arith.addf %add3A_1054, %mul3A_1055 : vector<16xf32>
    %mul3A_1057 = arith.mulf %add3A_1056, %div3A_1039 : vector<16xf32>
    %broadcast_in_dim3A_1058 = arith.constant 0 : i32
    %broadcast_in_dim3A_1059 = vector.broadcast %broadcast_in_dim3A_1058 : i32 to vector<16xi32>
    tpu.vector_store_idx %arg11[%add3A_810, %broadcast_in_dim3A_1059], %mul3A_937 : memref<64x16xf32, #tpu.memory_space<vmem>>[vector<16xi32>, vector<16xi32>], vector<16xf32>,
    %broadcast_in_dim3A_1060 = arith.constant 1 : i32
    %broadcast_in_dim3A_1061 = vector.broadcast %broadcast_in_dim3A_1060 : i32 to vector<16xi32>
    tpu.vector_store_idx %arg11[%add3A_810, %broadcast_in_dim3A_1061], %mul3A_939 : memref<64x16xf32, #tpu.memory_space<vmem>>[vector<16xi32>, vector<16xi32>], vector<16xf32>,
    %broadcast_in_dim3A_1062 = arith.constant 2 : i32
    %broadcast_in_dim3A_1063 = vector.broadcast %broadcast_in_dim3A_1062 : i32 to vector<16xi32>
    tpu.vector_store_idx %arg11[%add3A_810, %broadcast_in_dim3A_1063], %mul3A_941 : memref<64x16xf32, #tpu.memory_space<vmem>>[vector<16xi32>, vector<16xi32>], vector<16xf32>,
    %broadcast_in_dim3A_1064 = arith.constant 3 : i32
    %broadcast_in_dim3A_1065 = vector.broadcast %broadcast_in_dim3A_1064 : i32 to vector<16xi32>
    tpu.vector_store_idx %arg11[%add3A_810, %broadcast_in_dim3A_1065], %mul3A_1045 : memref<64x16xf32, #tpu.memory_space<vmem>>[vector<16xi32>, vector<16xi32>], vector<16xf32>,
    %broadcast_in_dim3A_1066 = arith.constant 4 : i32
    %broadcast_in_dim3A_1067 = vector.broadcast %broadcast_in_dim3A_1066 : i32 to vector<16xi32>
    tpu.vector_store_idx %arg11[%add3A_810, %broadcast_in_dim3A_1067], %mul3A_1051 : memref<64x16xf32, #tpu.memory_space<vmem>>[vector<16xi32>, vector<16xi32>], vector<16xf32>,
    %broadcast_in_dim3A_1068 = arith.constant 5 : i32
    %broadcast_in_dim3A_1069 = vector.broadcast %broadcast_in_dim3A_1068 : i32 to vector<16xi32>
    tpu.vector_store_idx %arg11[%add3A_810, %broadcast_in_dim3A_1069], %mul3A_1057 : memref<64x16xf32, #tpu.memory_space<vmem>>[vector<16xi32>, vector<16xi32>], vector<16xf32>,
    %broadcast_in_dim3A_1070 = arith.constant 6 : i32
    %broadcast_in_dim3A_1071 = vector.broadcast %broadcast_in_dim3A_1070 : i32 to vector<16xi32>
    tpu.vector_store_idx %arg11[%add3A_810, %broadcast_in_dim3A_1071], %mul3A_945 : memref<64x16xf32, #tpu.memory_space<vmem>>[vector<16xi32>, vector<16xi32>], vector<16xf32>,
    %broadcast_in_dim3A_1072 = arith.constant 7 : i32
    %broadcast_in_dim3A_1073 = vector.broadcast %broadcast_in_dim3A_1072 : i32 to vector<16xi32>
    tpu.vector_store_idx %arg11[%add3A_810, %broadcast_in_dim3A_1073], %mul3A_946 : memref<64x16xf32, #tpu.memory_space<vmem>>[vector<16xi32>, vector<16xi32>], vector<16xf32>,
    %broadcast_in_dim3A_1074 = arith.constant 8 : i32
    %broadcast_in_dim3A_1075 = vector.broadcast %broadcast_in_dim3A_1074 : i32 to vector<16xi32>
    tpu.vector_store_idx %arg11[%add3A_810, %broadcast_in_dim3A_1075], %mul3A_947 : memref<64x16xf32, #tpu.memory_space<vmem>>[vector<16xi32>, vector<16xi32>], vector<16xf32>,
    %mul3A_1076 = arith.constant 64 : i32
    %mul3A_1077 = arith.muli %arg1, %mul3A_1076 : i32
    "tpu.region"() ({
      %run_scoped3A = tpu.sem_alloc : memref<!tpu.dma_semaphore, #tpu.memory_space<semaphore_mem>>
      %dma_start3A = arith.constant 0 : i32
      %dma_start3A_1083 = tpu.memref_slice %arg17[%mul3A_1077, %dma_start3A] : memref<1024x16xf32, #tpu.memory_space<vmem_shared>> -> memref<64x16xf32, #tpu.memory_space<vmem_shared>>
      %dma_start3A_1084 = arith.constant 0 : i32
      %dma_start3A_1085 = tpu.memref_slice %arg17[%mul3A_1077, %dma_start3A_1084] : memref<1024x16xf32, #tpu.memory_space<vmem_shared>> -> memref<64x16xf32, #tpu.memory_space<vmem_shared>>
      tpu.enqueue_dma source(%arg11 : memref<64x16xf32, #tpu.memory_space<vmem>>) target(%dma_start3A_1085 : memref<64x16xf32, #tpu.memory_space<vmem_shared>>) target_semaphore(%run_scoped3A : memref<!tpu.dma_semaphore, #tpu.memory_space<semaphore_mem>>)
      %dma_wait3A = arith.constant 0 : i32
      %dma_wait3A_1086 = tpu.memref_slice %arg17[%mul3A_1077, %dma_wait3A] : memref<1024x16xf32, #tpu.memory_space<vmem_shared>> -> memref<64x16xf32, #tpu.memory_space<vmem_shared>>
      %dma_wait3A_1087 = arith.constant 0 : i32
      %dma_wait3A_1088 = tpu.memref_slice %arg17[%mul3A_1077, %dma_wait3A_1087] : memref<1024x16xf32, #tpu.memory_space<vmem_shared>> -> memref<64x16xf32, #tpu.memory_space<vmem_shared>>
      tpu.wait_dma2 semaphore(%run_scoped3A : memref<!tpu.dma_semaphore, #tpu.memory_space<semaphore_mem>>) src(%arg11 : memref<64x16xf32, #tpu.memory_space<vmem>>) dst(%dma_wait3A_1088 : memref<64x16xf32, #tpu.memory_space<vmem_shared>>)
      tpu.yield
    }) : () -> ()
    %barrier3A = arith.constant 0 : index
    tpu.barrier barrier_id(%barrier3A)
    "tpu.region"() ({
      %run_scoped3A = tpu.sem_alloc : memref<!tpu.dma_semaphore, #tpu.memory_space<semaphore_mem>>
      tpu.enqueue_dma source(%arg17 : memref<1024x16xf32, #tpu.memory_space<vmem_shared>>) target(%arg12 : memref<1024x16xf32, #tpu.memory_space<vmem>>) target_semaphore(%run_scoped3A : memref<!tpu.dma_semaphore, #tpu.memory_space<semaphore_mem>>)
      tpu.wait_dma2 semaphore(%run_scoped3A : memref<!tpu.dma_semaphore, #tpu.memory_space<semaphore_mem>>) src(%arg17 : memref<1024x16xf32, #tpu.memory_space<vmem_shared>>) dst(%arg12 : memref<1024x16xf32, #tpu.memory_space<vmem>>)
      tpu.yield
    }) : () -> ()
    %scan3A = arith.constant 0 : i32
    %scan3A_1078 = arith.constant 0 : i32
    %scan3A_1079 = arith.constant 3 : i32
    %scan3A_1080 = arith.addi %scan3A_1078, %scan3A_1079 : i32
    %scan3A_1081 = arith.constant 1 : i32
    scf.for %scan3A_1083 = %scan3A_1078 to %scan3A_1080 step %scan3A_1081  : i32 {
      %mul3A_1084 = arith.constant 32 : i32
      %mul3A_1085 = arith.muli %scan3A_1083, %mul3A_1084 : i32
      %add3A_1086 = arith.addi %add3A, %mul3A_1085 : i32
      %lt3A = arith.constant 66 : i32
      %lt3A_1087 = arith.cmpi slt, %add3A_1086, %lt3A : i32
      %convert_element_type3A = arith.extui %lt3A_1087 : i1 to i32
      %cond3A = arith.constant 0 : i32
      %cond3A_1088 = arith.cmpi ne, %convert_element_type3A, %cond3A : i32
      scf.if %cond3A_1088 {
        %mul3A_1089 = arith.constant 1536 : i32
        %mul3A_1090 = arith.muli %add3A_1086, %mul3A_1089 : i32
        %mul3A_1091 = arith.constant 16 : i32
        %mul3A_1092 = arith.muli %add3A_1086, %mul3A_1091 : i32
        "tpu.region"() ({
          %run_scoped3A = tpu.sem_alloc : memref<!tpu.dma_semaphore, #tpu.memory_space<semaphore_mem>>
          %dma_start3A = arith.constant 0 : i32
          %dma_start3A_1102 = tpu.memref_slice %arg5[%mul3A_1092, %dma_start3A] : memref<1056x128xi32, #tpu.memory_space<hbm>> -> memref<16x128xi32, #tpu.memory_space<hbm>>
          %dma_start3A_1103 = arith.constant 0 : i32
          %dma_start3A_1104 = tpu.memref_slice %arg5[%mul3A_1092, %dma_start3A_1103] : memref<1056x128xi32, #tpu.memory_space<hbm>> -> memref<16x128xi32, #tpu.memory_space<hbm>>
          tpu.enqueue_dma source(%dma_start3A_1104 : memref<16x128xi32, #tpu.memory_space<hbm>>) target(%arg15 : memref<16x128xi32, #tpu.memory_space<vmem>>) target_semaphore(%run_scoped3A : memref<!tpu.dma_semaphore, #tpu.memory_space<semaphore_mem>>)
          %dma_wait3A = arith.constant 0 : i32
          %dma_wait3A_1105 = tpu.memref_slice %arg5[%mul3A_1092, %dma_wait3A] : memref<1056x128xi32, #tpu.memory_space<hbm>> -> memref<16x128xi32, #tpu.memory_space<hbm>>
          %dma_wait3A_1106 = arith.constant 0 : i32
          %dma_wait3A_1107 = tpu.memref_slice %arg5[%mul3A_1092, %dma_wait3A_1106] : memref<1056x128xi32, #tpu.memory_space<hbm>> -> memref<16x128xi32, #tpu.memory_space<hbm>>
          tpu.wait_dma2 semaphore(%run_scoped3A : memref<!tpu.dma_semaphore, #tpu.memory_space<semaphore_mem>>) src(%dma_wait3A_1107 : memref<16x128xi32, #tpu.memory_space<hbm>>) dst(%arg15 : memref<16x128xi32, #tpu.memory_space<vmem>>)
          tpu.yield
        }) : () -> ()
        %lt3A_1093 = arith.constant 65 : i32
        %lt3A_1094 = arith.cmpi slt, %add3A_1086, %lt3A_1093 : i32
        %convert_element_type3A_1095 = arith.extui %lt3A_1094 : i1 to i32
        %cond3A_1096 = arith.constant 0 : i32
        %cond3A_1097 = arith.cmpi ne, %convert_element_type3A_1095, %cond3A_1096 : i32
        scf.if %cond3A_1097 {
          %mul3A_1102 = arith.constant 6 : i32
          %mul3A_1103 = arith.muli %mul3A_1090, %mul3A_1102 : i32
          "tpu.region"() ({
            %run_scoped3A = tpu.sem_alloc : memref<!tpu.dma_semaphore, #tpu.memory_space<semaphore_mem>>
            %dma_start3A = tpu.memref_slice %arg3[%mul3A_1103] : memref<600000xf32, #tpu.memory_space<hbm>> -> memref<9216xf32, #tpu.memory_space<hbm>>
            %dma_start3A_1114 = tpu.memref_slice %arg3[%mul3A_1103] : memref<600000xf32, #tpu.memory_space<hbm>> -> memref<9216xf32, #tpu.memory_space<hbm>>
            tpu.enqueue_dma source(%dma_start3A_1114 : memref<9216xf32, #tpu.memory_space<hbm>>) target(%arg13 : memref<9216xf32, #tpu.memory_space<vmem>>) target_semaphore(%run_scoped3A : memref<!tpu.dma_semaphore, #tpu.memory_space<semaphore_mem>>)
            %dma_wait3A = tpu.memref_slice %arg3[%mul3A_1103] : memref<600000xf32, #tpu.memory_space<hbm>> -> memref<9216xf32, #tpu.memory_space<hbm>>
            %dma_wait3A_1115 = tpu.memref_slice %arg3[%mul3A_1103] : memref<600000xf32, #tpu.memory_space<hbm>> -> memref<9216xf32, #tpu.memory_space<hbm>>
            tpu.wait_dma2 semaphore(%run_scoped3A : memref<!tpu.dma_semaphore, #tpu.memory_space<semaphore_mem>>) src(%dma_wait3A_1115 : memref<9216xf32, #tpu.memory_space<hbm>>) dst(%arg13 : memref<9216xf32, #tpu.memory_space<vmem>>)
            tpu.yield
          }) : () -> ()
          %mul3A_1104 = arith.constant 3 : i32
          %mul3A_1105 = arith.muli %mul3A_1090, %mul3A_1104 : i32
          "tpu.region"() ({
            %run_scoped3A = tpu.sem_alloc : memref<!tpu.dma_semaphore, #tpu.memory_space<semaphore_mem>>
            %dma_start3A = tpu.memref_slice %arg4[%mul3A_1105] : memref<300000xf32, #tpu.memory_space<hbm>> -> memref<4608xf32, #tpu.memory_space<hbm>>
            %dma_start3A_1114 = tpu.memref_slice %arg4[%mul3A_1105] : memref<300000xf32, #tpu.memory_space<hbm>> -> memref<4608xf32, #tpu.memory_space<hbm>>
            tpu.enqueue_dma source(%dma_start3A_1114 : memref<4608xf32, #tpu.memory_space<hbm>>) target(%arg14 : memref<4608xf32, #tpu.memory_space<vmem>>) target_semaphore(%run_scoped3A : memref<!tpu.dma_semaphore, #tpu.memory_space<semaphore_mem>>)
            %dma_wait3A = tpu.memref_slice %arg4[%mul3A_1105] : memref<300000xf32, #tpu.memory_space<hbm>> -> memref<4608xf32, #tpu.memory_space<hbm>>
            %dma_wait3A_1115 = tpu.memref_slice %arg4[%mul3A_1105] : memref<300000xf32, #tpu.memory_space<hbm>> -> memref<4608xf32, #tpu.memory_space<hbm>>
            tpu.wait_dma2 semaphore(%run_scoped3A : memref<!tpu.dma_semaphore, #tpu.memory_space<semaphore_mem>>) src(%dma_wait3A_1115 : memref<4608xf32, #tpu.memory_space<hbm>>) dst(%arg14 : memref<4608xf32, #tpu.memory_space<vmem>>)
            tpu.yield
          }) : () -> ()
          %scan3A_1106 = arith.constant 0 : i32
          %scan3A_1107 = arith.constant 0 : i32
          %scan3A_1108 = arith.constant 96 : i32
          %scan3A_1109 = arith.addi %scan3A_1107, %scan3A_1108 : i32
          %scan3A_1110 = arith.constant 1 : i32
          scf.for %scan3A_1114 = %scan3A_1107 to %scan3A_1109 step %scan3A_1110  : i32 {
            %mul3A_1115 = arith.constant 16 : i32
            %mul3A_1116 = arith.muli %scan3A_1114, %mul3A_1115 : i32
            %add3A_1117 = vector.broadcast %mul3A_1116 : i32 to vector<16xi32>
            %add3A_1118 = arith.addi %add3A_1117, %iota3A : vector<16xi32>
            %mul3A_1119 = arith.constant 6 : i32
            %mul3A_1120 = vector.broadcast %mul3A_1119 : i32 to vector<16xi32>
            %mul3A_1121 = arith.muli %add3A_1118, %mul3A_1120 : vector<16xi32>
            %mul3A_1122 = arith.constant 3 : i32
            %mul3A_1123 = vector.broadcast %mul3A_1122 : i32 to vector<16xi32>
            %mul3A_1124 = arith.muli %add3A_1118, %mul3A_1123 : vector<16xi32>
            %broadcast_in_dim3A_1125 = arith.constant 0 : i32
            %broadcast_in_dim3A_1126 = vector.broadcast %broadcast_in_dim3A_1125 : i32 to vector<16xi32>
            %shift_right_logical3A = arith.constant 3 : i32
            %shift_right_logical3A_1127 = arith.shrui %scan3A_1114, %shift_right_logical3A : i32
            %add3A_1128 = vector.broadcast %shift_right_logical3A_1127 : i32 to vector<16xi32>
            %add3A_1129 = arith.addi %broadcast_in_dim3A_1126, %add3A_1128 : vector<16xi32>
            %and3A = arith.constant 7 : i32
            %and3A_1130 = arith.andi %scan3A_1114, %and3A : i32
            %mul3A_1131 = arith.constant 16 : i32
            %mul3A_1132 = arith.muli %and3A_1130, %mul3A_1131 : i32
            %add3A_1133 = vector.broadcast %mul3A_1132 : i32 to vector<16xi32>
            %add3A_1134 = arith.addi %add3A_1133, %iota3A : vector<16xi32>
            %gather3A_1135 = tpu.vector_load_idx %arg15[%add3A_1129, %add3A_1134] : memref<16x128xi32, #tpu.memory_space<vmem>>[vector<16xi32>, vector<16xi32>], vector<16xi32>,
            %gather3A_1136 = tpu.vector_load_idx %arg13[%mul3A_1121] : memref<9216xf32, #tpu.memory_space<vmem>>[vector<16xi32>], vector<16xf32>,
            %add3A_1137 = arith.constant 1 : i32
            %add3A_1138 = vector.broadcast %add3A_1137 : i32 to vector<16xi32>
            %add3A_1139 = arith.addi %mul3A_1121, %add3A_1138 : vector<16xi32>
            %gather3A_1140 = tpu.vector_load_idx %arg13[%add3A_1139] : memref<9216xf32, #tpu.memory_space<vmem>>[vector<16xi32>], vector<16xf32>,
            %add3A_1141 = arith.constant 2 : i32
            %add3A_1142 = vector.broadcast %add3A_1141 : i32 to vector<16xi32>
            %add3A_1143 = arith.addi %mul3A_1121, %add3A_1142 : vector<16xi32>
            %gather3A_1144 = tpu.vector_load_idx %arg13[%add3A_1143] : memref<9216xf32, #tpu.memory_space<vmem>>[vector<16xi32>], vector<16xf32>,
            %add3A_1145 = arith.constant 3 : i32
            %add3A_1146 = vector.broadcast %add3A_1145 : i32 to vector<16xi32>
            %add3A_1147 = arith.addi %mul3A_1121, %add3A_1146 : vector<16xi32>
            %gather3A_1148 = tpu.vector_load_idx %arg13[%add3A_1147] : memref<9216xf32, #tpu.memory_space<vmem>>[vector<16xi32>], vector<16xf32>,
            %add3A_1149 = arith.constant 4 : i32
            %add3A_1150 = vector.broadcast %add3A_1149 : i32 to vector<16xi32>
            %add3A_1151 = arith.addi %mul3A_1121, %add3A_1150 : vector<16xi32>
            %gather3A_1152 = tpu.vector_load_idx %arg13[%add3A_1151] : memref<9216xf32, #tpu.memory_space<vmem>>[vector<16xi32>], vector<16xf32>,
            %add3A_1153 = arith.constant 5 : i32
            %add3A_1154 = vector.broadcast %add3A_1153 : i32 to vector<16xi32>
            %add3A_1155 = arith.addi %mul3A_1121, %add3A_1154 : vector<16xi32>
            %gather3A_1156 = tpu.vector_load_idx %arg13[%add3A_1155] : memref<9216xf32, #tpu.memory_space<vmem>>[vector<16xi32>], vector<16xf32>,
            %gather3A_1157 = tpu.vector_load_idx %arg14[%mul3A_1124] : memref<4608xf32, #tpu.memory_space<vmem>>[vector<16xi32>], vector<16xf32>,
            %add3A_1158 = arith.constant 1 : i32
            %add3A_1159 = vector.broadcast %add3A_1158 : i32 to vector<16xi32>
            %add3A_1160 = arith.addi %mul3A_1124, %add3A_1159 : vector<16xi32>
            %gather3A_1161 = tpu.vector_load_idx %arg14[%add3A_1160] : memref<4608xf32, #tpu.memory_space<vmem>>[vector<16xi32>], vector<16xf32>,
            %add3A_1162 = arith.constant 2 : i32
            %add3A_1163 = vector.broadcast %add3A_1162 : i32 to vector<16xi32>
            %add3A_1164 = arith.addi %mul3A_1124, %add3A_1163 : vector<16xi32>
            %gather3A_1165 = tpu.vector_load_idx %arg14[%add3A_1164] : memref<4608xf32, #tpu.memory_space<vmem>>[vector<16xi32>], vector<16xf32>,
            %broadcast_in_dim3A_1166 = arith.constant 0 : i32
            %broadcast_in_dim3A_1167 = vector.broadcast %broadcast_in_dim3A_1166 : i32 to vector<16xi32>
            %gather3A_1168 = tpu.vector_load_idx %arg12[%gather3A_1135, %broadcast_in_dim3A_1167] : memref<1024x16xf32, #tpu.memory_space<vmem>>[vector<16xi32>, vector<16xi32>], vector<16xf32>,
            %broadcast_in_dim3A_1169 = arith.constant 1 : i32
            %broadcast_in_dim3A_1170 = vector.broadcast %broadcast_in_dim3A_1169 : i32 to vector<16xi32>
            %gather3A_1171 = tpu.vector_load_idx %arg12[%gather3A_1135, %broadcast_in_dim3A_1170] : memref<1024x16xf32, #tpu.memory_space<vmem>>[vector<16xi32>, vector<16xi32>], vector<16xf32>,
            %broadcast_in_dim3A_1172 = arith.constant 2 : i32
            %broadcast_in_dim3A_1173 = vector.broadcast %broadcast_in_dim3A_1172 : i32 to vector<16xi32>
            %gather3A_1174 = tpu.vector_load_idx %arg12[%gather3A_1135, %broadcast_in_dim3A_1173] : memref<1024x16xf32, #tpu.memory_space<vmem>>[vector<16xi32>, vector<16xi32>], vector<16xf32>,
            %broadcast_in_dim3A_1175 = arith.constant 3 : i32
            %broadcast_in_dim3A_1176 = vector.broadcast %broadcast_in_dim3A_1175 : i32 to vector<16xi32>
            %gather3A_1177 = tpu.vector_load_idx %arg12[%gather3A_1135, %broadcast_in_dim3A_1176] : memref<1024x16xf32, #tpu.memory_space<vmem>>[vector<16xi32>, vector<16xi32>], vector<16xf32>,
            %broadcast_in_dim3A_1178 = arith.constant 4 : i32
            %broadcast_in_dim3A_1179 = vector.broadcast %broadcast_in_dim3A_1178 : i32 to vector<16xi32>
            %gather3A_1180 = tpu.vector_load_idx %arg12[%gather3A_1135, %broadcast_in_dim3A_1179] : memref<1024x16xf32, #tpu.memory_space<vmem>>[vector<16xi32>, vector<16xi32>], vector<16xf32>,
            %broadcast_in_dim3A_1181 = arith.constant 5 : i32
            %broadcast_in_dim3A_1182 = vector.broadcast %broadcast_in_dim3A_1181 : i32 to vector<16xi32>
            %gather3A_1183 = tpu.vector_load_idx %arg12[%gather3A_1135, %broadcast_in_dim3A_1182] : memref<1024x16xf32, #tpu.memory_space<vmem>>[vector<16xi32>, vector<16xi32>], vector<16xf32>,
            %broadcast_in_dim3A_1184 = arith.constant 6 : i32
            %broadcast_in_dim3A_1185 = vector.broadcast %broadcast_in_dim3A_1184 : i32 to vector<16xi32>
            %gather3A_1186 = tpu.vector_load_idx %arg12[%gather3A_1135, %broadcast_in_dim3A_1185] : memref<1024x16xf32, #tpu.memory_space<vmem>>[vector<16xi32>, vector<16xi32>], vector<16xf32>,
            %broadcast_in_dim3A_1187 = arith.constant 7 : i32
            %broadcast_in_dim3A_1188 = vector.broadcast %broadcast_in_dim3A_1187 : i32 to vector<16xi32>
            %gather3A_1189 = tpu.vector_load_idx %arg12[%gather3A_1135, %broadcast_in_dim3A_1188] : memref<1024x16xf32, #tpu.memory_space<vmem>>[vector<16xi32>, vector<16xi32>], vector<16xf32>,
            %broadcast_in_dim3A_1190 = arith.constant 8 : i32
            %broadcast_in_dim3A_1191 = vector.broadcast %broadcast_in_dim3A_1190 : i32 to vector<16xi32>
            %gather3A_1192 = tpu.vector_load_idx %arg12[%gather3A_1135, %broadcast_in_dim3A_1191] : memref<1024x16xf32, #tpu.memory_space<vmem>>[vector<16xi32>, vector<16xi32>], vector<16xf32>,
            %add3A_1193 = arith.addf %gather3A_1157, %gather3A_1136 : vector<16xf32>
            %sub3A_1194 = arith.subf %add3A_1193, %gather3A_1186 : vector<16xf32>
            %add3A_1195 = arith.addf %gather3A_1161, %gather3A_1140 : vector<16xf32>
            %sub3A_1196 = arith.subf %add3A_1195, %gather3A_1189 : vector<16xf32>
            %add3A_1197 = arith.addf %gather3A_1165, %gather3A_1144 : vector<16xf32>
            %sub3A_1198 = arith.subf %add3A_1197, %gather3A_1192 : vector<16xf32>
            %sub3A_1199 = arith.subf %gather3A_1148, %gather3A_1168 : vector<16xf32>
            %mul3A_1200 = arith.mulf %gather3A_1180, %sub3A_1198 : vector<16xf32>
            %mul3A_1201 = arith.mulf %gather3A_1183, %sub3A_1196 : vector<16xf32>
            %sub3A_1202 = arith.subf %mul3A_1200, %mul3A_1201 : vector<16xf32>
            %add3A_1203 = arith.addf %sub3A_1199, %sub3A_1202 : vector<16xf32>
            %sub3A_1204 = arith.subf %gather3A_1152, %gather3A_1171 : vector<16xf32>
            %mul3A_1205 = arith.mulf %gather3A_1183, %sub3A_1194 : vector<16xf32>
            %mul3A_1206 = arith.mulf %gather3A_1177, %sub3A_1198 : vector<16xf32>
            %sub3A_1207 = arith.subf %mul3A_1205, %mul3A_1206 : vector<16xf32>
            %add3A_1208 = arith.addf %sub3A_1204, %sub3A_1207 : vector<16xf32>
            %sub3A_1209 = arith.subf %gather3A_1156, %gather3A_1174 : vector<16xf32>
            %mul3A_1210 = arith.mulf %gather3A_1177, %sub3A_1196 : vector<16xf32>
            %mul3A_1211 = arith.mulf %gather3A_1180, %sub3A_1194 : vector<16xf32>
            %sub3A_1212 = arith.subf %mul3A_1210, %mul3A_1211 : vector<16xf32>
            %add3A_1213 = arith.addf %sub3A_1209, %sub3A_1212 : vector<16xf32>
            tpu.vector_store_idx %arg16[%mul3A_1121], %gather3A_1136 : memref<9216xf32, #tpu.memory_space<vmem>>[vector<16xi32>], vector<16xf32>,
            %add3A_1214 = arith.constant 1 : i32
            %add3A_1215 = vector.broadcast %add3A_1214 : i32 to vector<16xi32>
            %add3A_1216 = arith.addi %mul3A_1121, %add3A_1215 : vector<16xi32>
            tpu.vector_store_idx %arg16[%add3A_1216], %gather3A_1140 : memref<9216xf32, #tpu.memory_space<vmem>>[vector<16xi32>], vector<16xf32>,
            %add3A_1217 = arith.constant 2 : i32
            %add3A_1218 = vector.broadcast %add3A_1217 : i32 to vector<16xi32>
            %add3A_1219 = arith.addi %mul3A_1121, %add3A_1218 : vector<16xi32>
            tpu.vector_store_idx %arg16[%add3A_1219], %gather3A_1144 : memref<9216xf32, #tpu.memory_space<vmem>>[vector<16xi32>], vector<16xf32>,
            %add3A_1220 = arith.constant 3 : i32
            %add3A_1221 = vector.broadcast %add3A_1220 : i32 to vector<16xi32>
            %add3A_1222 = arith.addi %mul3A_1121, %add3A_1221 : vector<16xi32>
            tpu.vector_store_idx %arg16[%add3A_1222], %add3A_1203 : memref<9216xf32, #tpu.memory_space<vmem>>[vector<16xi32>], vector<16xf32>,
            %add3A_1223 = arith.constant 4 : i32
            %add3A_1224 = vector.broadcast %add3A_1223 : i32 to vector<16xi32>
            %add3A_1225 = arith.addi %mul3A_1121, %add3A_1224 : vector<16xi32>
            tpu.vector_store_idx %arg16[%add3A_1225], %add3A_1208 : memref<9216xf32, #tpu.memory_space<vmem>>[vector<16xi32>], vector<16xf32>,
            %add3A_1226 = arith.constant 5 : i32
            %add3A_1227 = vector.broadcast %add3A_1226 : i32 to vector<16xi32>
            %add3A_1228 = arith.addi %mul3A_1121, %add3A_1227 : vector<16xi32>
            tpu.vector_store_idx %arg16[%add3A_1228], %add3A_1213 : memref<9216xf32, #tpu.memory_space<vmem>>[vector<16xi32>], vector<16xf32>,
          }
          %scan3A_1111 = arith.constant 96 : i32
          %mul3A_1112 = arith.constant 6 : i32
          %mul3A_1113 = arith.muli %mul3A_1090, %mul3A_1112 : i32
          "tpu.region"() ({
            %run_scoped3A = tpu.sem_alloc : memref<!tpu.dma_semaphore, #tpu.memory_space<semaphore_mem>>
            %dma_start3A = tpu.memref_slice %arg7[%mul3A_1113] : memref<600000xf32, #tpu.memory_space<hbm>> -> memref<9216xf32, #tpu.memory_space<hbm>>
            %dma_start3A_1114 = tpu.memref_slice %arg7[%mul3A_1113] : memref<600000xf32, #tpu.memory_space<hbm>> -> memref<9216xf32, #tpu.memory_space<hbm>>
            tpu.enqueue_dma source(%arg16 : memref<9216xf32, #tpu.memory_space<vmem>>) target(%dma_start3A_1114 : memref<9216xf32, #tpu.memory_space<hbm>>) target_semaphore(%run_scoped3A : memref<!tpu.dma_semaphore, #tpu.memory_space<semaphore_mem>>)
            %dma_wait3A = tpu.memref_slice %arg7[%mul3A_1113] : memref<600000xf32, #tpu.memory_space<hbm>> -> memref<9216xf32, #tpu.memory_space<hbm>>
            %dma_wait3A_1115 = tpu.memref_slice %arg7[%mul3A_1113] : memref<600000xf32, #tpu.memory_space<hbm>> -> memref<9216xf32, #tpu.memory_space<hbm>>
            tpu.wait_dma2 semaphore(%run_scoped3A : memref<!tpu.dma_semaphore, #tpu.memory_space<semaphore_mem>>) src(%arg16 : memref<9216xf32, #tpu.memory_space<vmem>>) dst(%dma_wait3A_1115 : memref<9216xf32, #tpu.memory_space<hbm>>)
            tpu.yield
          }) : () -> ()
        } else {
        }
        %eq3A = arith.constant 65 : i32
        %eq3A_1098 = arith.cmpi eq, %add3A_1086, %eq3A : i32
        %convert_element_type3A_1099 = arith.extui %eq3A_1098 : i1 to i32
        %cond3A_1100 = arith.constant 0 : i32
        %cond3A_1101 = arith.cmpi ne, %convert_element_type3A_1099, %cond3A_1100 : i32
        scf.if %cond3A_1101 {
          %mul3A_1102 = arith.constant 6 : i32
          %mul3A_1103 = arith.muli %mul3A_1090, %mul3A_1102 : i32
          "tpu.region"() ({
            %run_scoped3A = tpu.sem_alloc : memref<!tpu.dma_semaphore, #tpu.memory_space<semaphore_mem>>
            %dma_start3A = arith.constant 0 : i32
            %dma_start3A_1114 = tpu.memref_slice %arg13[%dma_start3A] : memref<9216xf32, #tpu.memory_space<vmem>> -> memref<960xf32, #tpu.memory_space<vmem>>
            %dma_start3A_1115 = tpu.memref_slice %arg3[%mul3A_1103] : memref<600000xf32, #tpu.memory_space<hbm>> -> memref<960xf32, #tpu.memory_space<hbm>>
            %dma_start3A_1116 = arith.constant 0 : i32
            %dma_start3A_1117 = tpu.memref_slice %arg13[%dma_start3A_1116] : memref<9216xf32, #tpu.memory_space<vmem>> -> memref<960xf32, #tpu.memory_space<vmem>>
            %dma_start3A_1118 = tpu.memref_slice %arg3[%mul3A_1103] : memref<600000xf32, #tpu.memory_space<hbm>> -> memref<960xf32, #tpu.memory_space<hbm>>
            tpu.enqueue_dma source(%dma_start3A_1118 : memref<960xf32, #tpu.memory_space<hbm>>) target(%dma_start3A_1117 : memref<960xf32, #tpu.memory_space<vmem>>) target_semaphore(%run_scoped3A : memref<!tpu.dma_semaphore, #tpu.memory_space<semaphore_mem>>)
            %dma_wait3A = arith.constant 0 : i32
            %dma_wait3A_1119 = tpu.memref_slice %arg13[%dma_wait3A] : memref<9216xf32, #tpu.memory_space<vmem>> -> memref<960xf32, #tpu.memory_space<vmem>>
            %dma_wait3A_1120 = tpu.memref_slice %arg3[%mul3A_1103] : memref<600000xf32, #tpu.memory_space<hbm>> -> memref<960xf32, #tpu.memory_space<hbm>>
            %dma_wait3A_1121 = arith.constant 0 : i32
            %dma_wait3A_1122 = tpu.memref_slice %arg13[%dma_wait3A_1121] : memref<9216xf32, #tpu.memory_space<vmem>> -> memref<960xf32, #tpu.memory_space<vmem>>
            %dma_wait3A_1123 = tpu.memref_slice %arg3[%mul3A_1103] : memref<600000xf32, #tpu.memory_space<hbm>> -> memref<960xf32, #tpu.memory_space<hbm>>
            tpu.wait_dma2 semaphore(%run_scoped3A : memref<!tpu.dma_semaphore, #tpu.memory_space<semaphore_mem>>) src(%dma_wait3A_1123 : memref<960xf32, #tpu.memory_space<hbm>>) dst(%dma_wait3A_1122 : memref<960xf32, #tpu.memory_space<vmem>>)
            tpu.yield
          }) : () -> ()
          %mul3A_1104 = arith.constant 3 : i32
          %mul3A_1105 = arith.muli %mul3A_1090, %mul3A_1104 : i32
          "tpu.region"() ({
            %run_scoped3A = tpu.sem_alloc : memref<!tpu.dma_semaphore, #tpu.memory_space<semaphore_mem>>
            %dma_start3A = arith.constant 0 : i32
            %dma_start3A_1114 = tpu.memref_slice %arg14[%dma_start3A] : memref<4608xf32, #tpu.memory_space<vmem>> -> memref<480xf32, #tpu.memory_space<vmem>>
            %dma_start3A_1115 = tpu.memref_slice %arg4[%mul3A_1105] : memref<300000xf32, #tpu.memory_space<hbm>> -> memref<480xf32, #tpu.memory_space<hbm>>
            %dma_start3A_1116 = arith.constant 0 : i32
            %dma_start3A_1117 = tpu.memref_slice %arg14[%dma_start3A_1116] : memref<4608xf32, #tpu.memory_space<vmem>> -> memref<480xf32, #tpu.memory_space<vmem>>
            %dma_start3A_1118 = tpu.memref_slice %arg4[%mul3A_1105] : memref<300000xf32, #tpu.memory_space<hbm>> -> memref<480xf32, #tpu.memory_space<hbm>>
            tpu.enqueue_dma source(%dma_start3A_1118 : memref<480xf32, #tpu.memory_space<hbm>>) target(%dma_start3A_1117 : memref<480xf32, #tpu.memory_space<vmem>>) target_semaphore(%run_scoped3A : memref<!tpu.dma_semaphore, #tpu.memory_space<semaphore_mem>>)
            %dma_wait3A = arith.constant 0 : i32
            %dma_wait3A_1119 = tpu.memref_slice %arg14[%dma_wait3A] : memref<4608xf32, #tpu.memory_space<vmem>> -> memref<480xf32, #tpu.memory_space<vmem>>
            %dma_wait3A_1120 = tpu.memref_slice %arg4[%mul3A_1105] : memref<300000xf32, #tpu.memory_space<hbm>> -> memref<480xf32, #tpu.memory_space<hbm>>
            %dma_wait3A_1121 = arith.constant 0 : i32
            %dma_wait3A_1122 = tpu.memref_slice %arg14[%dma_wait3A_1121] : memref<4608xf32, #tpu.memory_space<vmem>> -> memref<480xf32, #tpu.memory_space<vmem>>
            %dma_wait3A_1123 = tpu.memref_slice %arg4[%mul3A_1105] : memref<300000xf32, #tpu.memory_space<hbm>> -> memref<480xf32, #tpu.memory_space<hbm>>
            tpu.wait_dma2 semaphore(%run_scoped3A : memref<!tpu.dma_semaphore, #tpu.memory_space<semaphore_mem>>) src(%dma_wait3A_1123 : memref<480xf32, #tpu.memory_space<hbm>>) dst(%dma_wait3A_1122 : memref<480xf32, #tpu.memory_space<vmem>>)
            tpu.yield
          }) : () -> ()
          %scan3A_1106 = arith.constant 0 : i32
          %scan3A_1107 = arith.constant 0 : i32
          %scan3A_1108 = arith.constant 10 : i32
          %scan3A_1109 = arith.addi %scan3A_1107, %scan3A_1108 : i32
          %scan3A_1110 = arith.constant 1 : i32
          scf.for %scan3A_1114 = %scan3A_1107 to %scan3A_1109 step %scan3A_1110  : i32 {
            %mul3A_1115 = arith.constant 16 : i32
            %mul3A_1116 = arith.muli %scan3A_1114, %mul3A_1115 : i32
            %add3A_1117 = vector.broadcast %mul3A_1116 : i32 to vector<16xi32>
            %add3A_1118 = arith.addi %add3A_1117, %iota3A : vector<16xi32>
            %mul3A_1119 = arith.constant 6 : i32
            %mul3A_1120 = vector.broadcast %mul3A_1119 : i32 to vector<16xi32>
            %mul3A_1121 = arith.muli %add3A_1118, %mul3A_1120 : vector<16xi32>
            %mul3A_1122 = arith.constant 3 : i32
            %mul3A_1123 = vector.broadcast %mul3A_1122 : i32 to vector<16xi32>
            %mul3A_1124 = arith.muli %add3A_1118, %mul3A_1123 : vector<16xi32>
            %broadcast_in_dim3A_1125 = arith.constant 0 : i32
            %broadcast_in_dim3A_1126 = vector.broadcast %broadcast_in_dim3A_1125 : i32 to vector<16xi32>
            %shift_right_logical3A = arith.constant 3 : i32
            %shift_right_logical3A_1127 = arith.shrui %scan3A_1114, %shift_right_logical3A : i32
            %add3A_1128 = vector.broadcast %shift_right_logical3A_1127 : i32 to vector<16xi32>
            %add3A_1129 = arith.addi %broadcast_in_dim3A_1126, %add3A_1128 : vector<16xi32>
            %and3A = arith.constant 7 : i32
            %and3A_1130 = arith.andi %scan3A_1114, %and3A : i32
            %mul3A_1131 = arith.constant 16 : i32
            %mul3A_1132 = arith.muli %and3A_1130, %mul3A_1131 : i32
            %add3A_1133 = vector.broadcast %mul3A_1132 : i32 to vector<16xi32>
            %add3A_1134 = arith.addi %add3A_1133, %iota3A : vector<16xi32>
            %gather3A_1135 = tpu.vector_load_idx %arg15[%add3A_1129, %add3A_1134] : memref<16x128xi32, #tpu.memory_space<vmem>>[vector<16xi32>, vector<16xi32>], vector<16xi32>,
            %gather3A_1136 = tpu.vector_load_idx %arg13[%mul3A_1121] : memref<9216xf32, #tpu.memory_space<vmem>>[vector<16xi32>], vector<16xf32>,
            %add3A_1137 = arith.constant 1 : i32
            %add3A_1138 = vector.broadcast %add3A_1137 : i32 to vector<16xi32>
            %add3A_1139 = arith.addi %mul3A_1121, %add3A_1138 : vector<16xi32>
            %gather3A_1140 = tpu.vector_load_idx %arg13[%add3A_1139] : memref<9216xf32, #tpu.memory_space<vmem>>[vector<16xi32>], vector<16xf32>,
            %add3A_1141 = arith.constant 2 : i32
            %add3A_1142 = vector.broadcast %add3A_1141 : i32 to vector<16xi32>
            %add3A_1143 = arith.addi %mul3A_1121, %add3A_1142 : vector<16xi32>
            %gather3A_1144 = tpu.vector_load_idx %arg13[%add3A_1143] : memref<9216xf32, #tpu.memory_space<vmem>>[vector<16xi32>], vector<16xf32>,
            %add3A_1145 = arith.constant 3 : i32
            %add3A_1146 = vector.broadcast %add3A_1145 : i32 to vector<16xi32>
            %add3A_1147 = arith.addi %mul3A_1121, %add3A_1146 : vector<16xi32>
            %gather3A_1148 = tpu.vector_load_idx %arg13[%add3A_1147] : memref<9216xf32, #tpu.memory_space<vmem>>[vector<16xi32>], vector<16xf32>,
            %add3A_1149 = arith.constant 4 : i32
            %add3A_1150 = vector.broadcast %add3A_1149 : i32 to vector<16xi32>
            %add3A_1151 = arith.addi %mul3A_1121, %add3A_1150 : vector<16xi32>
            %gather3A_1152 = tpu.vector_load_idx %arg13[%add3A_1151] : memref<9216xf32, #tpu.memory_space<vmem>>[vector<16xi32>], vector<16xf32>,
            %add3A_1153 = arith.constant 5 : i32
            %add3A_1154 = vector.broadcast %add3A_1153 : i32 to vector<16xi32>
            %add3A_1155 = arith.addi %mul3A_1121, %add3A_1154 : vector<16xi32>
            %gather3A_1156 = tpu.vector_load_idx %arg13[%add3A_1155] : memref<9216xf32, #tpu.memory_space<vmem>>[vector<16xi32>], vector<16xf32>,
            %gather3A_1157 = tpu.vector_load_idx %arg14[%mul3A_1124] : memref<4608xf32, #tpu.memory_space<vmem>>[vector<16xi32>], vector<16xf32>,
            %add3A_1158 = arith.constant 1 : i32
            %add3A_1159 = vector.broadcast %add3A_1158 : i32 to vector<16xi32>
            %add3A_1160 = arith.addi %mul3A_1124, %add3A_1159 : vector<16xi32>
            %gather3A_1161 = tpu.vector_load_idx %arg14[%add3A_1160] : memref<4608xf32, #tpu.memory_space<vmem>>[vector<16xi32>], vector<16xf32>,
            %add3A_1162 = arith.constant 2 : i32
            %add3A_1163 = vector.broadcast %add3A_1162 : i32 to vector<16xi32>
            %add3A_1164 = arith.addi %mul3A_1124, %add3A_1163 : vector<16xi32>
            %gather3A_1165 = tpu.vector_load_idx %arg14[%add3A_1164] : memref<4608xf32, #tpu.memory_space<vmem>>[vector<16xi32>], vector<16xf32>,
            %broadcast_in_dim3A_1166 = arith.constant 0 : i32
            %broadcast_in_dim3A_1167 = vector.broadcast %broadcast_in_dim3A_1166 : i32 to vector<16xi32>
            %gather3A_1168 = tpu.vector_load_idx %arg12[%gather3A_1135, %broadcast_in_dim3A_1167] : memref<1024x16xf32, #tpu.memory_space<vmem>>[vector<16xi32>, vector<16xi32>], vector<16xf32>,
            %broadcast_in_dim3A_1169 = arith.constant 1 : i32
            %broadcast_in_dim3A_1170 = vector.broadcast %broadcast_in_dim3A_1169 : i32 to vector<16xi32>
            %gather3A_1171 = tpu.vector_load_idx %arg12[%gather3A_1135, %broadcast_in_dim3A_1170] : memref<1024x16xf32, #tpu.memory_space<vmem>>[vector<16xi32>, vector<16xi32>], vector<16xf32>,
            %broadcast_in_dim3A_1172 = arith.constant 2 : i32
            %broadcast_in_dim3A_1173 = vector.broadcast %broadcast_in_dim3A_1172 : i32 to vector<16xi32>
            %gather3A_1174 = tpu.vector_load_idx %arg12[%gather3A_1135, %broadcast_in_dim3A_1173] : memref<1024x16xf32, #tpu.memory_space<vmem>>[vector<16xi32>, vector<16xi32>], vector<16xf32>,
            %broadcast_in_dim3A_1175 = arith.constant 3 : i32
            %broadcast_in_dim3A_1176 = vector.broadcast %broadcast_in_dim3A_1175 : i32 to vector<16xi32>
            %gather3A_1177 = tpu.vector_load_idx %arg12[%gather3A_1135, %broadcast_in_dim3A_1176] : memref<1024x16xf32, #tpu.memory_space<vmem>>[vector<16xi32>, vector<16xi32>], vector<16xf32>,
            %broadcast_in_dim3A_1178 = arith.constant 4 : i32
            %broadcast_in_dim3A_1179 = vector.broadcast %broadcast_in_dim3A_1178 : i32 to vector<16xi32>
            %gather3A_1180 = tpu.vector_load_idx %arg12[%gather3A_1135, %broadcast_in_dim3A_1179] : memref<1024x16xf32, #tpu.memory_space<vmem>>[vector<16xi32>, vector<16xi32>], vector<16xf32>,
            %broadcast_in_dim3A_1181 = arith.constant 5 : i32
            %broadcast_in_dim3A_1182 = vector.broadcast %broadcast_in_dim3A_1181 : i32 to vector<16xi32>
            %gather3A_1183 = tpu.vector_load_idx %arg12[%gather3A_1135, %broadcast_in_dim3A_1182] : memref<1024x16xf32, #tpu.memory_space<vmem>>[vector<16xi32>, vector<16xi32>], vector<16xf32>,
            %broadcast_in_dim3A_1184 = arith.constant 6 : i32
            %broadcast_in_dim3A_1185 = vector.broadcast %broadcast_in_dim3A_1184 : i32 to vector<16xi32>
            %gather3A_1186 = tpu.vector_load_idx %arg12[%gather3A_1135, %broadcast_in_dim3A_1185] : memref<1024x16xf32, #tpu.memory_space<vmem>>[vector<16xi32>, vector<16xi32>], vector<16xf32>,
            %broadcast_in_dim3A_1187 = arith.constant 7 : i32
            %broadcast_in_dim3A_1188 = vector.broadcast %broadcast_in_dim3A_1187 : i32 to vector<16xi32>
            %gather3A_1189 = tpu.vector_load_idx %arg12[%gather3A_1135, %broadcast_in_dim3A_1188] : memref<1024x16xf32, #tpu.memory_space<vmem>>[vector<16xi32>, vector<16xi32>], vector<16xf32>,
            %broadcast_in_dim3A_1190 = arith.constant 8 : i32
            %broadcast_in_dim3A_1191 = vector.broadcast %broadcast_in_dim3A_1190 : i32 to vector<16xi32>
            %gather3A_1192 = tpu.vector_load_idx %arg12[%gather3A_1135, %broadcast_in_dim3A_1191] : memref<1024x16xf32, #tpu.memory_space<vmem>>[vector<16xi32>, vector<16xi32>], vector<16xf32>,
            %add3A_1193 = arith.addf %gather3A_1157, %gather3A_1136 : vector<16xf32>
            %sub3A_1194 = arith.subf %add3A_1193, %gather3A_1186 : vector<16xf32>
            %add3A_1195 = arith.addf %gather3A_1161, %gather3A_1140 : vector<16xf32>
            %sub3A_1196 = arith.subf %add3A_1195, %gather3A_1189 : vector<16xf32>
            %add3A_1197 = arith.addf %gather3A_1165, %gather3A_1144 : vector<16xf32>
            %sub3A_1198 = arith.subf %add3A_1197, %gather3A_1192 : vector<16xf32>
            %sub3A_1199 = arith.subf %gather3A_1148, %gather3A_1168 : vector<16xf32>
            %mul3A_1200 = arith.mulf %gather3A_1180, %sub3A_1198 : vector<16xf32>
            %mul3A_1201 = arith.mulf %gather3A_1183, %sub3A_1196 : vector<16xf32>
            %sub3A_1202 = arith.subf %mul3A_1200, %mul3A_1201 : vector<16xf32>
            %add3A_1203 = arith.addf %sub3A_1199, %sub3A_1202 : vector<16xf32>
            %sub3A_1204 = arith.subf %gather3A_1152, %gather3A_1171 : vector<16xf32>
            %mul3A_1205 = arith.mulf %gather3A_1183, %sub3A_1194 : vector<16xf32>
            %mul3A_1206 = arith.mulf %gather3A_1177, %sub3A_1198 : vector<16xf32>
            %sub3A_1207 = arith.subf %mul3A_1205, %mul3A_1206 : vector<16xf32>
            %add3A_1208 = arith.addf %sub3A_1204, %sub3A_1207 : vector<16xf32>
            %sub3A_1209 = arith.subf %gather3A_1156, %gather3A_1174 : vector<16xf32>
            %mul3A_1210 = arith.mulf %gather3A_1177, %sub3A_1196 : vector<16xf32>
            %mul3A_1211 = arith.mulf %gather3A_1180, %sub3A_1194 : vector<16xf32>
            %sub3A_1212 = arith.subf %mul3A_1210, %mul3A_1211 : vector<16xf32>
            %add3A_1213 = arith.addf %sub3A_1209, %sub3A_1212 : vector<16xf32>
            tpu.vector_store_idx %arg16[%mul3A_1121], %gather3A_1136 : memref<9216xf32, #tpu.memory_space<vmem>>[vector<16xi32>], vector<16xf32>,
            %add3A_1214 = arith.constant 1 : i32
            %add3A_1215 = vector.broadcast %add3A_1214 : i32 to vector<16xi32>
            %add3A_1216 = arith.addi %mul3A_1121, %add3A_1215 : vector<16xi32>
            tpu.vector_store_idx %arg16[%add3A_1216], %gather3A_1140 : memref<9216xf32, #tpu.memory_space<vmem>>[vector<16xi32>], vector<16xf32>,
            %add3A_1217 = arith.constant 2 : i32
            %add3A_1218 = vector.broadcast %add3A_1217 : i32 to vector<16xi32>
            %add3A_1219 = arith.addi %mul3A_1121, %add3A_1218 : vector<16xi32>
            tpu.vector_store_idx %arg16[%add3A_1219], %gather3A_1144 : memref<9216xf32, #tpu.memory_space<vmem>>[vector<16xi32>], vector<16xf32>,
            %add3A_1220 = arith.constant 3 : i32
            %add3A_1221 = vector.broadcast %add3A_1220 : i32 to vector<16xi32>
            %add3A_1222 = arith.addi %mul3A_1121, %add3A_1221 : vector<16xi32>
            tpu.vector_store_idx %arg16[%add3A_1222], %add3A_1203 : memref<9216xf32, #tpu.memory_space<vmem>>[vector<16xi32>], vector<16xf32>,
            %add3A_1223 = arith.constant 4 : i32
            %add3A_1224 = vector.broadcast %add3A_1223 : i32 to vector<16xi32>
            %add3A_1225 = arith.addi %mul3A_1121, %add3A_1224 : vector<16xi32>
            tpu.vector_store_idx %arg16[%add3A_1225], %add3A_1208 : memref<9216xf32, #tpu.memory_space<vmem>>[vector<16xi32>], vector<16xf32>,
            %add3A_1226 = arith.constant 5 : i32
            %add3A_1227 = vector.broadcast %add3A_1226 : i32 to vector<16xi32>
            %add3A_1228 = arith.addi %mul3A_1121, %add3A_1227 : vector<16xi32>
            tpu.vector_store_idx %arg16[%add3A_1228], %add3A_1213 : memref<9216xf32, #tpu.memory_space<vmem>>[vector<16xi32>], vector<16xf32>,
          }
          %scan3A_1111 = arith.constant 10 : i32
          %mul3A_1112 = arith.constant 6 : i32
          %mul3A_1113 = arith.muli %mul3A_1090, %mul3A_1112 : i32
          "tpu.region"() ({
            %run_scoped3A = tpu.sem_alloc : memref<!tpu.dma_semaphore, #tpu.memory_space<semaphore_mem>>
            %dma_start3A = arith.constant 0 : i32
            %dma_start3A_1114 = tpu.memref_slice %arg16[%dma_start3A] : memref<9216xf32, #tpu.memory_space<vmem>> -> memref<960xf32, #tpu.memory_space<vmem>>
            %dma_start3A_1115 = tpu.memref_slice %arg7[%mul3A_1113] : memref<600000xf32, #tpu.memory_space<hbm>> -> memref<960xf32, #tpu.memory_space<hbm>>
            %dma_start3A_1116 = tpu.memref_slice %arg7[%mul3A_1113] : memref<600000xf32, #tpu.memory_space<hbm>> -> memref<960xf32, #tpu.memory_space<hbm>>
            %dma_start3A_1117 = arith.constant 0 : i32
            %dma_start3A_1118 = tpu.memref_slice %arg16[%dma_start3A_1117] : memref<9216xf32, #tpu.memory_space<vmem>> -> memref<960xf32, #tpu.memory_space<vmem>>
            tpu.enqueue_dma source(%dma_start3A_1118 : memref<960xf32, #tpu.memory_space<vmem>>) target(%dma_start3A_1116 : memref<960xf32, #tpu.memory_space<hbm>>) target_semaphore(%run_scoped3A : memref<!tpu.dma_semaphore, #tpu.memory_space<semaphore_mem>>)
            %dma_wait3A = arith.constant 0 : i32
            %dma_wait3A_1119 = tpu.memref_slice %arg16[%dma_wait3A] : memref<9216xf32, #tpu.memory_space<vmem>> -> memref<960xf32, #tpu.memory_space<vmem>>
            %dma_wait3A_1120 = tpu.memref_slice %arg7[%mul3A_1113] : memref<600000xf32, #tpu.memory_space<hbm>> -> memref<960xf32, #tpu.memory_space<hbm>>
            %dma_wait3A_1121 = tpu.memref_slice %arg7[%mul3A_1113] : memref<600000xf32, #tpu.memory_space<hbm>> -> memref<960xf32, #tpu.memory_space<hbm>>
            %dma_wait3A_1122 = arith.constant 0 : i32
            %dma_wait3A_1123 = tpu.memref_slice %arg16[%dma_wait3A_1122] : memref<9216xf32, #tpu.memory_space<vmem>> -> memref<960xf32, #tpu.memory_space<vmem>>
            tpu.wait_dma2 semaphore(%run_scoped3A : memref<!tpu.dma_semaphore, #tpu.memory_space<semaphore_mem>>) src(%dma_wait3A_1123 : memref<960xf32, #tpu.memory_space<vmem>>) dst(%dma_wait3A_1121 : memref<960xf32, #tpu.memory_space<hbm>>)
            tpu.yield
          }) : () -> ()
        } else {
        }
      } else {
      }
    }
    %scan3A_1082 = arith.constant 3 : i32
    return
  }
}

</mosaic_0001>

<sc_bundles>
// kernel: conservation_k1_moments.3.cloned.1.call-start
scs
__scs_entry_jumppad:
0x0: {  	(pc) =	sbr.rel $0x88, $3  }
0x1: {  	(tag) =	ssettag $0x0;
	lr =	simm.s32 $0x1  }
0x2: {  	[smem:$0x3F9B] =	sst lr;
	_ =	strace $0xD0000000  }
0x3: {  	_ = 	snop  }
0x4: {  	_ = 	snop  }
0x5: {  	_ = 	snop  }
0x6: {  	_ = 	snop  }
0x7: {  	_ = 	snop  }
__scs_overlays_trampoline_lowered:
0x8: {  	[smem:$0x3FAA] =	sst s0  }
0x9: {  	[smem:$0x3FAB] =	sst s1  }
0xa: {  	[smem:$0x3FAC] =	sst s2  }
0xb: {  	[smem:$0x3FAD] =	sst s3  }
0xc: {  	[smem:$0x3FAE] =	sst s4  }
0xd: {  	[smem:$0x3FAF] =	sst s5  }
0xe: {  	[smem:$0x3FB0] =	sst s6  }
0xf: {  	[smem:$0x3FB1] =	sst s7  }
0x10: {  	[smem:$0x3FB2] =	sst s8  }
0x11: {  	[smem:$0x3FB3] =	sst s9;
	s0 =	simm.s32 @!p0 $0x0  }
0x12: {  	s1 =	sld [smem:$0x3F99];
	s0 =	simm.s32 @p0 $0x1  }
0x13: {  	[smem:$0x3FB4] =	sst s0;
	s0 =	simm.s32 @!p1 $0x0  }
0x14: {  	s2 =	sld [smem:$0x3F98];
	s0 =	simm.s32 @p1 $0x1  }
0x15: {  	[smem:$0x3FB5] =	sst s0;
	s0 =	simm.s32 @!p2 $0x0  }
0x16: {  	s3 =	sld [smem:$0x3FDB];
	s0 =	simm.s32 @p2 $0x1  }
0x17: {  	s4 =	simm.s32 $0x1BF5;
	[smem:$0x3FB7] =	sst s0  }
0x18: {  	s0 =	sld [smem:$0x3F9A];
	_ =	swait.ge [sflag:s4], $0x0  }
0x19: {  	s7 =	sld [smem:$0x3F9B]  }
0x1a: {  	s8 =	sadd.s32 $0xFFFFE003, lr  }
0x1b: {  	s9 =	sadd.s32 $0xFFFFFEF7, lr;
	s5 =	simm.s32 $0xFFFFFFFF;
	p2 =	slt.u32 s8, $0xFFFFF086  }
0x1c: {  	p1 =	slt.u32 s9, $0xF7A;
	s5 =	simm.s32 @!p2 $0x0  }
0x1d: {  	s5 =	simm.s32 @p1 $0x1;
	p0 =	seq.s32 s7, s2  }
0x1e: {  	s7 =	smul.u32 @!p0 $0xF7A, s2;
	p2 =	seq.s32 @!p0 s5, $0x0  }
0x1f: {  	s9 =	smul.u32 $0xF7A, s1;
	s8 =	simm.s32 @!p0 $0x1BF5;
	p2 =	por !p2, p0  }
0x20: {  	[sflag:s8] =	ssyncset.s32 @!p0 $0xFFFFF086;
	s6 =	sadd.s32 @!p0 s3, s7;
	s7 =	simm.s32 @!p0 $0x108  }
0x21: {  	s3 =	sadd.s32 s3, s9;
	s6 =	sadd.s32 @!p0 $0x88, s6;
	s7 =	simm.s32 @p2 $0x1082  }
0x22: {  	[simem:s7], [sflag:s8] =	dma.local @!p0 [hbm:s6], $0xF7A  }
0x23: {  	s9 =	sor.u32 $0xD0000000, s2;
	s6 =	simm.s32 $0x108;
	_ =	swait.ge @!p0 [sflag:s8], $0x0  }
0x24: {  	s3 =	sadd.s32 $0x88, s3;
	s6 =	simm.s32 @!p1 $0x1082;
	[sflag:s4] =	ssyncset.s32 $0xFFFFF086  }
0x25: {  	[simem:s6], [sflag:s4] =	dma.local [hbm:s3], $0xF7A  }
0x26: {  	[smem:$0x3F9B] =	sst s1;
	(tag) =	ssettag s2;
	_ =	strace s9  }
0x27: {  	s1 =	sld [smem:$0x3FAB]  }
0x28: {  	s2 =	sld [smem:$0x3FAC]  }
0x29: {  	s4 =	sld [smem:$0x3FAE]  }
0x2a: {  	p0 =	seq.s32 s5, $0x0;
	s5 =	sld [smem:$0x3FAF]  }
0x2b: {  	s6 =	sld [smem:$0x3FB0]  }
0x2c: {  	s7 =	sld [smem:$0x3FB1]  }
0x2d: {  	s3 =	simm.s32 $0x108;
	s8 =	sld [smem:$0x3FB2]  }
0x2e: {  	s3 =	simm.s32 @!p0 $0x1082;
	s9 =	sld [smem:$0x3FB3]  }
0x2f: {  	lr =	sadd.s32 s0, s3;
	s0 =	sld [smem:$0x3FAA]  }
0x30: {  	s3 =	sld [smem:$0x3FAD]  }
0x31: {  	[smem:$0x3FB6] =	sst s10  }
0x32: {  	s10 =	sld [smem:$0x3FB4];
	_ =	sdelay $0x3  }
0x33: {  	p0 =	seq.s32 s10, $0x1;
	s10 =	sld [smem:$0x3FB6];
	_ =	sdelay $0x3  }
0x34: {  	[smem:$0x3FB6] =	sst s10  }
0x35: {  	s10 =	sld [smem:$0x3FB5];
	_ =	sdelay $0x3  }
0x36: {  	p1 =	seq.s32 s10, $0x1;
	s10 =	sld [smem:$0x3FB6];
	_ =	sdelay $0x3  }
0x37: {  	[smem:$0x3FB6] =	sst s10  }
0x38: {  	s10 =	sld [smem:$0x3FB7]  }
0x39: {  	_ = 	snop;
	(pc) =	sbr.ind lr, $3  }
0x3a: {  	_ = 	snop  }
0x3b: {  	_ = 	snop  }
0x3c: {  	p2 =	seq.s32 s10, $0x1;
	s10 =	sld [smem:$0x3FB6]  }
0x3d: {  	_ =	shalt  }
0x3e: {  	_ =	shalt  }
0x3f: {  	_ =	shalt  }
0x40: {  	_ =	shalt  }
0x41: {  	_ =	shalt  }
0x42: {  	_ =	shalt  }
0x43: {  	_ =	shalt  }
0x44: {  	_ =	shalt  }
0x45: {  	_ =	shalt  }
0x46: {  	_ =	shalt  }
0x47: {  	_ =	shalt  }
0x48: {  	_ =	shalt  }
0x49: {  	_ =	shalt  }
0x4a: {  	_ =	shalt  }
0x4b: {  	_ =	shalt  }
0x4c: {  	_ =	shalt  }
0x4d: {  	_ =	shalt  }
0x4e: {  	_ =	shalt  }
0x4f: {  	_ =	shalt  }
0x50: {  	_ =	shalt  }
0x51: {  	_ =	shalt  }
0x52: {  	_ =	shalt  }
0x53: {  	_ =	shalt  }
0x54: {  	_ =	shalt  }
0x55: {  	_ =	shalt  }
0x56: {  	_ =	shalt  }
0x57: {  	_ =	shalt  }
0x58: {  	_ =	shalt  }
0x59: {  	_ =	shalt  }
0x5a: {  	_ =	shalt  }
0x5b: {  	_ =	shalt  }
0x5c: {  	_ =	shalt  }
0x5d: {  	_ =	shalt  }
0x5e: {  	_ =	shalt  }
0x5f: {  	_ =	shalt  }
0x60: {  	_ =	shalt  }
0x61: {  	_ =	shalt  }
0x62: {  	_ =	shalt  }
0x63: {  	_ =	shalt  }
0x64: {  	_ =	shalt  }
0x65: {  	_ =	shalt  }
0x66: {  	_ =	shalt  }
0x67: {  	_ =	shalt  }
0x68: {  	_ =	shalt  }
0x69: {  	_ =	shalt  }
0x6a: {  	_ =	shalt  }
0x6b: {  	_ =	shalt  }
0x6c: {  	_ =	shalt  }
0x6d: {  	_ =	shalt  }
0x6e: {  	_ =	shalt  }
0x6f: {  	_ =	shalt  }
0x70: {  	_ =	shalt  }
0x71: {  	_ =	shalt  }
0x72: {  	_ =	shalt  }
0x73: {  	_ =	shalt  }
0x74: {  	_ =	shalt  }
0x75: {  	_ =	shalt  }
0x76: {  	_ =	shalt  }
0x77: {  	_ =	shalt  }
0x78: {  	_ =	shalt  }
0x79: {  	_ =	shalt  }
0x7a: {  	_ =	shalt  }
0x7b: {  	_ =	shalt  }
0x7c: {  	_ =	shalt  }
0x7d: {  	_ =	shalt  }
0x7e: {  	_ =	shalt  }
0x7f: {  	_ =	shalt  }
0x80: {  	_ =	shalt  }
0x81: {  	_ =	shalt  }
0x82: {  	_ =	shalt  }
0x83: {  	_ =	shalt  }
0x84: {  	_ =	shalt  }
0x85: {  	_ =	shalt  }
0x86: {  	_ =	shalt  }
0x87: {  	_ =	shalt  }
.Lfunc_end0:
.L_simem_size_0:
called_computation_lowered:
.L_overlay_start_0:
0x88: {  	s2 =	sld [smem:$0x3FD9]  }
0x89: {  	s3 =	sld [smem:$0x3FFE];
	_ =	sdelay $0x1  }
0x8a: {  	s1 =	srdreg.scid  }
0x8b: {  	s0 =	sand.u32 $0x1, s1  }
0x8c: {  	s17 =	sshll.u32 s0, $0xA;
	s2 =	sadd.s32 s3, s2  }
0x8d: {  	s2 =	sadd.s32 s2, s17  }
0x8e: {  	[smem:$0x3FC2] =	sst s2  }
0x8f: {  	_ = 	snop  }
0x90: {  	s2 =	sld [smem:$0x3FD0];
	(tm) =	ssettm $0x1  }
0x91: {  	s18 =	sld [smem:$0x3FFB];
	_ =	sdelay $0x3  }
0x92: {  	_ =	strace s18  }
0x93: {  	s3 =	sld [smem:$0x3FFC];
	_ =	sdelay $0x3  }
0x94: {  	_ =	strace s3  }
0x95: {  	s3 =	sld [smem:$0x3FFD];
	_ =	sdelay $0x3  }
0x96: {  	_ =	strace s3  }
0x97: {  	_ =	strace $0x8FFFFFFF  }
0x98: {  	s19 =	sld [smem:$0x3FDB];
	_ =	sdelay $0x1  }
0x99: {  	s4 =	simm.s32 $_scs_section_size  }
0x9a: {  	s5 =	simm.s32 $_size__tile_overlayer_lowered;
	s6 =	simm.s32 $_tile_overlayer_lowered  }
0x9b: {  	s22 =	simm.s32 $0x1BFF;
	s21 =	sshll.u32 s6, $0x1;
	s3 =	sadd.s32 s4, s19  }
0x9c: {  	s7 =	simm.s32 $0x0;
	s20 =	sshll.u32 s5, $0x1;
	s5 =	sadd.s32 s21, s3  }
0x9d: {  	[timem:s7], [sflag:s22] =	dma.local [hbm:s5], s20  }
0x9e: {  	_ =	swait.ge [sflag:s22], s20  }
0x9f: {  	s4 =	ssub.s32 $0x0, s20;
	[sflag:s22] =	ssyncset.done $0x0  }
0xa0: {  	[sflag:s22] =	ssyncadd.s32 s4;
	_ =	sdelay $0x1  }
0xa1: {  	s23 =	simm.s32 $0x1B8B  }
0xa2: {  	_ =	swait.ge [sflag:s23], $0x1  }
0xa3: {  	[sflag:s23] =	ssyncset.done $0x0  }
0xa4: {  	s25 =	simm.s32 $0x1B8E;
	s24 =	sld [smem:$0x3FFE];
	[sflag:s23] =	ssyncadd.s32 $0xFFFFFFFF  }
0xa5: {  	s26 =	simm.s32 $execute0_lowered;
	[smem:$0x3FD2] =	sst s25  }
0xa6: {  	s5 =	sshll.u32 s26, $0x1;
	_ =	strace $0x80000046;
	[dreg:$0x1] =	wrdreg $0xFFFFFFFF  }
0xa7: {  	s28 =	simm.s32 $_size_execute0_lowered;
	s3 =	sadd.s32 s3, s5;
	[dreg:$0x0] =	wrdreg $0x0  }
0xa8: {  	s5 =	sshll.u32 s28, $0x1;
	[dreg:$0x2] =	wrdreg s3  }
0xa9: {  	[dreg:$0x3] =	wrdreg s5  }
0xaa: {  	[dreg:$0x4] =	wrdreg $0xC0  }
0xab: {  	_ =	task [dreg:s7], $0x5FFFF  }
0xac: {  	[dreg:$0x1] =	wrdreg $0xFFFFFFFF  }
0xad: {  	[dreg:$0x0] =	wrdreg $0x60  }
0xae: {  	[dreg:$0x2] =	wrdreg s2  }
0xaf: {  	[dreg:$0x3] =	wrdreg s24  }
0xb0: {  	[dreg:$0x4] =	wrdreg $0x126000  }
0xb1: {  	[dreg:$0x5] =	wrdreg $0x9  }
0xb2: {  	_ =	task.clear_ibuf [dreg:s7], $0x6FFFF;
	_ =	strace $0x90000046  }
0xb3: {  	s29 =	simm.s32 $0x9;
	_ =	strace $0x80000048  }
0xb4: {  	_ =	swait.ge [sflag:s29], $0x1  }
0xb5: {  	[sflag:s29] =	ssyncadd.s32 $0xFFFFFFFF  }
0xb6: {  	_ =	strace $0x90000048  }
0xb7: {  	_ =	sfence  }
0xb8: {  	s30 =	sld [smem:$0x0];
	_ =	sdelay $0x2  }
0xb9: {  	s31 =	sshll.u32 s1, $0xD;
	s1 =	sshrl.u32 s1, $0x2  }
0xba: {  	s3 =	sand.u32 $0x4000, s31;
	s1 =	sadd.s32 s1, s30  }
0xbb: {  	s0 =	sor.u32 s3, s0;
	s1 =	sshll.u32 s1, $0x11  }
0xbc: {  	s0 =	sor.u32 s1, s0  }
0xbd: {  	s0 =	sadd.s32 $0x8F2B, s0  }
0xbe: {  	[sflag:s0] =	ssyncadd.remote.s32 $0x1  }
0xbf: {  	_ =	sfence.sel $0xFFFF  }
0xc0: {  	[dreg:$0x0] =	wrdreg $0xFFFFFFFF;
	(pc) =	sbr.abs _section_cstart, $3  }
0xc1: {  	[dreg:$0x1] =	wrdreg $0xFFFFFFFF  }
0xc2: {  	_ =	task.clear_ibuf [dreg:s7], $0x2FFFF;
	_ =	strace $0x9FFFFFFF  }
0xc3: {  	(tm) =	ssettm $0x7FFFFFFF  }
tec
execute0_lowered:
.L_overlay_start_1:
0x0: {  	(tag) =	ssettag $0x1  }
0x1: {  	s12 =	rddreg [dreg:$0x0]  }
0x2: {  	s0 =	rddreg [dreg:$0x1]  }
0x3: {  	s2 =	rddreg [dreg:$0x2];
	s3 =	simm.s32 $0x0;
	s1 =	srdreg.scid  }
0x4: {  	s13 =	stileid.u32;
	s19 =	simm.s32 $0x1;
	s20 =	simm.s32 $0x4E00  }
0x5: {  	s21 =	simm.s32 $0x2400;
	s22 =	simm.s32 $0x3600;
	s23 =	simm.s32 $0x4800  }
0x6: {  	s24 =	simm.s32 $0x5600;
	s25 =	simm.s32 $0x80;
	s28 =	simm.s32 $0x6600  }
0x7: {  	s16 =	simm.s32 $0x5300;
	s17 =	simm.s32 $0xF600;
	[smem:$0x7FF] =	sst s3  }
0x8: {  	s29 =	simm.s32 $0x0;
	s5 =	sadd.s32 $0x187600, s0;
	s6 =	sadd.s32 $0x190A00, s0  }
0x9: {  	s7 =	sand.u32 $0x1, s1;
	s8 =	sadd.s32 $0x4E00, s0;
	s9 =	sadd.s32 $0xC00, s0  }
0xa: {  	s4 =	sshll.u32 s13, $0x8;
	s11 =	sshll.u32 s13, $0xB;
	s14 =	sadd.s32 $0x199C40, s0  }
0xb: {  	s12 =	sadd.s32 $0x12480, s12;
	s15 =	sadd.s32 $0x7EC0, s0;
	_ =	strace $0x80000047  }
0xc: {  	s1 =	ssub.s32 $0x2, s7;
	s4 =	sadd.s32 s4, s0;
	s18 =	sadd.s32 s11, s2  }
.Ltmp0:
0xd: {  	s26 =	sshll.u32 s7, $0xC;
	s11 =	simm.s32 $0x5380;
	(pc) =	sbr.rel .LBB2_1-.Ltmp0, $4  }
0xe: {  	s10 =	sshrl.u32 s1, $0x1;
	s4 =	sadd.s32 s26, s4;
	s26 =	simm.s32 $0x4E80  }
0xf: {  	[dreg:$0x4] =	wrdreg s18;
	s1 =	ssub.s32 s1, s10;
	s30 =	sadd.s32 $0x8000, s4  }
0x10: {  	v0 =	vlaneseq.u32;
	s10 =	sshll.u32 s13, $0x1;
	[dreg:$0x5] =	wrdreg s30;
	s31 =	smax.u32 s1, $0x1  }
0x11: {  	v1 =	vimm.f32 $0.0e+00;
	v2 =	vor.u32 $0xFFFFFFF8, v0;
	s13 =	sadd.s32 $0x190840, s0;
	s1 =	simm.s32 $0x10600;
	[dreg:$0x6] =	wrdreg s31  }
.LBB2_12:
0x12: {  	[bflag:$0x0] =	sbarrier.arrive $0xFFFF  }
0x13: {  	s4 =	simm.s32 $0x11E00;
	s18 =	rddreg [dreg:$0x4]  }
0x14: {  	[tilespmem:s4], [sflag:$0x1] =	stream.linear.gather [spmem:s18], $0x800, $0x38;
	[tilespmem:$0x12E00] =	vst v63  }
0x15: {  	_ =	swait.ge [sflag:s19], $0x800  }
0x16: {  	[sflag:s19] =	ssyncset.done $0x0  }
0x17: {  	s0 =	rddreg [dreg:$0x5];
	[sflag:s19] =	ssyncadd.s32 $0xFFFFF800  }
0x18: {  	[hbm4b:s0+s3] =	stream.linear.scatter [tilespmem:s4], [sflag:$0x1], $0x800, $0x38;
	[tilespmem:$0x12E00] =	vst v63  }
0x19: {  	_ =	swait.ge [sflag:s19], $0x800  }
0x1a: {  	s29 =	sadd.s32 $0x1, s29;
	s31 =	rddreg [dreg:$0x6]  }
0x1b: {  	p0 =	sne.s32 s29, s31  }
.Ltmp1:
0x1c: {  	_ = 	snop;
	(pc) =	sbr.rel @!p0 .LBB2_13-.Ltmp1, $3  }
0x1d: {  	_ =	sdelay $0x1  }
0x1e: {  	[sflag:s19] =	ssyncset.done $0x0  }
0x1f: {  	[sflag:s19] =	ssyncadd.s32 $0xFFFFF800  }
.LBB2_1:
0x20: {  	[tilespmem:$0x11600] =	vst v1  }
0x21: {  	[tilespmem:$0x11610] =	vst v1  }
0x22: {  	[tilespmem:$0x11620] =	vst v1  }
0x23: {  	[tilespmem:$0x11630] =	vst v1  }
0x24: {  	[tilespmem:$0x11640] =	vst v1  }
0x25: {  	[tilespmem:$0x11650] =	vst v1  }
0x26: {  	[tilespmem:$0x11660] =	vst v1  }
0x27: {  	[tilespmem:$0x11670] =	vst v1  }
0x28: {  	[tilespmem:$0x11680] =	vst v1  }
0x29: {  	[tilespmem:$0x11690] =	vst v1  }
0x2a: {  	[tilespmem:$0x116A0] =	vst v1  }
0x2b: {  	[tilespmem:$0x116B0] =	vst v1  }
0x2c: {  	[tilespmem:$0x116C0] =	vst v1  }
0x2d: {  	[tilespmem:$0x116D0] =	vst v1  }
0x2e: {  	[tilespmem:$0x116E0] =	vst v1  }
0x2f: {  	[tilespmem:$0x116F0] =	vst v1  }
0x30: {  	[tilespmem:$0x11700] =	vst v1  }
0x31: {  	[tilespmem:$0x11710] =	vst v1  }
0x32: {  	[tilespmem:$0x11720] =	vst v1  }
0x33: {  	[tilespmem:$0x11730] =	vst v1  }
0x34: {  	[tilespmem:$0x11740] =	vst v1  }
0x35: {  	[tilespmem:$0x11750] =	vst v1  }
0x36: {  	[tilespmem:$0x11760] =	vst v1  }
0x37: {  	[tilespmem:$0x11770] =	vst v1  }
0x38: {  	[tilespmem:$0x11780] =	vst v1  }
0x39: {  	[tilespmem:$0x11790] =	vst v1  }
0x3a: {  	[tilespmem:$0x117A0] =	vst v1  }
0x3b: {  	[tilespmem:$0x117B0] =	vst v1  }
0x3c: {  	[tilespmem:$0x117C0] =	vst v1  }
0x3d: {  	[tilespmem:$0x117D0] =	vst v1  }
0x3e: {  	[tilespmem:$0x117E0] =	vst v1  }
0x3f: {  	[tilespmem:$0x117F0] =	vst v1  }
0x40: {  	[tilespmem:$0x11800] =	vst v1  }
0x41: {  	[tilespmem:$0x11810] =	vst v1  }
0x42: {  	[tilespmem:$0x11820] =	vst v1  }
0x43: {  	[tilespmem:$0x11830] =	vst v1  }
0x44: {  	[tilespmem:$0x11840] =	vst v1  }
0x45: {  	[tilespmem:$0x11850] =	vst v1  }
0x46: {  	[tilespmem:$0x11860] =	vst v1  }
0x47: {  	[tilespmem:$0x11870] =	vst v1  }
0x48: {  	[tilespmem:$0x11880] =	vst v1  }
0x49: {  	[tilespmem:$0x11890] =	vst v1  }
0x4a: {  	[tilespmem:$0x118A0] =	vst v1  }
0x4b: {  	[tilespmem:$0x118B0] =	vst v1  }
0x4c: {  	[tilespmem:$0x118C0] =	vst v1  }
0x4d: {  	[tilespmem:$0x118D0] =	vst v1  }
0x4e: {  	[tilespmem:$0x118E0] =	vst v1  }
0x4f: {  	[tilespmem:$0x118F0] =	vst v1  }
0x50: {  	[tilespmem:$0x11900] =	vst v1  }
0x51: {  	[tilespmem:$0x11910] =	vst v1  }
0x52: {  	[tilespmem:$0x11920] =	vst v1  }
0x53: {  	[tilespmem:$0x11930] =	vst v1  }
0x54: {  	[tilespmem:$0x11940] =	vst v1  }
0x55: {  	[tilespmem:$0x11950] =	vst v1  }
0x56: {  	[tilespmem:$0x11960] =	vst v1  }
0x57: {  	[tilespmem:$0x11970] =	vst v1  }
0x58: {  	[tilespmem:$0x11980] =	vst v1  }
0x59: {  	[tilespmem:$0x11990] =	vst v1  }
0x5a: {  	[tilespmem:$0x119A0] =	vst v1  }
0x5b: {  	[tilespmem:$0x119B0] =	vst v1  }
0x5c: {  	[tilespmem:$0x119C0] =	vst v1  }
0x5d: {  	[tilespmem:$0x119D0] =	vst v1  }
0x5e: {  	[tilespmem:$0x119E0] =	vst v1  }
0x5f: {  	[tilespmem:$0x119F0] =	vst v1  }
0x60: {  	[tilespmem:$0x11A00] =	vst v1  }
0x61: {  	[tilespmem:$0x11A10] =	vst v1  }
0x62: {  	[tilespmem:$0x11A20] =	vst v1  }
0x63: {  	[tilespmem:$0x11A30] =	vst v1  }
0x64: {  	[tilespmem:$0x11A40] =	vst v1  }
0x65: {  	[tilespmem:$0x11A50] =	vst v1  }
0x66: {  	[tilespmem:$0x11A60] =	vst v1  }
0x67: {  	[tilespmem:$0x11A70] =	vst v1  }
0x68: {  	[tilespmem:$0x11A80] =	vst v1  }
0x69: {  	[tilespmem:$0x11A90] =	vst v1  }
0x6a: {  	[tilespmem:$0x11AA0] =	vst v1  }
0x6b: {  	[tilespmem:$0x11AB0] =	vst v1  }
0x6c: {  	[tilespmem:$0x11AC0] =	vst v1  }
0x6d: {  	[tilespmem:$0x11AD0] =	vst v1  }
0x6e: {  	[tilespmem:$0x11AE0] =	vst v1  }
0x6f: {  	[tilespmem:$0x11AF0] =	vst v1  }
0x70: {  	[tilespmem:$0x11B00] =	vst v1  }
0x71: {  	[tilespmem:$0x11B10] =	vst v1  }
0x72: {  	[tilespmem:$0x11B20] =	vst v1  }
0x73: {  	[tilespmem:$0x11B30] =	vst v1  }
0x74: {  	[tilespmem:$0x11B40] =	vst v1  }
0x75: {  	[tilespmem:$0x11B50] =	vst v1  }
0x76: {  	[tilespmem:$0x11B60] =	vst v1  }
0x77: {  	[tilespmem:$0x11B70] =	vst v1  }
0x78: {  	[tilespmem:$0x11B80] =	vst v1  }
0x79: {  	[tilespmem:$0x11B90] =	vst v1  }
0x7a: {  	[tilespmem:$0x11BA0] =	vst v1  }
0x7b: {  	[tilespmem:$0x11BB0] =	vst v1  }
0x7c: {  	[tilespmem:$0x11BC0] =	vst v1  }
0x7d: {  	[tilespmem:$0x11BD0] =	vst v1  }
0x7e: {  	[tilespmem:$0x11BE0] =	vst v1  }
0x7f: {  	[tilespmem:$0x11BF0] =	vst v1  }
0x80: {  	[tilespmem:$0x11C00] =	vst v1  }
0x81: {  	[tilespmem:$0x11C10] =	vst v1  }
0x82: {  	[tilespmem:$0x11C20] =	vst v1  }
0x83: {  	[tilespmem:$0x11C30] =	vst v1  }
0x84: {  	[tilespmem:$0x11C40] =	vst v1  }
0x85: {  	[tilespmem:$0x11C50] =	vst v1  }
0x86: {  	[tilespmem:$0x11C60] =	vst v1  }
0x87: {  	[tilespmem:$0x11C70] =	vst v1  }
0x88: {  	[tilespmem:$0x11C80] =	vst v1  }
0x89: {  	[tilespmem:$0x11C90] =	vst v1  }
0x8a: {  	[tilespmem:$0x11CA0] =	vst v1  }
0x8b: {  	[tilespmem:$0x11CB0] =	vst v1  }
0x8c: {  	[tilespmem:$0x11CC0] =	vst v1  }
0x8d: {  	[tilespmem:$0x11CD0] =	vst v1  }
0x8e: {  	[tilespmem:$0x11CE0] =	vst v1  }
0x8f: {  	[tilespmem:$0x11CF0] =	vst v1  }
0x90: {  	[tilespmem:$0x11D00] =	vst v1  }
0x91: {  	[tilespmem:$0x11D10] =	vst v1  }
0x92: {  	[tilespmem:$0x11D20] =	vst v1  }
0x93: {  	[tilespmem:$0x11D30] =	vst v1  }
0x94: {  	[tilespmem:$0x11D40] =	vst v1  }
0x95: {  	[tilespmem:$0x11D50] =	vst v1  }
0x96: {  	[tilespmem:$0x11D60] =	vst v1  }
0x97: {  	[tilespmem:$0x11D70] =	vst v1  }
0x98: {  	[tilespmem:$0x11D80] =	vst v1  }
0x99: {  	[tilespmem:$0x11D90] =	vst v1  }
0x9a: {  	[tilespmem:$0x11DA0] =	vst v1  }
0x9b: {  	[tilespmem:$0x11DB0] =	vst v1  }
0x9c: {  	[tilespmem:$0x11DC0] =	vst v1  }
0x9d: {  	[tilespmem:$0x11DD0] =	vst v1  }
0x9e: {  	[tilespmem:$0x11DE0] =	vst v1  }
0x9f: {  	[tilespmem:$0x11DF0] =	vst v1;
	s0 =	simm.s32 $0x11600  }
0xa0: {  	[spmem:s18] =	stream.linear.scatter [tilespmem:s0], [sflag:$0x1], $0x800, $0x38;
	[tilespmem:$0x12E00] =	vst v63  }
.Ltmp2:
0xa1: {  	_ =	swait.ge [sflag:s19], $0x800;
	(pc) =	sbr.rel .LBB2_2-.Ltmp2, $4  }
0xa2: {  	[sflag:s19] =	ssyncset.done $0x0  }
0xa3: {  	[sflag:s19] =	ssyncadd.s32 $0xFFFFF800  }
0xa4: {  	[bflag:$0x0] =	sbarrier.arrive $0xFFFF  }
0xa5: {  	s30 =	simm.s32 $0x0  }
.LBB2_6:
0xa6: {  	_ =	sdelay $0x3  }
0xa7: {  	v15 =	vor.u32 s31, v0;
	[tilespmem:v11+s24+$0x0] =	vst.idx.msk $0xffff, v6  }
0xa8: {  	v30 =	vmul.u32 $0x3, v15;
	v31 =	vand.u32 v2, v15;
	[tilespmem:v10+s24+$0x0] =	vst.idx.msk $0xffff, v5  }
0xa9: {  	[tilespmem:v14+s24+$0x0] =	vst.idx.msk $0xffff, v8  }
0xaa: {  	v32 =	vmul.u32 $0x6, v15;
	[tilespmem:v13+s24+$0x0] =	vst.idx.msk $0xffff, v7  }
0xab: {  	[tilespmem:v12+s24+$0x0] =	vst.idx.msk $0xffff, v9  }
0xac: {  	v33 =	vadd.s32 $0x5, v32;
	[tilespmem:v3+s24+$0x0] =	vst.idx.msk $0xffff, v4  }
0xad: {  	v34 =	vadd.s32 $0x4, v32;
	v4 =	vld.idx.msk [tilespmem:v31+s23+$0x0], $0xffff  }
0xae: {  	v36 =	vadd.s32 $0x1, v30;
	v10 =	vld.idx.msk [tilespmem:v30+s21+$0x0], $0xffff  }
0xaf: {  	v35 =	vadd.s32 $0x2, v30;
	v6 =	vld.idx.msk [tilespmem:v30+s22+$0x0], $0xffff  }
0xb0: {  	v3 =	vadd.s32 $0x3, v32;
	v5 =	vld.idx.msk [tilespmem:v32+s3+$0x0], $0xffff  }
0xb1: {  	v7 =	vld.idx.msk [tilespmem:v33+s3+$0x0], $0xffff  }
0xb2: {  	v8 =	vld.idx.msk [tilespmem:v34+s3+$0x0], $0xffff  }
0xb3: {  	v37 =	vadd.s32 $0x2, v32;
	v16 =	vld.idx.msk [tilespmem:v36+s21+$0x0], $0xffff  }
0xb4: {  	v15 =	vshll.u32 v15, $0x5;
	v38 =	vor.u32 $0x1, v32;
	v13 =	vld.idx.msk [tilespmem:v35+s21+$0x0], $0xffff  }
0xb5: {  	v17 =	vor.u32 $0x1, v15;
	v3 =	vld.idx.msk [tilespmem:v3+s3+$0x0], $0xffff  }
0xb6: {  	v18 =	vor.u32 $0x2, v15;
	v9 =	vld.idx.msk [tilespmem:v35+s22+$0x0], $0xffff  }
0xb7: {  	v19 =	vor.u32 $0x3, v15;
	v21 =	vor.u32 $0x4, v15;
	v11 =	vld.idx.msk [tilespmem:v36+s22+$0x0], $0xffff;
	v10 =	vmul.f32 v4, v10  }
0xb8: {  	v22 =	vor.u32 $0x5, v15;
	v12 =	vld.idx.msk [tilespmem:v37+s3+$0x0], $0xffff;
	v20 =	vmul.f32 v4, v6;
	v16 =	vmul.f32 v4, v16  }
0xb9: {  	v14 =	vld.idx.msk [tilespmem:v38+s3+$0x0], $0xffff;
	v5 =	vadd.f32 v6, v5;
	v13 =	vmul.f32 v4, v13;
	[tilespmem:v15+s24+$0x0] =	vst.idx.msk $0xffff, v10  }
0xba: {  	v23 =	vor.u32 $0x6, v15;
	v8 =	vmul.f32 v4, v8;
	v3 =	vmul.f32 v4, v3;
	[tilespmem:v17+s24+$0x0] =	vst.idx.msk $0xffff, v16  }
0xbb: {  	v25 =	vor.u32 $0x7, v15;
	v7 =	vmul.f32 v4, v7;
	v39 =	vmul.f32 v4, v9;
	[tilespmem:v18+s24+$0x0] =	vst.idx.msk $0xffff, v13  }
0xbc: {  	v27 =	vor.u32 $0x8, v15;
	v42 =	vmul.f32 v4, v11;
	v24 =	vmul.f32 v10, v9;
	[tilespmem:v19+s24+$0x0] =	vst.idx.msk $0xffff, v3  }
0xbd: {  	v41 =	vor.u32 $0x9, v15;
	v10 =	vmul.f32 v10, v11;
	v44 =	vmul.f32 v4, v5;
	[tilespmem:v21+s24+$0x0] =	vst.idx.msk $0xffff, v8  }
0xbe: {  	v28 =	vor.u32 $0xA, v15;
	v40 =	vmul.f32 v13, v11;
	v26 =	vmul.f32 v16, v9;
	[tilespmem:v22+s24+$0x0] =	vst.idx.msk $0xffff, v7  }
0xbf: {  	v43 =	vor.u32 $0xB, v15;
	v9 =	vadd.f32 v9, v12;
	v13 =	vmul.f32 v13, v6;
	[tilespmem:v23+s24+$0x0] =	vst.idx.msk $0xffff, v20  }
0xc0: {  	v45 =	vor.u32 $0xC, v15;
	v6 =	vmul.f32 v16, v6;
	v18 =	vsub.f32 v40, v26;
	[tilespmem:v25+s24+$0x0] =	vst.idx.msk $0xffff, v42  }
0xc1: {  	v47 =	vor.u32 $0xD, v15;
	v11 =	vadd.f32 v11, v14;
	v13 =	vsub.f32 v24, v13;
	[tilespmem:v27+s24+$0x0] =	vst.idx.msk $0xffff, v39  }
0xc2: {  	v48 =	vor.u32 $0xE, v15;
	v49 =	vmul.f32 v7, v5;
	v6 =	vsub.f32 v6, v10;
	[tilespmem:v41+s24+$0x0] =	vst.idx.msk $0xffff, v18  }
0xc3: {  	v51 =	vor.u32 $0xF, v15;
	v46 =	vmul.f32 v3, v9;
	v50 =	vmul.f32 v8, v9;
	[tilespmem:v28+s24+$0x0] =	vst.idx.msk $0xffff, v13  }
0xc4: {  	v53 =	vor.u32 $0x10, v15;
	v52 =	vmul.f32 v4, v11;
	v7 =	vmul.f32 v7, v11;
	[tilespmem:v43+s24+$0x0] =	vst.idx.msk $0xffff, v6  }
0xc5: {  	v54 =	vor.u32 $0x11, v15;
	v4 =	vmul.f32 v9, v4;
	v3 =	vmul.f32 v3, v11;
	[tilespmem:v45+s24+$0x0] =	vst.idx.msk $0xffff, v44  }
0xc6: {  	v55 =	vor.u32 $0x12, v15;
	v8 =	vmul.f32 v8, v5;
	v7 =	vsub.f32 v7, v50;
	[tilespmem:v47+s24+$0x0] =	vst.idx.msk $0xffff, v52  }
0xc7: {  	v56 =	vor.u32 $0x13, v15;
	v14 =	vsub.f32 v46, v49;
	[tilespmem:v48+s24+$0x0] =	vst.idx.msk $0xffff, v4  }
0xc8: {  	v57 =	vor.u32 $0x14, v15;
	v3 =	vsub.f32 v8, v3;
	[tilespmem:v51+s24+$0x0] =	vst.idx.msk $0xffff, v7  }
0xc9: {  	v58 =	vor.u32 $0x15, v15;
	v5 =	vmul.f32 v44, v5;
	[tilespmem:v53+s24+$0x0] =	vst.idx.msk $0xffff, v14  }
0xca: {  	v59 =	vmul.f32 v52, v11;
	[tilespmem:v54+s24+$0x0] =	vst.idx.msk $0xffff, v3;
	v3 =	vor.u32 $0x16, v15  }
0xcb: {  	v60 =	vor.u32 $0x17, v15;
	v4 =	vmul.f32 v4, v9;
	[tilespmem:v55+s24+$0x0] =	vst.idx.msk $0xffff, v5  }
0xcc: {  	v61 =	vmul.f32 v44, v11;
	[tilespmem:v56+s24+$0x0] =	vst.idx.msk $0xffff, v59  }
0xcd: {  	v62 =	vmul.f32 v44, v9;
	[tilespmem:v57+s24+$0x0] =	vst.idx.msk $0xffff, v4  }
0xce: {  	v63 =	vmul.f32 v52, v9;
	[tilespmem:v58+s24+$0x0] =	vst.idx.msk $0xffff, v61  }
0xcf: {  	[tilespmem:v3+s24+$0x0] =	vst.idx.msk $0xffff, v62  }
0xd0: {  	[tilespmem:v60+s24+$0x0] =	vst.idx.msk $0xffff, v63  }
0xd1: {  	[spmem:s2] =	stream.indirect.scatter.add.f32 [tilespmem:s24], [sflag:$0x1], $0x20, s20, s25, $0xb8;
	[tilespmem:$0x12E00] =	vst v63  }
0xd2: {  	_ =	swait.ge [sflag:s19], $0x1000  }
0xd3: {  	[sflag:s19] =	ssyncset.done $0x0  }
0xd4: {  	[sflag:s19] =	ssyncadd.s32 $0xFFFFF000  }
0xd5: {  	[spmem:s2] =	stream.indirect.scatter.add.f32 [tilespmem:s28], [sflag:$0x1], $0x20, s26, s25, $0xb8;
	[tilespmem:$0x12E00] =	vst v63  }
0xd6: {  	_ =	swait.ge [sflag:s19], $0x1000  }
0xd7: {  	[sflag:s19] =	ssyncset.done $0x0  }
0xd8: {  	s0 =	simm.s32 $0x4F00;
	s4 =	simm.s32 $0x7600;
	[sflag:s19] =	ssyncadd.s32 $0xFFFFF000  }
0xd9: {  	[spmem:s2] =	stream.indirect.scatter.add.f32 [tilespmem:s4], [sflag:$0x1], $0x20, s0, s25, $0xb8;
	[tilespmem:$0x12E00] =	vst v63  }
0xda: {  	_ =	swait.ge [sflag:s19], $0x1000  }
0xdb: {  	[sflag:s19] =	ssyncset.done $0x0  }
0xdc: {  	s18 =	simm.s32 $0x4F80;
	s31 =	simm.s32 $0x8600;
	[sflag:s19] =	ssyncadd.s32 $0xFFFFF000  }
0xdd: {  	[spmem:s2] =	stream.indirect.scatter.add.f32 [tilespmem:s31], [sflag:$0x1], $0x20, s18, s25, $0xb8;
	[tilespmem:$0x12E00] =	vst v63  }
0xde: {  	_ =	swait.ge [sflag:s19], $0x1000  }
0xdf: {  	[sflag:s19] =	ssyncset.done $0x0  }
0xe0: {  	s18 =	simm.s32 $0x5000;
	s31 =	simm.s32 $0x9600;
	[sflag:s19] =	ssyncadd.s32 $0xFFFFF000  }
0xe1: {  	[spmem:s2] =	stream.indirect.scatter.add.f32 [tilespmem:s31], [sflag:$0x1], $0x20, s18, s25, $0xb8;
	[tilespmem:$0x12E00] =	vst v63  }
0xe2: {  	_ =	swait.ge [sflag:s19], $0x1000  }
0xe3: {  	[sflag:s19] =	ssyncset.done $0x0  }
0xe4: {  	s18 =	simm.s32 $0x5080;
	s31 =	simm.s32 $0xA600;
	[sflag:s19] =	ssyncadd.s32 $0xFFFFF000  }
0xe5: {  	[spmem:s2] =	stream.indirect.scatter.add.f32 [tilespmem:s31], [sflag:$0x1], $0x20, s18, s25, $0xb8;
	[tilespmem:$0x12E00] =	vst v63  }
0xe6: {  	_ =	swait.ge [sflag:s19], $0x1000  }
0xe7: {  	[sflag:s19] =	ssyncset.done $0x0  }
0xe8: {  	s18 =	simm.s32 $0x5100;
	s31 =	simm.s32 $0xB600;
	[sflag:s19] =	ssyncadd.s32 $0xFFFFF000  }
0xe9: {  	[spmem:s2] =	stream.indirect.scatter.add.f32 [tilespmem:s31], [sflag:$0x1], $0x20, s18, s25, $0xb8;
	[tilespmem:$0x12E00] =	vst v63  }
0xea: {  	_ =	swait.ge [sflag:s19], $0x1000  }
0xeb: {  	[sflag:s19] =	ssyncset.done $0x0  }
0xec: {  	s18 =	simm.s32 $0x5180;
	s31 =	simm.s32 $0xC600;
	[sflag:s19] =	ssyncadd.s32 $0xFFFFF000  }
0xed: {  	[spmem:s2] =	stream.indirect.scatter.add.f32 [tilespmem:s31], [sflag:$0x1], $0x20, s18, s25, $0xb8;
	[tilespmem:$0x12E00] =	vst v63  }
0xee: {  	_ =	swait.ge [sflag:s19], $0x1000  }
0xef: {  	[sflag:s19] =	ssyncset.done $0x0  }
0xf0: {  	s18 =	simm.s32 $0x5200;
	s31 =	simm.s32 $0xD600;
	[sflag:s19] =	ssyncadd.s32 $0xFFFFF000  }
0xf1: {  	[spmem:s2] =	stream.indirect.scatter.add.f32 [tilespmem:s31], [sflag:$0x1], $0x20, s18, s25, $0xb8;
	[tilespmem:$0x12E00] =	vst v63  }
0xf2: {  	_ =	swait.ge [sflag:s19], $0x1000  }
0xf3: {  	[sflag:s19] =	ssyncset.done $0x0  }
0xf4: {  	s18 =	simm.s32 $0x5280;
	s31 =	simm.s32 $0xE600;
	[sflag:s19] =	ssyncadd.s32 $0xFFFFF000  }
0xf5: {  	[spmem:s2] =	stream.indirect.scatter.add.f32 [tilespmem:s31], [sflag:$0x1], $0x20, s18, s25, $0xb8;
	[tilespmem:$0x12E00] =	vst v63  }
0xf6: {  	_ =	swait.ge [sflag:s19], $0x1000  }
0xf7: {  	[sflag:s19] =	ssyncset.done $0x0  }
0xf8: {  	[sflag:s19] =	ssyncadd.s32 $0xFFFFF000  }
0xf9: {  	[spmem:s2] =	stream.indirect.scatter.add.f32 [tilespmem:s17], [sflag:$0x1], $0x20, s16, s25, $0xb8;
	[tilespmem:$0x12E00] =	vst v63  }
0xfa: {  	_ =	swait.ge [sflag:s19], $0x1000  }
0xfb: {  	[sflag:s19] =	ssyncset.done $0x0  }
0xfc: {  	[sflag:s19] =	ssyncadd.s32 $0xFFFFF000  }
0xfd: {  	[spmem:s2] =	stream.indirect.scatter.add.f32 [tilespmem:s1], [sflag:$0x1], $0x20, s11, s25, $0xb8;
	[tilespmem:$0x12E00] =	vst v63  }
.LBB2_10:
0xfe: {  	_ =	swait.ge [sflag:s19], $0x1000  }
0xff: {  	[sflag:s19] =	ssyncset.done $0x0  }
0x100: {  	[sflag:s19] =	ssyncadd.s32 $0xFFFFF000  }
.LBB2_11:
0x101: {  	s30 =	sadd.s32 $0x1, s30  }
0x102: {  	p0 =	sne.s32 s30, $0x3  }
.Ltmp3:
0x103: {  	_ = 	snop;
	(pc) =	sbr.rel @!p0 .LBB2_12-.Ltmp3, $1  }
0x104: {  	_ =	sdelay $0x3  }
.LBB2_2:
0x105: {  	s0 =	sshll.u32 s30, $0x5  }
0x106: {  	s0 =	sor.u32 s10, s0  }
0x107: {  	p0 =	sgt.u32 s0, $0x41  }
.Ltmp4:
0x108: {  	_ = 	snop;
	(pc) =	sbr.rel @p0 .LBB2_11-.Ltmp4, $1  }
0x109: {  	_ =	sdelay $0x3  }
0x10a: {  	s0 =	sor.u32 s7, s0  }
0x10b: {  	s31 =	sshll.u32 s0, $0x8;
	p0 =	seq.s32 s0, $0x41  }
.Ltmp5:
0x10c: {  	s31 =	sadd.s32 s9, s31;
	(pc) =	sbr.rel @!p0 .LBB2_4-.Ltmp5, $4  }
0x10d: {  	[tilespmem:s20], [sflag:$0x1] =	stream.linear.gather [hbm4b:s31+s3], $0x800, $0x38;
	[tilespmem:$0x12E00] =	vst v63  }
0x10e: {  	_ =	swait.ge [sflag:s19], $0x800  }
0x10f: {  	[sflag:s19] =	ssyncset.done $0x0  }
0x110: {  	[sflag:s19] =	ssyncadd.s32 $0xFFFFF800  }
0x111: {  	[tilespmem:$0x3C0] =	vst v1  }
0x112: {  	[tilespmem:$0x3D0] =	vst v1  }
0x113: {  	[tilespmem:$0x3E0] =	vst v1  }
0x114: {  	[tilespmem:$0x3F0] =	vst v1  }
0x115: {  	[tilespmem:$0x400] =	vst v1  }
0x116: {  	[tilespmem:$0x410] =	vst v1  }
0x117: {  	[tilespmem:$0x420] =	vst v1  }
0x118: {  	[tilespmem:$0x430] =	vst v1  }
0x119: {  	[tilespmem:$0x440] =	vst v1  }
0x11a: {  	[tilespmem:$0x450] =	vst v1  }
0x11b: {  	[tilespmem:$0x460] =	vst v1  }
0x11c: {  	[tilespmem:$0x470] =	vst v1  }
0x11d: {  	[tilespmem:$0x480] =	vst v1  }
0x11e: {  	[tilespmem:$0x490] =	vst v1  }
0x11f: {  	[tilespmem:$0x4A0] =	vst v1  }
0x120: {  	[tilespmem:$0x4B0] =	vst v1  }
0x121: {  	[tilespmem:$0x4C0] =	vst v1  }
0x122: {  	[tilespmem:$0x4D0] =	vst v1  }
0x123: {  	[tilespmem:$0x4E0] =	vst v1  }
0x124: {  	[tilespmem:$0x4F0] =	vst v1  }
0x125: {  	[tilespmem:$0x500] =	vst v1  }
0x126: {  	[tilespmem:$0x510] =	vst v1  }
0x127: {  	[tilespmem:$0x520] =	vst v1  }
0x128: {  	[tilespmem:$0x530] =	vst v1  }
0x129: {  	[tilespmem:$0x540] =	vst v1  }
0x12a: {  	[tilespmem:$0x550] =	vst v1  }
0x12b: {  	[tilespmem:$0x560] =	vst v1  }
0x12c: {  	[tilespmem:$0x570] =	vst v1  }
0x12d: {  	[tilespmem:$0x580] =	vst v1  }
0x12e: {  	[tilespmem:$0x590] =	vst v1  }
0x12f: {  	[tilespmem:$0x5A0] =	vst v1  }
0x130: {  	[tilespmem:$0x5B0] =	vst v1  }
0x131: {  	[tilespmem:$0x5C0] =	vst v1  }
0x132: {  	[tilespmem:$0x5D0] =	vst v1  }
0x133: {  	[tilespmem:$0x5E0] =	vst v1  }
0x134: {  	[tilespmem:$0x5F0] =	vst v1  }
0x135: {  	[tilespmem:$0x25E0] =	vst v1  }
0x136: {  	[tilespmem:$0x37E0] =	vst v1  }
0x137: {  	[tilespmem:$0x25F0] =	vst v1  }
0x138: {  	[tilespmem:$0x37F0] =	vst v1  }
0x139: {  	[tilespmem:$0x2600] =	vst v1  }
0x13a: {  	[tilespmem:$0x3800] =	vst v1  }
0x13b: {  	[tilespmem:$0x2610] =	vst v1  }
0x13c: {  	[tilespmem:$0x3810] =	vst v1  }
0x13d: {  	[tilespmem:$0x2620] =	vst v1  }
0x13e: {  	[tilespmem:$0x3820] =	vst v1  }
0x13f: {  	[tilespmem:$0x2630] =	vst v1  }
0x140: {  	[tilespmem:$0x3830] =	vst v1  }
0x141: {  	[tilespmem:$0x2640] =	vst v1  }
0x142: {  	[tilespmem:$0x3840] =	vst v1  }
0x143: {  	[tilespmem:$0x2650] =	vst v1  }
0x144: {  	[tilespmem:$0x3850] =	vst v1  }
0x145: {  	[tilespmem:$0x2660] =	vst v1  }
0x146: {  	[tilespmem:$0x3860] =	vst v1  }
0x147: {  	[tilespmem:$0x2670] =	vst v1  }
0x148: {  	[tilespmem:$0x3870] =	vst v1  }
0x149: {  	[tilespmem:$0x2680] =	vst v1  }
0x14a: {  	[tilespmem:$0x3880] =	vst v1  }
0x14b: {  	[tilespmem:$0x2690] =	vst v1  }
0x14c: {  	[tilespmem:$0x3890] =	vst v1  }
0x14d: {  	[tilespmem:$0x26A0] =	vst v1  }
0x14e: {  	[tilespmem:$0x38A0] =	vst v1  }
0x14f: {  	[tilespmem:$0x26B0] =	vst v1  }
0x150: {  	[tilespmem:$0x38B0] =	vst v1  }
0x151: {  	[tilespmem:$0x26C0] =	vst v1  }
0x152: {  	[tilespmem:$0x38C0] =	vst v1  }
0x153: {  	[tilespmem:$0x26D0] =	vst v1  }
0x154: {  	[tilespmem:$0x38D0] =	vst v1  }
0x155: {  	[tilespmem:$0x26E0] =	vst v1  }
0x156: {  	[tilespmem:$0x38E0] =	vst v1  }
0x157: {  	[tilespmem:$0x26F0] =	vst v1  }
0x158: {  	[tilespmem:$0x38F0] =	vst v1  }
0x159: {  	[tilespmem:$0x48A0] =	vst v1  }
0x15a: {  	[tilespmem:$0x48B0] =	vst v1  }
0x15b: {  	[tilespmem:$0x48C0] =	vst v1  }
0x15c: {  	[tilespmem:$0x48D0] =	vst v1  }
0x15d: {  	[tilespmem:$0x48E0] =	vst v1  }
0x15e: {  	[tilespmem:$0x48F0] =	vst v1;
	s0 =	simm.s32 $0x0  }
0x15f: {  	[tilespmem:s0], [sflag:$0x1] =	stream.linear.gather [hbm4b:s12+s0], $0x3C0, $0x38;
	[tilespmem:$0x12E00] =	vst v63  }
0x160: {  	_ =	swait.ge [sflag:s19], $0x3C0  }
0x161: {  	[sflag:s19] =	ssyncset.done $0x0  }
0x162: {  	[sflag:s19] =	ssyncadd.s32 $0xFFFFFC40  }
0x163: {  	[tilespmem:s21], [sflag:$0x1] =	stream.linear.gather [hbm4b:s13+s0], $0x1E0, $0x38;
	[tilespmem:$0x12E00] =	vst v63  }
0x164: {  	_ =	swait.ge [sflag:s19], $0x1E0  }
0x165: {  	[sflag:s19] =	ssyncset.done $0x0  }
0x166: {  	[sflag:s19] =	ssyncadd.s32 $0xFFFFFE20  }
0x167: {  	[tilespmem:s22], [sflag:$0x1] =	stream.linear.gather [hbm4b:s14+s0], $0x1E0, $0x38;
	[tilespmem:$0x12E00] =	vst v63  }
0x168: {  	_ =	swait.ge [sflag:s19], $0x1E0  }
0x169: {  	v3 =	vor.u32 s0, v0;
	[sflag:s19] =	ssyncset.done $0x0  }
0x16a: {  	v4 =	vmul.u32 $0x3, v3;
	v5 =	vand.u32 v2, v3;
	[sflag:s19] =	ssyncadd.s32 $0xFFFFFE20  }
0x16b: {  	v6 =	vmul.u32 $0x6, v3;
	[tilespmem:s23], [sflag:$0x1] =	stream.linear.gather [hbm4b:s15+s0], $0xA0, $0x38;
	[tilespmem:$0x12E00] =	vst v63  }
0x16c: {  	_ =	swait.ge [sflag:s19], $0xA0  }
0x16d: {  	v7 =	vadd.s32 $0x5, v6;
	[sflag:s19] =	ssyncset.done $0x0  }
0x16e: {  	v8 =	vadd.s32 $0x4, v6;
	[sflag:s19] =	ssyncadd.s32 $0xFFFFFF60  }
0x16f: {  	v9 =	vadd.s32 $0x3, v6;
	v5 =	vld.idx.msk [tilespmem:v5+s23+$0x0], $0xffff  }
0x170: {  	v10 =	vadd.s32 $0x2, v4;
	v11 =	vld.idx.msk [tilespmem:v4+s21+$0x0], $0xffff  }
0x171: {  	v12 =	vadd.s32 $0x1, v4;
	v4 =	vld.idx.msk [tilespmem:v4+s22+$0x0], $0xffff  }
0x172: {  	v7 =	vld.idx.msk [tilespmem:v7+s3+$0x0], $0xffff  }
0x173: {  	v8 =	vld.idx.msk [tilespmem:v8+s3+$0x0], $0xffff  }
0x174: {  	v9 =	vld.idx.msk [tilespmem:v9+s3+$0x0], $0xffff  }
0x175: {  	v13 =	vadd.s32 $0x2, v6;
	v14 =	vld.idx.msk [tilespmem:v10+s21+$0x0], $0xffff  }
0x176: {  	v15 =	vor.u32 $0x1, v6;
	v16 =	vld.idx.msk [tilespmem:v12+s21+$0x0], $0xffff  }
0x177: {  	v10 =	vld.idx.msk [tilespmem:v10+s22+$0x0], $0xffff  }
0x178: {  	v17 =	vshll.u32 v3, $0x5;
	v3 =	vld.idx.msk [tilespmem:v12+s22+$0x0], $0xffff  }
0x179: {  	v12 =	vor.u32 $0x1, v17;
	v6 =	vld.idx.msk [tilespmem:v6+s3+$0x0], $0xffff  }
0x17a: {  	v18 =	vor.u32 $0x2, v17;
	v13 =	vld.idx.msk [tilespmem:v13+s3+$0x0], $0xffff  }
0x17b: {  	v20 =	vor.u32 $0x3, v17;
	v15 =	vld.idx.msk [tilespmem:v15+s3+$0x0], $0xffff;
	v11 =	vmul.f32 v5, v11;
	v19 =	vmul.f32 v5, v4  }
0x17c: {  	v21 =	vor.u32 $0x4, v17;
	v9 =	vmul.f32 v5, v9;
	v16 =	vmul.f32 v5, v16  }
0x17d: {  	v22 =	vor.u32 $0x5, v17;
	v8 =	vmul.f32 v5, v8;
	v14 =	vmul.f32 v5, v14;
	[tilespmem:v17+s24+$0x0] =	vst.idx.msk $0xffff, v11  }
0x17e: {  	v25 =	vor.u32 $0x6, v17;
	v7 =	vmul.f32 v5, v7;
	v23 =	vmul.f32 v5, v10;
	[tilespmem:v12+s24+$0x0] =	vst.idx.msk $0xffff, v16  }
0x17f: {  	v27 =	vor.u32 $0x7, v17;
	v6 =	vadd.f32 v4, v6;
	v13 =	vadd.f32 v10, v13;
	[tilespmem:v18+s24+$0x0] =	vst.idx.msk $0xffff, v14  }
0x180: {  	v51 =	vor.u32 $0x8, v17;
	v15 =	vadd.f32 v3, v15;
	v24 =	vmul.f32 v11, v10;
	[tilespmem:v20+s24+$0x0] =	vst.idx.msk $0xffff, v9  }
0x181: {  	v52 =	vor.u32 $0x9, v17;
	v26 =	vmul.f32 v16, v10;
	v11 =	vmul.f32 v11, v3;
	[tilespmem:v21+s24+$0x0] =	vst.idx.msk $0xffff, v8  }
0x182: {  	v53 =	vor.u32 $0xA, v17;
	v10 =	vmul.f32 v5, v3;
	v12 =	vmul.f32 v14, v3;
	[tilespmem:v22+s24+$0x0] =	vst.idx.msk $0xffff, v7  }
0x183: {  	v55 =	vor.u32 $0xB, v17;
	v54 =	vmul.f32 v5, v6;
	v14 =	vmul.f32 v14, v4;
	[tilespmem:v25+s24+$0x0] =	vst.idx.msk $0xffff, v19  }
0x184: {  	v4 =	vmul.f32 v16, v4;
	v12 =	vsub.f32 v12, v26;
	[tilespmem:v27+s24+$0x0] =	vst.idx.msk $0xffff, v10;
	v10 =	vor.u32 $0xC, v17  }
0x185: {  	v59 =	vor.u32 $0xD, v17;
	v56 =	vmul.f32 v9, v13;
	v14 =	vsub.f32 v24, v14;
	[tilespmem:v51+s24+$0x0] =	vst.idx.msk $0xffff, v23  }
0x186: {  	v57 =	vmul.f32 v7, v6;
	v3 =	vsub.f32 v4, v11;
	v4 =	vor.u32 $0xE, v17;
	[tilespmem:v52+s24+$0x0] =	vst.idx.msk $0xffff, v12  }
0x187: {  	v58 =	vmul.f32 v13, v5;
	v60 =	vmul.f32 v5, v15;
	[tilespmem:v53+s24+$0x0] =	vst.idx.msk $0xffff, v14;
	v14 =	vor.u32 $0xF, v17  }
0x188: {  	v5 =	vmul.f32 v7, v15;
	v11 =	vmul.f32 v8, v13;
	[tilespmem:v55+s24+$0x0] =	vst.idx.msk $0xffff, v3  }
0x189: {  	v61 =	vor.u32 $0x10, v17;
	[tilespmem:v10+s24+$0x0] =	vst.idx.msk $0xffff, v54  }
0x18a: {  	v62 =	vor.u32 $0x11, v17;
	v63 =	vsub.f32 v56, v57;
	v10 =	vsub.f32 v5, v11;
	[tilespmem:v59+s24+$0x0] =	vst.idx.msk $0xffff, v60  }
0x18b: {  	v9 =	vmul.f32 v9, v15;
	v12 =	vmul.f32 v8, v6;
	v11 =	vor.u32 $0x12, v17;
	[tilespmem:v4+s24+$0x0] =	vst.idx.msk $0xffff, v58  }
0x18c: {  	v7 =	vmul.f32 v54, v15;
	v6 =	vmul.f32 v54, v6;
	[tilespmem:v14+s24+$0x0] =	vst.idx.msk $0xffff, v10;
	v10 =	vor.u32 $0x13, v17  }
0x18d: {  	v8 =	vmul.f32 v58, v13;
	v12 =	vsub.f32 v12, v9;
	v14 =	vor.u32 $0x14, v17  }
0x18e: {  	v9 =	vmul.f32 v54, v13;
	v4 =	vmul.f32 v60, v13;
	v13 =	vor.u32 $0x15, v17;
	[tilespmem:v61+s24+$0x0] =	vst.idx.msk $0xffff, v63  }
0x18f: {  	s31 =	simm.s32 $0x10;
	s0 =	simm.s32 $0x20;
	v3 =	vor.u32 $0x17, v17;
	v5 =	vmul.f32 v60, v15;
	[tilespmem:v62+s24+$0x0] =	vst.idx.msk $0xffff, v12;
	v12 =	vor.u32 $0x16, v17  }
.LBB2_8:
0x190: {  	p0 =	sne.s32 s0, $0xF0;
	v15 =	vor.u32 s31, v0;
	[tilespmem:v11+s24+$0x0] =	vst.idx.msk $0xffff, v6;
	s31 =	smov.u32 s0;
	s0 =	sadd.s32 $0x10, s0  }
0x191: {  	v6 =	vmul.u32 $0x6, v15;
	v11 =	vmul.u32 $0x3, v15;
	v16 =	vand.u32 v2, v15;
	[tilespmem:v10+s24+$0x0] =	vst.idx.msk $0xffff, v5  }
0x192: {  	[tilespmem:v14+s24+$0x0] =	vst.idx.msk $0xffff, v8  }
0x193: {  	v5 =	vadd.s32 $0x3, v6;
	v8 =	vadd.s32 $0x1, v11;
	v10 =	vadd.s32 $0x2, v11;
	[tilespmem:v13+s24+$0x0] =	vst.idx.msk $0xffff, v7  }
0x194: {  	v7 =	vor.u32 $0x1, v6;
	v13 =	vadd.s32 $0x4, v6;
	v14 =	vadd.s32 $0x5, v6;
	[tilespmem:v12+s24+$0x0] =	vst.idx.msk $0xffff, v9  }
0x195: {  	v9 =	vadd.s32 $0x2, v6;
	[tilespmem:v3+s24+$0x0] =	vst.idx.msk $0xffff, v4  }
0x196: {  	v4 =	vld.idx.msk [tilespmem:v16+s23+$0x0], $0xffff  }
0x197: {  	v3 =	vld.idx.msk [tilespmem:v11+s21+$0x0], $0xffff  }
0x198: {  	v11 =	vld.idx.msk [tilespmem:v11+s22+$0x0], $0xffff  }
0x199: {  	v12 =	vld.idx.msk [tilespmem:v14+s3+$0x0], $0xffff  }
0x19a: {  	v13 =	vld.idx.msk [tilespmem:v13+s3+$0x0], $0xffff  }
0x19b: {  	v5 =	vld.idx.msk [tilespmem:v5+s3+$0x0], $0xffff  }
0x19c: {  	v14 =	vld.idx.msk [tilespmem:v10+s21+$0x0], $0xffff  }
0x19d: {  	v17 =	vmul.f32 v4, v3;
	v16 =	vld.idx.msk [tilespmem:v8+s21+$0x0], $0xffff  }
0x19e: {  	v15 =	vshll.u32 v15, $0x5;
	v18 =	vmul.f32 v4, v11;
	v10 =	vld.idx.msk [tilespmem:v10+s22+$0x0], $0xffff  }
0x19f: {  	v19 =	vor.u32 $0x1, v15;
	v3 =	vor.u32 $0x17, v15;
	v8 =	vld.idx.msk [tilespmem:v8+s22+$0x0], $0xffff  }
0x1a0: {  	v20 =	vor.u32 $0x2, v15;
	v6 =	vld.idx.msk [tilespmem:v6+s3+$0x0], $0xffff  }
0x1a1: {  	v21 =	vor.u32 $0x3, v15;
	v13 =	vmul.f32 v4, v13;
	v5 =	vmul.f32 v4, v5;
	v9 =	vld.idx.msk [tilespmem:v9+s3+$0x0], $0xffff  }
0x1a2: {  	v22 =	vor.u32 $0x4, v15;
	v12 =	vmul.f32 v4, v12;
	v7 =	vld.idx.msk [tilespmem:v7+s3+$0x0], $0xffff  }
0x1a3: {  	v23 =	vor.u32 $0x5, v15;
	v14 =	vmul.f32 v4, v14;
	v16 =	vmul.f32 v4, v16;
	[tilespmem:v15+s24+$0x0] =	vst.idx.msk $0xffff, v17  }
0x1a4: {  	v26 =	vor.u32 $0x6, v15;
	v24 =	vmul.f32 v4, v10;
	v25 =	vmul.f32 v17, v10  }
0x1a5: {  	v27 =	vmul.f32 v14, v8;
	v28 =	vmul.f32 v16, v10;
	[tilespmem:v19+s24+$0x0] =	vst.idx.msk $0xffff, v16;
	v19 =	vor.u32 $0x7, v15  }
0x1a6: {  	v29 =	vmul.f32 v14, v11;
	v17 =	vmul.f32 v17, v8;
	[tilespmem:v20+s24+$0x0] =	vst.idx.msk $0xffff, v14;
	v14 =	vor.u32 $0x8, v15  }
0x1a7: {  	v6 =	vadd.f32 v11, v6;
	v20 =	vsub.f32 v27, v28;
	[tilespmem:v21+s24+$0x0] =	vst.idx.msk $0xffff, v5;
	v21 =	vor.u32 $0x9, v15  }
0x1a8: {  	v9 =	vadd.f32 v10, v9;
	v10 =	vmul.f32 v4, v8;
	[tilespmem:v22+s24+$0x0] =	vst.idx.msk $0xffff, v13;
	v22 =	vor.u32 $0xA, v15  }
0x1a9: {  	v11 =	vmul.f32 v16, v11;
	v16 =	vmul.f32 v4, v6;
	[tilespmem:v23+s24+$0x0] =	vst.idx.msk $0xffff, v12;
	v23 =	vor.u32 $0xB, v15  }
0x1aa: {  	v28 =	vmul.f32 v12, v6;
	v27 =	vmul.f32 v5, v9;
	[tilespmem:v26+s24+$0x0] =	vst.idx.msk $0xffff, v18  }
0x1ab: {  	v18 =	vsub.f32 v25, v29;
	v25 =	vmul.f32 v9, v4;
	[tilespmem:v19+s24+$0x0] =	vst.idx.msk $0xffff, v10;
	v10 =	vor.u32 $0xC, v15  }
0x1ac: {  	v7 =	vadd.f32 v8, v7;
	v8 =	vsub.f32 v11, v17;
	v11 =	vor.u32 $0xD, v15;
	[tilespmem:v14+s24+$0x0] =	vst.idx.msk $0xffff, v24  }
0x1ad: {  	v17 =	vor.u32 $0xE, v15;
	v14 =	vmul.f32 v13, v9;
	v13 =	vmul.f32 v13, v6;
	[tilespmem:v21+s24+$0x0] =	vst.idx.msk $0xffff, v20  }
0x1ae: {  	v12 =	vmul.f32 v12, v7;
	v4 =	vmul.f32 v4, v7;
	[tilespmem:v22+s24+$0x0] =	vst.idx.msk $0xffff, v18;
	v18 =	vor.u32 $0xF, v15  }
0x1af: {  	v19 =	vmul.f32 v5, v7;
	v6 =	vmul.f32 v16, v6;
	v20 =	vor.u32 $0x10, v15;
	[tilespmem:v23+s24+$0x0] =	vst.idx.msk $0xffff, v8  }
0x1b0: {  	v5 =	vmul.f32 v4, v7;
	v21 =	vor.u32 $0x11, v15;
	v12 =	vsub.f32 v12, v14;
	[tilespmem:v10+s24+$0x0] =	vst.idx.msk $0xffff, v16  }
.Ltmp6:
0x1b1: {  	v7 =	vmul.f32 v16, v7;
	v8 =	vmul.f32 v25, v9;
	[tilespmem:v11+s24+$0x0] =	vst.idx.msk $0xffff, v4;
	v11 =	vor.u32 $0x12, v15;
	(pc) =	sbr.rel @p0 .LBB2_8-.Ltmp6, $4  }
0x1b2: {  	v22 =	vsub.f32 v27, v28;
	v10 =	vor.u32 $0x13, v15;
	v4 =	vmul.f32 v4, v9;
	[tilespmem:v17+s24+$0x0] =	vst.idx.msk $0xffff, v25  }
0x1b3: {  	v14 =	vor.u32 $0x14, v15;
	v9 =	vmul.f32 v16, v9;
	v17 =	vsub.f32 v13, v19;
	[tilespmem:v18+s24+$0x0] =	vst.idx.msk $0xffff, v12  }
0x1b4: {  	v13 =	vor.u32 $0x15, v15;
	[tilespmem:v20+s24+$0x0] =	vst.idx.msk $0xffff, v22  }
0x1b5: {  	v12 =	vor.u32 $0x16, v15;
	[tilespmem:v21+s24+$0x0] =	vst.idx.msk $0xffff, v17  }
0x1b6: {  	_ =	sdelay $0x3  }
0x1b7: {  	v15 =	vor.u32 s31, v0;
	[tilespmem:v11+s24+$0x0] =	vst.idx.msk $0xffff, v6  }
0x1b8: {  	v30 =	vmul.u32 $0x3, v15;
	v31 =	vand.u32 v2, v15;
	[tilespmem:v10+s24+$0x0] =	vst.idx.msk $0xffff, v5  }
0x1b9: {  	[tilespmem:v14+s24+$0x0] =	vst.idx.msk $0xffff, v8  }
0x1ba: {  	v32 =	vmul.u32 $0x6, v15;
	[tilespmem:v13+s24+$0x0] =	vst.idx.msk $0xffff, v7  }
0x1bb: {  	[tilespmem:v12+s24+$0x0] =	vst.idx.msk $0xffff, v9  }
0x1bc: {  	v33 =	vadd.s32 $0x5, v32;
	[tilespmem:v3+s24+$0x0] =	vst.idx.msk $0xffff, v4  }
0x1bd: {  	v34 =	vadd.s32 $0x4, v32;
	v4 =	vld.idx.msk [tilespmem:v31+s23+$0x0], $0xffff  }
0x1be: {  	v36 =	vadd.s32 $0x1, v30;
	v10 =	vld.idx.msk [tilespmem:v30+s21+$0x0], $0xffff  }
0x1bf: {  	v35 =	vadd.s32 $0x2, v30;
	v6 =	vld.idx.msk [tilespmem:v30+s22+$0x0], $0xffff  }
0x1c0: {  	v3 =	vadd.s32 $0x3, v32;
	v5 =	vld.idx.msk [tilespmem:v32+s3+$0x0], $0xffff  }
0x1c1: {  	v7 =	vld.idx.msk [tilespmem:v33+s3+$0x0], $0xffff  }
0x1c2: {  	v8 =	vld.idx.msk [tilespmem:v34+s3+$0x0], $0xffff  }
0x1c3: {  	v37 =	vadd.s32 $0x2, v32;
	v16 =	vld.idx.msk [tilespmem:v36+s21+$0x0], $0xffff  }
0x1c4: {  	v15 =	vshll.u32 v15, $0x5;
	v38 =	vor.u32 $0x1, v32;
	v13 =	vld.idx.msk [tilespmem:v35+s21+$0x0], $0xffff  }
0x1c5: {  	v17 =	vor.u32 $0x1, v15;
	v3 =	vld.idx.msk [tilespmem:v3+s3+$0x0], $0xffff  }
0x1c6: {  	v18 =	vor.u32 $0x2, v15;
	v9 =	vld.idx.msk [tilespmem:v35+s22+$0x0], $0xffff  }
0x1c7: {  	v19 =	vor.u32 $0x3, v15;
	v21 =	vor.u32 $0x4, v15;
	v11 =	vld.idx.msk [tilespmem:v36+s22+$0x0], $0xffff;
	v10 =	vmul.f32 v4, v10  }
0x1c8: {  	v22 =	vor.u32 $0x5, v15;
	v12 =	vld.idx.msk [tilespmem:v37+s3+$0x0], $0xffff;
	v20 =	vmul.f32 v4, v6;
	v16 =	vmul.f32 v4, v16  }
0x1c9: {  	v14 =	vld.idx.msk [tilespmem:v38+s3+$0x0], $0xffff;
	v5 =	vadd.f32 v6, v5;
	v13 =	vmul.f32 v4, v13;
	[tilespmem:v15+s24+$0x0] =	vst.idx.msk $0xffff, v10  }
0x1ca: {  	v23 =	vor.u32 $0x6, v15;
	v8 =	vmul.f32 v4, v8;
	v3 =	vmul.f32 v4, v3;
	[tilespmem:v17+s24+$0x0] =	vst.idx.msk $0xffff, v16  }
0x1cb: {  	v25 =	vor.u32 $0x7, v15;
	v7 =	vmul.f32 v4, v7;
	v39 =	vmul.f32 v4, v9;
	[tilespmem:v18+s24+$0x0] =	vst.idx.msk $0xffff, v13  }
0x1cc: {  	v27 =	vor.u32 $0x8, v15;
	v42 =	vmul.f32 v4, v11;
	v24 =	vmul.f32 v10, v9;
	[tilespmem:v19+s24+$0x0] =	vst.idx.msk $0xffff, v3  }
0x1cd: {  	v41 =	vor.u32 $0x9, v15;
	v10 =	vmul.f32 v10, v11;
	v44 =	vmul.f32 v4, v5;
	[tilespmem:v21+s24+$0x0] =	vst.idx.msk $0xffff, v8  }
0x1ce: {  	v28 =	vor.u32 $0xA, v15;
	v40 =	vmul.f32 v13, v11;
	v26 =	vmul.f32 v16, v9;
	[tilespmem:v22+s24+$0x0] =	vst.idx.msk $0xffff, v7  }
0x1cf: {  	v43 =	vor.u32 $0xB, v15;
	v9 =	vadd.f32 v9, v12;
	v13 =	vmul.f32 v13, v6;
	[tilespmem:v23+s24+$0x0] =	vst.idx.msk $0xffff, v20  }
0x1d0: {  	v45 =	vor.u32 $0xC, v15;
	v6 =	vmul.f32 v16, v6;
	v18 =	vsub.f32 v40, v26;
	[tilespmem:v25+s24+$0x0] =	vst.idx.msk $0xffff, v42  }
0x1d1: {  	v47 =	vor.u32 $0xD, v15;
	v11 =	vadd.f32 v11, v14;
	v13 =	vsub.f32 v24, v13;
	[tilespmem:v27+s24+$0x0] =	vst.idx.msk $0xffff, v39  }
0x1d2: {  	v48 =	vor.u32 $0xE, v15;
	v49 =	vmul.f32 v7, v5;
	v6 =	vsub.f32 v6, v10;
	[tilespmem:v41+s24+$0x0] =	vst.idx.msk $0xffff, v18  }
0x1d3: {  	v51 =	vor.u32 $0xF, v15;
	v46 =	vmul.f32 v3, v9;
	v50 =	vmul.f32 v8, v9;
	[tilespmem:v28+s24+$0x0] =	vst.idx.msk $0xffff, v13  }
0x1d4: {  	v53 =	vor.u32 $0x10, v15;
	v52 =	vmul.f32 v4, v11;
	v7 =	vmul.f32 v7, v11;
	[tilespmem:v43+s24+$0x0] =	vst.idx.msk $0xffff, v6  }
0x1d5: {  	v54 =	vor.u32 $0x11, v15;
	v4 =	vmul.f32 v9, v4;
	v3 =	vmul.f32 v3, v11;
	[tilespmem:v45+s24+$0x0] =	vst.idx.msk $0xffff, v44  }
0x1d6: {  	v55 =	vor.u32 $0x12, v15;
	v8 =	vmul.f32 v8, v5;
	v7 =	vsub.f32 v7, v50;
	[tilespmem:v47+s24+$0x0] =	vst.idx.msk $0xffff, v52  }
0x1d7: {  	v56 =	vor.u32 $0x13, v15;
	v14 =	vsub.f32 v46, v49;
	[tilespmem:v48+s24+$0x0] =	vst.idx.msk $0xffff, v4  }
0x1d8: {  	v57 =	vor.u32 $0x14, v15;
	v3 =	vsub.f32 v8, v3;
	[tilespmem:v51+s24+$0x0] =	vst.idx.msk $0xffff, v7  }
0x1d9: {  	v58 =	vor.u32 $0x15, v15;
	v5 =	vmul.f32 v44, v5;
	[tilespmem:v53+s24+$0x0] =	vst.idx.msk $0xffff, v14  }
0x1da: {  	v59 =	vmul.f32 v52, v11;
	[tilespmem:v54+s24+$0x0] =	vst.idx.msk $0xffff, v3;
	v3 =	vor.u32 $0x16, v15  }
0x1db: {  	v60 =	vor.u32 $0x17, v15;
	v4 =	vmul.f32 v4, v9;
	[tilespmem:v55+s24+$0x0] =	vst.idx.msk $0xffff, v5  }
0x1dc: {  	v61 =	vmul.f32 v44, v11;
	[tilespmem:v56+s24+$0x0] =	vst.idx.msk $0xffff, v59  }
0x1dd: {  	v62 =	vmul.f32 v44, v9;
	[tilespmem:v57+s24+$0x0] =	vst.idx.msk $0xffff, v4  }
0x1de: {  	v63 =	vmul.f32 v52, v9;
	[tilespmem:v58+s24+$0x0] =	vst.idx.msk $0xffff, v61  }
0x1df: {  	[tilespmem:v3+s24+$0x0] =	vst.idx.msk $0xffff, v62  }
0x1e0: {  	[tilespmem:v60+s24+$0x0] =	vst.idx.msk $0xffff, v63  }
0x1e1: {  	[spmem:s2] =	stream.indirect.scatter.add.f32 [tilespmem:s24], [sflag:$0x1], $0x20, s20, s25, $0xb8;
	[tilespmem:$0x12E00] =	vst v63  }
.Ltmp7:
0x1e2: {  	_ = 	snop;
	(pc) =	sbr.rel .LBB2_10-.Ltmp7, $4  }
0x1e3: {  	_ =	swait.ge [sflag:s19], $0x1000  }
0x1e4: {  	[sflag:s19] =	ssyncset.done $0x0  }
0x1e5: {  	[sflag:s19] =	ssyncadd.s32 $0xFFFFF000  }
0x1e6: {  	[spmem:s2] =	stream.indirect.scatter.add.f32 [tilespmem:s28], [sflag:$0x1], $0x20, s26, s25, $0xb8;
	[tilespmem:$0x12E00] =	vst v63  }
.LBB2_4:
0x1e7: {  	s31 =	smul.u32 $0x480, s0  }
0x1e8: {  	s4 =	rddreg [dreg:$0x0]  }
0x1e9: {  	s31 =	sadd.s32 s4, s31;
	s4 =	simm.s32 $0x0  }
0x1ea: {  	[tilespmem:s4], [sflag:$0x1] =	stream.linear.gather [hbm4b:s31+s4], $0x2400, $0x38;
	[tilespmem:$0x12E00] =	vst v63  }
0x1eb: {  	s31 =	smul.u32 $0x240, s0;
	_ =	swait.ge [sflag:s19], $0x2400  }
0x1ec: {  	[sflag:s19] =	ssyncset.done $0x0  }
0x1ed: {  	s18 =	sadd.s32 s5, s31;
	[sflag:s19] =	ssyncadd.s32 $0xFFFFDC00  }
0x1ee: {  	[tilespmem:s21], [sflag:$0x1] =	stream.linear.gather [hbm4b:s18+s4], $0x1200, $0x38;
	[tilespmem:$0x12E00] =	vst v63  }
0x1ef: {  	_ =	swait.ge [sflag:s19], $0x1200  }
0x1f0: {  	[sflag:s19] =	ssyncset.done $0x0  }
0x1f1: {  	s18 =	sadd.s32 s6, s31;
	[sflag:s19] =	ssyncadd.s32 $0xFFFFEE00  }
0x1f2: {  	[tilespmem:s22], [sflag:$0x1] =	stream.linear.gather [hbm4b:s18+s4], $0x1200, $0x38;
	[tilespmem:$0x12E00] =	vst v63  }
0x1f3: {  	s18 =	smul.u32 $0xC0, s0;
	_ =	swait.ge [sflag:s19], $0x1200  }
0x1f4: {  	v3 =	vor.u32 s4, v0;
	[sflag:s19] =	ssyncset.done $0x0  }
0x1f5: {  	v4 =	vmul.u32 $0x3, v3;
	v5 =	vand.u32 v2, v3;
	s0 =	sadd.s32 s8, s18;
	[sflag:s19] =	ssyncadd.s32 $0xFFFFEE00  }
0x1f6: {  	v6 =	vmul.u32 $0x6, v3;
	[tilespmem:s23], [sflag:$0x1] =	stream.linear.gather [hbm4b:s0+s4], $0x600, $0x38;
	[tilespmem:$0x12E00] =	vst v63  }
0x1f7: {  	_ =	swait.ge [sflag:s19], $0x600  }
0x1f8: {  	v7 =	vadd.s32 $0x5, v6;
	[sflag:s19] =	ssyncset.done $0x0  }
0x1f9: {  	v8 =	vadd.s32 $0x4, v6;
	[sflag:s19] =	ssyncadd.s32 $0xFFFFFA00  }
0x1fa: {  	v9 =	vadd.s32 $0x3, v6;
	v5 =	vld.idx.msk [tilespmem:v5+s23+$0x0], $0xffff  }
0x1fb: {  	v10 =	vadd.s32 $0x2, v4;
	v11 =	vld.idx.msk [tilespmem:v4+s21+$0x0], $0xffff  }
0x1fc: {  	v12 =	vadd.s32 $0x1, v4;
	v4 =	vld.idx.msk [tilespmem:v4+s22+$0x0], $0xffff  }
0x1fd: {  	v7 =	vld.idx.msk [tilespmem:v7+s3+$0x0], $0xffff  }
0x1fe: {  	v8 =	vld.idx.msk [tilespmem:v8+s3+$0x0], $0xffff  }
0x1ff: {  	v9 =	vld.idx.msk [tilespmem:v9+s3+$0x0], $0xffff  }
0x200: {  	v13 =	vadd.s32 $0x2, v6;
	v14 =	vld.idx.msk [tilespmem:v10+s21+$0x0], $0xffff  }
0x201: {  	v15 =	vor.u32 $0x1, v6;
	v16 =	vld.idx.msk [tilespmem:v12+s21+$0x0], $0xffff  }
0x202: {  	v10 =	vld.idx.msk [tilespmem:v10+s22+$0x0], $0xffff  }
0x203: {  	v17 =	vshll.u32 v3, $0x5;
	v3 =	vld.idx.msk [tilespmem:v12+s22+$0x0], $0xffff  }
0x204: {  	v12 =	vor.u32 $0x1, v17;
	v6 =	vld.idx.msk [tilespmem:v6+s3+$0x0], $0xffff  }
0x205: {  	v18 =	vor.u32 $0x2, v17;
	v13 =	vld.idx.msk [tilespmem:v13+s3+$0x0], $0xffff  }
0x206: {  	v20 =	vor.u32 $0x3, v17;
	v15 =	vld.idx.msk [tilespmem:v15+s3+$0x0], $0xffff;
	v11 =	vmul.f32 v5, v11;
	v19 =	vmul.f32 v5, v4  }
0x207: {  	v21 =	vor.u32 $0x4, v17;
	v9 =	vmul.f32 v5, v9;
	v16 =	vmul.f32 v5, v16  }
0x208: {  	v22 =	vor.u32 $0x5, v17;
	v8 =	vmul.f32 v5, v8;
	v14 =	vmul.f32 v5, v14;
	[tilespmem:v17+s24+$0x0] =	vst.idx.msk $0xffff, v11  }
0x209: {  	v25 =	vor.u32 $0x6, v17;
	v7 =	vmul.f32 v5, v7;
	v23 =	vmul.f32 v5, v10;
	[tilespmem:v12+s24+$0x0] =	vst.idx.msk $0xffff, v16  }
0x20a: {  	v27 =	vor.u32 $0x7, v17;
	v6 =	vadd.f32 v4, v6;
	v13 =	vadd.f32 v10, v13;
	[tilespmem:v18+s24+$0x0] =	vst.idx.msk $0xffff, v14  }
0x20b: {  	v51 =	vor.u32 $0x8, v17;
	v15 =	vadd.f32 v3, v15;
	v24 =	vmul.f32 v11, v10;
	[tilespmem:v20+s24+$0x0] =	vst.idx.msk $0xffff, v9  }
0x20c: {  	v52 =	vor.u32 $0x9, v17;
	v26 =	vmul.f32 v16, v10;
	v11 =	vmul.f32 v11, v3;
	[tilespmem:v21+s24+$0x0] =	vst.idx.msk $0xffff, v8  }
0x20d: {  	v53 =	vor.u32 $0xA, v17;
	v10 =	vmul.f32 v5, v3;
	v12 =	vmul.f32 v14, v3;
	[tilespmem:v22+s24+$0x0] =	vst.idx.msk $0xffff, v7  }
0x20e: {  	v55 =	vor.u32 $0xB, v17;
	v54 =	vmul.f32 v5, v6;
	v14 =	vmul.f32 v14, v4;
	[tilespmem:v25+s24+$0x0] =	vst.idx.msk $0xffff, v19  }
0x20f: {  	v4 =	vmul.f32 v16, v4;
	v12 =	vsub.f32 v12, v26;
	[tilespmem:v27+s24+$0x0] =	vst.idx.msk $0xffff, v10;
	v10 =	vor.u32 $0xC, v17  }
0x210: {  	v59 =	vor.u32 $0xD, v17;
	v56 =	vmul.f32 v9, v13;
	v14 =	vsub.f32 v24, v14;
	[tilespmem:v51+s24+$0x0] =	vst.idx.msk $0xffff, v23  }
0x211: {  	v57 =	vmul.f32 v7, v6;
	v3 =	vsub.f32 v4, v11;
	v4 =	vor.u32 $0xE, v17;
	[tilespmem:v52+s24+$0x0] =	vst.idx.msk $0xffff, v12  }
0x212: {  	v58 =	vmul.f32 v13, v5;
	v60 =	vmul.f32 v5, v15;
	[tilespmem:v53+s24+$0x0] =	vst.idx.msk $0xffff, v14;
	v14 =	vor.u32 $0xF, v17  }
0x213: {  	v5 =	vmul.f32 v7, v15;
	v11 =	vmul.f32 v8, v13;
	[tilespmem:v55+s24+$0x0] =	vst.idx.msk $0xffff, v3  }
0x214: {  	v61 =	vor.u32 $0x10, v17;
	[tilespmem:v10+s24+$0x0] =	vst.idx.msk $0xffff, v54  }
0x215: {  	v62 =	vor.u32 $0x11, v17;
	v63 =	vsub.f32 v56, v57;
	v10 =	vsub.f32 v5, v11;
	[tilespmem:v59+s24+$0x0] =	vst.idx.msk $0xffff, v60  }
0x216: {  	v9 =	vmul.f32 v9, v15;
	v12 =	vmul.f32 v8, v6;
	v11 =	vor.u32 $0x12, v17;
	[tilespmem:v4+s24+$0x0] =	vst.idx.msk $0xffff, v58  }
0x217: {  	v7 =	vmul.f32 v54, v15;
	v6 =	vmul.f32 v54, v6;
	[tilespmem:v14+s24+$0x0] =	vst.idx.msk $0xffff, v10;
	v10 =	vor.u32 $0x13, v17  }
0x218: {  	v8 =	vmul.f32 v58, v13;
	v12 =	vsub.f32 v12, v9;
	v14 =	vor.u32 $0x14, v17  }
0x219: {  	v9 =	vmul.f32 v54, v13;
	v4 =	vmul.f32 v60, v13;
	v13 =	vor.u32 $0x15, v17;
	[tilespmem:v61+s24+$0x0] =	vst.idx.msk $0xffff, v63  }
0x21a: {  	s31 =	simm.s32 $0x10;
	s0 =	simm.s32 $0x20;
	v3 =	vor.u32 $0x17, v17;
	v5 =	vmul.f32 v60, v15;
	[tilespmem:v62+s24+$0x0] =	vst.idx.msk $0xffff, v12;
	v12 =	vor.u32 $0x16, v17  }
.LBB2_5:
0x21b: {  	p0 =	sne.s32 s0, $0x5F0;
	v15 =	vor.u32 s31, v0;
	[tilespmem:v11+s24+$0x0] =	vst.idx.msk $0xffff, v6;
	s31 =	smov.u32 s0;
	s0 =	sadd.s32 $0x10, s0  }
0x21c: {  	v6 =	vmul.u32 $0x6, v15;
	v11 =	vmul.u32 $0x3, v15;
	v16 =	vand.u32 v2, v15;
	[tilespmem:v10+s24+$0x0] =	vst.idx.msk $0xffff, v5  }
0x21d: {  	[tilespmem:v14+s24+$0x0] =	vst.idx.msk $0xffff, v8  }
0x21e: {  	v5 =	vadd.s32 $0x3, v6;
	v8 =	vadd.s32 $0x1, v11;
	v10 =	vadd.s32 $0x2, v11;
	[tilespmem:v13+s24+$0x0] =	vst.idx.msk $0xffff, v7  }
0x21f: {  	v7 =	vor.u32 $0x1, v6;
	v13 =	vadd.s32 $0x4, v6;
	v14 =	vadd.s32 $0x5, v6;
	[tilespmem:v12+s24+$0x0] =	vst.idx.msk $0xffff, v9  }
0x220: {  	v9 =	vadd.s32 $0x2, v6;
	[tilespmem:v3+s24+$0x0] =	vst.idx.msk $0xffff, v4  }
0x221: {  	v4 =	vld.idx.msk [tilespmem:v16+s23+$0x0], $0xffff  }
0x222: {  	v3 =	vld.idx.msk [tilespmem:v11+s21+$0x0], $0xffff  }
0x223: {  	v11 =	vld.idx.msk [tilespmem:v11+s22+$0x0], $0xffff  }
0x224: {  	v12 =	vld.idx.msk [tilespmem:v14+s3+$0x0], $0xffff  }
0x225: {  	v13 =	vld.idx.msk [tilespmem:v13+s3+$0x0], $0xffff  }
0x226: {  	v5 =	vld.idx.msk [tilespmem:v5+s3+$0x0], $0xffff  }
0x227: {  	v14 =	vld.idx.msk [tilespmem:v10+s21+$0x0], $0xffff  }
0x228: {  	v17 =	vmul.f32 v4, v3;
	v16 =	vld.idx.msk [tilespmem:v8+s21+$0x0], $0xffff  }
0x229: {  	v15 =	vshll.u32 v15, $0x5;
	v18 =	vmul.f32 v4, v11;
	v10 =	vld.idx.msk [tilespmem:v10+s22+$0x0], $0xffff  }
0x22a: {  	v19 =	vor.u32 $0x1, v15;
	v3 =	vor.u32 $0x17, v15;
	v8 =	vld.idx.msk [tilespmem:v8+s22+$0x0], $0xffff  }
0x22b: {  	v20 =	vor.u32 $0x2, v15;
	v6 =	vld.idx.msk [tilespmem:v6+s3+$0x0], $0xffff  }
0x22c: {  	v21 =	vor.u32 $0x3, v15;
	v13 =	vmul.f32 v4, v13;
	v5 =	vmul.f32 v4, v5;
	v9 =	vld.idx.msk [tilespmem:v9+s3+$0x0], $0xffff  }
0x22d: {  	v22 =	vor.u32 $0x4, v15;
	v12 =	vmul.f32 v4, v12;
	v7 =	vld.idx.msk [tilespmem:v7+s3+$0x0], $0xffff  }
0x22e: {  	v23 =	vor.u32 $0x5, v15;
	v14 =	vmul.f32 v4, v14;
	v16 =	vmul.f32 v4, v16;
	[tilespmem:v15+s24+$0x0] =	vst.idx.msk $0xffff, v17  }
0x22f: {  	v26 =	vor.u32 $0x6, v15;
	v24 =	vmul.f32 v4, v10;
	v25 =	vmul.f32 v17, v10  }
0x230: {  	v27 =	vmul.f32 v14, v8;
	v28 =	vmul.f32 v16, v10;
	[tilespmem:v19+s24+$0x0] =	vst.idx.msk $0xffff, v16;
	v19 =	vor.u32 $0x7, v15  }
0x231: {  	v29 =	vmul.f32 v14, v11;
	v17 =	vmul.f32 v17, v8;
	[tilespmem:v20+s24+$0x0] =	vst.idx.msk $0xffff, v14;
	v14 =	vor.u32 $0x8, v15  }
0x232: {  	v6 =	vadd.f32 v11, v6;
	v20 =	vsub.f32 v27, v28;
	[tilespmem:v21+s24+$0x0] =	vst.idx.msk $0xffff, v5;
	v21 =	vor.u32 $0x9, v15  }
0x233: {  	v9 =	vadd.f32 v10, v9;
	v10 =	vmul.f32 v4, v8;
	[tilespmem:v22+s24+$0x0] =	vst.idx.msk $0xffff, v13;
	v22 =	vor.u32 $0xA, v15  }
0x234: {  	v11 =	vmul.f32 v16, v11;
	v16 =	vmul.f32 v4, v6;
	[tilespmem:v23+s24+$0x0] =	vst.idx.msk $0xffff, v12;
	v23 =	vor.u32 $0xB, v15  }
0x235: {  	v28 =	vmul.f32 v12, v6;
	v27 =	vmul.f32 v5, v9;
	[tilespmem:v26+s24+$0x0] =	vst.idx.msk $0xffff, v18  }
0x236: {  	v18 =	vsub.f32 v25, v29;
	v25 =	vmul.f32 v9, v4;
	[tilespmem:v19+s24+$0x0] =	vst.idx.msk $0xffff, v10;
	v10 =	vor.u32 $0xC, v15  }
0x237: {  	v7 =	vadd.f32 v8, v7;
	v8 =	vsub.f32 v11, v17;
	v11 =	vor.u32 $0xD, v15;
	[tilespmem:v14+s24+$0x0] =	vst.idx.msk $0xffff, v24  }
0x238: {  	v17 =	vor.u32 $0xE, v15;
	v14 =	vmul.f32 v13, v9;
	v13 =	vmul.f32 v13, v6;
	[tilespmem:v21+s24+$0x0] =	vst.idx.msk $0xffff, v20  }
0x239: {  	v12 =	vmul.f32 v12, v7;
	v4 =	vmul.f32 v4, v7;
	[tilespmem:v22+s24+$0x0] =	vst.idx.msk $0xffff, v18;
	v18 =	vor.u32 $0xF, v15  }
0x23a: {  	v19 =	vmul.f32 v5, v7;
	v6 =	vmul.f32 v16, v6;
	v20 =	vor.u32 $0x10, v15;
	[tilespmem:v23+s24+$0x0] =	vst.idx.msk $0xffff, v8  }
0x23b: {  	v5 =	vmul.f32 v4, v7;
	v21 =	vor.u32 $0x11, v15;
	v12 =	vsub.f32 v12, v14;
	[tilespmem:v10+s24+$0x0] =	vst.idx.msk $0xffff, v16  }
.Ltmp8:
0x23c: {  	v7 =	vmul.f32 v16, v7;
	v8 =	vmul.f32 v25, v9;
	[tilespmem:v11+s24+$0x0] =	vst.idx.msk $0xffff, v4;
	v11 =	vor.u32 $0x12, v15;
	(pc) =	sbr.rel @p0 .LBB2_5-.Ltmp8, $4  }
0x23d: {  	v22 =	vsub.f32 v27, v28;
	v10 =	vor.u32 $0x13, v15;
	v4 =	vmul.f32 v4, v9;
	[tilespmem:v17+s24+$0x0] =	vst.idx.msk $0xffff, v25  }
0x23e: {  	v14 =	vor.u32 $0x14, v15;
	v9 =	vmul.f32 v16, v9;
	v17 =	vsub.f32 v13, v19;
	[tilespmem:v18+s24+$0x0] =	vst.idx.msk $0xffff, v12  }
0x23f: {  	v13 =	vor.u32 $0x15, v15;
	[tilespmem:v20+s24+$0x0] =	vst.idx.msk $0xffff, v22  }
0x240: {  	v12 =	vor.u32 $0x16, v15;
	[tilespmem:v21+s24+$0x0] =	vst.idx.msk $0xffff, v17  }
.Ltmp9:
0x241: {  	_ = 	snop;
	(pc) =	sbr.rel .LBB2_6-.Ltmp9, $1  }
0x242: {  	_ =	sdelay $0x3  }
.LBB2_13:
0x243: {  	_ =	sfence.sel $0x180000  }
0x244: {  	[bflag:$0x0] =	sbarrier.arrive $0xFFFF  }
0x245: {  	_ =	strace $0x90000047  }
0x246: {  	s0 =	stileid.u32;
	[bflag:$0x2] =	sbarrier.arrive $0xFFFF  }
0x247: {  	p0 =	sne.s32 s0, $0x0;
	s0 =	rddreg [dreg:$0x3]  }
0x248: {  	s0 =	sadd.s32 @!p0 $0x100000, s0  }
0x249: {  	[sflag:s0] =	ssyncadd.tile.s32 @!p0 $0x1;
	_ =	shalt  }
.Lfunc_end2:
_tile_overlayer_lowered:
.L_overlay_start_2:
0x24a: {  	(tag) =	ssettag $0x2  }
0x24b: {  	s0 =	rddreg [dreg:$0x0];
	s2 =	stileid.u32  }
0x24c: {  	s1 =	rddreg [dreg:$0x1];
	p0 =	sne.s32 s2, $0x0  }
0x24d: {  	s3 =	rddreg [dreg:$0x2];
	[bflag:$0x3] =	sbarrier.arrive $0xFFFF;
	s2 =	simm.s32 @!p0 $0x1C01  }
0x24e: {  	[timem:s3], [sflag:s2] =	dma.local @!p0 [hbm:s0], s1  }
0x24f: {  	s0 =	simm.s32 @!p0 $0x1  }
0x250: {  	_ =	swait.ge @!p0 [sflag:s0], s1  }
0x251: {  	s1 =	ssub.s32 @!p0 $0x0, s1;
	[sflag:s0] =	ssyncset.done @!p0 $0x0  }
0x252: {  	[sflag:s0] =	ssyncadd.s32 @!p0 s1  }
0x253: {  	[bflag:$0x3] =	sbarrier.arrive $0xFFFF  }
0x254: {  	_ =	shalt  }

// kernel: conservation_k2_apply.3.cloned.1.call-start
scs
__scs_entry_jumppad:
0x0: {  	(pc) =	sbr.rel $0x88, $3  }
0x1: {  	(tag) =	ssettag $0x0;
	lr =	simm.s32 $0x1  }
0x2: {  	[smem:$0x3F9B] =	sst lr;
	_ =	strace $0xD0000000  }
0x3: {  	_ = 	snop  }
0x4: {  	_ = 	snop  }
0x5: {  	_ = 	snop  }
0x6: {  	_ = 	snop  }
0x7: {  	_ = 	snop  }
__scs_overlays_trampoline_lowered:
0x8: {  	[smem:$0x3FAA] =	sst s0  }
0x9: {  	[smem:$0x3FAB] =	sst s1  }
0xa: {  	[smem:$0x3FAC] =	sst s2  }
0xb: {  	[smem:$0x3FAD] =	sst s3  }
0xc: {  	[smem:$0x3FAE] =	sst s4  }
0xd: {  	[smem:$0x3FAF] =	sst s5  }
0xe: {  	[smem:$0x3FB0] =	sst s6  }
0xf: {  	[smem:$0x3FB1] =	sst s7  }
0x10: {  	[smem:$0x3FB2] =	sst s8  }
0x11: {  	[smem:$0x3FB3] =	sst s9;
	s0 =	simm.s32 @!p0 $0x0  }
0x12: {  	s1 =	sld [smem:$0x3F99];
	s0 =	simm.s32 @p0 $0x1  }
0x13: {  	[smem:$0x3FB4] =	sst s0;
	s0 =	simm.s32 @!p1 $0x0  }
0x14: {  	s2 =	sld [smem:$0x3F98];
	s0 =	simm.s32 @p1 $0x1  }
0x15: {  	[smem:$0x3FB5] =	sst s0;
	s0 =	simm.s32 @!p2 $0x0  }
0x16: {  	s3 =	sld [smem:$0x3FDB];
	s0 =	simm.s32 @p2 $0x1  }
0x17: {  	s4 =	simm.s32 $0x1BF5;
	[smem:$0x3FB7] =	sst s0  }
0x18: {  	s0 =	sld [smem:$0x3F9A];
	_ =	swait.ge [sflag:s4], $0x0  }
0x19: {  	s7 =	sld [smem:$0x3F9B]  }
0x1a: {  	s8 =	sadd.s32 $0xFFFFE003, lr  }
0x1b: {  	s9 =	sadd.s32 $0xFFFFFEF7, lr;
	s5 =	simm.s32 $0xFFFFFFFF;
	p2 =	slt.u32 s8, $0xFFFFF086  }
0x1c: {  	p1 =	slt.u32 s9, $0xF7A;
	s5 =	simm.s32 @!p2 $0x0  }
0x1d: {  	s5 =	simm.s32 @p1 $0x1;
	p0 =	seq.s32 s7, s2  }
0x1e: {  	s7 =	smul.u32 @!p0 $0xF7A, s2;
	p2 =	seq.s32 @!p0 s5, $0x0  }
0x1f: {  	s9 =	smul.u32 $0xF7A, s1;
	s8 =	simm.s32 @!p0 $0x1BF5;
	p2 =	por !p2, p0  }
0x20: {  	[sflag:s8] =	ssyncset.s32 @!p0 $0xFFFFF086;
	s6 =	sadd.s32 @!p0 s3, s7;
	s7 =	simm.s32 @!p0 $0x108  }
0x21: {  	s3 =	sadd.s32 s3, s9;
	s6 =	sadd.s32 @!p0 $0x88, s6;
	s7 =	simm.s32 @p2 $0x1082  }
0x22: {  	[simem:s7], [sflag:s8] =	dma.local @!p0 [hbm:s6], $0xF7A  }
0x23: {  	s9 =	sor.u32 $0xD0000000, s2;
	s6 =	simm.s32 $0x108;
	_ =	swait.ge @!p0 [sflag:s8], $0x0  }
0x24: {  	s3 =	sadd.s32 $0x88, s3;
	s6 =	simm.s32 @!p1 $0x1082;
	[sflag:s4] =	ssyncset.s32 $0xFFFFF086  }
0x25: {  	[simem:s6], [sflag:s4] =	dma.local [hbm:s3], $0xF7A  }
0x26: {  	[smem:$0x3F9B] =	sst s1;
	(tag) =	ssettag s2;
	_ =	strace s9  }
0x27: {  	s1 =	sld [smem:$0x3FAB]  }
0x28: {  	s2 =	sld [smem:$0x3FAC]  }
0x29: {  	s4 =	sld [smem:$0x3FAE]  }
0x2a: {  	p0 =	seq.s32 s5, $0x0;
	s5 =	sld [smem:$0x3FAF]  }
0x2b: {  	s6 =	sld [smem:$0x3FB0]  }
0x2c: {  	s7 =	sld [smem:$0x3FB1]  }
0x2d: {  	s3 =	simm.s32 $0x108;
	s8 =	sld [smem:$0x3FB2]  }
0x2e: {  	s3 =	simm.s32 @!p0 $0x1082;
	s9 =	sld [smem:$0x3FB3]  }
0x2f: {  	lr =	sadd.s32 s0, s3;
	s0 =	sld [smem:$0x3FAA]  }
0x30: {  	s3 =	sld [smem:$0x3FAD]  }
0x31: {  	[smem:$0x3FB6] =	sst s10  }
0x32: {  	s10 =	sld [smem:$0x3FB4];
	_ =	sdelay $0x3  }
0x33: {  	p0 =	seq.s32 s10, $0x1;
	s10 =	sld [smem:$0x3FB6];
	_ =	sdelay $0x3  }
0x34: {  	[smem:$0x3FB6] =	sst s10  }
0x35: {  	s10 =	sld [smem:$0x3FB5];
	_ =	sdelay $0x3  }
0x36: {  	p1 =	seq.s32 s10, $0x1;
	s10 =	sld [smem:$0x3FB6];
	_ =	sdelay $0x3  }
0x37: {  	[smem:$0x3FB6] =	sst s10  }
0x38: {  	s10 =	sld [smem:$0x3FB7]  }
0x39: {  	_ = 	snop;
	(pc) =	sbr.ind lr, $3  }
0x3a: {  	_ = 	snop  }
0x3b: {  	_ = 	snop  }
0x3c: {  	p2 =	seq.s32 s10, $0x1;
	s10 =	sld [smem:$0x3FB6]  }
0x3d: {  	_ =	shalt  }
0x3e: {  	_ =	shalt  }
0x3f: {  	_ =	shalt  }
0x40: {  	_ =	shalt  }
0x41: {  	_ =	shalt  }
0x42: {  	_ =	shalt  }
0x43: {  	_ =	shalt  }
0x44: {  	_ =	shalt  }
0x45: {  	_ =	shalt  }
0x46: {  	_ =	shalt  }
0x47: {  	_ =	shalt  }
0x48: {  	_ =	shalt  }
0x49: {  	_ =	shalt  }
0x4a: {  	_ =	shalt  }
0x4b: {  	_ =	shalt  }
0x4c: {  	_ =	shalt  }
0x4d: {  	_ =	shalt  }
0x4e: {  	_ =	shalt  }
0x4f: {  	_ =	shalt  }
0x50: {  	_ =	shalt  }
0x51: {  	_ =	shalt  }
0x52: {  	_ =	shalt  }
0x53: {  	_ =	shalt  }
0x54: {  	_ =	shalt  }
0x55: {  	_ =	shalt  }
0x56: {  	_ =	shalt  }
0x57: {  	_ =	shalt  }
0x58: {  	_ =	shalt  }
0x59: {  	_ =	shalt  }
0x5a: {  	_ =	shalt  }
0x5b: {  	_ =	shalt  }
0x5c: {  	_ =	shalt  }
0x5d: {  	_ =	shalt  }
0x5e: {  	_ =	shalt  }
0x5f: {  	_ =	shalt  }
0x60: {  	_ =	shalt  }
0x61: {  	_ =	shalt  }
0x62: {  	_ =	shalt  }
0x63: {  	_ =	shalt  }
0x64: {  	_ =	shalt  }
0x65: {  	_ =	shalt  }
0x66: {  	_ =	shalt  }
0x67: {  	_ =	shalt  }
0x68: {  	_ =	shalt  }
0x69: {  	_ =	shalt  }
0x6a: {  	_ =	shalt  }
0x6b: {  	_ =	shalt  }
0x6c: {  	_ =	shalt  }
0x6d: {  	_ =	shalt  }
0x6e: {  	_ =	shalt  }
0x6f: {  	_ =	shalt  }
0x70: {  	_ =	shalt  }
0x71: {  	_ =	shalt  }
0x72: {  	_ =	shalt  }
0x73: {  	_ =	shalt  }
0x74: {  	_ =	shalt  }
0x75: {  	_ =	shalt  }
0x76: {  	_ =	shalt  }
0x77: {  	_ =	shalt  }
0x78: {  	_ =	shalt  }
0x79: {  	_ =	shalt  }
0x7a: {  	_ =	shalt  }
0x7b: {  	_ =	shalt  }
0x7c: {  	_ =	shalt  }
0x7d: {  	_ =	shalt  }
0x7e: {  	_ =	shalt  }
0x7f: {  	_ =	shalt  }
0x80: {  	_ =	shalt  }
0x81: {  	_ =	shalt  }
0x82: {  	_ =	shalt  }
0x83: {  	_ =	shalt  }
0x84: {  	_ =	shalt  }
0x85: {  	_ =	shalt  }
0x86: {  	_ =	shalt  }
0x87: {  	_ =	shalt  }
.Lfunc_end0:
.L_simem_size_0:
called_computation.1_lowered:
.L_overlay_start_0:
0x88: {  	s2 =	sld [smem:$0x3FD9]  }
0x89: {  	s3 =	sld [smem:$0x3FFE];
	_ =	sdelay $0x1  }
0x8a: {  	s1 =	srdreg.scid  }
0x8b: {  	s0 =	sand.u32 $0x1, s1  }
0x8c: {  	s17 =	sshll.u32 s0, $0xA;
	s2 =	sadd.s32 s3, s2  }
0x8d: {  	s2 =	sadd.s32 s2, s17  }
0x8e: {  	[smem:$0x3FC2] =	sst s2  }
0x8f: {  	_ = 	snop  }
0x90: {  	s2 =	sld [smem:$0x3FC4]  }
0x91: {  	s18 =	sld [smem:$0x3FD0];
	(tm) =	ssettm $0x1  }
0x92: {  	s4 =	sld [smem:$0x3FFB];
	_ =	sdelay $0x3  }
0x93: {  	_ =	strace s4  }
0x94: {  	s4 =	sld [smem:$0x3FFC];
	_ =	sdelay $0x3  }
0x95: {  	_ =	strace s4  }
0x96: {  	s4 =	sld [smem:$0x3FFD];
	_ =	sdelay $0x3  }
0x97: {  	_ =	strace s4  }
0x98: {  	_ =	strace $0x8FFFFFFF  }
0x99: {  	s19 =	sld [smem:$0x3FDB];
	_ =	sdelay $0x1  }
0x9a: {  	s5 =	simm.s32 $_scs_section_size  }
0x9b: {  	s6 =	simm.s32 $_size__tile_overlayer_lowered;
	s7 =	simm.s32 $_tile_overlayer_lowered  }
0x9c: {  	s22 =	simm.s32 $0x1BFF;
	s21 =	sshll.u32 s7, $0x1;
	s4 =	sadd.s32 s5, s19  }
0x9d: {  	s8 =	simm.s32 $0x0;
	s20 =	sshll.u32 s6, $0x1;
	s6 =	sadd.s32 s21, s4  }
0x9e: {  	[timem:s8], [sflag:s22] =	dma.local [hbm:s6], s20  }
0x9f: {  	_ =	swait.ge [sflag:s22], s20  }
0xa0: {  	s5 =	ssub.s32 $0x0, s20;
	[sflag:s22] =	ssyncset.done $0x0  }
0xa1: {  	[sflag:s22] =	ssyncadd.s32 s5;
	_ =	sdelay $0x1  }
0xa2: {  	s23 =	simm.s32 $0x1B8B  }
0xa3: {  	_ =	swait.ge [sflag:s23], $0x1  }
0xa4: {  	[sflag:s23] =	ssyncset.done $0x0  }
0xa5: {  	s25 =	simm.s32 $0x1B8E;
	s24 =	sld [smem:$0x3FFE];
	[sflag:s23] =	ssyncadd.s32 $0xFFFFFFFF  }
0xa6: {  	s26 =	simm.s32 $execute0_lowered;
	[smem:$0x3FD2] =	sst s25  }
0xa7: {  	s6 =	sshll.u32 s26, $0x1;
	_ =	strace $0x80000049;
	[dreg:$0x1] =	wrdreg $0xFFFFFFFF  }
0xa8: {  	s28 =	simm.s32 $_size_execute0_lowered;
	s4 =	sadd.s32 s4, s6;
	[dreg:$0x0] =	wrdreg $0x0  }
0xa9: {  	s6 =	sshll.u32 s28, $0x1;
	[dreg:$0x2] =	wrdreg s4  }
0xaa: {  	[dreg:$0x3] =	wrdreg s6  }
0xab: {  	[dreg:$0x4] =	wrdreg $0xC0  }
0xac: {  	_ =	task [dreg:s8], $0x5FFFF  }
0xad: {  	[dreg:$0x1] =	wrdreg $0xFFFFFFFF  }
0xae: {  	[dreg:$0x0] =	wrdreg $0x60  }
0xaf: {  	[dreg:$0x2] =	wrdreg s24  }
0xb0: {  	[dreg:$0x3] =	wrdreg s18  }
0xb1: {  	[dreg:$0x4] =	wrdreg s2  }
0xb2: {  	[dreg:$0x5] =	wrdreg $0xB6400  }
0xb3: {  	[dreg:$0x6] =	wrdreg $0x9  }
0xb4: {  	_ =	task.clear_ibuf [dreg:s8], $0x7FFFF;
	_ =	strace $0x90000049  }
0xb5: {  	s29 =	simm.s32 $0x9;
	_ =	strace $0x8000004B  }
0xb6: {  	_ =	swait.ge [sflag:s29], $0x1  }
0xb7: {  	[sflag:s29] =	ssyncadd.s32 $0xFFFFFFFF  }
0xb8: {  	_ =	strace $0x9000004B  }
0xb9: {  	_ =	sfence  }
0xba: {  	s30 =	sld [smem:$0x0];
	_ =	sdelay $0x2  }
0xbb: {  	s31 =	sshll.u32 s1, $0xD;
	s1 =	sshrl.u32 s1, $0x2  }
0xbc: {  	s3 =	sand.u32 $0x4000, s31;
	s1 =	sadd.s32 s1, s30  }
0xbd: {  	s0 =	sor.u32 s3, s0;
	s1 =	sshll.u32 s1, $0x11  }
0xbe: {  	s0 =	sor.u32 s1, s0  }
0xbf: {  	s0 =	sadd.s32 $0x8F2B, s0  }
0xc0: {  	[sflag:s0] =	ssyncadd.remote.s32 $0x1  }
0xc1: {  	_ =	sfence.sel $0xFFFF  }
0xc2: {  	[dreg:$0x0] =	wrdreg $0xFFFFFFFF;
	(pc) =	sbr.abs _section_cstart, $3  }
0xc3: {  	[dreg:$0x1] =	wrdreg $0xFFFFFFFF  }
0xc4: {  	_ =	task.clear_ibuf [dreg:s8], $0x2FFFF;
	_ =	strace $0x9FFFFFFF  }
0xc5: {  	(tm) =	ssettm $0x7FFFFFFF  }
tec
execute0_lowered:
.L_overlay_start_1:
0x0: {  	(tag) =	ssettag $0x1  }
0x1: {  	v0 =	vlaneseq.u32  }
0x2: {  	v1 =	vmul.u32 $0x20, v0;
	_ =	sdelay $0x1  }
0x3: {  	v2 =	vor.u32 $0x1, v1  }
0x4: {  	[tilespmem:$0x1FD70] =	vst v2;
	v2 =	vor.u32 $0x2, v1  }
0x5: {  	[tilespmem:$0x1FD80] =	vst v2;
	v2 =	vor.u32 $0x3, v1  }
0x6: {  	[tilespmem:$0x1FD90] =	vst v2;
	v2 =	vor.u32 $0x4, v1  }
0x7: {  	[tilespmem:$0x1FDA0] =	vst v2;
	v2 =	vor.u32 $0x5, v1  }
0x8: {  	[tilespmem:$0x1FDB0] =	vst v2;
	v2 =	vor.u32 $0x6, v1  }
0x9: {  	[tilespmem:$0x1FDC0] =	vst v2;
	v2 =	vor.u32 $0x7, v1  }
0xa: {  	[tilespmem:$0x1FDD0] =	vst v2;
	v2 =	vor.u32 $0x8, v1  }
0xb: {  	[tilespmem:$0x1FDE0] =	vst v2;
	v2 =	vor.u32 $0x9, v1  }
0xc: {  	[tilespmem:$0x1FDF0] =	vst v2;
	v2 =	vor.u32 $0xA, v1  }
0xd: {  	[tilespmem:$0x1FE00] =	vst v2;
	v2 =	vor.u32 $0xB, v1  }
0xe: {  	[tilespmem:$0x1FE10] =	vst v2;
	v2 =	vor.u32 $0xC, v1  }
0xf: {  	[tilespmem:$0x1FE20] =	vst v2;
	v2 =	vor.u32 $0xD, v1  }
0x10: {  	[tilespmem:$0x1FE30] =	vst v2;
	v2 =	vor.u32 $0xE, v1  }
0x11: {  	[tilespmem:$0x1FE40] =	vst v2;
	v2 =	vor.u32 $0xF, v1  }
0x12: {  	[tilespmem:$0x1FE50] =	vst v2;
	v2 =	vor.u32 $0x10, v1  }
0x13: {  	[tilespmem:$0x1FE60] =	vst v2;
	v2 =	vor.u32 $0x11, v1  }
0x14: {  	[tilespmem:$0x1FE70] =	vst v2;
	v2 =	vor.u32 $0x12, v1  }
0x15: {  	[tilespmem:$0x1FE80] =	vst v2;
	v2 =	vor.u32 $0x13, v1  }
0x16: {  	[tilespmem:$0x1FE90] =	vst v2;
	v2 =	vor.u32 $0x14, v1  }
0x17: {  	[tilespmem:$0x1FEA0] =	vst v2;
	v2 =	vor.u32 $0x15, v1  }
0x18: {  	v21 =	vmul.u32 $0x10, v0;
	[tilespmem:$0x1FEB0] =	vst v2;
	v2 =	vor.u32 $0x16, v1  }
0x19: {  	[tilespmem:$0x1FEC0] =	vst v2;
	v2 =	vor.u32 $0x17, v1  }
0x1a: {  	[tilespmem:$0x1FED0] =	vst v2;
	v2 =	vor.u32 $0x1, v21  }
0x1b: {  	[tilespmem:$0x1FEE0] =	vst v2;
	v2 =	vor.u32 $0x2, v21  }
0x1c: {  	[tilespmem:$0x1FEF0] =	vst v2;
	v2 =	vor.u32 $0x3, v21  }
0x1d: {  	s1 =	rddreg [dreg:$0x0];
	[tilespmem:$0x1FF00] =	vst v2;
	v2 =	vor.u32 $0x4, v21  }
0x1e: {  	s0 =	rddreg [dreg:$0x1];
	[tilespmem:$0x1FF10] =	vst v2;
	v2 =	vor.u32 $0x5, v21  }
0x1f: {  	s2 =	rddreg [dreg:$0x2];
	[tilespmem:$0x1FF20] =	vst v2;
	v2 =	vor.u32 $0x6, v21  }
0x20: {  	s14 =	rddreg [dreg:$0x3];
	[tilespmem:$0x1FF30] =	vst v2;
	v2 =	vor.u32 $0x7, v21  }
0x21: {  	s4 =	simm.s32 $0x0;
	s13 =	stileid.u32;
	s3 =	srdreg.scid;
	[tilespmem:$0x1FF40] =	vst v2;
	v2 =	vor.u32 $0x8, v21  }
0x22: {  	s19 =	simm.s32 $0x800;
	s21 =	simm.s32 $0x1040;
	[smem:$0x7FF] =	sst s4;
	[tilespmem:$0x1FF50] =	vst v2;
	v2 =	vor.u32 $0x200, v1  }
0x23: {  	s18 =	simm.s32 $0x1;
	s22 =	simm.s32 $0x1440;
	v38 =	vor.u32 $0x204, v1;
	_ =	strace $0x8000004A;
	[tilespmem:$0x1FF60] =	vst v2;
	v2 =	vor.u32 $0x201, v1  }
0x24: {  	s23 =	simm.s32 $0x8A40;
	s24 =	simm.s32 $0x2;
	s25 =	simm.s32 $0x5440;
	v39 =	vor.u32 $0x205, v1;
	v40 =	vor.u32 $0x206, v1;
	[tilespmem:$0x1FF70] =	vst v2;
	v2 =	vor.u32 $0x202, v1  }
0x25: {  	s28 =	simm.s32 $0x9240;
	s29 =	simm.s32 $0x0;
	s7 =	sadd.s32 $0xC00, s1;
	v41 =	vor.u32 $0x207, v1;
	v42 =	vor.u32 $0x208, v1;
	[tilespmem:$0x1FF80] =	vst v2;
	v2 =	vor.u32 $0x203, v1  }
0x26: {  	s6 =	sshll.u32 s13, $0x8;
	s8 =	sadd.s32 $0xA000, s1;
	s31 =	sshll.u32 s13, $0xA;
	v43 =	vor.u32 $0x209, v1;
	v44 =	vor.u32 $0x20A, v1;
	[tilespmem:$0x1FF90] =	vst v2;
	v2 =	vor.u32 $0x100, v21  }
0x27: {  	s5 =	sand.u32 $0x1, s3;
	s30 =	sshll.u32 s13, $0x3;
	s15 =	sadd.s32 $0x199C40, s1;
	v45 =	vor.u32 $0x20B, v1;
	v46 =	vor.u32 $0x20C, v1;
	[tilespmem:$0x1FFA0] =	vst v2;
	v2 =	vor.u32 $0x101, v21  }
.Ltmp0:
0x28: {  	s16 =	sadd.s32 $0x1C480, s1;
	s26 =	sadd.s32 s6, s1;
	v47 =	vor.u32 $0x20D, v1;
	v48 =	vor.u32 $0x20E, v1;
	[tilespmem:$0x1FFB0] =	vst v2;
	v2 =	vor.u32 $0x102, v21;
	(pc) =	sbr.rel .LBB2_1-.Ltmp0, $4  }
0x29: {  	s9 =	ssub.s32 $0x2, s5;
	s6 =	sadd.s32 $0x190A00, s1;
	s12 =	sadd.s32 s2, s30;
	v49 =	vor.u32 $0x20F, v1;
	v50 =	vor.u32 $0x210, v1;
	[tilespmem:$0x1FFC0] =	vst v2;
	v2 =	vor.u32 $0x103, v21  }
0x2a: {  	s14 =	sadd.s32 s31, s14;
	s10 =	sshrl.u32 s9, $0x1;
	s11 =	sadd.s32 $0x9000, s26;
	v51 =	vor.u32 $0x211, v1;
	v52 =	vor.u32 $0x212, v1;
	[tilespmem:$0x1FFD0] =	vst v2;
	v2 =	vor.u32 $0x104, v21  }
0x2b: {  	v53 =	vor.u32 $0x213, v1;
	v54 =	vor.u32 $0x214, v1;
	s17 =	ssub.s32 s9, s10;
	s9 =	sshll.u32 s13, $0x1;
	s10 =	sadd.s32 $0x8000, s26;
	[tilespmem:$0x1FFE0] =	vst v2;
	v2 =	vor.u32 $0x105, v21  }
0x2c: {  	v55 =	vor.u32 $0x215, v1;
	v56 =	vor.u32 $0x216, v1;
	v57 =	vor.u32 $0x217, v1;
	s13 =	sadd.s32 $0x12480, s0;
	s26 =	simm.s32 $0x7840;
	s17 =	smax.u32 s17, $0x1;
	[tilespmem:$0x1FFF0] =	vst v2  }
.LBB2_11:
0x2d: {  	s29 =	sadd.s32 $0x1, s29  }
0x2e: {  	p0 =	sne.s32 s29, s17  }
.Ltmp1:
0x2f: {  	_ = 	snop;
	(pc) =	sbr.rel @!p0 .LBB2_12-.Ltmp1, $1  }
0x30: {  	_ =	sdelay $0x3  }
.LBB2_1:
0x31: {  	[tilespmem:s4], [sflag:$0x1] =	stream.linear.gather [hbm4b:s10+s4], $0x800, $0x38;
	[tilespmem:$0xBA40] =	vst v63  }
0x32: {  	_ =	swait.ge [sflag:s18], $0x800  }
0x33: {  	[sflag:s18] =	ssyncset.done $0x0  }
0x34: {  	[sflag:s18] =	ssyncadd.s32 $0xFFFFF800  }
0x35: {  	[tilespmem:s19], [sflag:$0x1] =	stream.linear.gather [hbm4b:s11+s4], $0x800, $0x38;
	[tilespmem:$0xBA40] =	vst v63  }
0x36: {  	_ =	swait.ge [sflag:s18], $0x800  }
0x37: {  	[sflag:s18] =	ssyncset.done $0x0  }
0x38: {  	s1 =	simm.s32 $0x1000;
	[sflag:s18] =	ssyncadd.s32 $0xFFFFF800  }
0x39: {  	[tilespmem:s1], [sflag:$0x1] =	stream.linear.gather [hbm4b:s12+s4], $0x40, $0x38;
	[tilespmem:$0xBA40] =	vst v63  }
0x3a: {  	_ =	swait.ge [sflag:s18], $0x40  }
0x3b: {  	v2 =	vld [tilespmem:$0x1FD70]  }
0x3c: {  	v3 =	vld [tilespmem:$0x1FDD0]  }
0x3d: {  	v5 =	vld [tilespmem:$0x1FDE0]  }
0x3e: {  	v7 =	vld [tilespmem:$0x1FDF0]  }
0x3f: {  	v9 =	vld [tilespmem:$0x1FE00]  }
0x40: {  	v11 =	vld [tilespmem:$0x1FE10]  }
0x41: {  	v13 =	vld [tilespmem:$0x1FE20]  }
0x42: {  	[sflag:s18] =	ssyncset.done $0x0;
	v15 =	vld [tilespmem:$0x1FE30]  }
0x43: {  	v17 =	vld [tilespmem:$0x1FE40];
	[sflag:s18] =	ssyncadd.s32 $0xFFFFFFC0  }
0x44: {  	v28 =	vld.idx.msk [tilespmem:v2+s4+$0x0], $0xffff  }
0x45: {  	v29 =	vld.idx.msk [tilespmem:v2+s19+$0x0], $0xffff  }
0x46: {  	v2 =	vld [tilespmem:$0x1FD80]  }
0x47: {  	v19 =	vld [tilespmem:$0x1FE50]  }
0x48: {  	v22 =	vld [tilespmem:$0x1FE60]  }
0x49: {  	v25 =	vld [tilespmem:$0x1FE70]  }
0x4a: {  	v35 =	vld [tilespmem:$0x1FE80]  }
0x4b: {  	v37 =	vld [tilespmem:$0x1FE90]  }
0x4c: {  	v36 =	vld [tilespmem:$0x1FEA0]  }
0x4d: {  	v26 =	vld.idx.msk [tilespmem:v1+s4+$0x0], $0xffff  }
0x4e: {  	v30 =	vld.idx.msk [tilespmem:v2+s4+$0x0], $0xffff  }
0x4f: {  	v31 =	vld.idx.msk [tilespmem:v2+s19+$0x0], $0xffff  }
0x50: {  	v2 =	vld [tilespmem:$0x1FD90]  }
0x51: {  	v27 =	vld.idx.msk [tilespmem:v1+s19+$0x0], $0xffff  }
0x52: {  	v23 =	vld [tilespmem:$0x1000]  }
0x53: {  	v4 =	vld.idx.msk [tilespmem:v5+s4+$0x0], $0xffff  }
0x54: {  	v5 =	vld.idx.msk [tilespmem:v5+s19+$0x0], $0xffff  }
0x55: {  	v6 =	vld.idx.msk [tilespmem:v7+s4+$0x0], $0xffff  }
0x56: {  	v7 =	vld.idx.msk [tilespmem:v7+s19+$0x0], $0xffff  }
0x57: {  	v8 =	vld.idx.msk [tilespmem:v9+s4+$0x0], $0xffff  }
0x58: {  	v32 =	vld.idx.msk [tilespmem:v2+s4+$0x0], $0xffff  }
0x59: {  	v33 =	vld.idx.msk [tilespmem:v2+s19+$0x0], $0xffff  }
0x5a: {  	v2 =	vld [tilespmem:$0x1FDA0]  }
0x5b: {  	v9 =	vld.idx.msk [tilespmem:v9+s19+$0x0], $0xffff  }
0x5c: {  	v10 =	vld.idx.msk [tilespmem:v11+s4+$0x0], $0xffff  }
0x5d: {  	v11 =	vld.idx.msk [tilespmem:v11+s19+$0x0], $0xffff  }
0x5e: {  	v12 =	vld.idx.msk [tilespmem:v13+s4+$0x0], $0xffff  }
0x5f: {  	v13 =	vld.idx.msk [tilespmem:v13+s19+$0x0], $0xffff  }
0x60: {  	v14 =	vld.idx.msk [tilespmem:v15+s4+$0x0], $0xffff  }
0x61: {  	v15 =	vld.idx.msk [tilespmem:v15+s19+$0x0], $0xffff  }
0x62: {  	v58 =	vld.idx.msk [tilespmem:v2+s4+$0x0], $0xffff  }
0x63: {  	v59 =	vld.idx.msk [tilespmem:v2+s19+$0x0], $0xffff  }
0x64: {  	v2 =	vld [tilespmem:$0x1FDB0]  }
0x65: {  	v16 =	vld.idx.msk [tilespmem:v17+s4+$0x0], $0xffff  }
0x66: {  	v17 =	vld.idx.msk [tilespmem:v17+s19+$0x0], $0xffff  }
0x67: {  	v18 =	vld.idx.msk [tilespmem:v19+s4+$0x0], $0xffff  }
0x68: {  	v19 =	vld.idx.msk [tilespmem:v19+s19+$0x0], $0xffff  }
0x69: {  	v20 =	vld.idx.msk [tilespmem:v22+s4+$0x0], $0xffff  }
0x6a: {  	v22 =	vld.idx.msk [tilespmem:v22+s19+$0x0], $0xffff  }
0x6b: {  	v24 =	vld.idx.msk [tilespmem:v25+s4+$0x0], $0xffff  }
0x6c: {  	v60 =	vld.idx.msk [tilespmem:v2+s4+$0x0], $0xffff  }
0x6d: {  	v61 =	vld.idx.msk [tilespmem:v2+s19+$0x0], $0xffff  }
0x6e: {  	v2 =	vld [tilespmem:$0x1FDC0]  }
0x6f: {  	v25 =	vld.idx.msk [tilespmem:v25+s19+$0x0], $0xffff  }
0x70: {  	v26 =	vadd.f32 v27, v26;
	v34 =	vld.idx.msk [tilespmem:v35+s4+$0x0], $0xffff  }
0x71: {  	v27 =	vadd.f32 v29, v28;
	v29 =	vadd.f32 v31, v30;
	v31 =	vld.idx.msk [tilespmem:v37+s4+$0x0], $0xffff  }
0x72: {  	v30 =	vadd.f32 v33, v32;
	v32 =	vadd.f32 v59, v58;
	v58 =	vld.idx.msk [tilespmem:v37+s19+$0x0], $0xffff  }
0x73: {  	v37 =	vld [tilespmem:$0x1FEB0]  }
0x74: {  	(erf) = vrcp.f32 v23;
	v28 =	vld.idx.msk [tilespmem:v35+s19+$0x0], $0xffff  }
0x75: {  	v33 =	vadd.f32 v61, v60;
	v60 =	vld [tilespmem:$0x1FEC0]  }
0x76: {  	v62 =	vld.idx.msk [tilespmem:v2+s4+$0x0], $0xffff  }
0x77: {  	v4 =	vadd.f32 v5, v4;
	v63 =	vld.idx.msk [tilespmem:v2+s19+$0x0], $0xffff  }
0x78: {  	v5 =	vadd.f32 v7, v6;
	v7 =	vadd.f32 v9, v8;
	v2 =	vld.idx.msk [tilespmem:v3+s4+$0x0], $0xffff  }
0x79: {  	v8 =	vadd.f32 v11, v10;
	v10 =	vadd.f32 v13, v12;
	v3 =	vld.idx.msk [tilespmem:v3+s19+$0x0], $0xffff  }
0x7a: {  	v6 =	vld.idx.msk [tilespmem:v36+s19+$0x0], $0xffff;
	v11 =	vadd.f32 v15, v14;
	v13 =	vadd.f32 v17, v16  }
0x7b: {  	v14 =	vadd.f32 v19, v18;
	v16 =	vadd.f32 v22, v20;
	v9 =	vld.idx.msk [tilespmem:v37+s4+$0x0], $0xffff  }
0x7c: {  	v20 =	vsub.f32 v30, v26;
	v22 =	vsub.f32 v32, v27;
	v12 =	vld.idx.msk [tilespmem:v37+s19+$0x0], $0xffff  }
0x7d: {  	v17 =	vadd.f32 v25, v24;
	v37 =	vpop (erf);
	v59 =	vadd.f32 v63, v62;
	v62 =	vld [tilespmem:$0x1FED0]  }
0x7e: {  	v20 =	vmul.f32 v37, v20;
	v22 =	vmul.f32 v37, v22;
	v2 =	vadd.f32 v3, v2;
	v3 =	vld.idx.msk [tilespmem:v36+s4+$0x0], $0xffff  }
0x7f: {  	v25 =	vadd.f32 v58, v31;
	v4 =	vmul.f32 v37, v4;
	v32 =	vmul.f32 v37, v11;
	v61 =	vld.idx.msk [tilespmem:v60+s4+$0x0], $0xffff  }
0x80: {  	v30 =	vmul.f32 v37, v10;
	v58 =	vsub.f32 v33, v29;
	v33 =	vmul.f32 v37, v13;
	v18 =	vld.idx.msk [tilespmem:v60+s19+$0x0], $0xffff  }
0x81: {  	v24 =	vadd.f32 v28, v34;
	v34 =	vmul.f32 v22, v13;
	v2 =	vmul.f32 v37, v2  }
0x82: {  	v13 =	vmul.f32 v20, v13;
	v59 =	vmul.f32 v37, v59  }
0x83: {  	v60 =	vmul.f32 v2, v29;
	v2 =	vmul.f32 v2, v26  }
0x84: {  	v3 =	vadd.f32 v6, v3;
	v6 =	vadd.f32 v12, v9;
	v9 =	vmul.f32 v37, v58  }
0x85: {  	v15 =	vadd.f32 v18, v61;
	v61 =	vmul.f32 v4, v27;
	v12 =	vmul.f32 v59, v27;
	v63 =	vld.idx.msk [tilespmem:v62+s4+$0x0], $0xffff  }
0x86: {  	v4 =	vmul.f32 v4, v26;
	v58 =	vmul.f32 v33, v33;
	v36 =	vld.idx.msk [tilespmem:v62+s19+$0x0], $0xffff  }
0x87: {  	v18 =	vsub.f32 v60, v61;
	v2 =	vsub.f32 v12, v2;
	v60 =	vmul.f32 v32, v32  }
0x88: {  	v61 =	vmul.f32 v9, v10;
	v62 =	vmul.f32 v59, v29  }
0x89: {  	v37 =	vmul.f32 v33, v27;
	v2 =	vsub.f32 v8, v2;
	v8 =	vadd.f32 v58, v60  }
0x8a: {  	v59 =	vmul.f32 v30, v30;
	v13 =	vsub.f32 v13, v61;
	v4 =	vsub.f32 v4, v62  }
0x8b: {  	v19 =	vadd.f32 v36, v63;
	v63 =	vmul.f32 v9, v11;
	v36 =	vmul.f32 v32, v29  }
0x8c: {  	v62 =	vadd.f32 v58, v59;
	v4 =	vsub.f32 v7, v4  }
0x8d: {  	v10 =	vmul.f32 v22, v10;
	v35 =	vsub.f32 v63, v34;
	v12 =	vsub.f32 v36, v37  }
0x8e: {  	v63 =	vmul.f32 v32, v23;
	v34 =	vadd.f32 v3, v24;
	v36 =	vmul.f32 v30, v23  }
0x8f: {  	v31 =	vmul.f32 v62, v23;
	v7 =	vsub.f32 v14, v35;
	v14 =	vadd.f32 v60, v59  }
0x90: {  	v24 =	vadd.f32 v25, v24;
	v28 =	vmul.f32 v63, v33;
	v58 =	vmul.f32 v36, v33  }
0x91: {  	v31 =	vsub.f32 v34, v31;
	v37 =	vmul.f32 v36, v32;
	v14 =	vmul.f32 v14, v23  }
0x92: {  	v8 =	vmul.f32 v8, v23;
	v19 =	vsub.f32 v28, v19;
	v15 =	vsub.f32 v58, v15  }
0x93: {  	v11 =	vmul.f32 v20, v11;
	v6 =	vsub.f32 v37, v6;
	v14 =	vsub.f32 v24, v14  }
0x94: {  	v3 =	vadd.f32 v3, v25;
	v60 =	vmul.f32 v19, v19;
	v61 =	vmul.f32 v19, v15  }
0x95: {  	v5 =	vsub.f32 v5, v18;
	v23 =	vmul.f32 v14, v31;
	v62 =	vmul.f32 v14, v6  }
0x96: {  	v63 =	vmul.f32 v30, v29;
	v3 =	vsub.f32 v3, v8;
	v29 =	vmul.f32 v31, v15  }
0x97: {  	v8 =	vsub.f32 v23, v60;
	v18 =	vsub.f32 v61, v62;
	v23 =	vmul.f32 v19, v6  }
0x98: {  	v13 =	vsub.f32 v16, v13;
	v10 =	vsub.f32 v10, v11;
	v59 =	vmul.f32 v33, v26  }
0x99: {  	v34 =	vsub.f32 v23, v29;
	v23 =	vmul.f32 v8, v3;
	v35 =	vmul.f32 v18, v6  }
0x9a: {  	v36 =	vmul.f32 v30, v27;
	v10 =	vsub.f32 v17, v10;
	v37 =	vmul.f32 v32, v26  }
0x9b: {  	v58 =	vsub.f32 v59, v63;
	v23 =	vadd.f32 v35, v23;
	v59 =	vmul.f32 v34, v15  }
0x9c: {  	v7 =	vsub.f32 v7, v12;
	v11 =	vsub.f32 v36, v37  }
0x9d: {  	v13 =	vsub.f32 v13, v58;
	v60 =	vadd.f32 v23, v59  }
0x9e: {  	v63 =	vmul.f32 v15, v6;
	v10 =	vsub.f32 v10, v11;
	v61 =	vmul.f32 v14, v3  }
0x9f: {  	v5 =	vsub.f32 v5, v7;
	v62 =	vmul.f32 v15, v15;
	(erf) = vrcp.f32 v60  }
0xa0: {  	v4 =	vsub.f32 v4, v13;
	v2 =	vsub.f32 v2, v10;
	v15 =	vmul.f32 v3, v19  }
0xa1: {  	v7 =	vsub.f32 v61, v62;
	v6 =	vmul.f32 v6, v6;
	v8 =	vmul.f32 v8, v5  }
0xa2: {  	v17 =	vmul.f32 v18, v4;
	v3 =	vmul.f32 v31, v3;
	v10 =	vsub.f32 v63, v15  }
0xa3: {  	v24 =	vmul.f32 v18, v5;
	v7 =	vmul.f32 v7, v4  }
0xa4: {  	v5 =	vmul.f32 v34, v5;
	v3 =	vsub.f32 v3, v6;
	v4 =	vmul.f32 v10, v4  }
0xa5: {  	v19 =	vmul.f32 v34, v2;
	v8 =	vadd.f32 v17, v8;
	v6 =	vadd.f32 v7, v24  }
0xa6: {  	v25 =	vmul.f32 v10, v2;
	v2 =	vmul.f32 v3, v2;
	v4 =	vadd.f32 v4, v5  }
0xa7: {  	v8 =	vadd.f32 v8, v19  }
0xa8: {  	v28 =	vld [tilespmem:$0x1FEE0];
	v26 =	vadd.f32 v6, v25;
	v2 =	vadd.f32 v4, v2;
	v3 =	vpop (erf)  }
0xa9: {  	v31 =	vld [tilespmem:$0x1FEF0];
	v27 =	vmul.f32 v3, v8  }
0xaa: {  	v29 =	vmul.f32 v3, v26;
	v2 =	vmul.f32 v3, v2;
	v3 =	vld [tilespmem:$0x1FF00];
	_ =	sdelay $0x4  }
0xab: {  	[tilespmem:v21+s21+$0x0] =	vst.idx.msk $0xffff, v20  }
0xac: {  	[tilespmem:v28+s21+$0x0] =	vst.idx.msk $0xffff, v22  }
0xad: {  	[tilespmem:v31+s21+$0x0] =	vst.idx.msk $0xffff, v9  }
0xae: {  	[tilespmem:v3+s21+$0x0] =	vst.idx.msk $0xffff, v27;
	v3 =	vld [tilespmem:$0x1FF10];
	_ =	sdelay $0x7  }
0xaf: {  	[tilespmem:v3+s21+$0x0] =	vst.idx.msk $0xffff, v29;
	v3 =	vld [tilespmem:$0x1FF20];
	_ =	sdelay $0x7  }
0xb0: {  	[tilespmem:v3+s21+$0x0] =	vst.idx.msk $0xffff, v2;
	v2 =	vld [tilespmem:$0x1FF30];
	_ =	sdelay $0x7  }
0xb1: {  	[tilespmem:v2+s21+$0x0] =	vst.idx.msk $0xffff, v30;
	v2 =	vld [tilespmem:$0x1FF40];
	_ =	sdelay $0x7  }
0xb2: {  	[tilespmem:v2+s21+$0x0] =	vst.idx.msk $0xffff, v32;
	v2 =	vld [tilespmem:$0x1FF50]  }
0xb3: {  	v3 =	vld [tilespmem:$0x1FF60];
	_ =	sdelay $0x1  }
0xb4: {  	v34 =	vld [tilespmem:$0x1FF80];
	_ =	sdelay $0x1  }
0xb5: {  	v35 =	vld [tilespmem:$0x1FF90];
	_ =	sdelay $0x2  }
0xb6: {  	[tilespmem:v2+s21+$0x0] =	vst.idx.msk $0xffff, v33;
	v33 =	vld [tilespmem:$0x1FF70]  }
0xb7: {  	v2 =	vld.idx.msk [tilespmem:v3+s4+$0x0], $0xffff  }
0xb8: {  	v3 =	vld.idx.msk [tilespmem:v3+s19+$0x0], $0xffff  }
0xb9: {  	v6 =	vld.idx.msk [tilespmem:v34+s4+$0x0], $0xffff  }
0xba: {  	v7 =	vld.idx.msk [tilespmem:v34+s19+$0x0], $0xffff  }
0xbb: {  	v8 =	vld.idx.msk [tilespmem:v35+s4+$0x0], $0xffff  }
0xbc: {  	v9 =	vld.idx.msk [tilespmem:v35+s19+$0x0], $0xffff  }
0xbd: {  	v10 =	vld.idx.msk [tilespmem:v38+s4+$0x0], $0xffff  }
0xbe: {  	v11 =	vld.idx.msk [tilespmem:v38+s19+$0x0], $0xffff  }
0xbf: {  	v12 =	vld.idx.msk [tilespmem:v39+s4+$0x0], $0xffff  }
0xc0: {  	v13 =	vld.idx.msk [tilespmem:v39+s19+$0x0], $0xffff  }
0xc1: {  	v14 =	vld.idx.msk [tilespmem:v40+s4+$0x0], $0xffff  }
0xc2: {  	v15 =	vld.idx.msk [tilespmem:v40+s19+$0x0], $0xffff  }
0xc3: {  	v16 =	vld.idx.msk [tilespmem:v41+s4+$0x0], $0xffff  }
0xc4: {  	v17 =	vld.idx.msk [tilespmem:v41+s19+$0x0], $0xffff  }
0xc5: {  	v18 =	vld.idx.msk [tilespmem:v42+s4+$0x0], $0xffff  }
0xc6: {  	v19 =	vld.idx.msk [tilespmem:v42+s19+$0x0], $0xffff  }
0xc7: {  	v20 =	vld.idx.msk [tilespmem:v43+s4+$0x0], $0xffff  }
0xc8: {  	v22 =	vld.idx.msk [tilespmem:v43+s19+$0x0], $0xffff  }
0xc9: {  	v23 =	vld.idx.msk [tilespmem:v44+s4+$0x0], $0xffff  }
0xca: {  	v24 =	vld.idx.msk [tilespmem:v44+s19+$0x0], $0xffff  }
0xcb: {  	v25 =	vld.idx.msk [tilespmem:v45+s4+$0x0], $0xffff  }
0xcc: {  	v26 =	vld.idx.msk [tilespmem:v45+s19+$0x0], $0xffff  }
0xcd: {  	v27 =	vld.idx.msk [tilespmem:v46+s4+$0x0], $0xffff  }
0xce: {  	v28 =	vld.idx.msk [tilespmem:v46+s19+$0x0], $0xffff  }
0xcf: {  	v29 =	vld.idx.msk [tilespmem:v47+s4+$0x0], $0xffff  }
0xd0: {  	v30 =	vld.idx.msk [tilespmem:v47+s19+$0x0], $0xffff  }
0xd1: {  	v31 =	vld.idx.msk [tilespmem:v48+s4+$0x0], $0xffff  }
0xd2: {  	v32 =	vld.idx.msk [tilespmem:v48+s19+$0x0], $0xffff  }
0xd3: {  	v36 =	vld.idx.msk [tilespmem:v49+s19+$0x0], $0xffff  }
0xd4: {  	v60 =	vld [tilespmem:$0x1010]  }
0xd5: {  	v4 =	vld.idx.msk [tilespmem:v33+s4+$0x0], $0xffff  }
0xd6: {  	v5 =	vld.idx.msk [tilespmem:v33+s19+$0x0], $0xffff  }
0xd7: {  	v58 =	vld.idx.msk [tilespmem:v50+s4+$0x0], $0xffff  }
0xd8: {  	v59 =	vld.idx.msk [tilespmem:v50+s19+$0x0], $0xffff  }
0xd9: {  	v61 =	vld.idx.msk [tilespmem:v51+s4+$0x0], $0xffff;
	(erf) = vrcp.f32 v60  }
0xda: {  	v37 =	vld.idx.msk [tilespmem:v51+s19+$0x0], $0xffff  }
0xdb: {  	v63 =	vld.idx.msk [tilespmem:v52+s4+$0x0], $0xffff;
	v2 =	vadd.f32 v3, v2;
	v3 =	vadd.f32 v5, v4  }
0xdc: {  	v35 =	vld.idx.msk [tilespmem:v55+s4+$0x0], $0xffff;
	v5 =	vadd.f32 v7, v6;
	v6 =	vadd.f32 v9, v8  }
0xdd: {  	v33 =	vld.idx.msk [tilespmem:v49+s4+$0x0], $0xffff;
	v8 =	vadd.f32 v11, v10;
	v9 =	vadd.f32 v13, v12  }
0xde: {  	v4 =	vld.idx.msk [tilespmem:v52+s19+$0x0], $0xffff;
	v11 =	vadd.f32 v15, v14;
	v12 =	vadd.f32 v17, v16  }
0xdf: {  	v7 =	vld.idx.msk [tilespmem:v53+s4+$0x0], $0xffff;
	v14 =	vadd.f32 v19, v18;
	v15 =	vadd.f32 v22, v20  }
0xe0: {  	v10 =	vld.idx.msk [tilespmem:v53+s19+$0x0], $0xffff;
	v17 =	vadd.f32 v24, v23;
	v18 =	vadd.f32 v26, v25  }
0xe1: {  	v13 =	vld.idx.msk [tilespmem:v54+s4+$0x0], $0xffff;
	v20 =	vadd.f32 v28, v27;
	v22 =	vadd.f32 v30, v29  }
0xe2: {  	v16 =	vld.idx.msk [tilespmem:v54+s19+$0x0], $0xffff;
	v24 =	vadd.f32 v32, v31;
	v28 =	vadd.f32 v37, v61;
	v61 =	vpop (erf)  }
0xe3: {  	v23 =	vld.idx.msk [tilespmem:v55+s19+$0x0], $0xffff;
	v25 =	vadd.f32 v36, v33;
	v6 =	vsub.f32 v6, v2;
	v12 =	vmul.f32 v61, v12  }
0xe4: {  	v36 =	vld.idx.msk [tilespmem:v56+s4+$0x0], $0xffff;
	v8 =	vsub.f32 v8, v3;
	v14 =	vmul.f32 v61, v14;
	v11 =	vmul.f32 v61, v11  }
0xe5: {  	v37 =	vld.idx.msk [tilespmem:v56+s19+$0x0], $0xffff;
	v9 =	vsub.f32 v9, v5;
	v30 =	vmul.f32 v61, v22;
	v32 =	vmul.f32 v61, v24  }
0xe6: {  	v27 =	vadd.f32 v59, v58;
	v58 =	vld.idx.msk [tilespmem:v57+s4+$0x0], $0xffff;
	v29 =	vmul.f32 v61, v20;
	v6 =	vmul.f32 v61, v6  }
0xe7: {  	v59 =	vld.idx.msk [tilespmem:v57+s19+$0x0], $0xffff;
	v8 =	vmul.f32 v61, v8;
	v9 =	vmul.f32 v61, v9;
	v13 =	vadd.f32 v16, v13  }
0xe8: {  	v16 =	vadd.f32 v23, v35;
	v23 =	vmul.f32 v12, v5;
	v62 =	vmul.f32 v14, v3  }
0xe9: {  	v4 =	vadd.f32 v4, v63;
	v14 =	vmul.f32 v14, v2;
	v63 =	vmul.f32 v11, v5  }
0xea: {  	v7 =	vadd.f32 v10, v7;
	v11 =	vmul.f32 v11, v3;
	v12 =	vmul.f32 v12, v2  }
0xeb: {  	v19 =	vadd.f32 v37, v36;
	v36 =	vmul.f32 v30, v5;
	v37 =	vmul.f32 v32, v32  }
0xec: {  	v10 =	vadd.f32 v59, v58;
	v58 =	vmul.f32 v29, v29;
	v61 =	vmul.f32 v30, v60  }
0xed: {  	v5 =	vmul.f32 v29, v5;
	v34 =	vmul.f32 v8, v24;
	v23 =	vsub.f32 v23, v62  }
0xee: {  	v24 =	vmul.f32 v6, v24;
	v14 =	vsub.f32 v14, v63;
	v11 =	vsub.f32 v11, v12  }
0xef: {  	v59 =	vadd.f32 v37, v58;
	v62 =	vadd.f32 v13, v4;
	v63 =	vmul.f32 v29, v60  }
0xf0: {  	v4 =	vadd.f32 v7, v4;
	v26 =	vmul.f32 v61, v32;
	v7 =	vadd.f32 v13, v7  }
0xf1: {  	v15 =	vsub.f32 v15, v23;
	v23 =	vmul.f32 v9, v22;
	v14 =	vsub.f32 v17, v14  }
0xf2: {  	v11 =	vsub.f32 v18, v11;
	v31 =	vmul.f32 v59, v60;
	v10 =	vsub.f32 v26, v10  }
0xf3: {  	v22 =	vmul.f32 v6, v22;
	v35 =	vsub.f32 v23, v34;
	v23 =	vmul.f32 v32, v3  }
0xf4: {  	v31 =	vsub.f32 v62, v31;
	v34 =	vmul.f32 v63, v32;
	v3 =	vmul.f32 v29, v3  }
0xf5: {  	v12 =	vsub.f32 v25, v35;
	v17 =	vsub.f32 v36, v23;
	v23 =	vmul.f32 v30, v30  }
0xf6: {  	v25 =	vmul.f32 v9, v20;
	v36 =	vmul.f32 v63, v30;
	v19 =	vsub.f32 v34, v19  }
0xf7: {  	v20 =	vmul.f32 v8, v20;
	v18 =	vadd.f32 v37, v23;
	v23 =	vadd.f32 v23, v58  }
0xf8: {  	v37 =	vmul.f32 v32, v2;
	v16 =	vsub.f32 v36, v16;
	v24 =	vsub.f32 v24, v25  }
0xf9: {  	v61 =	vmul.f32 v10, v19;
	v33 =	vmul.f32 v31, v19;
	v20 =	vsub.f32 v20, v22  }
0xfa: {  	v2 =	vmul.f32 v30, v2;
	v23 =	vmul.f32 v23, v60;
	v24 =	vsub.f32 v27, v24  }
0xfb: {  	v18 =	vmul.f32 v18, v60;
	v5 =	vsub.f32 v37, v5;
	v20 =	vsub.f32 v28, v20  }
0xfc: {  	v2 =	vsub.f32 v3, v2;
	v3 =	vsub.f32 v12, v17;
	v37 =	vmul.f32 v19, v19  }
0xfd: {  	v58 =	vmul.f32 v19, v16;
	v59 =	vmul.f32 v16, v16;
	v4 =	vsub.f32 v4, v23  }
0xfe: {  	v23 =	vmul.f32 v10, v10;
	v7 =	vsub.f32 v7, v18;
	v5 =	vsub.f32 v24, v5  }
0xff: {  	v2 =	vsub.f32 v20, v2;
	v60 =	vmul.f32 v4, v31;
	v62 =	vmul.f32 v4, v16  }
0x100: {  	v3 =	vsub.f32 v15, v3;
	v4 =	vmul.f32 v4, v7;
	v5 =	vsub.f32 v14, v5  }
0x101: {  	v13 =	vsub.f32 v60, v23;
	v63 =	vsub.f32 v61, v62;
	v23 =	vmul.f32 v10, v16  }
0x102: {  	v2 =	vsub.f32 v11, v2;
	v10 =	vmul.f32 v7, v10;
	v4 =	vsub.f32 v4, v37  }
0x103: {  	v23 =	vsub.f32 v23, v33;
	v34 =	vmul.f32 v13, v7;
	v26 =	vmul.f32 v63, v16  }
0x104: {  	v7 =	vmul.f32 v31, v7;
	v60 =	vmul.f32 v13, v3;
	v10 =	vsub.f32 v58, v10  }
0x105: {  	v61 =	vmul.f32 v63, v5;
	v22 =	vadd.f32 v26, v34;
	v35 =	vmul.f32 v23, v19  }
0x106: {  	v63 =	vmul.f32 v63, v3;
	v4 =	vmul.f32 v4, v5;
	v7 =	vsub.f32 v7, v59  }
0x107: {  	v3 =	vmul.f32 v23, v3;
	v5 =	vmul.f32 v10, v5;
	v36 =	vadd.f32 v22, v35  }
0x108: {  	v62 =	vmul.f32 v23, v2;
	v10 =	vmul.f32 v10, v2  }
0x109: {  	v3 =	vadd.f32 v5, v3;
	v2 =	vmul.f32 v7, v2;
	(erf) = vrcp.f32 v36  }
0x10a: {  	v17 =	vld [tilespmem:$0x1FFA0]  }
0x10b: {  	v2 =	vadd.f32 v3, v2;
	v3 =	vld [tilespmem:$0x1FFB0]  }
0x10c: {  	v19 =	vld [tilespmem:$0x1FFC0]  }
0x10d: {  	v25 =	vld [tilespmem:$0x1FFD0]  }
0x10e: {  	v27 =	vld [tilespmem:$0x1FFE0]  }
0x10f: {  	v31 =	vld [tilespmem:$0x1FFF0];
	v12 =	vadd.f32 v61, v60  }
0x110: {  	v4 =	vadd.f32 v4, v63  }
0x111: {  	v15 =	vadd.f32 v12, v62  }
0x112: {  	[tilespmem:v17+s21+$0x0] =	vst.idx.msk $0xffff, v6;
	v4 =	vadd.f32 v4, v10;
	v16 =	vpop (erf)  }
0x113: {  	[tilespmem:v3+s21+$0x0] =	vst.idx.msk $0xffff, v8;
	v3 =	vor.u32 $0x106, v21;
	v18 =	vmul.f32 v16, v15  }
0x114: {  	v24 =	vor.u32 $0x107, v21;
	[tilespmem:v19+s21+$0x0] =	vst.idx.msk $0xffff, v9;
	v4 =	vmul.f32 v16, v4  }
0x115: {  	v26 =	vor.u32 $0x108, v21;
	v2 =	vmul.f32 v16, v2;
	[tilespmem:v25+s21+$0x0] =	vst.idx.msk $0xffff, v18  }
0x116: {  	v28 =	vor.u32 $0x400, v1;
	[tilespmem:v27+s21+$0x0] =	vst.idx.msk $0xffff, v4  }
0x117: {  	[tilespmem:v31+s21+$0x0] =	vst.idx.msk $0xffff, v2  }
0x118: {  	v33 =	vor.u32 $0x403, v1;
	[tilespmem:v3+s21+$0x0] =	vst.idx.msk $0xffff, v29  }
0x119: {  	[tilespmem:v24+s21+$0x0] =	vst.idx.msk $0xffff, v30  }
0x11a: {  	v34 =	vor.u32 $0x404, v1;
	[tilespmem:v26+s21+$0x0] =	vst.idx.msk $0xffff, v32  }
0x11b: {  	v5 =	vld.idx.msk [tilespmem:v28+s4+$0x0], $0xffff  }
0x11c: {  	v35 =	vor.u32 $0x405, v1;
	v4 =	vld.idx.msk [tilespmem:v28+s19+$0x0], $0xffff  }
0x11d: {  	v11 =	vld.idx.msk [tilespmem:v33+s4+$0x0], $0xffff  }
0x11e: {  	v36 =	vor.u32 $0x406, v1;
	v6 =	vld.idx.msk [tilespmem:v33+s19+$0x0], $0xffff  }
0x11f: {  	v13 =	vld.idx.msk [tilespmem:v34+s4+$0x0], $0xffff  }
0x120: {  	v37 =	vor.u32 $0x407, v1;
	v8 =	vld.idx.msk [tilespmem:v34+s19+$0x0], $0xffff  }
0x121: {  	v15 =	vld.idx.msk [tilespmem:v35+s4+$0x0], $0xffff  }
0x122: {  	v58 =	vor.u32 $0x408, v1;
	v10 =	vld.idx.msk [tilespmem:v35+s19+$0x0], $0xffff  }
0x123: {  	v17 =	vld.idx.msk [tilespmem:v36+s4+$0x0], $0xffff  }
0x124: {  	v59 =	vor.u32 $0x409, v1;
	v12 =	vld.idx.msk [tilespmem:v36+s19+$0x0], $0xffff  }
0x125: {  	v19 =	vld.idx.msk [tilespmem:v37+s4+$0x0], $0xffff  }
0x126: {  	v20 =	vor.u32 $0x40A, v1;
	v14 =	vld.idx.msk [tilespmem:v37+s19+$0x0], $0xffff  }
0x127: {  	v22 =	vld.idx.msk [tilespmem:v58+s4+$0x0], $0xffff  }
0x128: {  	v23 =	vor.u32 $0x40B, v1;
	v16 =	vld.idx.msk [tilespmem:v58+s19+$0x0], $0xffff  }
0x129: {  	v24 =	vld.idx.msk [tilespmem:v59+s4+$0x0], $0xffff  }
0x12a: {  	v60 =	vor.u32 $0x40C, v1;
	v18 =	vld.idx.msk [tilespmem:v59+s19+$0x0], $0xffff  }
0x12b: {  	v26 =	vld.idx.msk [tilespmem:v20+s4+$0x0], $0xffff  }
0x12c: {  	v61 =	vor.u32 $0x40D, v1;
	v20 =	vld.idx.msk [tilespmem:v20+s19+$0x0], $0xffff  }
0x12d: {  	v28 =	vld.idx.msk [tilespmem:v23+s4+$0x0], $0xffff  }
0x12e: {  	v62 =	vor.u32 $0x40E, v1;
	v23 =	vld.idx.msk [tilespmem:v23+s19+$0x0], $0xffff  }
0x12f: {  	v30 =	vld.idx.msk [tilespmem:v60+s4+$0x0], $0xffff  }
0x130: {  	v63 =	vor.u32 $0x40F, v1;
	v25 =	vld.idx.msk [tilespmem:v60+s19+$0x0], $0xffff  }
0x131: {  	v32 =	vld.idx.msk [tilespmem:v61+s4+$0x0], $0xffff  }
0x132: {  	v27 =	vld.idx.msk [tilespmem:v61+s19+$0x0], $0xffff  }
0x133: {  	v2 =	vor.u32 $0x401, v1;
	v33 =	vld.idx.msk [tilespmem:v62+s4+$0x0], $0xffff  }
0x134: {  	v29 =	vld.idx.msk [tilespmem:v62+s19+$0x0], $0xffff  }
0x135: {  	v3 =	vor.u32 $0x402, v1;
	v58 =	vld.idx.msk [tilespmem:v63+s4+$0x0], $0xffff  }
0x136: {  	v31 =	vld.idx.msk [tilespmem:v63+s19+$0x0], $0xffff  }
0x137: {  	v36 =	vor.u32 $0x410, v1;
	v61 =	vld [tilespmem:$0x1020]  }
0x138: {  	v7 =	vld.idx.msk [tilespmem:v2+s4+$0x0], $0xffff  }
0x139: {  	v37 =	vor.u32 $0x411, v1;
	v2 =	vld.idx.msk [tilespmem:v2+s19+$0x0], $0xffff  }
0x13a: {  	v60 =	vor.u32 $0x412, v1;
	v9 =	vld.idx.msk [tilespmem:v3+s4+$0x0], $0xffff  }
0x13b: {  	v63 =	vor.u32 $0x413, v1;
	v3 =	vld.idx.msk [tilespmem:v3+s19+$0x0], $0xffff  }
0x13c: {  	v62 =	vld.idx.msk [tilespmem:v36+s4+$0x0], $0xffff  }
0x13d: {  	v34 =	vld.idx.msk [tilespmem:v36+s19+$0x0], $0xffff;
	(erf) = vrcp.f32 v61  }
0x13e: {  	v35 =	vld.idx.msk [tilespmem:v37+s4+$0x0], $0xffff;
	v4 =	vadd.f32 v4, v5  }
0x13f: {  	v36 =	vor.u32 $0x414, v1;
	v5 =	vld.idx.msk [tilespmem:v60+s4+$0x0], $0xffff;
	v6 =	vadd.f32 v6, v11;
	v8 =	vadd.f32 v8, v13  }
0x140: {  	v10 =	vadd.f32 v10, v15;
	v11 =	vld.idx.msk [tilespmem:v63+s4+$0x0], $0xffff;
	v12 =	vadd.f32 v12, v17  }
0x141: {  	v13 =	vadd.f32 v14, v19;
	v14 =	vld.idx.msk [tilespmem:v63+s19+$0x0], $0xffff;
	v63 =	vor.u32 $0x416, v1;
	v16 =	vadd.f32 v16, v22  }
0x142: {  	v17 =	vadd.f32 v18, v24;
	v2 =	vadd.f32 v2, v7;
	v7 =	vld.idx.msk [tilespmem:v60+s19+$0x0], $0xffff;
	v60 =	vor.u32 $0x415, v1  }
0x143: {  	v59 =	vld.idx.msk [tilespmem:v37+s19+$0x0], $0xffff;
	v19 =	vadd.f32 v20, v26;
	v20 =	vadd.f32 v23, v28  }
0x144: {  	v24 =	vadd.f32 v25, v30;
	v37 =	vadd.f32 v29, v33;
	v18 =	vld.idx.msk [tilespmem:v36+s4+$0x0], $0xffff  }
0x145: {  	v23 =	vor.u32 $0x417, v1;
	v28 =	vadd.f32 v31, v58;
	v6 =	vsub.f32 v6, v4;
	v22 =	vld.idx.msk [tilespmem:v36+s19+$0x0], $0xffff  }
0x146: {  	v3 =	vadd.f32 v3, v9;
	v29 =	vadd.f32 v34, v62;
	v58 =	vld.idx.msk [tilespmem:v63+s4+$0x0], $0xffff;
	v62 =	vpop (erf)  }
0x147: {  	v25 =	vadd.f32 v27, v32;
	v8 =	vsub.f32 v8, v2;
	v36 =	vld.idx.msk [tilespmem:v60+s4+$0x0], $0xffff;
	v6 =	vmul.f32 v62, v6  }
0x148: {  	v10 =	vsub.f32 v10, v3;
	v9 =	vld.idx.msk [tilespmem:v60+s19+$0x0], $0xffff;
	v13 =	vmul.f32 v62, v13;
	v16 =	vmul.f32 v62, v16  }
0x149: {  	v31 =	vadd.f32 v59, v35;
	v60 =	vld.idx.msk [tilespmem:v63+s19+$0x0], $0xffff;
	v8 =	vmul.f32 v62, v8;
	v12 =	vmul.f32 v62, v12  }
0x14a: {  	v11 =	vadd.f32 v14, v11;
	v63 =	vld.idx.msk [tilespmem:v23+s4+$0x0], $0xffff;
	v10 =	vmul.f32 v62, v10;
	v30 =	vmul.f32 v62, v25  }
0x14b: {  	v18 =	vadd.f32 v22, v18;
	v22 =	vld.idx.msk [tilespmem:v23+s19+$0x0], $0xffff;
	v15 =	vmul.f32 v62, v24;
	v23 =	vmul.f32 v13, v3  }
0x14c: {  	v5 =	vadd.f32 v7, v5;
	v33 =	vmul.f32 v16, v2;
	v16 =	vmul.f32 v16, v4  }
0x14d: {  	v9 =	vadd.f32 v9, v36;
	v34 =	vmul.f32 v12, v3;
	v12 =	vmul.f32 v12, v2  }
0x14e: {  	v7 =	vadd.f32 v60, v58;
	v13 =	vmul.f32 v13, v4;
	v35 =	vmul.f32 v10, v25  }
0x14f: {  	v36 =	vmul.f32 v6, v37;
	v59 =	vmul.f32 v15, v15;
	v23 =	vsub.f32 v23, v33  }
0x150: {  	v25 =	vmul.f32 v6, v25;
	v16 =	vsub.f32 v16, v34;
	v12 =	vsub.f32 v12, v13  }
0x151: {  	v14 =	vadd.f32 v22, v63;
	v22 =	vmul.f32 v62, v37;
	v62 =	vmul.f32 v30, v61  }
0x152: {  	v63 =	vadd.f32 v18, v5;
	v17 =	vsub.f32 v17, v23;
	v23 =	vmul.f32 v8, v37  }
0x153: {  	v5 =	vadd.f32 v11, v5;
	v37 =	vmul.f32 v10, v24;
	v12 =	vsub.f32 v20, v12  }
0x154: {  	v20 =	vmul.f32 v30, v3;
	v13 =	vsub.f32 v35, v23;
	v23 =	vmul.f32 v22, v2  }
0x155: {  	v16 =	vsub.f32 v19, v16;
	v3 =	vmul.f32 v15, v3;
	v58 =	vmul.f32 v22, v22  }
0x156: {  	v27 =	vmul.f32 v62, v22;
	v20 =	vsub.f32 v20, v23;
	v23 =	vmul.f32 v30, v30  }
0x157: {  	v19 =	vsub.f32 v36, v37;
	v36 =	vmul.f32 v15, v61;
	v60 =	vadd.f32 v58, v59  }
0x158: {  	v24 =	vmul.f32 v8, v24;
	v26 =	vadd.f32 v58, v23;
	v23 =	vadd.f32 v23, v59  }
0x159: {  	v14 =	vsub.f32 v27, v14;
	v37 =	vmul.f32 v36, v30;
	v33 =	vmul.f32 v36, v22  }
0x15a: {  	v19 =	vsub.f32 v29, v19;
	v29 =	vmul.f32 v60, v61;
	v23 =	vmul.f32 v23, v61  }
0x15b: {  	v2 =	vmul.f32 v15, v2;
	v9 =	vsub.f32 v37, v9;
	v7 =	vsub.f32 v33, v7  }
0x15c: {  	v59 =	vmul.f32 v14, v14;
	v29 =	vsub.f32 v63, v29;
	v5 =	vsub.f32 v5, v23  }
0x15d: {  	v11 =	vadd.f32 v18, v11;
	v27 =	vmul.f32 v14, v7;
	v23 =	vmul.f32 v26, v61  }
0x15e: {  	v24 =	vsub.f32 v24, v25;
	v58 =	vmul.f32 v5, v29;
	v60 =	vmul.f32 v5, v9  }
0x15f: {  	v13 =	vsub.f32 v28, v13;
	v62 =	vmul.f32 v29, v7;
	v11 =	vsub.f32 v11, v23  }
0x160: {  	v61 =	vmul.f32 v14, v9;
	v18 =	vsub.f32 v58, v59;
	v23 =	vsub.f32 v27, v60  }
0x161: {  	v28 =	vmul.f32 v22, v4;
	v4 =	vmul.f32 v30, v4;
	v24 =	vsub.f32 v31, v24  }
0x162: {  	v25 =	vsub.f32 v61, v62;
	v63 =	vmul.f32 v18, v11;
	v32 =	vmul.f32 v23, v9  }
0x163: {  	v3 =	vsub.f32 v28, v3;
	v2 =	vsub.f32 v2, v4  }
0x164: {  	v33 =	vsub.f32 v13, v20;
	v20 =	vmul.f32 v25, v7;
	v34 =	vadd.f32 v32, v63  }
0x165: {  	v3 =	vsub.f32 v19, v3;
	v2 =	vsub.f32 v24, v2  }
0x166: {  	v4 =	vsub.f32 v17, v33;
	v13 =	vadd.f32 v34, v20  }
0x167: {  	v35 =	vmul.f32 v7, v7;
	v19 =	vor.u32 $0x203, v21;
	v3 =	vsub.f32 v16, v3  }
0x168: {  	v2 =	vsub.f32 v12, v2;
	v5 =	vmul.f32 v5, v11;
	(erf) = vrcp.f32 v13  }
0x169: {  	v62 =	vor.u32 $0x201, v21;
	v7 =	vmul.f32 v7, v9;
	v14 =	vmul.f32 v11, v14  }
0x16a: {  	v58 =	vmul.f32 v25, v2;
	v60 =	vor.u32 $0x200, v21;
	v36 =	vmul.f32 v18, v4  }
0x16b: {  	v37 =	vmul.f32 v23, v3;
	v11 =	vmul.f32 v29, v11;
	v5 =	vsub.f32 v5, v35  }
0x16c: {  	v9 =	vmul.f32 v9, v9;
	v7 =	vsub.f32 v7, v14;
	v61 =	vmul.f32 v23, v4  }
0x16d: {  	v4 =	vmul.f32 v25, v4;
	v12 =	vadd.f32 v37, v36;
	v5 =	vmul.f32 v5, v3  }
0x16e: {  	v9 =	vsub.f32 v11, v9;
	v3 =	vmul.f32 v7, v3;
	v63 =	vor.u32 $0x202, v21  }
0x16f: {  	v24 =	vor.u32 $0x204, v21;
	v7 =	vmul.f32 v7, v2;
	v5 =	vadd.f32 v5, v61  }
0x170: {  	v59 =	vadd.f32 v12, v58;
	v3 =	vadd.f32 v3, v4;
	v2 =	vmul.f32 v9, v2  }
0x171: {  	v26 =	vor.u32 $0x205, v21;
	[tilespmem:v60+s21+$0x0] =	vst.idx.msk $0xffff, v6;
	v5 =	vadd.f32 v5, v7;
	v25 =	vpop (erf)  }
0x172: {  	[tilespmem:v62+s21+$0x0] =	vst.idx.msk $0xffff, v8;
	v2 =	vadd.f32 v3, v2;
	v3 =	vor.u32 $0x206, v21;
	v27 =	vmul.f32 v25, v59  }
0x173: {  	v28 =	vor.u32 $0x207, v21;
	[tilespmem:v63+s21+$0x0] =	vst.idx.msk $0xffff, v10;
	v5 =	vmul.f32 v25, v5  }
0x174: {  	v29 =	vor.u32 $0x208, v21;
	v2 =	vmul.f32 v25, v2;
	[tilespmem:v19+s21+$0x0] =	vst.idx.msk $0xffff, v27  }
0x175: {  	v31 =	vor.u32 $0x600, v1;
	[tilespmem:v24+s21+$0x0] =	vst.idx.msk $0xffff, v5  }
0x176: {  	[tilespmem:v26+s21+$0x0] =	vst.idx.msk $0xffff, v2  }
0x177: {  	v32 =	vor.u32 $0x603, v1;
	[tilespmem:v3+s21+$0x0] =	vst.idx.msk $0xffff, v15  }
0x178: {  	[tilespmem:v28+s21+$0x0] =	vst.idx.msk $0xffff, v30  }
0x179: {  	v33 =	vor.u32 $0x604, v1;
	[tilespmem:v29+s21+$0x0] =	vst.idx.msk $0xffff, v22  }
0x17a: {  	v5 =	vld.idx.msk [tilespmem:v31+s4+$0x0], $0xffff  }
0x17b: {  	v34 =	vor.u32 $0x605, v1;
	v4 =	vld.idx.msk [tilespmem:v31+s19+$0x0], $0xffff  }
0x17c: {  	v11 =	vld.idx.msk [tilespmem:v32+s4+$0x0], $0xffff  }
0x17d: {  	v35 =	vor.u32 $0x606, v1;
	v6 =	vld.idx.msk [tilespmem:v32+s19+$0x0], $0xffff  }
0x17e: {  	v13 =	vld.idx.msk [tilespmem:v33+s4+$0x0], $0xffff  }
0x17f: {  	v36 =	vor.u32 $0x607, v1;
	v8 =	vld.idx.msk [tilespmem:v33+s19+$0x0], $0xffff  }
0x180: {  	v15 =	vld.idx.msk [tilespmem:v34+s4+$0x0], $0xffff  }
0x181: {  	v37 =	vor.u32 $0x608, v1;
	v10 =	vld.idx.msk [tilespmem:v34+s19+$0x0], $0xffff  }
0x182: {  	v17 =	vld.idx.msk [tilespmem:v35+s4+$0x0], $0xffff  }
0x183: {  	v58 =	vor.u32 $0x609, v1;
	v12 =	vld.idx.msk [tilespmem:v35+s19+$0x0], $0xffff  }
0x184: {  	v19 =	vld.idx.msk [tilespmem:v36+s4+$0x0], $0xffff  }
0x185: {  	v20 =	vor.u32 $0x60A, v1;
	v14 =	vld.idx.msk [tilespmem:v36+s19+$0x0], $0xffff  }
0x186: {  	v22 =	vld.idx.msk [tilespmem:v37+s4+$0x0], $0xffff  }
0x187: {  	v23 =	vor.u32 $0x60B, v1;
	v16 =	vld.idx.msk [tilespmem:v37+s19+$0x0], $0xffff  }
0x188: {  	v24 =	vld.idx.msk [tilespmem:v58+s4+$0x0], $0xffff  }
0x189: {  	v59 =	vor.u32 $0x60C, v1;
	v18 =	vld.idx.msk [tilespmem:v58+s19+$0x0], $0xffff  }
0x18a: {  	v26 =	vld.idx.msk [tilespmem:v20+s4+$0x0], $0xffff  }
0x18b: {  	v60 =	vor.u32 $0x60D, v1;
	v20 =	vld.idx.msk [tilespmem:v20+s19+$0x0], $0xffff  }
0x18c: {  	v28 =	vld.idx.msk [tilespmem:v23+s4+$0x0], $0xffff  }
0x18d: {  	v61 =	vor.u32 $0x60E, v1;
	v23 =	vld.idx.msk [tilespmem:v23+s19+$0x0], $0xffff  }
0x18e: {  	v30 =	vld.idx.msk [tilespmem:v59+s4+$0x0], $0xffff  }
0x18f: {  	v62 =	vor.u32 $0x60F, v1;
	v25 =	vld.idx.msk [tilespmem:v59+s19+$0x0], $0xffff  }
0x190: {  	v32 =	vld.idx.msk [tilespmem:v60+s4+$0x0], $0xffff  }
0x191: {  	v63 =	vor.u32 $0x610, v1;
	v27 =	vld.idx.msk [tilespmem:v60+s19+$0x0], $0xffff  }
0x192: {  	v34 =	vld.idx.msk [tilespmem:v61+s4+$0x0], $0xffff  }
0x193: {  	v29 =	vld.idx.msk [tilespmem:v61+s19+$0x0], $0xffff  }
0x194: {  	v2 =	vor.u32 $0x601, v1;
	v35 =	vld.idx.msk [tilespmem:v62+s4+$0x0], $0xffff  }
0x195: {  	v31 =	vld.idx.msk [tilespmem:v62+s19+$0x0], $0xffff  }
0x196: {  	v3 =	vor.u32 $0x602, v1;
	v58 =	vld.idx.msk [tilespmem:v63+s4+$0x0], $0xffff  }
0x197: {  	v33 =	vld.idx.msk [tilespmem:v63+s19+$0x0], $0xffff  }
0x198: {  	v36 =	vor.u32 $0x611, v1;
	v61 =	vld [tilespmem:$0x1030]  }
0x199: {  	v7 =	vld.idx.msk [tilespmem:v2+s4+$0x0], $0xffff  }
0x19a: {  	v59 =	vor.u32 $0x612, v1;
	v2 =	vld.idx.msk [tilespmem:v2+s19+$0x0], $0xffff  }
0x19b: {  	v9 =	vld.idx.msk [tilespmem:v3+s4+$0x0], $0xffff  }
0x19c: {  	v60 =	vor.u32 $0x613, v1;
	v3 =	vld.idx.msk [tilespmem:v3+s19+$0x0], $0xffff  }
0x19d: {  	v63 =	vor.u32 $0x614, v1;
	v62 =	vld.idx.msk [tilespmem:v36+s4+$0x0], $0xffff  }
0x19e: {  	v36 =	vld.idx.msk [tilespmem:v36+s19+$0x0], $0xffff;
	(erf) = vrcp.f32 v61  }
0x19f: {  	v37 =	vld.idx.msk [tilespmem:v59+s4+$0x0], $0xffff;
	v4 =	vadd.f32 v4, v5;
	v6 =	vadd.f32 v6, v11  }
0x1a0: {  	v5 =	vld.idx.msk [tilespmem:v59+s19+$0x0], $0xffff;
	v59 =	vor.u32 $0x615, v1;
	v8 =	vadd.f32 v8, v13;
	v10 =	vadd.f32 v10, v15  }
0x1a1: {  	v11 =	vld.idx.msk [tilespmem:v60+s19+$0x0], $0xffff;
	v12 =	vadd.f32 v12, v17;
	v14 =	vadd.f32 v14, v19  }
0x1a2: {  	v13 =	vor.u32 $0x616, v1;
	v15 =	vld.idx.msk [tilespmem:v63+s4+$0x0], $0xffff;
	v16 =	vadd.f32 v16, v22;
	v17 =	vadd.f32 v18, v24  }
0x1a3: {  	v18 =	vld.idx.msk [tilespmem:v63+s19+$0x0], $0xffff;
	v20 =	vadd.f32 v20, v26;
	v22 =	vadd.f32 v23, v28  }
0x1a4: {  	v19 =	vor.u32 $0x617, v1;
	v24 =	vadd.f32 v25, v30;
	v3 =	vadd.f32 v3, v9;
	v9 =	vld.idx.msk [tilespmem:v60+s4+$0x0], $0xffff  }
0x1a5: {  	v25 =	vadd.f32 v27, v32;
	v2 =	vadd.f32 v2, v7;
	v23 =	vld.idx.msk [tilespmem:v59+s4+$0x0], $0xffff  }
0x1a6: {  	v27 =	vadd.f32 v31, v35;
	v6 =	vsub.f32 v6, v4;
	v7 =	vld.idx.msk [tilespmem:v59+s19+$0x0], $0xffff  }
0x1a7: {  	v8 =	vsub.f32 v8, v2;
	v59 =	vadd.f32 v29, v34;
	v60 =	vld.idx.msk [tilespmem:v13+s4+$0x0], $0xffff;
	v34 =	vpop (erf)  }
0x1a8: {  	v10 =	vsub.f32 v10, v3;
	v29 =	vadd.f32 v33, v58;
	v13 =	vld.idx.msk [tilespmem:v13+s19+$0x0], $0xffff;
	v6 =	vmul.f32 v34, v6  }
0x1a9: {  	v30 =	vadd.f32 v36, v62;
	v63 =	vld.idx.msk [tilespmem:v19+s4+$0x0], $0xffff;
	v8 =	vmul.f32 v34, v8;
	v14 =	vmul.f32 v34, v14  }
0x1aa: {  	v5 =	vadd.f32 v5, v37;
	v33 =	vld.idx.msk [tilespmem:v19+s19+$0x0], $0xffff;
	v16 =	vmul.f32 v34, v16;
	v10 =	vmul.f32 v34, v10  }
0x1ab: {  	v15 =	vadd.f32 v18, v15;
	v12 =	vmul.f32 v34, v12;
	v31 =	vmul.f32 v34, v25  }
0x1ac: {  	v9 =	vadd.f32 v11, v9;
	v19 =	vmul.f32 v34, v59;
	v35 =	vmul.f32 v14, v3  }
0x1ad: {  	v7 =	vadd.f32 v7, v23;
	v23 =	vmul.f32 v16, v2;
	v16 =	vmul.f32 v16, v4  }
0x1ae: {  	v13 =	vadd.f32 v13, v60;
	v36 =	vmul.f32 v12, v3;
	v12 =	vmul.f32 v12, v2  }
0x1af: {  	v11 =	vadd.f32 v33, v63;
	v14 =	vmul.f32 v14, v4;
	v37 =	vmul.f32 v10, v25  }
0x1b0: {  	v58 =	vmul.f32 v8, v59;
	v60 =	vmul.f32 v19, v2;
	v18 =	vsub.f32 v35, v23  }
0x1b1: {  	v63 =	vmul.f32 v31, v31;
	v16 =	vsub.f32 v16, v36;
	v12 =	vsub.f32 v12, v14  }
0x1b2: {  	v25 =	vmul.f32 v6, v25;
	v36 =	vadd.f32 v15, v9;
	v15 =	vadd.f32 v15, v5  }
0x1b3: {  	v23 =	vmul.f32 v34, v24;
	v5 =	vadd.f32 v9, v5;
	v14 =	vsub.f32 v20, v16  }
0x1b4: {  	v12 =	vsub.f32 v22, v12;
	v20 =	vmul.f32 v6, v59;
	v22 =	vmul.f32 v10, v24  }
0x1b5: {  	v17 =	vsub.f32 v17, v18;
	v59 =	vmul.f32 v31, v3;
	v62 =	vmul.f32 v23, v23  }
0x1b6: {  	v16 =	vsub.f32 v37, v58;
	v37 =	vmul.f32 v31, v61;
	v3 =	vmul.f32 v23, v3  }
0x1b7: {  	v24 =	vmul.f32 v8, v24;
	v20 =	vsub.f32 v20, v22;
	v22 =	vmul.f32 v19, v19  }
0x1b8: {  	v18 =	vsub.f32 v59, v60;
	v28 =	vadd.f32 v63, v62;
	v59 =	vmul.f32 v23, v61  }
0x1b9: {  	v16 =	vsub.f32 v27, v16;
	v60 =	vmul.f32 v37, v19;
	v35 =	vadd.f32 v22, v62  }
0x1ba: {  	v58 =	vmul.f32 v28, v61;
	v22 =	vadd.f32 v22, v63;
	v63 =	vmul.f32 v59, v19  }
0x1bb: {  	v62 =	vmul.f32 v59, v31;
	v11 =	vsub.f32 v60, v11;
	v27 =	vmul.f32 v35, v61  }
0x1bc: {  	v2 =	vmul.f32 v23, v2;
	v5 =	vsub.f32 v5, v58;
	v9 =	vsub.f32 v63, v13  }
0x1bd: {  	v22 =	vmul.f32 v22, v61;
	v7 =	vsub.f32 v62, v7;
	v15 =	vsub.f32 v15, v27  }
0x1be: {  	v33 =	vmul.f32 v11, v11;
	v27 =	vmul.f32 v11, v9  }
0x1bf: {  	v34 =	vmul.f32 v5, v7;
	v32 =	vmul.f32 v5, v15  }
0x1c0: {  	v24 =	vsub.f32 v24, v25;
	v22 =	vsub.f32 v36, v22;
	v36 =	vmul.f32 v11, v7  }
0x1c1: {  	v35 =	vsub.f32 v27, v34;
	v37 =	vmul.f32 v15, v9;
	v13 =	vsub.f32 v32, v33  }
0x1c2: {  	v20 =	vsub.f32 v29, v20;
	v28 =	vmul.f32 v19, v4;
	v4 =	vmul.f32 v31, v4  }
0x1c3: {  	v58 =	vsub.f32 v36, v37;
	v60 =	vmul.f32 v35, v7;
	v59 =	vmul.f32 v13, v22  }
0x1c4: {  	v24 =	vsub.f32 v30, v24;
	v3 =	vsub.f32 v28, v3  }
0x1c5: {  	v2 =	vsub.f32 v2, v4;
	v63 =	vmul.f32 v58, v9;
	v62 =	vadd.f32 v60, v59  }
0x1c6: {  	v61 =	vsub.f32 v16, v18;
	v3 =	vsub.f32 v20, v3  }
0x1c7: {  	v2 =	vsub.f32 v24, v2;
	v29 =	vmul.f32 v9, v9;
	v16 =	vadd.f32 v62, v63  }
0x1c8: {  	v3 =	vsub.f32 v14, v3;
	v5 =	vmul.f32 v5, v22;
	v11 =	vmul.f32 v22, v11  }
0x1c9: {  	v4 =	vsub.f32 v17, v61;
	v24 =	vmul.f32 v15, v22;
	(erf) = vrcp.f32 v16  }
0x1ca: {  	v2 =	vsub.f32 v12, v2;
	v28 =	vmul.f32 v35, v3;
	v5 =	vsub.f32 v5, v29  }
0x1cb: {  	v33 =	vor.u32 $0x300, v21;
	v34 =	vmul.f32 v35, v4;
	v9 =	vmul.f32 v9, v7  }
0x1cc: {  	v35 =	vor.u32 $0x301, v21;
	v36 =	vor.u32 $0x302, v21;
	v27 =	vmul.f32 v13, v4  }
0x1cd: {  	v7 =	vmul.f32 v7, v7;
	v30 =	vmul.f32 v58, v2;
	v9 =	vsub.f32 v9, v11  }
0x1ce: {  	v37 =	vor.u32 $0x303, v21;
	v5 =	vmul.f32 v5, v3;
	v4 =	vmul.f32 v58, v4  }
0x1cf: {  	v12 =	vadd.f32 v28, v27;
	v7 =	vsub.f32 v24, v7;
	v3 =	vmul.f32 v9, v3  }
0x1d0: {  	v58 =	vor.u32 $0x304, v21;
	v5 =	vadd.f32 v5, v34;
	v9 =	vmul.f32 v9, v2  }
0x1d1: {  	v32 =	vadd.f32 v12, v30;
	v2 =	vmul.f32 v7, v2;
	v3 =	vadd.f32 v3, v4  }
0x1d2: {  	v60 =	vor.u32 $0x305, v21;
	[tilespmem:v33+s21+$0x0] =	vst.idx.msk $0xffff, v6;
	v5 =	vadd.f32 v5, v9;
	v59 =	vpop (erf)  }
0x1d3: {  	[tilespmem:v35+s21+$0x0] =	vst.idx.msk $0xffff, v8;
	v2 =	vadd.f32 v3, v2;
	v3 =	vor.u32 $0x306, v21;
	v61 =	vmul.f32 v59, v32  }
0x1d4: {  	v62 =	vor.u32 $0x307, v21;
	[tilespmem:v36+s21+$0x0] =	vst.idx.msk $0xffff, v10;
	v5 =	vmul.f32 v59, v5  }
0x1d5: {  	v63 =	vor.u32 $0x308, v21;
	v2 =	vmul.f32 v59, v2;
	[tilespmem:v37+s21+$0x0] =	vst.idx.msk $0xffff, v61  }
0x1d6: {  	[tilespmem:v58+s21+$0x0] =	vst.idx.msk $0xffff, v5  }
0x1d7: {  	[tilespmem:v60+s21+$0x0] =	vst.idx.msk $0xffff, v2  }
0x1d8: {  	[tilespmem:v3+s21+$0x0] =	vst.idx.msk $0xffff, v23  }
0x1d9: {  	[tilespmem:v62+s21+$0x0] =	vst.idx.msk $0xffff, v31  }
0x1da: {  	[tilespmem:v63+s21+$0x0] =	vst.idx.msk $0xffff, v19  }
0x1db: {  	[spmem:s14] =	stream.linear.scatter [tilespmem:s21], [sflag:$0x1], $0x400, $0x38;
	[tilespmem:$0xBA40] =	vst v63  }
0x1dc: {  	_ =	swait.ge [sflag:s18], $0x400  }
0x1dd: {  	[sflag:s18] =	ssyncset.done $0x0  }
0x1de: {  	[sflag:s18] =	ssyncadd.s32 $0xFFFFFC00  }
0x1df: {  	[bflag:$0x0] =	sbarrier.arrive $0xFFFF  }
.Ltmp2:
0x1e0: {  	s31 =	rddreg [dreg:$0x3];
	(pc) =	sbr.rel .LBB2_2-.Ltmp2, $4  }
0x1e1: {  	[tilespmem:s22], [sflag:$0x1] =	stream.linear.gather [spmem:s31], $0x4000, $0x38;
	[tilespmem:$0xBA40] =	vst v63  }
0x1e2: {  	_ =	swait.ge [sflag:s18], $0x4000  }
0x1e3: {  	[sflag:s18] =	ssyncset.done $0x0  }
0x1e4: {  	s30 =	simm.s32 $0x0;
	[sflag:s18] =	ssyncadd.s32 $0xFFFFC000  }
.LBB2_6:
0x1e5: {  	_ = 	snop  }
0x1e6: {  	v2 =	vsub.f32 v30, v32;
	v3 =	vsub.f32 v59, v60  }
0x1e7: {  	v4 =	vor.u32 s1, v0;
	v5 =	vadd.f32 v62, v61;
	v6 =	vsub.f32 v29, v31  }
0x1e8: {  	v7 =	vmul.u32 $0x6, v4;
	v2 =	vadd.f32 v3, v2  }
0x1e9: {  	v3 =	vadd.f32 v58, v6;
	[tilespmem:v28+s28+$0x0] =	vst.idx.msk $0xffff, v5  }
0x1ea: {  	v35 =	vadd.s32 $0x5, v7;
	[tilespmem:v27+s28+$0x0] =	vst.idx.msk $0xffff, v2  }
0x1eb: {  	v36 =	vadd.s32 $0x4, v7;
	[tilespmem:v26+s28+$0x0] =	vst.idx.msk $0xffff, v3  }
0x1ec: {  	v8 =	vadd.s32 $0x2, v7;
	v3 =	vld.idx.msk [tilespmem:v33+s23+$0x0], $0xffff  }
0x1ed: {  	v11 =	vor.u32 $0x1, v7  }
0x1ee: {  	v23 =	vadd.s32 $0x3, v7;
	v2 =	vmul.u32 $0x3, v4;
	v20 =	vld.idx.msk [tilespmem:v7+s25+$0x0], $0xffff  }
0x1ef: {  	v10 =	vld.idx.msk [tilespmem:v35+s25+$0x0], $0xffff  }
0x1f0: {  	v37 =	vadd.s32 $0x2, v2;
	v12 =	vld.idx.msk [tilespmem:v36+s25+$0x0], $0xffff  }
0x1f1: {  	v9 =	vadd.s32 $0x1, v2;
	v13 =	vld.idx.msk [tilespmem:v8+s25+$0x0], $0xffff;
	v3 =	vshll.u32 v3, $0x4  }
0x1f2: {  	v17 =	vld.idx.msk [tilespmem:v11+s25+$0x0], $0xffff;
	v14 =	vor.u32 $0x4, v3  }
0x1f3: {  	v26 =	vld.idx.msk [tilespmem:v23+s25+$0x0], $0xffff;
	v15 =	vor.u32 $0x6, v3  }
0x1f4: {  	v2 =	vld.idx.msk [tilespmem:v2+s26+$0x0], $0xffff;
	v16 =	vor.u32 $0x7, v3  }
0x1f5: {  	v6 =	vld.idx.msk [tilespmem:v37+s26+$0x0], $0xffff;
	v18 =	vor.u32 $0x8, v3  }
0x1f6: {  	v9 =	vld.idx.msk [tilespmem:v9+s26+$0x0], $0xffff;
	v19 =	vor.u32 $0x3, v3  }
0x1f7: {  	v22 =	vor.u32 $0x5, v3;
	v14 =	vld.idx.msk [tilespmem:v14+s22+$0x0], $0xffff  }
0x1f8: {  	v15 =	vld.idx.msk [tilespmem:v15+s22+$0x0], $0xffff  }
0x1f9: {  	v24 =	vor.u32 $0x1, v3;
	v16 =	vld.idx.msk [tilespmem:v16+s22+$0x0], $0xffff  }
0x1fa: {  	v25 =	vor.u32 $0x2, v3;
	v18 =	vld.idx.msk [tilespmem:v18+s22+$0x0], $0xffff  }
0x1fb: {  	v19 =	vld.idx.msk [tilespmem:v19+s22+$0x0], $0xffff  }
0x1fc: {  	v2 =	vadd.f32 v2, v20;
	v9 =	vadd.f32 v9, v17;
	v22 =	vld.idx.msk [tilespmem:v22+s22+$0x0], $0xffff  }
0x1fd: {  	v6 =	vadd.f32 v6, v13;
	v3 =	vld.idx.msk [tilespmem:v3+s22+$0x0], $0xffff  }
0x1fe: {  	v58 =	vld.idx.msk [tilespmem:v24+s22+$0x0], $0xffff;
	v2 =	vsub.f32 v2, v15;
	v9 =	vsub.f32 v9, v16  }
0x1ff: {  	v59 =	vld.idx.msk [tilespmem:v25+s22+$0x0], $0xffff;
	v6 =	vsub.f32 v6, v18  }
0x200: {  	v60 =	vmul.f32 v2, v14;
	v61 =	vmul.f32 v9, v19  }
0x201: {  	v14 =	vmul.f32 v6, v14;
	v9 =	vmul.f32 v9, v22  }
0x202: {  	v3 =	vsub.f32 v26, v3;
	v2 =	vmul.f32 v2, v22;
	v6 =	vmul.f32 v6, v19  }
0x203: {  	v62 =	vsub.f32 v12, v58;
	v9 =	vsub.f32 v14, v9  }
0x204: {  	[tilespmem:v7+s28+$0x0] =	vst.idx.msk $0xffff, v20;
	v63 =	vsub.f32 v10, v59;
	v2 =	vsub.f32 v2, v6  }
0x205: {  	[tilespmem:v11+s28+$0x0] =	vst.idx.msk $0xffff, v17;
	v18 =	vsub.f32 v61, v60;
	v3 =	vadd.f32 v9, v3  }
0x206: {  	[tilespmem:v8+s28+$0x0] =	vst.idx.msk $0xffff, v13;
	v2 =	vadd.f32 v2, v62  }
0x207: {  	v6 =	vadd.f32 v18, v63;
	[tilespmem:v23+s28+$0x0] =	vst.idx.msk $0xffff, v3  }
0x208: {  	[tilespmem:v36+s28+$0x0] =	vst.idx.msk $0xffff, v2  }
0x209: {  	s31 =	sadd.s32 s8, s31;
	[tilespmem:v35+s28+$0x0] =	vst.idx.msk $0xffff, v6  }
0x20a: {  	[hbm4b:s31+s4] =	stream.linear.scatter [tilespmem:s28], [sflag:$0x2], $0x2400, $0x38;
	[tilespmem:$0xBA40] =	vst v63  }
0x20b: {  	_ =	swait.ge [sflag:s24], $0x2400  }
0x20c: {  	[sflag:s24] =	ssyncset.done $0x0  }
0x20d: {  	[sflag:s24] =	ssyncadd.s32 $0xFFFFDC00  }
.LBB2_10:
0x20e: {  	s30 =	sadd.s32 $0x1, s30  }
0x20f: {  	p0 =	sne.s32 s30, $0x3  }
.Ltmp3:
0x210: {  	_ = 	snop;
	(pc) =	sbr.rel @!p0 .LBB2_11-.Ltmp3, $1  }
0x211: {  	_ =	sdelay $0x3  }
.LBB2_2:
0x212: {  	s1 =	sshll.u32 s30, $0x5  }
0x213: {  	s1 =	sor.u32 s9, s1  }
0x214: {  	p0 =	sgt.u32 s1, $0x41  }
.Ltmp4:
0x215: {  	_ = 	snop;
	(pc) =	sbr.rel @p0 .LBB2_10-.Ltmp4, $1  }
0x216: {  	_ =	sdelay $0x3  }
0x217: {  	s1 =	sor.u32 s5, s1  }
0x218: {  	s2 =	sshll.u32 s1, $0x8;
	p0 =	seq.s32 s1, $0x41  }
.Ltmp5:
0x219: {  	s2 =	sadd.s32 s7, s2;
	(pc) =	sbr.rel @!p0 .LBB2_4-.Ltmp5, $4  }
0x21a: {  	[tilespmem:s23], [sflag:$0x2] =	stream.linear.gather [hbm4b:s2+s4], $0x800, $0x38;
	[tilespmem:$0xBA40] =	vst v63  }
0x21b: {  	_ =	swait.ge [sflag:s24], $0x800  }
0x21c: {  	[sflag:s24] =	ssyncset.done $0x0  }
0x21d: {  	[sflag:s24] =	ssyncadd.s32 $0xFFFFF800  }
0x21e: {  	s1 =	simm.s32 $0x0;
	s2 =	simm.s32 $0x0  }
0x21f: {  	[tilespmem:s25], [sflag:$0x2] =	stream.linear.gather [hbm4b:s13+s1], $0x3C0, $0x38;
	[tilespmem:$0xBA40] =	vst v63  }
0x220: {  	s3 =	sand.u32 $0x70, s1;
	s2 =	sand.u32 $0xFFFFFF80, s2;
	_ =	swait.ge [sflag:s24], $0x3C0  }
0x221: {  	s2 =	sor.u32 s3, s2;
	[sflag:s24] =	ssyncset.done $0x0  }
0x222: {  	v2 =	vor.u32 s1, v0;
	v3 =	vor.u32 s2, v0;
	[sflag:s24] =	ssyncadd.s32 $0xFFFFFC40  }
0x223: {  	v4 =	vmul.u32 $0x6, v2;
	[tilespmem:s26], [sflag:$0x2] =	stream.linear.gather [hbm4b:s15+s1], $0x1E0, $0x38;
	[tilespmem:$0xBA40] =	vst v63  }
0x224: {  	_ =	swait.ge [sflag:s24], $0x1E0  }
0x225: {  	v2 =	vmul.u32 $0x3, v2;
	v26 =	vadd.s32 $0x5, v4;
	[sflag:s24] =	ssyncset.done $0x0  }
0x226: {  	v28 =	vadd.s32 $0x3, v4;
	[sflag:s24] =	ssyncadd.s32 $0xFFFFFE20  }
0x227: {  	v5 =	vadd.s32 $0x2, v2;
	v3 =	vld.idx.msk [tilespmem:v3+s23+$0x0], $0xffff  }
0x228: {  	v6 =	vadd.s32 $0x2, v4  }
0x229: {  	v7 =	vadd.s32 $0x1, v2  }
0x22a: {  	v8 =	vor.u32 $0x1, v4;
	v29 =	vld.idx.msk [tilespmem:v26+s25+$0x0], $0xffff  }
0x22b: {  	v9 =	vld.idx.msk [tilespmem:v28+s25+$0x0], $0xffff  }
0x22c: {  	v5 =	vld.idx.msk [tilespmem:v5+s26+$0x0], $0xffff;
	v3 =	vshll.u32 v3, $0x4  }
0x22d: {  	v10 =	vld.idx.msk [tilespmem:v6+s25+$0x0], $0xffff;
	v11 =	vor.u32 $0x4, v3  }
0x22e: {  	v7 =	vld.idx.msk [tilespmem:v7+s26+$0x0], $0xffff;
	v12 =	vor.u32 $0x6, v3  }
0x22f: {  	v14 =	vld.idx.msk [tilespmem:v8+s25+$0x0], $0xffff;
	v13 =	vor.u32 $0x7, v3  }
0x230: {  	v2 =	vld.idx.msk [tilespmem:v2+s26+$0x0], $0xffff;
	v15 =	vor.u32 $0x8, v3  }
0x231: {  	v17 =	vld.idx.msk [tilespmem:v4+s25+$0x0], $0xffff;
	v16 =	vor.u32 $0x3, v3  }
0x232: {  	v18 =	vor.u32 $0x5, v3;
	v11 =	vld.idx.msk [tilespmem:v11+s22+$0x0], $0xffff  }
0x233: {  	v12 =	vld.idx.msk [tilespmem:v12+s22+$0x0], $0xffff  }
0x234: {  	v27 =	vadd.s32 $0x4, v4;
	v13 =	vld.idx.msk [tilespmem:v13+s22+$0x0], $0xffff  }
0x235: {  	v20 =	vor.u32 $0x1, v3;
	v15 =	vld.idx.msk [tilespmem:v15+s22+$0x0], $0xffff  }
0x236: {  	v19 =	vor.u32 $0x2, v3;
	v16 =	vld.idx.msk [tilespmem:v16+s22+$0x0], $0xffff  }
0x237: {  	v2 =	vadd.f32 v2, v17;
	v7 =	vadd.f32 v7, v14;
	v18 =	vld.idx.msk [tilespmem:v18+s22+$0x0], $0xffff  }
0x238: {  	v5 =	vadd.f32 v5, v10;
	v3 =	vld.idx.msk [tilespmem:v3+s22+$0x0], $0xffff  }
0x239: {  	v30 =	vld.idx.msk [tilespmem:v27+s25+$0x0], $0xffff;
	v2 =	vsub.f32 v2, v12;
	v7 =	vsub.f32 v7, v13  }
0x23a: {  	v32 =	vld.idx.msk [tilespmem:v20+s22+$0x0], $0xffff;
	v5 =	vsub.f32 v5, v15  }
0x23b: {  	s20 =	simm.s32 $0x10;
	s1 =	simm.s32 $0x10;
	v31 =	vld.idx.msk [tilespmem:v19+s22+$0x0], $0xffff;
	[tilespmem:v4+s28+$0x0] =	vst.idx.msk $0xffff, v17;
	v12 =	vmul.f32 v2, v11;
	v36 =	vmul.f32 v7, v16  }
0x23c: {  	s2 =	sand.u32 $0xFFFFFF80, s20;
	s31 =	sand.u32 $0x70, s1;
	[tilespmem:v8+s28+$0x0] =	vst.idx.msk $0xffff, v14;
	v37 =	vmul.f32 v5, v11;
	v7 =	vmul.f32 v7, v18  }
0x23d: {  	s2 =	sor.u32 s31, s2;
	v61 =	vsub.f32 v9, v3;
	v59 =	vmul.f32 v2, v18;
	v60 =	vmul.f32 v5, v16  }
0x23e: {  	s3 =	simm.s32 $0x2;
	v33 =	vor.u32 s2, v0;
	[tilespmem:v6+s28+$0x0] =	vst.idx.msk $0xffff, v10;
	v58 =	vsub.f32 v36, v12;
	v62 =	vsub.f32 v37, v7  }
.LBB2_8:
0x23f: {  	p0 =	sne.s32 s3, $0x9;
	v2 =	vsub.f32 v30, v32;
	v3 =	vsub.f32 v59, v60;
	s2 =	smov.u32 s3;
	s3 =	sadd.s32 $0x1, s3  }
0x240: {  	v4 =	vor.u32 s1, v0;
	v6 =	vsub.f32 v29, v31;
	v5 =	vadd.f32 v62, v61  }
0x241: {  	v7 =	vmul.u32 $0x6, v4;
	v2 =	vadd.f32 v3, v2  }
0x242: {  	v3 =	vadd.f32 v58, v6;
	[tilespmem:v28+s28+$0x0] =	vst.idx.msk $0xffff, v5  }
0x243: {  	v5 =	vadd.s32 $0x5, v7;
	[tilespmem:v27+s28+$0x0] =	vst.idx.msk $0xffff, v2  }
0x244: {  	v2 =	vmul.u32 $0x3, v4;
	v27 =	vadd.s32 $0x4, v7;
	[tilespmem:v26+s28+$0x0] =	vst.idx.msk $0xffff, v3;
	v26 =	vmov v5  }
0x245: {  	v28 =	vadd.s32 $0x3, v7;
	v3 =	vld.idx.msk [tilespmem:v33+s23+$0x0], $0xffff  }
0x246: {  	v4 =	vadd.s32 $0x2, v2  }
0x247: {  	v6 =	vadd.s32 $0x2, v7  }
0x248: {  	v29 =	vld.idx.msk [tilespmem:v5+s25+$0x0], $0xffff;
	v5 =	vadd.s32 $0x1, v2  }
0x249: {  	v8 =	vor.u32 $0x1, v7;
	v30 =	vld.idx.msk [tilespmem:v27+s25+$0x0], $0xffff  }
0x24a: {  	v9 =	vld.idx.msk [tilespmem:v28+s25+$0x0], $0xffff  }
0x24b: {  	v3 =	vshll.u32 v3, $0x4;
	v4 =	vld.idx.msk [tilespmem:v4+s26+$0x0], $0xffff  }
0x24c: {  	v11 =	vor.u32 $0x3, v3;
	v12 =	vor.u32 $0x4, v3;
	v13 =	vor.u32 $0x6, v3;
	v10 =	vld.idx.msk [tilespmem:v6+s25+$0x0], $0xffff  }
0x24d: {  	v14 =	vor.u32 $0x1, v3;
	v15 =	vor.u32 $0x5, v3;
	v16 =	vor.u32 $0x7, v3;
	v5 =	vld.idx.msk [tilespmem:v5+s26+$0x0], $0xffff  }
0x24e: {  	v18 =	vor.u32 $0x2, v3;
	v19 =	vor.u32 $0x8, v3;
	v17 =	vld.idx.msk [tilespmem:v8+s25+$0x0], $0xffff  }
0x24f: {  	v2 =	vld.idx.msk [tilespmem:v2+s26+$0x0], $0xffff  }
0x250: {  	v20 =	vld.idx.msk [tilespmem:v7+s25+$0x0], $0xffff  }
0x251: {  	v12 =	vld.idx.msk [tilespmem:v12+s22+$0x0], $0xffff  }
0x252: {  	v4 =	vadd.f32 v4, v10;
	v13 =	vld.idx.msk [tilespmem:v13+s22+$0x0], $0xffff  }
0x253: {  	v16 =	vld.idx.msk [tilespmem:v16+s22+$0x0], $0xffff  }
0x254: {  	v19 =	vld.idx.msk [tilespmem:v19+s22+$0x0], $0xffff  }
0x255: {  	v11 =	vld.idx.msk [tilespmem:v11+s22+$0x0], $0xffff  }
0x256: {  	v2 =	vadd.f32 v2, v20;
	v15 =	vld.idx.msk [tilespmem:v15+s22+$0x0], $0xffff  }
0x257: {  	v5 =	vadd.f32 v5, v17;
	v31 =	vld.idx.msk [tilespmem:v18+s22+$0x0], $0xffff  }
0x258: {  	v2 =	vsub.f32 v2, v13;
	v3 =	vld.idx.msk [tilespmem:v3+s22+$0x0], $0xffff  }
0x259: {  	v5 =	vsub.f32 v5, v16;
	v32 =	vld.idx.msk [tilespmem:v14+s22+$0x0], $0xffff  }
.Ltmp6:
0x25a: {  	v4 =	vsub.f32 v4, v19;
	v13 =	vmul.f32 v2, v12;
	[tilespmem:v7+s28+$0x0] =	vst.idx.msk $0xffff, v20;
	(pc) =	sbr.rel @p0 .LBB2_8-.Ltmp6, $4  }
0x25b: {  	s1 =	sadd.s32 $0x10, s1;
	s2 =	sshll.u32 s2, $0x4;
	v7 =	vmul.f32 v5, v11;
	[tilespmem:v8+s28+$0x0] =	vst.idx.msk $0xffff, v17  }
0x25c: {  	s20 =	sand.u32 $0x70, s1;
	s2 =	sand.u32 $0xFFFFFF80, s2;
	v8 =	vmul.f32 v4, v12;
	v5 =	vmul.f32 v5, v15;
	[tilespmem:v6+s28+$0x0] =	vst.idx.msk $0xffff, v10  }
0x25d: {  	s2 =	sor.u32 s20, s2;
	v59 =	vmul.f32 v2, v15;
	v60 =	vmul.f32 v4, v11;
	v58 =	vsub.f32 v7, v13  }
0x25e: {  	v33 =	vor.u32 s2, v0;
	v61 =	vsub.f32 v9, v3;
	v62 =	vsub.f32 v8, v5  }
0x25f: {  	_ = 	snop  }
0x260: {  	v2 =	vsub.f32 v30, v32;
	v3 =	vsub.f32 v59, v60  }
0x261: {  	v4 =	vor.u32 s1, v0;
	v6 =	vsub.f32 v29, v31;
	v5 =	vadd.f32 v62, v61  }
0x262: {  	v7 =	vmul.u32 $0x6, v4;
	v2 =	vadd.f32 v3, v2  }
0x263: {  	v3 =	vadd.f32 v58, v6;
	[tilespmem:v28+s28+$0x0] =	vst.idx.msk $0xffff, v5  }
0x264: {  	v35 =	vadd.s32 $0x5, v7;
	[tilespmem:v27+s28+$0x0] =	vst.idx.msk $0xffff, v2  }
0x265: {  	v36 =	vadd.s32 $0x4, v7;
	[tilespmem:v26+s28+$0x0] =	vst.idx.msk $0xffff, v3  }
0x266: {  	v8 =	vadd.s32 $0x2, v7;
	v3 =	vld.idx.msk [tilespmem:v33+s23+$0x0], $0xffff  }
0x267: {  	v11 =	vor.u32 $0x1, v7  }
0x268: {  	v23 =	vadd.s32 $0x3, v7;
	v2 =	vmul.u32 $0x3, v4;
	v20 =	vld.idx.msk [tilespmem:v7+s25+$0x0], $0xffff  }
0x269: {  	v10 =	vld.idx.msk [tilespmem:v35+s25+$0x0], $0xffff  }
0x26a: {  	v37 =	vadd.s32 $0x2, v2;
	v12 =	vld.idx.msk [tilespmem:v36+s25+$0x0], $0xffff  }
0x26b: {  	v9 =	vadd.s32 $0x1, v2;
	v13 =	vld.idx.msk [tilespmem:v8+s25+$0x0], $0xffff;
	v3 =	vshll.u32 v3, $0x4  }
0x26c: {  	v17 =	vld.idx.msk [tilespmem:v11+s25+$0x0], $0xffff;
	v14 =	vor.u32 $0x4, v3  }
0x26d: {  	v26 =	vld.idx.msk [tilespmem:v23+s25+$0x0], $0xffff;
	v15 =	vor.u32 $0x6, v3  }
0x26e: {  	v2 =	vld.idx.msk [tilespmem:v2+s26+$0x0], $0xffff;
	v16 =	vor.u32 $0x7, v3  }
0x26f: {  	v6 =	vld.idx.msk [tilespmem:v37+s26+$0x0], $0xffff;
	v18 =	vor.u32 $0x8, v3  }
0x270: {  	v9 =	vld.idx.msk [tilespmem:v9+s26+$0x0], $0xffff;
	v19 =	vor.u32 $0x3, v3  }
0x271: {  	v22 =	vor.u32 $0x5, v3;
	v14 =	vld.idx.msk [tilespmem:v14+s22+$0x0], $0xffff  }
0x272: {  	v15 =	vld.idx.msk [tilespmem:v15+s22+$0x0], $0xffff  }
0x273: {  	v24 =	vor.u32 $0x1, v3;
	v16 =	vld.idx.msk [tilespmem:v16+s22+$0x0], $0xffff  }
0x274: {  	v25 =	vor.u32 $0x2, v3;
	v18 =	vld.idx.msk [tilespmem:v18+s22+$0x0], $0xffff  }
0x275: {  	v19 =	vld.idx.msk [tilespmem:v19+s22+$0x0], $0xffff  }
0x276: {  	v2 =	vadd.f32 v2, v20;
	v9 =	vadd.f32 v9, v17;
	v22 =	vld.idx.msk [tilespmem:v22+s22+$0x0], $0xffff  }
0x277: {  	v6 =	vadd.f32 v6, v13;
	v3 =	vld.idx.msk [tilespmem:v3+s22+$0x0], $0xffff  }
0x278: {  	v58 =	vld.idx.msk [tilespmem:v24+s22+$0x0], $0xffff;
	v2 =	vsub.f32 v2, v15;
	v9 =	vsub.f32 v9, v16  }
0x279: {  	v59 =	vld.idx.msk [tilespmem:v25+s22+$0x0], $0xffff;
	v6 =	vsub.f32 v6, v18  }
0x27a: {  	v60 =	vmul.f32 v2, v14;
	v61 =	vmul.f32 v9, v19  }
0x27b: {  	v14 =	vmul.f32 v6, v14;
	v9 =	vmul.f32 v9, v22  }
0x27c: {  	v3 =	vsub.f32 v26, v3;
	v2 =	vmul.f32 v2, v22;
	v6 =	vmul.f32 v6, v19  }
0x27d: {  	v62 =	vsub.f32 v12, v58;
	v9 =	vsub.f32 v14, v9  }
0x27e: {  	[tilespmem:v7+s28+$0x0] =	vst.idx.msk $0xffff, v20;
	v63 =	vsub.f32 v10, v59;
	v2 =	vsub.f32 v2, v6  }
0x27f: {  	[tilespmem:v11+s28+$0x0] =	vst.idx.msk $0xffff, v17;
	v18 =	vsub.f32 v61, v60;
	v3 =	vadd.f32 v9, v3  }
0x280: {  	[tilespmem:v8+s28+$0x0] =	vst.idx.msk $0xffff, v13;
	v2 =	vadd.f32 v2, v62  }
0x281: {  	v6 =	vadd.f32 v18, v63;
	[tilespmem:v23+s28+$0x0] =	vst.idx.msk $0xffff, v3  }
0x282: {  	[tilespmem:v36+s28+$0x0] =	vst.idx.msk $0xffff, v2  }
.Ltmp7:
0x283: {  	[tilespmem:v35+s28+$0x0] =	vst.idx.msk $0xffff, v6;
	(pc) =	sbr.rel .LBB2_10-.Ltmp7, $4  }
0x284: {  	[hbm4b:s16+s4] =	stream.linear.scatter [tilespmem:s28], [sflag:$0x1], $0x3C0, $0x38;
	[tilespmem:$0xBA40] =	vst v63  }
0x285: {  	_ =	swait.ge [sflag:s18], $0x3C0  }
0x286: {  	[sflag:s18] =	ssyncset.done $0x0  }
0x287: {  	[sflag:s18] =	ssyncadd.s32 $0xFFFFFC40  }
.LBB2_4:
0x288: {  	s31 =	smul.u32 $0x480, s1;
	_ =	sdelay $0x1  }
0x289: {  	s3 =	simm.s32 $0x0;
	s2 =	sadd.s32 s0, s31  }
0x28a: {  	[tilespmem:s25], [sflag:$0x2] =	stream.linear.gather [hbm4b:s2+s3], $0x2400, $0x38;
	[tilespmem:$0xBA40] =	vst v63  }
0x28b: {  	s1 =	smul.u32 $0x240, s1;
	s2 =	simm.s32 $0x0  }
0x28c: {  	s20 =	sand.u32 $0x70, s3;
	_ =	swait.ge [sflag:s24], $0x2400;
	s2 =	sand.u32 $0xFFFFFF80, s2  }
0x28d: {  	[sflag:s24] =	ssyncset.done $0x0;
	s2 =	sor.u32 s20, s2  }
0x28e: {  	v2 =	vor.u32 s3, v0;
	s1 =	sadd.s32 s6, s1;
	[sflag:s24] =	ssyncadd.s32 $0xFFFFDC00;
	v3 =	vor.u32 s2, v0  }
0x28f: {  	v4 =	vmul.u32 $0x6, v2;
	[tilespmem:s26], [sflag:$0x2] =	stream.linear.gather [hbm4b:s1+s3], $0x1200, $0x38;
	[tilespmem:$0xBA40] =	vst v63  }
0x290: {  	_ =	swait.ge [sflag:s24], $0x1200  }
0x291: {  	v2 =	vmul.u32 $0x3, v2;
	v26 =	vadd.s32 $0x5, v4;
	[sflag:s24] =	ssyncset.done $0x0  }
0x292: {  	v28 =	vadd.s32 $0x3, v4;
	[sflag:s24] =	ssyncadd.s32 $0xFFFFEE00  }
0x293: {  	v5 =	vadd.s32 $0x2, v2;
	v3 =	vld.idx.msk [tilespmem:v3+s23+$0x0], $0xffff  }
0x294: {  	v6 =	vadd.s32 $0x2, v4  }
0x295: {  	v7 =	vadd.s32 $0x1, v2  }
0x296: {  	v8 =	vor.u32 $0x1, v4;
	v29 =	vld.idx.msk [tilespmem:v26+s25+$0x0], $0xffff  }
0x297: {  	v9 =	vld.idx.msk [tilespmem:v28+s25+$0x0], $0xffff  }
0x298: {  	v5 =	vld.idx.msk [tilespmem:v5+s26+$0x0], $0xffff;
	v3 =	vshll.u32 v3, $0x4  }
0x299: {  	v10 =	vld.idx.msk [tilespmem:v6+s25+$0x0], $0xffff;
	v11 =	vor.u32 $0x4, v3  }
0x29a: {  	v7 =	vld.idx.msk [tilespmem:v7+s26+$0x0], $0xffff;
	v12 =	vor.u32 $0x6, v3  }
0x29b: {  	v14 =	vld.idx.msk [tilespmem:v8+s25+$0x0], $0xffff;
	v13 =	vor.u32 $0x7, v3  }
0x29c: {  	v2 =	vld.idx.msk [tilespmem:v2+s26+$0x0], $0xffff;
	v15 =	vor.u32 $0x8, v3  }
0x29d: {  	v17 =	vld.idx.msk [tilespmem:v4+s25+$0x0], $0xffff;
	v16 =	vor.u32 $0x3, v3  }
0x29e: {  	v18 =	vor.u32 $0x5, v3;
	v11 =	vld.idx.msk [tilespmem:v11+s22+$0x0], $0xffff  }
0x29f: {  	v12 =	vld.idx.msk [tilespmem:v12+s22+$0x0], $0xffff  }
0x2a0: {  	v27 =	vadd.s32 $0x4, v4;
	v13 =	vld.idx.msk [tilespmem:v13+s22+$0x0], $0xffff  }
0x2a1: {  	v20 =	vor.u32 $0x1, v3;
	v15 =	vld.idx.msk [tilespmem:v15+s22+$0x0], $0xffff  }
0x2a2: {  	v19 =	vor.u32 $0x2, v3;
	v16 =	vld.idx.msk [tilespmem:v16+s22+$0x0], $0xffff  }
0x2a3: {  	v2 =	vadd.f32 v2, v17;
	v7 =	vadd.f32 v7, v14;
	v18 =	vld.idx.msk [tilespmem:v18+s22+$0x0], $0xffff  }
0x2a4: {  	v5 =	vadd.f32 v5, v10;
	v3 =	vld.idx.msk [tilespmem:v3+s22+$0x0], $0xffff  }
0x2a5: {  	v30 =	vld.idx.msk [tilespmem:v27+s25+$0x0], $0xffff;
	v2 =	vsub.f32 v2, v12;
	v7 =	vsub.f32 v7, v13  }
0x2a6: {  	v32 =	vld.idx.msk [tilespmem:v20+s22+$0x0], $0xffff;
	v5 =	vsub.f32 v5, v15  }
0x2a7: {  	s3 =	simm.s32 $0x10;
	s1 =	simm.s32 $0x10;
	v31 =	vld.idx.msk [tilespmem:v19+s22+$0x0], $0xffff;
	[tilespmem:v4+s28+$0x0] =	vst.idx.msk $0xffff, v17;
	v12 =	vmul.f32 v2, v11;
	v36 =	vmul.f32 v7, v16  }
0x2a8: {  	s20 =	sand.u32 $0x70, s1;
	s2 =	sand.u32 $0xFFFFFF80, s3;
	[tilespmem:v8+s28+$0x0] =	vst.idx.msk $0xffff, v14;
	v37 =	vmul.f32 v5, v11;
	v7 =	vmul.f32 v7, v18  }
0x2a9: {  	s2 =	sor.u32 s20, s2;
	v61 =	vsub.f32 v9, v3;
	v59 =	vmul.f32 v2, v18;
	v60 =	vmul.f32 v5, v16  }
0x2aa: {  	s3 =	simm.s32 $0x2;
	v33 =	vor.u32 s2, v0;
	[tilespmem:v6+s28+$0x0] =	vst.idx.msk $0xffff, v10;
	v58 =	vsub.f32 v36, v12;
	v62 =	vsub.f32 v37, v7  }
.LBB2_5:
0x2ab: {  	p0 =	sne.s32 s3, $0x5F;
	v2 =	vsub.f32 v30, v32;
	v3 =	vsub.f32 v59, v60;
	s2 =	smov.u32 s3;
	s3 =	sadd.s32 $0x1, s3  }
0x2ac: {  	v4 =	vor.u32 s1, v0;
	v5 =	vadd.f32 v62, v61;
	v6 =	vsub.f32 v29, v31  }
0x2ad: {  	v7 =	vmul.u32 $0x6, v4;
	v2 =	vadd.f32 v3, v2  }
0x2ae: {  	v3 =	vadd.f32 v58, v6;
	[tilespmem:v28+s28+$0x0] =	vst.idx.msk $0xffff, v5  }
0x2af: {  	v5 =	vadd.s32 $0x5, v7;
	[tilespmem:v27+s28+$0x0] =	vst.idx.msk $0xffff, v2  }
0x2b0: {  	v2 =	vmul.u32 $0x3, v4;
	v27 =	vadd.s32 $0x4, v7;
	[tilespmem:v26+s28+$0x0] =	vst.idx.msk $0xffff, v3;
	v26 =	vmov v5  }
0x2b1: {  	v28 =	vadd.s32 $0x3, v7;
	v3 =	vld.idx.msk [tilespmem:v33+s23+$0x0], $0xffff  }
0x2b2: {  	v4 =	vadd.s32 $0x2, v2  }
0x2b3: {  	v6 =	vadd.s32 $0x2, v7  }
0x2b4: {  	v29 =	vld.idx.msk [tilespmem:v5+s25+$0x0], $0xffff;
	v5 =	vadd.s32 $0x1, v2  }
0x2b5: {  	v8 =	vor.u32 $0x1, v7;
	v30 =	vld.idx.msk [tilespmem:v27+s25+$0x0], $0xffff  }
0x2b6: {  	v9 =	vld.idx.msk [tilespmem:v28+s25+$0x0], $0xffff  }
0x2b7: {  	v3 =	vshll.u32 v3, $0x4;
	v4 =	vld.idx.msk [tilespmem:v4+s26+$0x0], $0xffff  }
0x2b8: {  	v11 =	vor.u32 $0x3, v3;
	v12 =	vor.u32 $0x4, v3;
	v13 =	vor.u32 $0x6, v3;
	v10 =	vld.idx.msk [tilespmem:v6+s25+$0x0], $0xffff  }
0x2b9: {  	v14 =	vor.u32 $0x1, v3;
	v15 =	vor.u32 $0x5, v3;
	v16 =	vor.u32 $0x7, v3;
	v5 =	vld.idx.msk [tilespmem:v5+s26+$0x0], $0xffff  }
0x2ba: {  	v18 =	vor.u32 $0x2, v3;
	v19 =	vor.u32 $0x8, v3;
	v17 =	vld.idx.msk [tilespmem:v8+s25+$0x0], $0xffff  }
0x2bb: {  	v2 =	vld.idx.msk [tilespmem:v2+s26+$0x0], $0xffff  }
0x2bc: {  	v20 =	vld.idx.msk [tilespmem:v7+s25+$0x0], $0xffff  }
0x2bd: {  	v12 =	vld.idx.msk [tilespmem:v12+s22+$0x0], $0xffff  }
0x2be: {  	v4 =	vadd.f32 v4, v10;
	v13 =	vld.idx.msk [tilespmem:v13+s22+$0x0], $0xffff  }
0x2bf: {  	v16 =	vld.idx.msk [tilespmem:v16+s22+$0x0], $0xffff  }
0x2c0: {  	v19 =	vld.idx.msk [tilespmem:v19+s22+$0x0], $0xffff  }
0x2c1: {  	v11 =	vld.idx.msk [tilespmem:v11+s22+$0x0], $0xffff  }
0x2c2: {  	v2 =	vadd.f32 v2, v20;
	v15 =	vld.idx.msk [tilespmem:v15+s22+$0x0], $0xffff  }
0x2c3: {  	v5 =	vadd.f32 v5, v17;
	v31 =	vld.idx.msk [tilespmem:v18+s22+$0x0], $0xffff  }
0x2c4: {  	v2 =	vsub.f32 v2, v13;
	v3 =	vld.idx.msk [tilespmem:v3+s22+$0x0], $0xffff  }
0x2c5: {  	v5 =	vsub.f32 v5, v16;
	v32 =	vld.idx.msk [tilespmem:v14+s22+$0x0], $0xffff  }
.Ltmp8:
0x2c6: {  	v4 =	vsub.f32 v4, v19;
	v13 =	vmul.f32 v2, v12;
	[tilespmem:v7+s28+$0x0] =	vst.idx.msk $0xffff, v20;
	(pc) =	sbr.rel @p0 .LBB2_5-.Ltmp8, $4  }
0x2c7: {  	s1 =	sadd.s32 $0x10, s1;
	s2 =	sshll.u32 s2, $0x4;
	v7 =	vmul.f32 v5, v11;
	[tilespmem:v8+s28+$0x0] =	vst.idx.msk $0xffff, v17  }
0x2c8: {  	s20 =	sand.u32 $0x70, s1;
	s2 =	sand.u32 $0xFFFFFF80, s2;
	v8 =	vmul.f32 v4, v12;
	v5 =	vmul.f32 v5, v15;
	[tilespmem:v6+s28+$0x0] =	vst.idx.msk $0xffff, v10  }
0x2c9: {  	s2 =	sor.u32 s20, s2;
	v59 =	vmul.f32 v2, v15;
	v60 =	vmul.f32 v4, v11;
	v58 =	vsub.f32 v7, v13  }
0x2ca: {  	v33 =	vor.u32 s2, v0;
	v61 =	vsub.f32 v9, v3;
	v62 =	vsub.f32 v8, v5  }
.Ltmp9:
0x2cb: {  	_ = 	snop;
	(pc) =	sbr.rel .LBB2_6-.Ltmp9, $1  }
0x2cc: {  	_ =	sdelay $0x3  }
.LBB2_12:
0x2cd: {  	_ =	sfence.sel $0x180000  }
0x2ce: {  	[bflag:$0x0] =	sbarrier.arrive $0xFFFF  }
0x2cf: {  	_ =	strace $0x9000004A  }
0x2d0: {  	s0 =	stileid.u32;
	[bflag:$0x2] =	sbarrier.arrive $0xFFFF  }
0x2d1: {  	p0 =	sne.s32 s0, $0x0;
	s0 =	rddreg [dreg:$0x4]  }
0x2d2: {  	s0 =	sadd.s32 @!p0 $0x100000, s0  }
0x2d3: {  	[sflag:s0] =	ssyncadd.tile.s32 @!p0 $0x1;
	_ =	shalt  }
.Lfunc_end2:
_tile_overlayer_lowered:
.L_overlay_start_2:
0x2d4: {  	(tag) =	ssettag $0x2  }
0x2d5: {  	s0 =	rddreg [dreg:$0x0];
	s2 =	stileid.u32  }
0x2d6: {  	s1 =	rddreg [dreg:$0x1];
	p0 =	sne.s32 s2, $0x0  }
0x2d7: {  	s3 =	rddreg [dreg:$0x2];
	[bflag:$0x3] =	sbarrier.arrive $0xFFFF;
	s2 =	simm.s32 @!p0 $0x1C01  }
0x2d8: {  	[timem:s3], [sflag:s2] =	dma.local @!p0 [hbm:s0], s1  }
0x2d9: {  	s0 =	simm.s32 @!p0 $0x1  }
0x2da: {  	_ =	swait.ge @!p0 [sflag:s0], s1  }
0x2db: {  	s1 =	ssub.s32 @!p0 $0x0, s1;
	[sflag:s0] =	ssyncset.done @!p0 $0x0  }
0x2dc: {  	[sflag:s0] =	ssyncadd.s32 @!p0 s1  }
0x2dd: {  	[bflag:$0x3] =	sbarrier.arrive $0xFFFF  }
0x2de: {  	_ =	shalt  }

</sc_bundles>
